<compile_context>
chip_gen: v7x
topology: tpu7x:2x2x1
jax: 0.10.2.dev20260603
libtpu: 0.0.44.dev20260713+nightly
codegen_flags: <defaults>
</compile_context>

<pallas_src>
import functools

import jax
import jax.numpy as jnp
from jax import lax
from jax.experimental import pallas as pl
from jax.experimental.pallas import tpu as pltpu
from jax.experimental.pallas import tpu_sc as plsc

N = 10000
D = 128
E = 320000

NC = 2
NS = 16
NW = NC * NS

NP = 10240
RPT = NP // NS
EP = 327680
EW = EP // NW
EROWS = EP // 128
ERPW = EW // 128
IBR = 16

_mesh = plsc.VectorSubcoreMesh(core_axis_name="c", subcore_axis_name="s")


def _sc_degrees_body(src2, dst2, ones_s_hbm, ones_d_hbm, zeros_hbm, deg_out,
                     sidx, didx, ones_s, ones_d, acc, sem, semi):
  c = lax.axis_index("c")
  s = lax.axis_index("s")
  wid = c * NS + s
  for k in range(RPT // 128):
    pltpu.sync_copy(zeros_hbm, acc.at[pl.ds(s * RPT + k * 128, 128)])
  pltpu.sync_copy(ones_s_hbm, ones_s)
  pltpu.sync_copy(ones_d_hbm, ones_d)
  ebase = wid * ERPW
  pltpu.sync_copy(src2.at[pl.ds(ebase, IBR)], sidx.at[0])
  pltpu.sync_copy(dst2.at[pl.ds(ebase, IBR)], didx.at[0])
  plsc.subcore_barrier()

  def step(ib, carry):
    blk = lax.div(ib, IBR)
    pb = lax.rem(blk, 2)
    r = lax.rem(ib, IBR)

    @pl.when(jnp.logical_and(r == 3, ib + IBR < ERPW))
    def _():
      nb = (blk + 1) * IBR
      pltpu.async_copy(src2.at[pl.ds(ebase + nb, IBR)], sidx.at[1 - pb],
                       semi.at[0])
      pltpu.async_copy(dst2.at[pl.ds(ebase + nb, IBR)], didx.at[1 - pb],
                       semi.at[1])

    @pl.when(jnp.logical_and(r == IBR - 1, ib + IBR < ERPW))
    def _():
      pltpu.make_async_copy(src2.at[pl.ds(ebase, IBR)], sidx.at[0],
                            semi.at[0]).wait()
      pltpu.make_async_copy(dst2.at[pl.ds(ebase, IBR)], didx.at[0],
                            semi.at[1]).wait()

    @pl.when(ib >= 2)
    def _():
      pltpu.make_async_copy(ones_s_hbm, ones_s, sem).wait()
      pltpu.make_async_copy(ones_s_hbm, ones_s, sem).wait()

    pltpu.async_copy(ones_s, acc.at[sidx.at[pb, r]], sem, add=True)
    pltpu.async_copy(ones_d, acc.at[didx.at[pb, r]], sem, add=True)
    return carry

  lax.fori_loop(0, ERPW, step, 0)
  for _ in range(4):
    pltpu.make_async_copy(ones_s_hbm, ones_s, sem).wait()
  plsc.subcore_barrier()
  pltpu.sync_copy(acc.at[pl.ds(s * RPT, RPT)], deg_out.at[c, pl.ds(s * RPT, RPT)])


_sc_degrees = pl.kernel(
    _sc_degrees_body,
    out_type=jax.ShapeDtypeStruct((NC, NP, D), jnp.float32),
    mesh=_mesh,
    scratch_types=[
        pltpu.VMEM((2, IBR, 128), jnp.int32),
        pltpu.VMEM((2, IBR, 128), jnp.int32),
        pltpu.VMEM((128, D), jnp.float32),
        pltpu.VMEM((128, D), jnp.float32),
        pltpu.VMEM_SHARED((NP, D), jnp.float32),
        pltpu.SemaphoreType.DMA,
        pltpu.SemaphoreType.DMA((2,)),
    ],
)


R0SPLIT = 128
R1SPLIT = (EROWS - NS * R0SPLIT) // NS


def _sc_msgpass_body(h, src2, dst2, zeros_hbm, out, sidx, didx, rows, acc,
                     semg, sems, semi):
  c = lax.axis_index("c")
  s = lax.axis_index("s")
  for k in range(RPT // 128):
    pltpu.sync_copy(zeros_hbm, acc.at[pl.ds(s * RPT + k * 128, 128)])
  nrows = jnp.where(c == 0, R0SPLIT, R1SPLIT)
  ebase = jnp.minimum(
      jnp.where(c == 0, s * R0SPLIT, NS * R0SPLIT + s * R1SPLIT),
      EROWS - IBR)

  @pl.when(nrows > 0)
  def _():
    pltpu.sync_copy(src2.at[pl.ds(ebase, IBR)], sidx.at[0])
    pltpu.sync_copy(dst2.at[pl.ds(ebase, IBR)], didx.at[0])

  plsc.subcore_barrier()

  def gather_chunk(pb_, r_, buf):
    for j in range(4):
      pltpu.async_copy(h.at[sidx.at[pb_, r_, pl.ds(32 * j, 32)]],
                       rows.at[buf, pl.ds(32 * j, 32)], semg.at[buf])

  @pl.when(nrows > 0)
  def _():
    gather_chunk(0, 0, 0)

  def step(ib, carry):
    p = lax.rem(ib, 2)
    q = 1 - p
    blk = lax.div(ib, IBR)
    pb = lax.rem(blk, 2)
    r = lax.rem(ib, IBR)

    @pl.when(ib >= 1)
    def _():
      pltpu.make_async_copy(h.at[sidx.at[0, 0]], rows.at[q], sems.at[q]).wait()

    @pl.when(jnp.logical_and(r == 2, ib + IBR < nrows))
    def _():
      nb = (blk + 1) * IBR
      pltpu.async_copy(src2.at[pl.ds(ebase + nb, IBR)], sidx.at[1 - pb],
                       semi.at[0])
      pltpu.async_copy(dst2.at[pl.ds(ebase + nb, IBR)], didx.at[1 - pb],
                       semi.at[1])

    @pl.when(jnp.logical_and(r == IBR - 1, ib + IBR < nrows))
    def _():
      pltpu.make_async_copy(src2.at[pl.ds(ebase, IBR)], sidx.at[0],
                            semi.at[0]).wait()
      pltpu.make_async_copy(dst2.at[pl.ds(ebase, IBR)], didx.at[0],
                            semi.at[1]).wait()

    @pl.when(ib + 1 < nrows)
    def _():
      nxt = ib + 1
      gather_chunk(lax.rem(lax.div(nxt, IBR), 2), lax.rem(nxt, IBR), q)

    pltpu.make_async_copy(h.at[sidx.at[0, 0]], rows.at[p], semg.at[p]).wait()
    pltpu.async_copy(rows.at[p], acc.at[didx.at[pb, r]], sems.at[p], add=True)
    return carry

  lax.fori_loop(0, nrows, step, 0)

  @pl.when(nrows > 0)
  def _():
    pltpu.make_async_copy(h.at[sidx.at[0, 0]], rows.at[1], sems.at[1]).wait()

  plsc.subcore_barrier()
  pltpu.sync_copy(acc.at[pl.ds(s * RPT, RPT)], out.at[c, pl.ds(s * RPT, RPT)])


_sc_msgpass = pl.kernel(
    _sc_msgpass_body,
    out_type=jax.ShapeDtypeStruct((NC, NP, D), jnp.float32),
    mesh=_mesh,
    scratch_types=[
        pltpu.VMEM((2, IBR, 128), jnp.int32),
        pltpu.VMEM((2, IBR, 128), jnp.int32),
        pltpu.VMEM((2, 128, D), jnp.float32),
        pltpu.VMEM_SHARED((NP, D), jnp.float32),
        pltpu.SemaphoreType.DMA((2,)),
        pltpu.SemaphoreType.DMA((2,)),
        pltpu.SemaphoreType.DMA((2,)),
    ],
)


RB = 1024


def _tc_prep_body(x_ref, dg0, dg1, h_ref, ns_ref, nd_ref):
  deg = dg0[...] + dg1[...]
  dsrc = jnp.maximum(deg[:, 0:1], 1.0)
  ddst = jnp.maximum(deg[:, 64:65], 1.0)
  ns = lax.rsqrt(dsrc)
  nd = lax.rsqrt(ddst)
  ns_ref[...] = jnp.broadcast_to(ns, (RB, 16))
  nd_ref[...] = jnp.broadcast_to(nd, (RB, 16))
  h_ref[...] = x_ref[...] * ns


def _tc_prep(xpad, dg0, dg1):
  grid = (NP // RB,)
  row = pl.BlockSpec((RB, D), lambda i: (i, 0))
  deg = pl.BlockSpec((RB, 16), lambda i: (i, 0))
  return pl.pallas_call(
      _tc_prep_body,
      grid=grid,
      in_specs=[row, row, row],
      out_specs=[row, deg, deg],
      out_shape=[
          jax.ShapeDtypeStruct((NP, D), jnp.float32),
          jax.ShapeDtypeStruct((NP, 16), jnp.float32),
          jax.ShapeDtypeStruct((NP, 16), jnp.float32),
      ],
  )(xpad, dg0, dg1)


def _tc_layer_body(p0, p1, nd, ns, w_ref, b_ref, o_ref, *, final):
  agg = (p0[...] + p1[...]) * nd[...][:, 0:1]
  z = jnp.dot(agg, w_ref[...], preferred_element_type=jnp.float32) + b_ref[...]
  if final:
    o_ref[...] = z
  else:
    o_ref[...] = jnp.maximum(z, 0.0) * ns[...][:, 0:1]


def _tc_layer(p0, p1, nd, ns, w, b, final):
  grid = (NP // RB,)
  row = pl.BlockSpec((RB, D), lambda i: (i, 0))
  deg = pl.BlockSpec((RB, 16), lambda i: (i, 0))
  full = pl.BlockSpec((D, D), lambda i: (0, 0))
  bias = pl.BlockSpec((1, D), lambda i: (0, 0))
  odtype = jnp.float32
  return pl.pallas_call(
      functools.partial(_tc_layer_body, final=final),
      grid=grid,
      in_specs=[row, row, deg, deg, full, bias],
      out_specs=row,
      out_shape=jax.ShapeDtypeStruct((NP, D), odtype),
  )(p0, p1, nd, ns, w, b)


def kernel(x, W1, b1, W2, b2, W3, b3, edge_index):
  src = edge_index[0]
  dst = edge_index[1]
  pad = jnp.full((EP - E,), NP - 1, dtype=jnp.int32)
  src2 = jnp.concatenate([src, pad]).reshape(EROWS, 128)
  dst2 = jnp.concatenate([dst, pad]).reshape(EROWS, 128)
  xpad = jnp.pad(x, ((0, NP - N), (0, 0)))

  zeros128 = jnp.zeros((128, D), jnp.float32)
  lane = jnp.arange(D, dtype=jnp.int32)
  ones_s = jnp.broadcast_to((lane < 64).astype(jnp.float32), (128, D))
  ones_d = jnp.broadcast_to((lane >= 64).astype(jnp.float32), (128, D))

  deg = _sc_degrees(src2, dst2, ones_s, ones_d, zeros128)
  h, ns, nd = _tc_prep(xpad, deg[0], deg[1])

  p = _sc_msgpass(h, src2, dst2, zeros128)
  h = _tc_layer(p[0], p[1], nd, ns, W1, b1.reshape(1, D), final=False)
  p = _sc_msgpass(h, src2, dst2, zeros128)
  h = _tc_layer(p[0], p[1], nd, ns, W2, b2.reshape(1, D), final=False)
  p = _sc_msgpass(h, src2, dst2, zeros128)
  out = _tc_layer(p[0], p[1], nd, ns, W3, b3.reshape(1, D), final=True)
  return out[:N]

# --- scband reference (transcript-rebuilt; emitter-appended) ---
"""Pipeline reference for scband-gcn-49649821941769 (READ-ONLY COPY).

The authoritative reference and input builder live on the scoring server;
editing this copy changes nothing except your own understanding.
"""

import jax, jax.numpy as jnp
import numpy as np

N = 10000
E = 320000
D = 128


def setup_inputs(seed: int = 0) -> dict:
    key = jax.random.key(seed)
    ks = jax.random.split(key, 9)
    x = jax.random.normal(ks[0], (N, D), dtype=jnp.float32)
    edge_index = jax.random.randint(ks[1], (2, E), 0, N, dtype=jnp.int32)
    scale = 1.0 / np.sqrt(D)
    W1 = jax.random.normal(ks[2], (D, D), dtype=jnp.float32) * scale
    b1 = jnp.zeros((D,), dtype=jnp.float32)
    W2 = jax.random.normal(ks[3], (D, D), dtype=jnp.float32) * scale
    b2 = jnp.zeros((D,), dtype=jnp.float32)
    W3 = jax.random.normal(ks[4], (D, D), dtype=jnp.float32) * scale
    b3 = jnp.zeros((D,), dtype=jnp.float32)
    return {"x": x, "W1": W1, "b1": b1, "W2": W2, "b2": b2, "W3": W3, "b3": b3, "edge_index": edge_index}


def _graph_conv(h, src, dst, norm_src, norm_dst, W, b, act):
    # DGL GraphConv with norm='both': D^{-1/2} A D^{-1/2} X W + b
    h = h * norm_src[:, None]
    msgs = jnp.take(h, src, axis=0)
    agg = jax.ops.segment_sum(msgs, dst, num_segments=h.shape[0])
    h = agg * norm_dst[:, None]
    h = h @ W + b
    if act:
        h = jax.nn.relu(h)
    return h


def _gcn(x, edge_index, layers):
    src = edge_index[0]
    dst = edge_index[1]
    n = x.shape[0]
    out_deg = jnp.clip(jnp.bincount(src, length=n), 1).astype(x.dtype)
    in_deg = jnp.clip(jnp.bincount(dst, length=n), 1).astype(x.dtype)
    norm_src = out_deg ** -0.5
    norm_dst = in_deg ** -0.5
    h = x
    for (W, b, act) in layers:
        h = _graph_conv(h, src, dst, norm_src, norm_dst, W, b, act)
    return h


def reference(x, W1, b1, W2, b2, W3, b3, edge_index):
    layers = [(W1, b1, True), (W2, b2, True), (W3, b3, False)]
    return _gcn(x, edge_index, layers)

if __name__ == "__main__":
    import jax
    _d = setup_inputs()
    print(jax.jit(kernel)(*tuple(_d.values())))

</pallas_src>

<mosaic_0001>
#map = affine_map<(d0, d1) -> (0, 0)>
#map1 = affine_map<(d0, d1) -> (0, 0, 0)>
module attributes {stable_mosaic.version = 14 : i64} {
  func.func @_sc_degrees_body(%arg0: i32, %arg1: i32, %arg2: memref<2560x128xi32, #tpu.memory_space<hbm>>, %arg3: memref<2560x128xi32, #tpu.memory_space<hbm>>, %arg4: memref<128x128xf32, #tpu.memory_space<hbm>>, %arg5: memref<128x128xf32, #tpu.memory_space<hbm>>, %arg6: memref<128x128xf32, #tpu.memory_space<hbm>>, %arg7: memref<2x10240x128xf32, #tpu.memory_space<hbm>>, %arg8: memref<2x16x128xi32, #tpu.memory_space<vmem>>, %arg9: memref<2x16x128xi32, #tpu.memory_space<vmem>>, %arg10: memref<128x128xf32, #tpu.memory_space<vmem>>, %arg11: memref<128x128xf32, #tpu.memory_space<vmem>>, %arg12: memref<10240x128xf32, #tpu.memory_space<vmem_shared>>, %arg13: memref<!tpu.dma_semaphore, #tpu.memory_space<semaphore_mem>>, %arg14: memref<2x!tpu.dma_semaphore, #tpu.memory_space<semaphore_mem>>) attributes {dimension_semantics = [#tpu.dimension_semantics<core_parallel>, #tpu.dimension_semantics<subcore_parallel>], iteration_bounds = array<i64: 2, 16>, scalar_prefetch = 0 : i64, scratch_operands = 7 : i64, tpu.core_type = #tpu.core_type<sc_vector_subcore>, window_params = [{transform_indices = #map}, {transform_indices = #map}, {transform_indices = #map}, {transform_indices = #map}, {transform_indices = #map}, {transform_indices = #map1}]} {
    %mul3A = arith.constant 16 : i32
    %mul3A_0 = arith.muli %arg0, %mul3A : i32
    %add3A = arith.addi %mul3A_0, %arg1 : i32
    %mul3A_1 = arith.constant 640 : i32
    %mul3A_2 = arith.muli %arg1, %mul3A_1 : i32
    %add3A_3 = arith.constant 0 : i32
    %add3A_4 = arith.addi %mul3A_2, %add3A_3 : i32
    "tpu.region"() ({
      %run_scoped3A_34 = tpu.sem_alloc : memref<!tpu.dma_semaphore, #tpu.memory_space<semaphore_mem>>
      %dma_start3A = arith.constant 0 : i32
      %dma_start3A_35 = tpu.memref_slice %arg12[%add3A_4, %dma_start3A] : memref<10240x128xf32, #tpu.memory_space<vmem_shared>> -> memref<128x128xf32, #tpu.memory_space<vmem_shared>>
      tpu.enqueue_dma source(%arg6 : memref<128x128xf32, #tpu.memory_space<hbm>>) target(%dma_start3A_35 : memref<128x128xf32, #tpu.memory_space<vmem_shared>>) target_semaphore(%run_scoped3A_34 : memref<!tpu.dma_semaphore, #tpu.memory_space<semaphore_mem>>)
      %dma_wait3A = arith.constant 0 : i32
      %dma_wait3A_36 = tpu.memref_slice %arg12[%add3A_4, %dma_wait3A] : memref<10240x128xf32, #tpu.memory_space<vmem_shared>> -> memref<128x128xf32, #tpu.memory_space<vmem_shared>>
      tpu.wait_dma2 semaphore(%run_scoped3A_34 : memref<!tpu.dma_semaphore, #tpu.memory_space<semaphore_mem>>) src(%arg6 : memref<128x128xf32, #tpu.memory_space<hbm>>) dst(%dma_wait3A_36 : memref<128x128xf32, #tpu.memory_space<vmem_shared>>)
      tpu.yield
    }) : () -> ()
    %mul3A_5 = arith.constant 640 : i32
    %mul3A_6 = arith.muli %arg1, %mul3A_5 : i32
    %add3A_7 = arith.constant 128 : i32
    %add3A_8 = arith.addi %mul3A_6, %add3A_7 : i32
    "tpu.region"() ({
      %run_scoped3A_34 = tpu.sem_alloc : memref<!tpu.dma_semaphore, #tpu.memory_space<semaphore_mem>>
      %dma_start3A = arith.constant 0 : i32
      %dma_start3A_35 = tpu.memref_slice %arg12[%add3A_8, %dma_start3A] : memref<10240x128xf32, #tpu.memory_space<vmem_shared>> -> memref<128x128xf32, #tpu.memory_space<vmem_shared>>
      tpu.enqueue_dma source(%arg6 : memref<128x128xf32, #tpu.memory_space<hbm>>) target(%dma_start3A_35 : memref<128x128xf32, #tpu.memory_space<vmem_shared>>) target_semaphore(%run_scoped3A_34 : memref<!tpu.dma_semaphore, #tpu.memory_space<semaphore_mem>>)
      %dma_wait3A = arith.constant 0 : i32
      %dma_wait3A_36 = tpu.memref_slice %arg12[%add3A_8, %dma_wait3A] : memref<10240x128xf32, #tpu.memory_space<vmem_shared>> -> memref<128x128xf32, #tpu.memory_space<vmem_shared>>
      tpu.wait_dma2 semaphore(%run_scoped3A_34 : memref<!tpu.dma_semaphore, #tpu.memory_space<semaphore_mem>>) src(%arg6 : memref<128x128xf32, #tpu.memory_space<hbm>>) dst(%dma_wait3A_36 : memref<128x128xf32, #tpu.memory_space<vmem_shared>>)
      tpu.yield
    }) : () -> ()
    %mul3A_9 = arith.constant 640 : i32
    %mul3A_10 = arith.muli %arg1, %mul3A_9 : i32
    %add3A_11 = arith.constant 256 : i32
    %add3A_12 = arith.addi %mul3A_10, %add3A_11 : i32
    "tpu.region"() ({
      %run_scoped3A_34 = tpu.sem_alloc : memref<!tpu.dma_semaphore, #tpu.memory_space<semaphore_mem>>
      %dma_start3A = arith.constant 0 : i32
      %dma_start3A_35 = tpu.memref_slice %arg12[%add3A_12, %dma_start3A] : memref<10240x128xf32, #tpu.memory_space<vmem_shared>> -> memref<128x128xf32, #tpu.memory_space<vmem_shared>>
      tpu.enqueue_dma source(%arg6 : memref<128x128xf32, #tpu.memory_space<hbm>>) target(%dma_start3A_35 : memref<128x128xf32, #tpu.memory_space<vmem_shared>>) target_semaphore(%run_scoped3A_34 : memref<!tpu.dma_semaphore, #tpu.memory_space<semaphore_mem>>)
      %dma_wait3A = arith.constant 0 : i32
      %dma_wait3A_36 = tpu.memref_slice %arg12[%add3A_12, %dma_wait3A] : memref<10240x128xf32, #tpu.memory_space<vmem_shared>> -> memref<128x128xf32, #tpu.memory_space<vmem_shared>>
      tpu.wait_dma2 semaphore(%run_scoped3A_34 : memref<!tpu.dma_semaphore, #tpu.memory_space<semaphore_mem>>) src(%arg6 : memref<128x128xf32, #tpu.memory_space<hbm>>) dst(%dma_wait3A_36 : memref<128x128xf32, #tpu.memory_space<vmem_shared>>)
      tpu.yield
    }) : () -> ()
    %mul3A_13 = arith.constant 640 : i32
    %mul3A_14 = arith.muli %arg1, %mul3A_13 : i32
    %add3A_15 = arith.constant 384 : i32
    %add3A_16 = arith.addi %mul3A_14, %add3A_15 : i32
    "tpu.region"() ({
      %run_scoped3A_34 = tpu.sem_alloc : memref<!tpu.dma_semaphore, #tpu.memory_space<semaphore_mem>>
      %dma_start3A = arith.constant 0 : i32
      %dma_start3A_35 = tpu.memref_slice %arg12[%add3A_16, %dma_start3A] : memref<10240x128xf32, #tpu.memory_space<vmem_shared>> -> memref<128x128xf32, #tpu.memory_space<vmem_shared>>
      tpu.enqueue_dma source(%arg6 : memref<128x128xf32, #tpu.memory_space<hbm>>) target(%dma_start3A_35 : memref<128x128xf32, #tpu.memory_space<vmem_shared>>) target_semaphore(%run_scoped3A_34 : memref<!tpu.dma_semaphore, #tpu.memory_space<semaphore_mem>>)
      %dma_wait3A = arith.constant 0 : i32
      %dma_wait3A_36 = tpu.memref_slice %arg12[%add3A_16, %dma_wait3A] : memref<10240x128xf32, #tpu.memory_space<vmem_shared>> -> memref<128x128xf32, #tpu.memory_space<vmem_shared>>
      tpu.wait_dma2 semaphore(%run_scoped3A_34 : memref<!tpu.dma_semaphore, #tpu.memory_space<semaphore_mem>>) src(%arg6 : memref<128x128xf32, #tpu.memory_space<hbm>>) dst(%dma_wait3A_36 : memref<128x128xf32, #tpu.memory_space<vmem_shared>>)
      tpu.yield
    }) : () -> ()
    %mul3A_17 = arith.constant 640 : i32
    %mul3A_18 = arith.muli %arg1, %mul3A_17 : i32
    %add3A_19 = arith.constant 512 : i32
    %add3A_20 = arith.addi %mul3A_18, %add3A_19 : i32
    "tpu.region"() ({
      %run_scoped3A_34 = tpu.sem_alloc : memref<!tpu.dma_semaphore, #tpu.memory_space<semaphore_mem>>
      %dma_start3A = arith.constant 0 : i32
      %dma_start3A_35 = tpu.memref_slice %arg12[%add3A_20, %dma_start3A] : memref<10240x128xf32, #tpu.memory_space<vmem_shared>> -> memref<128x128xf32, #tpu.memory_space<vmem_shared>>
      tpu.enqueue_dma source(%arg6 : memref<128x128xf32, #tpu.memory_space<hbm>>) target(%dma_start3A_35 : memref<128x128xf32, #tpu.memory_space<vmem_shared>>) target_semaphore(%run_scoped3A_34 : memref<!tpu.dma_semaphore, #tpu.memory_space<semaphore_mem>>)
      %dma_wait3A = arith.constant 0 : i32
      %dma_wait3A_36 = tpu.memref_slice %arg12[%add3A_20, %dma_wait3A] : memref<10240x128xf32, #tpu.memory_space<vmem_shared>> -> memref<128x128xf32, #tpu.memory_space<vmem_shared>>
      tpu.wait_dma2 semaphore(%run_scoped3A_34 : memref<!tpu.dma_semaphore, #tpu.memory_space<semaphore_mem>>) src(%arg6 : memref<128x128xf32, #tpu.memory_space<hbm>>) dst(%dma_wait3A_36 : memref<128x128xf32, #tpu.memory_space<vmem_shared>>)
      tpu.yield
    }) : () -> ()
    "tpu.region"() ({
      %run_scoped3A_34 = tpu.sem_alloc : memref<!tpu.dma_semaphore, #tpu.memory_space<semaphore_mem>>
      tpu.enqueue_dma source(%arg4 : memref<128x128xf32, #tpu.memory_space<hbm>>) target(%arg10 : memref<128x128xf32, #tpu.memory_space<vmem>>) target_semaphore(%run_scoped3A_34 : memref<!tpu.dma_semaphore, #tpu.memory_space<semaphore_mem>>)
      tpu.wait_dma2 semaphore(%run_scoped3A_34 : memref<!tpu.dma_semaphore, #tpu.memory_space<semaphore_mem>>) src(%arg4 : memref<128x128xf32, #tpu.memory_space<hbm>>) dst(%arg10 : memref<128x128xf32, #tpu.memory_space<vmem>>)
      tpu.yield
    }) : () -> ()
    "tpu.region"() ({
      %run_scoped3A_34 = tpu.sem_alloc : memref<!tpu.dma_semaphore, #tpu.memory_space<semaphore_mem>>
      tpu.enqueue_dma source(%arg5 : memref<128x128xf32, #tpu.memory_space<hbm>>) target(%arg11 : memref<128x128xf32, #tpu.memory_space<vmem>>) target_semaphore(%run_scoped3A_34 : memref<!tpu.dma_semaphore, #tpu.memory_space<semaphore_mem>>)
      tpu.wait_dma2 semaphore(%run_scoped3A_34 : memref<!tpu.dma_semaphore, #tpu.memory_space<semaphore_mem>>) src(%arg5 : memref<128x128xf32, #tpu.memory_space<hbm>>) dst(%arg11 : memref<128x128xf32, #tpu.memory_space<vmem>>)
      tpu.yield
    }) : () -> ()
    %mul3A_21 = arith.constant 80 : i32
    %mul3A_22 = arith.muli %add3A, %mul3A_21 : i32
    %run_scoped3A = arith.constant 0 : i32
    "tpu.region"() ({
      %run_scoped3A_34 = tpu.sem_alloc : memref<!tpu.dma_semaphore, #tpu.memory_space<semaphore_mem>>
      %dma_start3A = arith.constant 0 : i32
      %dma_start3A_35 = arith.constant 0 : i32
      %dma_start3A_36 = tpu.memref_slice %arg8[%run_scoped3A, %dma_start3A, %dma_start3A_35] : memref<2x16x128xi32, #tpu.memory_space<vmem>> -> memref<1x16x128xi32, #tpu.memory_space<vmem>>
      %dma_start3A_37 = tpu.memref_squeeze %dma_start3A_36 : memref<1x16x128xi32, #tpu.memory_space<vmem>> -> memref<16x128xi32, #tpu.memory_space<vmem>>
      %dma_start3A_38 = arith.constant 0 : i32
      %dma_start3A_39 = tpu.memref_slice %arg2[%mul3A_22, %dma_start3A_38] : memref<2560x128xi32, #tpu.memory_space<hbm>> -> memref<16x128xi32, #tpu.memory_space<hbm>>
      %dma_start3A_40 = arith.constant 0 : i32
      %dma_start3A_41 = arith.constant 0 : i32
      %dma_start3A_42 = tpu.memref_slice %arg8[%run_scoped3A, %dma_start3A_40, %dma_start3A_41] : memref<2x16x128xi32, #tpu.memory_space<vmem>> -> memref<1x16x128xi32, #tpu.memory_space<vmem>>
      %dma_start3A_43 = tpu.memref_squeeze %dma_start3A_42 : memref<1x16x128xi32, #tpu.memory_space<vmem>> -> memref<16x128xi32, #tpu.memory_space<vmem>>
      %dma_start3A_44 = arith.constant 0 : i32
      %dma_start3A_45 = tpu.memref_slice %arg2[%mul3A_22, %dma_start3A_44] : memref<2560x128xi32, #tpu.memory_space<hbm>> -> memref<16x128xi32, #tpu.memory_space<hbm>>
      tpu.enqueue_dma source(%dma_start3A_45 : memref<16x128xi32, #tpu.memory_space<hbm>>) target(%dma_start3A_43 : memref<16x128xi32, #tpu.memory_space<vmem>>) target_semaphore(%run_scoped3A_34 : memref<!tpu.dma_semaphore, #tpu.memory_space<semaphore_mem>>)
      %dma_wait3A = arith.constant 0 : i32
      %dma_wait3A_46 = arith.constant 0 : i32
      %dma_wait3A_47 = tpu.memref_slice %arg8[%run_scoped3A, %dma_wait3A, %dma_wait3A_46] : memref<2x16x128xi32, #tpu.memory_space<vmem>> -> memref<1x16x128xi32, #tpu.memory_space<vmem>>
      %dma_wait3A_48 = tpu.memref_squeeze %dma_wait3A_47 : memref<1x16x128xi32, #tpu.memory_space<vmem>> -> memref<16x128xi32, #tpu.memory_space<vmem>>
      %dma_wait3A_49 = arith.constant 0 : i32
      %dma_wait3A_50 = tpu.memref_slice %arg2[%mul3A_22, %dma_wait3A_49] : memref<2560x128xi32, #tpu.memory_space<hbm>> -> memref<16x128xi32, #tpu.memory_space<hbm>>
      %dma_wait3A_51 = arith.constant 0 : i32
      %dma_wait3A_52 = arith.constant 0 : i32
      %dma_wait3A_53 = tpu.memref_slice %arg8[%run_scoped3A, %dma_wait3A_51, %dma_wait3A_52] : memref<2x16x128xi32, #tpu.memory_space<vmem>> -> memref<1x16x128xi32, #tpu.memory_space<vmem>>
      %dma_wait3A_54 = tpu.memref_squeeze %dma_wait3A_53 : memref<1x16x128xi32, #tpu.memory_space<vmem>> -> memref<16x128xi32, #tpu.memory_space<vmem>>
      %dma_wait3A_55 = arith.constant 0 : i32
      %dma_wait3A_56 = tpu.memref_slice %arg2[%mul3A_22, %dma_wait3A_55] : memref<2560x128xi32, #tpu.memory_space<hbm>> -> memref<16x128xi32, #tpu.memory_space<hbm>>
      tpu.wait_dma2 semaphore(%run_scoped3A_34 : memref<!tpu.dma_semaphore, #tpu.memory_space<semaphore_mem>>) src(%dma_wait3A_56 : memref<16x128xi32, #tpu.memory_space<hbm>>) dst(%dma_wait3A_54 : memref<16x128xi32, #tpu.memory_space<vmem>>)
      tpu.yield
    }) : () -> ()
    %run_scoped3A_23 = arith.constant 0 : i32
    "tpu.region"() ({
      %run_scoped3A_34 = tpu.sem_alloc : memref<!tpu.dma_semaphore, #tpu.memory_space<semaphore_mem>>
      %dma_start3A = arith.constant 0 : i32
      %dma_start3A_35 = arith.constant 0 : i32
      %dma_start3A_36 = tpu.memref_slice %arg9[%run_scoped3A_23, %dma_start3A, %dma_start3A_35] : memref<2x16x128xi32, #tpu.memory_space<vmem>> -> memref<1x16x128xi32, #tpu.memory_space<vmem>>
      %dma_start3A_37 = tpu.memref_squeeze %dma_start3A_36 : memref<1x16x128xi32, #tpu.memory_space<vmem>> -> memref<16x128xi32, #tpu.memory_space<vmem>>
      %dma_start3A_38 = arith.constant 0 : i32
      %dma_start3A_39 = tpu.memref_slice %arg3[%mul3A_22, %dma_start3A_38] : memref<2560x128xi32, #tpu.memory_space<hbm>> -> memref<16x128xi32, #tpu.memory_space<hbm>>
      %dma_start3A_40 = arith.constant 0 : i32
      %dma_start3A_41 = arith.constant 0 : i32
      %dma_start3A_42 = tpu.memref_slice %arg9[%run_scoped3A_23, %dma_start3A_40, %dma_start3A_41] : memref<2x16x128xi32, #tpu.memory_space<vmem>> -> memref<1x16x128xi32, #tpu.memory_space<vmem>>
      %dma_start3A_43 = tpu.memref_squeeze %dma_start3A_42 : memref<1x16x128xi32, #tpu.memory_space<vmem>> -> memref<16x128xi32, #tpu.memory_space<vmem>>
      %dma_start3A_44 = arith.constant 0 : i32
      %dma_start3A_45 = tpu.memref_slice %arg3[%mul3A_22, %dma_start3A_44] : memref<2560x128xi32, #tpu.memory_space<hbm>> -> memref<16x128xi32, #tpu.memory_space<hbm>>
      tpu.enqueue_dma source(%dma_start3A_45 : memref<16x128xi32, #tpu.memory_space<hbm>>) target(%dma_start3A_43 : memref<16x128xi32, #tpu.memory_space<vmem>>) target_semaphore(%run_scoped3A_34 : memref<!tpu.dma_semaphore, #tpu.memory_space<semaphore_mem>>)
      %dma_wait3A = arith.constant 0 : i32
      %dma_wait3A_46 = arith.constant 0 : i32
      %dma_wait3A_47 = tpu.memref_slice %arg9[%run_scoped3A_23, %dma_wait3A, %dma_wait3A_46] : memref<2x16x128xi32, #tpu.memory_space<vmem>> -> memref<1x16x128xi32, #tpu.memory_space<vmem>>
      %dma_wait3A_48 = tpu.memref_squeeze %dma_wait3A_47 : memref<1x16x128xi32, #tpu.memory_space<vmem>> -> memref<16x128xi32, #tpu.memory_space<vmem>>
      %dma_wait3A_49 = arith.constant 0 : i32
      %dma_wait3A_50 = tpu.memref_slice %arg3[%mul3A_22, %dma_wait3A_49] : memref<2560x128xi32, #tpu.memory_space<hbm>> -> memref<16x128xi32, #tpu.memory_space<hbm>>
      %dma_wait3A_51 = arith.constant 0 : i32
      %dma_wait3A_52 = arith.constant 0 : i32
      %dma_wait3A_53 = tpu.memref_slice %arg9[%run_scoped3A_23, %dma_wait3A_51, %dma_wait3A_52] : memref<2x16x128xi32, #tpu.memory_space<vmem>> -> memref<1x16x128xi32, #tpu.memory_space<vmem>>
      %dma_wait3A_54 = tpu.memref_squeeze %dma_wait3A_53 : memref<1x16x128xi32, #tpu.memory_space<vmem>> -> memref<16x128xi32, #tpu.memory_space<vmem>>
      %dma_wait3A_55 = arith.constant 0 : i32
      %dma_wait3A_56 = tpu.memref_slice %arg3[%mul3A_22, %dma_wait3A_55] : memref<2560x128xi32, #tpu.memory_space<hbm>> -> memref<16x128xi32, #tpu.memory_space<hbm>>
      tpu.wait_dma2 semaphore(%run_scoped3A_34 : memref<!tpu.dma_semaphore, #tpu.memory_space<semaphore_mem>>) src(%dma_wait3A_56 : memref<16x128xi32, #tpu.memory_space<hbm>>) dst(%dma_wait3A_54 : memref<16x128xi32, #tpu.memory_space<vmem>>)
      tpu.yield
    }) : () -> ()
    %barrier3A = arith.constant 0 : index
    tpu.barrier barrier_id(%barrier3A)
    %scan3A = arith.constant 0 : i32
    %scan3A_24 = arith.constant 0 : i32
    %scan3A_25 = arith.constant 80 : i32
    %scan3A_26 = arith.addi %scan3A_24, %scan3A_25 : i32
    %scan3A_27 = arith.constant 1 : i32
    scf.for %scan3A_34 = %scan3A_24 to %scan3A_26 step %scan3A_27  : i32 {
      %div3A = arith.constant 16 : i32
      %div3A_35 = arith.divsi %scan3A_34, %div3A : i32
      %rem3A = arith.constant 2 : i32
      %rem3A_36 = arith.remsi %div3A_35, %rem3A : i32
      %rem3A_37 = arith.constant 16 : i32
      %rem3A_38 = arith.remsi %scan3A_34, %rem3A_37 : i32
      %eq3A = arith.constant 3 : i32
      %eq3A_39 = arith.cmpi eq, %rem3A_38, %eq3A : i32
      %add3A_40 = arith.constant 16 : i32
      %add3A_41 = arith.addi %scan3A_34, %add3A_40 : i32
      %lt3A = arith.constant 80 : i32
      %lt3A_42 = arith.cmpi slt, %add3A_41, %lt3A : i32
      %and3A = arith.andi %eq3A_39, %lt3A_42 : i1
      %convert_element_type3A = arith.extui %and3A : i1 to i32
      %cond3A = arith.constant 0 : i32
      %cond3A_43 = arith.cmpi ne, %convert_element_type3A, %cond3A : i32
      scf.if %cond3A_43 {
        %add3A_69 = arith.constant 1 : i32
        %add3A_70 = arith.addi %div3A_35, %add3A_69 : i32
        %mul3A_71 = arith.constant 16 : i32
        %mul3A_72 = arith.muli %add3A_70, %mul3A_71 : i32
        %add3A_73 = arith.addi %mul3A_22, %mul3A_72 : i32
        %sub3A = arith.constant 1 : i32
        %sub3A_74 = arith.subi %sub3A, %rem3A_36 : i32
        %dma_start3A_75 = arith.constant 0 : i32
        %dma_start3A_76 = arith.constant 0 : i32
        %dma_start3A_77 = arith.constant 0 : i32
        %dma_start3A_78 = tpu.memref_slice %arg8[%sub3A_74, %dma_start3A_76, %dma_start3A_77] : memref<2x16x128xi32, #tpu.memory_space<vmem>> -> memref<1x16x128xi32, #tpu.memory_space<vmem>>
        %dma_start3A_79 = tpu.memref_squeeze %dma_start3A_78 : memref<1x16x128xi32, #tpu.memory_space<vmem>> -> memref<16x128xi32, #tpu.memory_space<vmem>>
        %dma_start3A_80 = arith.constant 0 : i32
        %dma_start3A_81 = tpu.memref_slice %arg2[%add3A_73, %dma_start3A_80] : memref<2560x128xi32, #tpu.memory_space<hbm>> -> memref<16x128xi32, #tpu.memory_space<hbm>>
        %dma_start3A_82 = tpu.memref_slice %arg14[%dma_start3A_75] : memref<2x!tpu.dma_semaphore, #tpu.memory_space<semaphore_mem>> -> memref<1x!tpu.dma_semaphore, #tpu.memory_space<semaphore_mem>>
        %dma_start3A_83 = tpu.memref_squeeze %dma_start3A_82 : memref<1x!tpu.dma_semaphore, #tpu.memory_space<semaphore_mem>> -> memref<!tpu.dma_semaphore, #tpu.memory_space<semaphore_mem>>
        %dma_start3A_84 = arith.constant 0 : i32
        %dma_start3A_85 = arith.constant 0 : i32
        %dma_start3A_86 = tpu.memref_slice %arg8[%sub3A_74, %dma_start3A_84, %dma_start3A_85] : memref<2x16x128xi32, #tpu.memory_space<vmem>> -> memref<1x16x128xi32, #tpu.memory_space<vmem>>
        %dma_start3A_87 = tpu.memref_squeeze %dma_start3A_86 : memref<1x16x128xi32, #tpu.memory_space<vmem>> -> memref<16x128xi32, #tpu.memory_space<vmem>>
        %dma_start3A_88 = arith.constant 0 : i32
        %dma_start3A_89 = tpu.memref_slice %arg2[%add3A_73, %dma_start3A_88] : memref<2560x128xi32, #tpu.memory_space<hbm>> -> memref<16x128xi32, #tpu.memory_space<hbm>>
        tpu.enqueue_dma source(%dma_start3A_89 : memref<16x128xi32, #tpu.memory_space<hbm>>) target(%dma_start3A_87 : memref<16x128xi32, #tpu.memory_space<vmem>>) target_semaphore(%dma_start3A_83 : memref<!tpu.dma_semaphore, #tpu.memory_space<semaphore_mem>>)
        %add3A_90 = arith.addi %mul3A_22, %mul3A_72 : i32
        %sub3A_91 = arith.constant 1 : i32
        %sub3A_92 = arith.subi %sub3A_91, %rem3A_36 : i32
        %dma_start3A_93 = arith.constant 1 : i32
        %dma_start3A_94 = arith.constant 0 : i32
        %dma_start3A_95 = arith.constant 0 : i32
        %dma_start3A_96 = tpu.memref_slice %arg9[%sub3A_92, %dma_start3A_94, %dma_start3A_95] : memref<2x16x128xi32, #tpu.memory_space<vmem>> -> memref<1x16x128xi32, #tpu.memory_space<vmem>>
        %dma_start3A_97 = tpu.memref_squeeze %dma_start3A_96 : memref<1x16x128xi32, #tpu.memory_space<vmem>> -> memref<16x128xi32, #tpu.memory_space<vmem>>
        %dma_start3A_98 = arith.constant 0 : i32
        %dma_start3A_99 = tpu.memref_slice %arg3[%add3A_90, %dma_start3A_98] : memref<2560x128xi32, #tpu.memory_space<hbm>> -> memref<16x128xi32, #tpu.memory_space<hbm>>
        %dma_start3A_100 = tpu.memref_slice %arg14[%dma_start3A_93] : memref<2x!tpu.dma_semaphore, #tpu.memory_space<semaphore_mem>> -> memref<1x!tpu.dma_semaphore, #tpu.memory_space<semaphore_mem>>
        %dma_start3A_101 = tpu.memref_squeeze %dma_start3A_100 : memref<1x!tpu.dma_semaphore, #tpu.memory_space<semaphore_mem>> -> memref<!tpu.dma_semaphore, #tpu.memory_space<semaphore_mem>>
        %dma_start3A_102 = arith.constant 0 : i32
        %dma_start3A_103 = arith.constant 0 : i32
        %dma_start3A_104 = tpu.memref_slice %arg9[%sub3A_92, %dma_start3A_102, %dma_start3A_103] : memref<2x16x128xi32, #tpu.memory_space<vmem>> -> memref<1x16x128xi32, #tpu.memory_space<vmem>>
        %dma_start3A_105 = tpu.memref_squeeze %dma_start3A_104 : memref<1x16x128xi32, #tpu.memory_space<vmem>> -> memref<16x128xi32, #tpu.memory_space<vmem>>
        %dma_start3A_106 = arith.constant 0 : i32
        %dma_start3A_107 = tpu.memref_slice %arg3[%add3A_90, %dma_start3A_106] : memref<2560x128xi32, #tpu.memory_space<hbm>> -> memref<16x128xi32, #tpu.memory_space<hbm>>
        tpu.enqueue_dma source(%dma_start3A_107 : memref<16x128xi32, #tpu.memory_space<hbm>>) target(%dma_start3A_105 : memref<16x128xi32, #tpu.memory_space<vmem>>) target_semaphore(%dma_start3A_101 : memref<!tpu.dma_semaphore, #tpu.memory_space<semaphore_mem>>)
      } else {
      }
      %eq3A_44 = arith.constant 15 : i32
      %eq3A_45 = arith.cmpi eq, %rem3A_38, %eq3A_44 : i32
      %add3A_46 = arith.constant 16 : i32
      %add3A_47 = arith.addi %scan3A_34, %add3A_46 : i32
      %lt3A_48 = arith.constant 80 : i32
      %lt3A_49 = arith.cmpi slt, %add3A_47, %lt3A_48 : i32
      %and3A_50 = arith.andi %eq3A_45, %lt3A_49 : i1
      %convert_element_type3A_51 = arith.extui %and3A_50 : i1 to i32
      %cond3A_52 = arith.constant 0 : i32
      %cond3A_53 = arith.cmpi ne, %convert_element_type3A_51, %cond3A_52 : i32
      scf.if %cond3A_53 {
        %dma_wait3A = arith.constant 0 : i32
        %dma_wait3A_69 = arith.constant 0 : i32
        %dma_wait3A_70 = arith.constant 0 : i32
        %dma_wait3A_71 = arith.constant 0 : i32
        %dma_wait3A_72 = tpu.memref_slice %arg8[%dma_wait3A, %dma_wait3A_70, %dma_wait3A_71] : memref<2x16x128xi32, #tpu.memory_space<vmem>> -> memref<1x16x128xi32, #tpu.memory_space<vmem>>
        %dma_wait3A_73 = tpu.memref_squeeze %dma_wait3A_72 : memref<1x16x128xi32, #tpu.memory_space<vmem>> -> memref<16x128xi32, #tpu.memory_space<vmem>>
        %dma_wait3A_74 = arith.constant 0 : i32
        %dma_wait3A_75 = tpu.memref_slice %arg2[%mul3A_22, %dma_wait3A_74] : memref<2560x128xi32, #tpu.memory_space<hbm>> -> memref<16x128xi32, #tpu.memory_space<hbm>>
        %dma_wait3A_76 = tpu.memref_slice %arg14[%dma_wait3A_69] : memref<2x!tpu.dma_semaphore, #tpu.memory_space<semaphore_mem>> -> memref<1x!tpu.dma_semaphore, #tpu.memory_space<semaphore_mem>>
        %dma_wait3A_77 = tpu.memref_squeeze %dma_wait3A_76 : memref<1x!tpu.dma_semaphore, #tpu.memory_space<semaphore_mem>> -> memref<!tpu.dma_semaphore, #tpu.memory_space<semaphore_mem>>
        %dma_wait3A_78 = arith.constant 0 : i32
        %dma_wait3A_79 = arith.constant 0 : i32
        %dma_wait3A_80 = tpu.memref_slice %arg8[%dma_wait3A, %dma_wait3A_78, %dma_wait3A_79] : memref<2x16x128xi32, #tpu.memory_space<vmem>> -> memref<1x16x128xi32, #tpu.memory_space<vmem>>
        %dma_wait3A_81 = tpu.memref_squeeze %dma_wait3A_80 : memref<1x16x128xi32, #tpu.memory_space<vmem>> -> memref<16x128xi32, #tpu.memory_space<vmem>>
        %dma_wait3A_82 = arith.constant 0 : i32
        %dma_wait3A_83 = tpu.memref_slice %arg2[%mul3A_22, %dma_wait3A_82] : memref<2560x128xi32, #tpu.memory_space<hbm>> -> memref<16x128xi32, #tpu.memory_space<hbm>>
        tpu.wait_dma2 semaphore(%dma_wait3A_77 : memref<!tpu.dma_semaphore, #tpu.memory_space<semaphore_mem>>) src(%dma_wait3A_83 : memref<16x128xi32, #tpu.memory_space<hbm>>) dst(%dma_wait3A_81 : memref<16x128xi32, #tpu.memory_space<vmem>>)
        %dma_wait3A_84 = arith.constant 0 : i32
        %dma_wait3A_85 = arith.constant 1 : i32
        %dma_wait3A_86 = arith.constant 0 : i32
        %dma_wait3A_87 = arith.constant 0 : i32
        %dma_wait3A_88 = tpu.memref_slice %arg9[%dma_wait3A_84, %dma_wait3A_86, %dma_wait3A_87] : memref<2x16x128xi32, #tpu.memory_space<vmem>> -> memref<1x16x128xi32, #tpu.memory_space<vmem>>
        %dma_wait3A_89 = tpu.memref_squeeze %dma_wait3A_88 : memref<1x16x128xi32, #tpu.memory_space<vmem>> -> memref<16x128xi32, #tpu.memory_space<vmem>>
        %dma_wait3A_90 = arith.constant 0 : i32
        %dma_wait3A_91 = tpu.memref_slice %arg3[%mul3A_22, %dma_wait3A_90] : memref<2560x128xi32, #tpu.memory_space<hbm>> -> memref<16x128xi32, #tpu.memory_space<hbm>>
        %dma_wait3A_92 = tpu.memref_slice %arg14[%dma_wait3A_85] : memref<2x!tpu.dma_semaphore, #tpu.memory_space<semaphore_mem>> -> memref<1x!tpu.dma_semaphore, #tpu.memory_space<semaphore_mem>>
        %dma_wait3A_93 = tpu.memref_squeeze %dma_wait3A_92 : memref<1x!tpu.dma_semaphore, #tpu.memory_space<semaphore_mem>> -> memref<!tpu.dma_semaphore, #tpu.memory_space<semaphore_mem>>
        %dma_wait3A_94 = arith.constant 0 : i32
        %dma_wait3A_95 = arith.constant 0 : i32
        %dma_wait3A_96 = tpu.memref_slice %arg9[%dma_wait3A_84, %dma_wait3A_94, %dma_wait3A_95] : memref<2x16x128xi32, #tpu.memory_space<vmem>> -> memref<1x16x128xi32, #tpu.memory_space<vmem>>
        %dma_wait3A_97 = tpu.memref_squeeze %dma_wait3A_96 : memref<1x16x128xi32, #tpu.memory_space<vmem>> -> memref<16x128xi32, #tpu.memory_space<vmem>>
        %dma_wait3A_98 = arith.constant 0 : i32
        %dma_wait3A_99 = tpu.memref_slice %arg3[%mul3A_22, %dma_wait3A_98] : memref<2560x128xi32, #tpu.memory_space<hbm>> -> memref<16x128xi32, #tpu.memory_space<hbm>>
        tpu.wait_dma2 semaphore(%dma_wait3A_93 : memref<!tpu.dma_semaphore, #tpu.memory_space<semaphore_mem>>) src(%dma_wait3A_99 : memref<16x128xi32, #tpu.memory_space<hbm>>) dst(%dma_wait3A_97 : memref<16x128xi32, #tpu.memory_space<vmem>>)
      } else {
      }
      %ge3A = arith.constant 2 : i32
      %ge3A_54 = arith.cmpi sge, %scan3A_34, %ge3A : i32
      %convert_element_type3A_55 = arith.extui %ge3A_54 : i1 to i32
      %cond3A_56 = arith.constant 0 : i32
      %cond3A_57 = arith.cmpi ne, %convert_element_type3A_55, %cond3A_56 : i32
      scf.if %cond3A_57 {
        tpu.wait_dma2 semaphore(%arg13 : memref<!tpu.dma_semaphore, #tpu.memory_space<semaphore_mem>>) src(%arg4 : memref<128x128xf32, #tpu.memory_space<hbm>>) dst(%arg10 : memref<128x128xf32, #tpu.memory_space<vmem>>)
        tpu.wait_dma2 semaphore(%arg13 : memref<!tpu.dma_semaphore, #tpu.memory_space<semaphore_mem>>) src(%arg4 : memref<128x128xf32, #tpu.memory_space<hbm>>) dst(%arg10 : memref<128x128xf32, #tpu.memory_space<vmem>>)
      } else {
      }
      %dma_start3A = arith.constant 0 : i32
      %dma_start3A_58 = tpu.memref_slice %arg8[%rem3A_36, %rem3A_38, %dma_start3A] : memref<2x16x128xi32, #tpu.memory_space<vmem>> -> memref<1x1x128xi32, #tpu.memory_space<vmem>>
      %dma_start3A_59 = tpu.memref_squeeze %dma_start3A_58 : memref<1x1x128xi32, #tpu.memory_space<vmem>> -> memref<128xi32, #tpu.memory_space<vmem>>
      %dma_start3A_60 = arith.constant 0 : i32
      %dma_start3A_61 = arith.constant 0 : i32
      %dma_start3A_62 = tpu.memref_slice %arg12[%dma_start3A_60, %dma_start3A_61] : memref<10240x128xf32, #tpu.memory_space<vmem_shared>> -> memref<10240x128xf32, #tpu.memory_space<vmem_shared>>
      tpu.enqueue_indirect_dma source(%arg10 : memref<128x128xf32, #tpu.memory_space<vmem>>) target(%dma_start3A_62 : memref<10240x128xf32, #tpu.memory_space<vmem_shared>>) offsets(%dma_start3A_59 : memref<128xi32, #tpu.memory_space<vmem>>) semaphore(%arg13 : memref<!tpu.dma_semaphore, #tpu.memory_space<semaphore_mem>>) {add = true}
      %dma_start3A_63 = arith.constant 0 : i32
      %dma_start3A_64 = tpu.memref_slice %arg9[%rem3A_36, %rem3A_38, %dma_start3A_63] : memref<2x16x128xi32, #tpu.memory_space<vmem>> -> memref<1x1x128xi32, #tpu.memory_space<vmem>>
      %dma_start3A_65 = tpu.memref_squeeze %dma_start3A_64 : memref<1x1x128xi32, #tpu.memory_space<vmem>> -> memref<128xi32, #tpu.memory_space<vmem>>
      %dma_start3A_66 = arith.constant 0 : i32
      %dma_start3A_67 = arith.constant 0 : i32
      %dma_start3A_68 = tpu.memref_slice %arg12[%dma_start3A_66, %dma_start3A_67] : memref<10240x128xf32, #tpu.memory_space<vmem_shared>> -> memref<10240x128xf32, #tpu.memory_space<vmem_shared>>
      tpu.enqueue_indirect_dma source(%arg11 : memref<128x128xf32, #tpu.memory_space<vmem>>) target(%dma_start3A_68 : memref<10240x128xf32, #tpu.memory_space<vmem_shared>>) offsets(%dma_start3A_65 : memref<128xi32, #tpu.memory_space<vmem>>) semaphore(%arg13 : memref<!tpu.dma_semaphore, #tpu.memory_space<semaphore_mem>>) {add = true}
    }
    %scan3A_28 = arith.constant 80 : i32
    tpu.wait_dma2 semaphore(%arg13 : memref<!tpu.dma_semaphore, #tpu.memory_space<semaphore_mem>>) src(%arg4 : memref<128x128xf32, #tpu.memory_space<hbm>>) dst(%arg10 : memref<128x128xf32, #tpu.memory_space<vmem>>)
    tpu.wait_dma2 semaphore(%arg13 : memref<!tpu.dma_semaphore, #tpu.memory_space<semaphore_mem>>) src(%arg4 : memref<128x128xf32, #tpu.memory_space<hbm>>) dst(%arg10 : memref<128x128xf32, #tpu.memory_space<vmem>>)
    tpu.wait_dma2 semaphore(%arg13 : memref<!tpu.dma_semaphore, #tpu.memory_space<semaphore_mem>>) src(%arg4 : memref<128x128xf32, #tpu.memory_space<hbm>>) dst(%arg10 : memref<128x128xf32, #tpu.memory_space<vmem>>)
    tpu.wait_dma2 semaphore(%arg13 : memref<!tpu.dma_semaphore, #tpu.memory_space<semaphore_mem>>) src(%arg4 : memref<128x128xf32, #tpu.memory_space<hbm>>) dst(%arg10 : memref<128x128xf32, #tpu.memory_space<vmem>>)
    %barrier3A_29 = arith.constant 0 : index
    tpu.barrier barrier_id(%barrier3A_29)
    %mul3A_30 = arith.constant 640 : i32
    %mul3A_31 = arith.muli %arg1, %mul3A_30 : i32
    %mul3A_32 = arith.constant 640 : i32
    %mul3A_33 = arith.muli %arg1, %mul3A_32 : i32
    "tpu.region"() ({
      %run_scoped3A_34 = tpu.sem_alloc : memref<!tpu.dma_semaphore, #tpu.memory_space<semaphore_mem>>
      %dma_start3A = arith.constant 0 : i32
      %dma_start3A_35 = tpu.memref_slice %arg7[%arg0, %mul3A_33, %dma_start3A] : memref<2x10240x128xf32, #tpu.memory_space<hbm>> -> memref<1x640x128xf32, #tpu.memory_space<hbm>>
      %dma_start3A_36 = tpu.memref_squeeze %dma_start3A_35 : memref<1x640x128xf32, #tpu.memory_space<hbm>> -> memref<640x128xf32, #tpu.memory_space<hbm>>
      %dma_start3A_37 = arith.constant 0 : i32
      %dma_start3A_38 = tpu.memref_slice %arg12[%mul3A_31, %dma_start3A_37] : memref<10240x128xf32, #tpu.memory_space<vmem_shared>> -> memref<640x128xf32, #tpu.memory_space<vmem_shared>>
      tpu.enqueue_dma source(%dma_start3A_38 : memref<640x128xf32, #tpu.memory_space<vmem_shared>>) target(%dma_start3A_36 : memref<640x128xf32, #tpu.memory_space<hbm>>) target_semaphore(%run_scoped3A_34 : memref<!tpu.dma_semaphore, #tpu.memory_space<semaphore_mem>>)
      %dma_wait3A = arith.constant 0 : i32
      %dma_wait3A_39 = tpu.memref_slice %arg7[%arg0, %mul3A_33, %dma_wait3A] : memref<2x10240x128xf32, #tpu.memory_space<hbm>> -> memref<1x640x128xf32, #tpu.memory_space<hbm>>
      %dma_wait3A_40 = tpu.memref_squeeze %dma_wait3A_39 : memref<1x640x128xf32, #tpu.memory_space<hbm>> -> memref<640x128xf32, #tpu.memory_space<hbm>>
      %dma_wait3A_41 = arith.constant 0 : i32
      %dma_wait3A_42 = tpu.memref_slice %arg12[%mul3A_31, %dma_wait3A_41] : memref<10240x128xf32, #tpu.memory_space<vmem_shared>> -> memref<640x128xf32, #tpu.memory_space<vmem_shared>>
      tpu.wait_dma2 semaphore(%run_scoped3A_34 : memref<!tpu.dma_semaphore, #tpu.memory_space<semaphore_mem>>) src(%dma_wait3A_42 : memref<640x128xf32, #tpu.memory_space<vmem_shared>>) dst(%dma_wait3A_40 : memref<640x128xf32, #tpu.memory_space<hbm>>)
      tpu.yield
    }) : () -> ()
    return
  }
}

#map = affine_map<(d0, d1) -> (0, 0)>
#map1 = affine_map<(d0, d1) -> (0, 0, 0)>
module attributes {stable_mosaic.version = 14 : i64} {
  func.func @_sc_msgpass_body(%arg0: i32, %arg1: i32, %arg2: memref<10240x128xf32, #tpu.memory_space<hbm>>, %arg3: memref<2560x128xi32, #tpu.memory_space<hbm>>, %arg4: memref<2560x128xi32, #tpu.memory_space<hbm>>, %arg5: memref<128x128xf32, #tpu.memory_space<hbm>>, %arg6: memref<2x10240x128xf32, #tpu.memory_space<hbm>>, %arg7: memref<2x16x128xi32, #tpu.memory_space<vmem>>, %arg8: memref<2x16x128xi32, #tpu.memory_space<vmem>>, %arg9: memref<2x128x128xf32, #tpu.memory_space<vmem>>, %arg10: memref<10240x128xf32, #tpu.memory_space<vmem_shared>>, %arg11: memref<2x!tpu.dma_semaphore, #tpu.memory_space<semaphore_mem>>, %arg12: memref<2x!tpu.dma_semaphore, #tpu.memory_space<semaphore_mem>>, %arg13: memref<2x!tpu.dma_semaphore, #tpu.memory_space<semaphore_mem>>) attributes {dimension_semantics = [#tpu.dimension_semantics<core_parallel>, #tpu.dimension_semantics<subcore_parallel>], iteration_bounds = array<i64: 2, 16>, scalar_prefetch = 0 : i64, scratch_operands = 7 : i64, tpu.core_type = #tpu.core_type<sc_vector_subcore>, window_params = [{transform_indices = #map}, {transform_indices = #map}, {transform_indices = #map}, {transform_indices = #map}, {transform_indices = #map1}]} {
    %mul3A = arith.constant 640 : i32
    %mul3A_0 = arith.muli %arg1, %mul3A : i32
    %add3A = arith.constant 0 : i32
    %add3A_1 = arith.addi %mul3A_0, %add3A : i32
    "tpu.region"() ({
      %run_scoped3A = tpu.sem_alloc : memref<!tpu.dma_semaphore, #tpu.memory_space<semaphore_mem>>
      %dma_start3A = arith.constant 0 : i32
      %dma_start3A_56 = tpu.memref_slice %arg10[%add3A_1, %dma_start3A] : memref<10240x128xf32, #tpu.memory_space<vmem_shared>> -> memref<128x128xf32, #tpu.memory_space<vmem_shared>>
      tpu.enqueue_dma source(%arg5 : memref<128x128xf32, #tpu.memory_space<hbm>>) target(%dma_start3A_56 : memref<128x128xf32, #tpu.memory_space<vmem_shared>>) target_semaphore(%run_scoped3A : memref<!tpu.dma_semaphore, #tpu.memory_space<semaphore_mem>>)
      %dma_wait3A = arith.constant 0 : i32
      %dma_wait3A_57 = tpu.memref_slice %arg10[%add3A_1, %dma_wait3A] : memref<10240x128xf32, #tpu.memory_space<vmem_shared>> -> memref<128x128xf32, #tpu.memory_space<vmem_shared>>
      tpu.wait_dma2 semaphore(%run_scoped3A : memref<!tpu.dma_semaphore, #tpu.memory_space<semaphore_mem>>) src(%arg5 : memref<128x128xf32, #tpu.memory_space<hbm>>) dst(%dma_wait3A_57 : memref<128x128xf32, #tpu.memory_space<vmem_shared>>)
      tpu.yield
    }) : () -> ()
    %mul3A_2 = arith.constant 640 : i32
    %mul3A_3 = arith.muli %arg1, %mul3A_2 : i32
    %add3A_4 = arith.constant 128 : i32
    %add3A_5 = arith.addi %mul3A_3, %add3A_4 : i32
    "tpu.region"() ({
      %run_scoped3A = tpu.sem_alloc : memref<!tpu.dma_semaphore, #tpu.memory_space<semaphore_mem>>
      %dma_start3A = arith.constant 0 : i32
      %dma_start3A_56 = tpu.memref_slice %arg10[%add3A_5, %dma_start3A] : memref<10240x128xf32, #tpu.memory_space<vmem_shared>> -> memref<128x128xf32, #tpu.memory_space<vmem_shared>>
      tpu.enqueue_dma source(%arg5 : memref<128x128xf32, #tpu.memory_space<hbm>>) target(%dma_start3A_56 : memref<128x128xf32, #tpu.memory_space<vmem_shared>>) target_semaphore(%run_scoped3A : memref<!tpu.dma_semaphore, #tpu.memory_space<semaphore_mem>>)
      %dma_wait3A = arith.constant 0 : i32
      %dma_wait3A_57 = tpu.memref_slice %arg10[%add3A_5, %dma_wait3A] : memref<10240x128xf32, #tpu.memory_space<vmem_shared>> -> memref<128x128xf32, #tpu.memory_space<vmem_shared>>
      tpu.wait_dma2 semaphore(%run_scoped3A : memref<!tpu.dma_semaphore, #tpu.memory_space<semaphore_mem>>) src(%arg5 : memref<128x128xf32, #tpu.memory_space<hbm>>) dst(%dma_wait3A_57 : memref<128x128xf32, #tpu.memory_space<vmem_shared>>)
      tpu.yield
    }) : () -> ()
    %mul3A_6 = arith.constant 640 : i32
    %mul3A_7 = arith.muli %arg1, %mul3A_6 : i32
    %add3A_8 = arith.constant 256 : i32
    %add3A_9 = arith.addi %mul3A_7, %add3A_8 : i32
    "tpu.region"() ({
      %run_scoped3A = tpu.sem_alloc : memref<!tpu.dma_semaphore, #tpu.memory_space<semaphore_mem>>
      %dma_start3A = arith.constant 0 : i32
      %dma_start3A_56 = tpu.memref_slice %arg10[%add3A_9, %dma_start3A] : memref<10240x128xf32, #tpu.memory_space<vmem_shared>> -> memref<128x128xf32, #tpu.memory_space<vmem_shared>>
      tpu.enqueue_dma source(%arg5 : memref<128x128xf32, #tpu.memory_space<hbm>>) target(%dma_start3A_56 : memref<128x128xf32, #tpu.memory_space<vmem_shared>>) target_semaphore(%run_scoped3A : memref<!tpu.dma_semaphore, #tpu.memory_space<semaphore_mem>>)
      %dma_wait3A = arith.constant 0 : i32
      %dma_wait3A_57 = tpu.memref_slice %arg10[%add3A_9, %dma_wait3A] : memref<10240x128xf32, #tpu.memory_space<vmem_shared>> -> memref<128x128xf32, #tpu.memory_space<vmem_shared>>
      tpu.wait_dma2 semaphore(%run_scoped3A : memref<!tpu.dma_semaphore, #tpu.memory_space<semaphore_mem>>) src(%arg5 : memref<128x128xf32, #tpu.memory_space<hbm>>) dst(%dma_wait3A_57 : memref<128x128xf32, #tpu.memory_space<vmem_shared>>)
      tpu.yield
    }) : () -> ()
    %mul3A_10 = arith.constant 640 : i32
    %mul3A_11 = arith.muli %arg1, %mul3A_10 : i32
    %add3A_12 = arith.constant 384 : i32
    %add3A_13 = arith.addi %mul3A_11, %add3A_12 : i32
    "tpu.region"() ({
      %run_scoped3A = tpu.sem_alloc : memref<!tpu.dma_semaphore, #tpu.memory_space<semaphore_mem>>
      %dma_start3A = arith.constant 0 : i32
      %dma_start3A_56 = tpu.memref_slice %arg10[%add3A_13, %dma_start3A] : memref<10240x128xf32, #tpu.memory_space<vmem_shared>> -> memref<128x128xf32, #tpu.memory_space<vmem_shared>>
      tpu.enqueue_dma source(%arg5 : memref<128x128xf32, #tpu.memory_space<hbm>>) target(%dma_start3A_56 : memref<128x128xf32, #tpu.memory_space<vmem_shared>>) target_semaphore(%run_scoped3A : memref<!tpu.dma_semaphore, #tpu.memory_space<semaphore_mem>>)
      %dma_wait3A = arith.constant 0 : i32
      %dma_wait3A_57 = tpu.memref_slice %arg10[%add3A_13, %dma_wait3A] : memref<10240x128xf32, #tpu.memory_space<vmem_shared>> -> memref<128x128xf32, #tpu.memory_space<vmem_shared>>
      tpu.wait_dma2 semaphore(%run_scoped3A : memref<!tpu.dma_semaphore, #tpu.memory_space<semaphore_mem>>) src(%arg5 : memref<128x128xf32, #tpu.memory_space<hbm>>) dst(%dma_wait3A_57 : memref<128x128xf32, #tpu.memory_space<vmem_shared>>)
      tpu.yield
    }) : () -> ()
    %mul3A_14 = arith.constant 640 : i32
    %mul3A_15 = arith.muli %arg1, %mul3A_14 : i32
    %add3A_16 = arith.constant 512 : i32
    %add3A_17 = arith.addi %mul3A_15, %add3A_16 : i32
    "tpu.region"() ({
      %run_scoped3A = tpu.sem_alloc : memref<!tpu.dma_semaphore, #tpu.memory_space<semaphore_mem>>
      %dma_start3A = arith.constant 0 : i32
      %dma_start3A_56 = tpu.memref_slice %arg10[%add3A_17, %dma_start3A] : memref<10240x128xf32, #tpu.memory_space<vmem_shared>> -> memref<128x128xf32, #tpu.memory_space<vmem_shared>>
      tpu.enqueue_dma source(%arg5 : memref<128x128xf32, #tpu.memory_space<hbm>>) target(%dma_start3A_56 : memref<128x128xf32, #tpu.memory_space<vmem_shared>>) target_semaphore(%run_scoped3A : memref<!tpu.dma_semaphore, #tpu.memory_space<semaphore_mem>>)
      %dma_wait3A = arith.constant 0 : i32
      %dma_wait3A_57 = tpu.memref_slice %arg10[%add3A_17, %dma_wait3A] : memref<10240x128xf32, #tpu.memory_space<vmem_shared>> -> memref<128x128xf32, #tpu.memory_space<vmem_shared>>
      tpu.wait_dma2 semaphore(%run_scoped3A : memref<!tpu.dma_semaphore, #tpu.memory_space<semaphore_mem>>) src(%arg5 : memref<128x128xf32, #tpu.memory_space<hbm>>) dst(%dma_wait3A_57 : memref<128x128xf32, #tpu.memory_space<vmem_shared>>)
      tpu.yield
    }) : () -> ()
    %eq3A = arith.constant 0 : i32
    %eq3A_18 = arith.cmpi eq, %arg0, %eq3A : i32
    %jit3A = arith.constant 128 : i32
    %jit3A_19 = arith.constant 32 : i32
    %select_n3A = arith.select %eq3A_18, %jit3A, %jit3A_19 : i32
    %eq3A_20 = arith.constant 0 : i32
    %eq3A_21 = arith.cmpi eq, %arg0, %eq3A_20 : i32
    %mul3A_22 = arith.constant 128 : i32
    %mul3A_23 = arith.muli %arg1, %mul3A_22 : i32
    %mul3A_24 = arith.constant 32 : i32
    %mul3A_25 = arith.muli %arg1, %mul3A_24 : i32
    %add3A_26 = arith.constant 2048 : i32
    %add3A_27 = arith.addi %add3A_26, %mul3A_25 : i32
    %select_n3A_28 = arith.select %eq3A_21, %mul3A_23, %add3A_27 : i32
    %min3A = arith.constant 2544 : i32
    %min3A_29 = arith.minsi %select_n3A_28, %min3A : i32
    %gt3A = arith.constant 0 : i32
    %gt3A_30 = arith.cmpi sgt, %select_n3A, %gt3A : i32
    %convert_element_type3A = arith.extui %gt3A_30 : i1 to i32
    %cond3A = arith.constant 0 : i32
    %cond3A_31 = arith.cmpi ne, %convert_element_type3A, %cond3A : i32
    scf.if %cond3A_31 {
      %run_scoped3A = arith.constant 0 : i32
      "tpu.region"() ({
        %run_scoped3A_57 = tpu.sem_alloc : memref<!tpu.dma_semaphore, #tpu.memory_space<semaphore_mem>>
        %dma_start3A = arith.constant 0 : i32
        %dma_start3A_58 = arith.constant 0 : i32
        %dma_start3A_59 = tpu.memref_slice %arg7[%run_scoped3A, %dma_start3A, %dma_start3A_58] : memref<2x16x128xi32, #tpu.memory_space<vmem>> -> memref<1x16x128xi32, #tpu.memory_space<vmem>>
        %dma_start3A_60 = tpu.memref_squeeze %dma_start3A_59 : memref<1x16x128xi32, #tpu.memory_space<vmem>> -> memref<16x128xi32, #tpu.memory_space<vmem>>
        %dma_start3A_61 = arith.constant 0 : i32
        %dma_start3A_62 = tpu.memref_slice %arg3[%min3A_29, %dma_start3A_61] : memref<2560x128xi32, #tpu.memory_space<hbm>> -> memref<16x128xi32, #tpu.memory_space<hbm>>
        %dma_start3A_63 = arith.constant 0 : i32
        %dma_start3A_64 = arith.constant 0 : i32
        %dma_start3A_65 = tpu.memref_slice %arg7[%run_scoped3A, %dma_start3A_63, %dma_start3A_64] : memref<2x16x128xi32, #tpu.memory_space<vmem>> -> memref<1x16x128xi32, #tpu.memory_space<vmem>>
        %dma_start3A_66 = tpu.memref_squeeze %dma_start3A_65 : memref<1x16x128xi32, #tpu.memory_space<vmem>> -> memref<16x128xi32, #tpu.memory_space<vmem>>
        %dma_start3A_67 = arith.constant 0 : i32
        %dma_start3A_68 = tpu.memref_slice %arg3[%min3A_29, %dma_start3A_67] : memref<2560x128xi32, #tpu.memory_space<hbm>> -> memref<16x128xi32, #tpu.memory_space<hbm>>
        tpu.enqueue_dma source(%dma_start3A_68 : memref<16x128xi32, #tpu.memory_space<hbm>>) target(%dma_start3A_66 : memref<16x128xi32, #tpu.memory_space<vmem>>) target_semaphore(%run_scoped3A_57 : memref<!tpu.dma_semaphore, #tpu.memory_space<semaphore_mem>>)
        %dma_wait3A = arith.constant 0 : i32
        %dma_wait3A_69 = arith.constant 0 : i32
        %dma_wait3A_70 = tpu.memref_slice %arg7[%run_scoped3A, %dma_wait3A, %dma_wait3A_69] : memref<2x16x128xi32, #tpu.memory_space<vmem>> -> memref<1x16x128xi32, #tpu.memory_space<vmem>>
        %dma_wait3A_71 = tpu.memref_squeeze %dma_wait3A_70 : memref<1x16x128xi32, #tpu.memory_space<vmem>> -> memref<16x128xi32, #tpu.memory_space<vmem>>
        %dma_wait3A_72 = arith.constant 0 : i32
        %dma_wait3A_73 = tpu.memref_slice %arg3[%min3A_29, %dma_wait3A_72] : memref<2560x128xi32, #tpu.memory_space<hbm>> -> memref<16x128xi32, #tpu.memory_space<hbm>>
        %dma_wait3A_74 = arith.constant 0 : i32
        %dma_wait3A_75 = arith.constant 0 : i32
        %dma_wait3A_76 = tpu.memref_slice %arg7[%run_scoped3A, %dma_wait3A_74, %dma_wait3A_75] : memref<2x16x128xi32, #tpu.memory_space<vmem>> -> memref<1x16x128xi32, #tpu.memory_space<vmem>>
        %dma_wait3A_77 = tpu.memref_squeeze %dma_wait3A_76 : memref<1x16x128xi32, #tpu.memory_space<vmem>> -> memref<16x128xi32, #tpu.memory_space<vmem>>
        %dma_wait3A_78 = arith.constant 0 : i32
        %dma_wait3A_79 = tpu.memref_slice %arg3[%min3A_29, %dma_wait3A_78] : memref<2560x128xi32, #tpu.memory_space<hbm>> -> memref<16x128xi32, #tpu.memory_space<hbm>>
        tpu.wait_dma2 semaphore(%run_scoped3A_57 : memref<!tpu.dma_semaphore, #tpu.memory_space<semaphore_mem>>) src(%dma_wait3A_79 : memref<16x128xi32, #tpu.memory_space<hbm>>) dst(%dma_wait3A_77 : memref<16x128xi32, #tpu.memory_space<vmem>>)
        tpu.yield
      }) : () -> ()
      %run_scoped3A_56 = arith.constant 0 : i32
      "tpu.region"() ({
        %run_scoped3A_57 = tpu.sem_alloc : memref<!tpu.dma_semaphore, #tpu.memory_space<semaphore_mem>>
        %dma_start3A = arith.constant 0 : i32
        %dma_start3A_58 = arith.constant 0 : i32
        %dma_start3A_59 = tpu.memref_slice %arg8[%run_scoped3A_56, %dma_start3A, %dma_start3A_58] : memref<2x16x128xi32, #tpu.memory_space<vmem>> -> memref<1x16x128xi32, #tpu.memory_space<vmem>>
        %dma_start3A_60 = tpu.memref_squeeze %dma_start3A_59 : memref<1x16x128xi32, #tpu.memory_space<vmem>> -> memref<16x128xi32, #tpu.memory_space<vmem>>
        %dma_start3A_61 = arith.constant 0 : i32
        %dma_start3A_62 = tpu.memref_slice %arg4[%min3A_29, %dma_start3A_61] : memref<2560x128xi32, #tpu.memory_space<hbm>> -> memref<16x128xi32, #tpu.memory_space<hbm>>
        %dma_start3A_63 = arith.constant 0 : i32
        %dma_start3A_64 = arith.constant 0 : i32
        %dma_start3A_65 = tpu.memref_slice %arg8[%run_scoped3A_56, %dma_start3A_63, %dma_start3A_64] : memref<2x16x128xi32, #tpu.memory_space<vmem>> -> memref<1x16x128xi32, #tpu.memory_space<vmem>>
        %dma_start3A_66 = tpu.memref_squeeze %dma_start3A_65 : memref<1x16x128xi32, #tpu.memory_space<vmem>> -> memref<16x128xi32, #tpu.memory_space<vmem>>
        %dma_start3A_67 = arith.constant 0 : i32
        %dma_start3A_68 = tpu.memref_slice %arg4[%min3A_29, %dma_start3A_67] : memref<2560x128xi32, #tpu.memory_space<hbm>> -> memref<16x128xi32, #tpu.memory_space<hbm>>
        tpu.enqueue_dma source(%dma_start3A_68 : memref<16x128xi32, #tpu.memory_space<hbm>>) target(%dma_start3A_66 : memref<16x128xi32, #tpu.memory_space<vmem>>) target_semaphore(%run_scoped3A_57 : memref<!tpu.dma_semaphore, #tpu.memory_space<semaphore_mem>>)
        %dma_wait3A = arith.constant 0 : i32
        %dma_wait3A_69 = arith.constant 0 : i32
        %dma_wait3A_70 = tpu.memref_slice %arg8[%run_scoped3A_56, %dma_wait3A, %dma_wait3A_69] : memref<2x16x128xi32, #tpu.memory_space<vmem>> -> memref<1x16x128xi32, #tpu.memory_space<vmem>>
        %dma_wait3A_71 = tpu.memref_squeeze %dma_wait3A_70 : memref<1x16x128xi32, #tpu.memory_space<vmem>> -> memref<16x128xi32, #tpu.memory_space<vmem>>
        %dma_wait3A_72 = arith.constant 0 : i32
        %dma_wait3A_73 = tpu.memref_slice %arg4[%min3A_29, %dma_wait3A_72] : memref<2560x128xi32, #tpu.memory_space<hbm>> -> memref<16x128xi32, #tpu.memory_space<hbm>>
        %dma_wait3A_74 = arith.constant 0 : i32
        %dma_wait3A_75 = arith.constant 0 : i32
        %dma_wait3A_76 = tpu.memref_slice %arg8[%run_scoped3A_56, %dma_wait3A_74, %dma_wait3A_75] : memref<2x16x128xi32, #tpu.memory_space<vmem>> -> memref<1x16x128xi32, #tpu.memory_space<vmem>>
        %dma_wait3A_77 = tpu.memref_squeeze %dma_wait3A_76 : memref<1x16x128xi32, #tpu.memory_space<vmem>> -> memref<16x128xi32, #tpu.memory_space<vmem>>
        %dma_wait3A_78 = arith.constant 0 : i32
        %dma_wait3A_79 = tpu.memref_slice %arg4[%min3A_29, %dma_wait3A_78] : memref<2560x128xi32, #tpu.memory_space<hbm>> -> memref<16x128xi32, #tpu.memory_space<hbm>>
        tpu.wait_dma2 semaphore(%run_scoped3A_57 : memref<!tpu.dma_semaphore, #tpu.memory_space<semaphore_mem>>) src(%dma_wait3A_79 : memref<16x128xi32, #tpu.memory_space<hbm>>) dst(%dma_wait3A_77 : memref<16x128xi32, #tpu.memory_space<vmem>>)
        tpu.yield
      }) : () -> ()
    } else {
    }
    %barrier3A = arith.constant 0 : index
    tpu.barrier barrier_id(%barrier3A)
    %gt3A_32 = arith.constant 0 : i32
    %gt3A_33 = arith.cmpi sgt, %select_n3A, %gt3A_32 : i32
    %convert_element_type3A_34 = arith.extui %gt3A_33 : i1 to i32
    %cond3A_35 = arith.constant 0 : i32
    %cond3A_36 = arith.cmpi ne, %convert_element_type3A_34, %cond3A_35 : i32
    scf.if %cond3A_36 {
      %dma_start3A = arith.constant 0 : i32
      %dma_start3A_56 = arith.constant 0 : i32
      %dma_start3A_57 = arith.constant 0 : i32
      %dma_start3A_58 = arith.constant 0 : i32
      %dma_start3A_59 = arith.constant 0 : i32
      %dma_start3A_60 = arith.constant 0 : i32
      %dma_start3A_61 = tpu.memref_slice %arg9[%dma_start3A_57, %dma_start3A_59, %dma_start3A_60] : memref<2x128x128xf32, #tpu.memory_space<vmem>> -> memref<1x32x128xf32, #tpu.memory_space<vmem>>
      %dma_start3A_62 = tpu.memref_squeeze %dma_start3A_61 : memref<1x32x128xf32, #tpu.memory_space<vmem>> -> memref<32x128xf32, #tpu.memory_space<vmem>>
      %dma_start3A_63 = arith.constant 0 : i32
      %dma_start3A_64 = tpu.memref_slice %arg7[%dma_start3A, %dma_start3A_56, %dma_start3A_63] : memref<2x16x128xi32, #tpu.memory_space<vmem>> -> memref<1x1x32xi32, #tpu.memory_space<vmem>>
      %dma_start3A_65 = tpu.memref_squeeze %dma_start3A_64 : memref<1x1x32xi32, #tpu.memory_space<vmem>> -> memref<32xi32, #tpu.memory_space<vmem>>
      %dma_start3A_66 = arith.constant 0 : i32
      %dma_start3A_67 = arith.constant 0 : i32
      %dma_start3A_68 = tpu.memref_slice %arg2[%dma_start3A_66, %dma_start3A_67] : memref<10240x128xf32, #tpu.memory_space<hbm>> -> memref<10240x128xf32, #tpu.memory_space<hbm>>
      %dma_start3A_69 = tpu.memref_slice %arg11[%dma_start3A_58] : memref<2x!tpu.dma_semaphore, #tpu.memory_space<semaphore_mem>> -> memref<1x!tpu.dma_semaphore, #tpu.memory_space<semaphore_mem>>
      %dma_start3A_70 = tpu.memref_squeeze %dma_start3A_69 : memref<1x!tpu.dma_semaphore, #tpu.memory_space<semaphore_mem>> -> memref<!tpu.dma_semaphore, #tpu.memory_space<semaphore_mem>>
      tpu.enqueue_indirect_dma source(%dma_start3A_68 : memref<10240x128xf32, #tpu.memory_space<hbm>>) target(%dma_start3A_62 : memref<32x128xf32, #tpu.memory_space<vmem>>) offsets(%dma_start3A_65 : memref<32xi32, #tpu.memory_space<vmem>>) semaphore(%dma_start3A_70 : memref<!tpu.dma_semaphore, #tpu.memory_space<semaphore_mem>>)
      %dma_start3A_71 = arith.constant 0 : i32
      %dma_start3A_72 = arith.constant 0 : i32
      %dma_start3A_73 = arith.constant 0 : i32
      %dma_start3A_74 = arith.constant 0 : i32
      %dma_start3A_75 = arith.constant 32 : i32
      %dma_start3A_76 = arith.constant 0 : i32
      %dma_start3A_77 = tpu.memref_slice %arg9[%dma_start3A_73, %dma_start3A_75, %dma_start3A_76] : memref<2x128x128xf32, #tpu.memory_space<vmem>> -> memref<1x32x128xf32, #tpu.memory_space<vmem>>
      %dma_start3A_78 = tpu.memref_squeeze %dma_start3A_77 : memref<1x32x128xf32, #tpu.memory_space<vmem>> -> memref<32x128xf32, #tpu.memory_space<vmem>>
      %dma_start3A_79 = arith.constant 32 : i32
      %dma_start3A_80 = tpu.memref_slice %arg7[%dma_start3A_71, %dma_start3A_72, %dma_start3A_79] : memref<2x16x128xi32, #tpu.memory_space<vmem>> -> memref<1x1x32xi32, #tpu.memory_space<vmem>>
      %dma_start3A_81 = tpu.memref_squeeze %dma_start3A_80 : memref<1x1x32xi32, #tpu.memory_space<vmem>> -> memref<32xi32, #tpu.memory_space<vmem>>
      %dma_start3A_82 = arith.constant 0 : i32
      %dma_start3A_83 = arith.constant 0 : i32
      %dma_start3A_84 = tpu.memref_slice %arg2[%dma_start3A_82, %dma_start3A_83] : memref<10240x128xf32, #tpu.memory_space<hbm>> -> memref<10240x128xf32, #tpu.memory_space<hbm>>
      %dma_start3A_85 = tpu.memref_slice %arg11[%dma_start3A_74] : memref<2x!tpu.dma_semaphore, #tpu.memory_space<semaphore_mem>> -> memref<1x!tpu.dma_semaphore, #tpu.memory_space<semaphore_mem>>
      %dma_start3A_86 = tpu.memref_squeeze %dma_start3A_85 : memref<1x!tpu.dma_semaphore, #tpu.memory_space<semaphore_mem>> -> memref<!tpu.dma_semaphore, #tpu.memory_space<semaphore_mem>>
      tpu.enqueue_indirect_dma source(%dma_start3A_84 : memref<10240x128xf32, #tpu.memory_space<hbm>>) target(%dma_start3A_78 : memref<32x128xf32, #tpu.memory_space<vmem>>) offsets(%dma_start3A_81 : memref<32xi32, #tpu.memory_space<vmem>>) semaphore(%dma_start3A_86 : memref<!tpu.dma_semaphore, #tpu.memory_space<semaphore_mem>>)
      %dma_start3A_87 = arith.constant 0 : i32
      %dma_start3A_88 = arith.constant 0 : i32
      %dma_start3A_89 = arith.constant 0 : i32
      %dma_start3A_90 = arith.constant 0 : i32
      %dma_start3A_91 = arith.constant 64 : i32
      %dma_start3A_92 = arith.constant 0 : i32
      %dma_start3A_93 = tpu.memref_slice %arg9[%dma_start3A_89, %dma_start3A_91, %dma_start3A_92] : memref<2x128x128xf32, #tpu.memory_space<vmem>> -> memref<1x32x128xf32, #tpu.memory_space<vmem>>
      %dma_start3A_94 = tpu.memref_squeeze %dma_start3A_93 : memref<1x32x128xf32, #tpu.memory_space<vmem>> -> memref<32x128xf32, #tpu.memory_space<vmem>>
      %dma_start3A_95 = arith.constant 64 : i32
      %dma_start3A_96 = tpu.memref_slice %arg7[%dma_start3A_87, %dma_start3A_88, %dma_start3A_95] : memref<2x16x128xi32, #tpu.memory_space<vmem>> -> memref<1x1x32xi32, #tpu.memory_space<vmem>>
      %dma_start3A_97 = tpu.memref_squeeze %dma_start3A_96 : memref<1x1x32xi32, #tpu.memory_space<vmem>> -> memref<32xi32, #tpu.memory_space<vmem>>
      %dma_start3A_98 = arith.constant 0 : i32
      %dma_start3A_99 = arith.constant 0 : i32
      %dma_start3A_100 = tpu.memref_slice %arg2[%dma_start3A_98, %dma_start3A_99] : memref<10240x128xf32, #tpu.memory_space<hbm>> -> memref<10240x128xf32, #tpu.memory_space<hbm>>
      %dma_start3A_101 = tpu.memref_slice %arg11[%dma_start3A_90] : memref<2x!tpu.dma_semaphore, #tpu.memory_space<semaphore_mem>> -> memref<1x!tpu.dma_semaphore, #tpu.memory_space<semaphore_mem>>
      %dma_start3A_102 = tpu.memref_squeeze %dma_start3A_101 : memref<1x!tpu.dma_semaphore, #tpu.memory_space<semaphore_mem>> -> memref<!tpu.dma_semaphore, #tpu.memory_space<semaphore_mem>>
      tpu.enqueue_indirect_dma source(%dma_start3A_100 : memref<10240x128xf32, #tpu.memory_space<hbm>>) target(%dma_start3A_94 : memref<32x128xf32, #tpu.memory_space<vmem>>) offsets(%dma_start3A_97 : memref<32xi32, #tpu.memory_space<vmem>>) semaphore(%dma_start3A_102 : memref<!tpu.dma_semaphore, #tpu.memory_space<semaphore_mem>>)
      %dma_start3A_103 = arith.constant 0 : i32
      %dma_start3A_104 = arith.constant 0 : i32
      %dma_start3A_105 = arith.constant 0 : i32
      %dma_start3A_106 = arith.constant 0 : i32
      %dma_start3A_107 = arith.constant 96 : i32
      %dma_start3A_108 = arith.constant 0 : i32
      %dma_start3A_109 = tpu.memref_slice %arg9[%dma_start3A_105, %dma_start3A_107, %dma_start3A_108] : memref<2x128x128xf32, #tpu.memory_space<vmem>> -> memref<1x32x128xf32, #tpu.memory_space<vmem>>
      %dma_start3A_110 = tpu.memref_squeeze %dma_start3A_109 : memref<1x32x128xf32, #tpu.memory_space<vmem>> -> memref<32x128xf32, #tpu.memory_space<vmem>>
      %dma_start3A_111 = arith.constant 96 : i32
      %dma_start3A_112 = tpu.memref_slice %arg7[%dma_start3A_103, %dma_start3A_104, %dma_start3A_111] : memref<2x16x128xi32, #tpu.memory_space<vmem>> -> memref<1x1x32xi32, #tpu.memory_space<vmem>>
      %dma_start3A_113 = tpu.memref_squeeze %dma_start3A_112 : memref<1x1x32xi32, #tpu.memory_space<vmem>> -> memref<32xi32, #tpu.memory_space<vmem>>
      %dma_start3A_114 = arith.constant 0 : i32
      %dma_start3A_115 = arith.constant 0 : i32
      %dma_start3A_116 = tpu.memref_slice %arg2[%dma_start3A_114, %dma_start3A_115] : memref<10240x128xf32, #tpu.memory_space<hbm>> -> memref<10240x128xf32, #tpu.memory_space<hbm>>
      %dma_start3A_117 = tpu.memref_slice %arg11[%dma_start3A_106] : memref<2x!tpu.dma_semaphore, #tpu.memory_space<semaphore_mem>> -> memref<1x!tpu.dma_semaphore, #tpu.memory_space<semaphore_mem>>
      %dma_start3A_118 = tpu.memref_squeeze %dma_start3A_117 : memref<1x!tpu.dma_semaphore, #tpu.memory_space<semaphore_mem>> -> memref<!tpu.dma_semaphore, #tpu.memory_space<semaphore_mem>>
      tpu.enqueue_indirect_dma source(%dma_start3A_116 : memref<10240x128xf32, #tpu.memory_space<hbm>>) target(%dma_start3A_110 : memref<32x128xf32, #tpu.memory_space<vmem>>) offsets(%dma_start3A_113 : memref<32xi32, #tpu.memory_space<vmem>>) semaphore(%dma_start3A_118 : memref<!tpu.dma_semaphore, #tpu.memory_space<semaphore_mem>>)
    } else {
    }
    %while3A = arith.constant 0 : i32
    %while3A_37 = arith.constant 0 : i32
    %while3A_38 = arith.subi %select_n3A, %while3A_37 : i32
    %while3A_39 = arith.addi %while3A_37, %while3A_38 : i32
    %while3A_40 = arith.constant 1 : i32
    %while3A_41 = arith.divsi %while3A_38, %while3A_40 : i32
    %while3A_42 = arith.muli %while3A_41, %while3A_40 : i32
    %while3A_43 = arith.addi %while3A_37, %while3A_42 : i32
    %while3A_44 = arith.constant 1 : i32
    scf.for %while3A_56 = %while3A_37 to %while3A_43 step %while3A_44  : i32 {
      %rem3A = arith.constant 2 : i32
      %rem3A_57 = arith.remsi %while3A_56, %rem3A : i32
      %sub3A = arith.constant 1 : i32
      %sub3A_58 = arith.subi %sub3A, %rem3A_57 : i32
      %div3A = arith.constant 16 : i32
      %div3A_59 = arith.divsi %while3A_56, %div3A : i32
      %rem3A_60 = arith.constant 2 : i32
      %rem3A_61 = arith.remsi %div3A_59, %rem3A_60 : i32
      %rem3A_62 = arith.constant 16 : i32
      %rem3A_63 = arith.remsi %while3A_56, %rem3A_62 : i32
      %ge3A = arith.constant 1 : i32
      %ge3A_64 = arith.cmpi sge, %while3A_56, %ge3A : i32
      %convert_element_type3A_65 = arith.extui %ge3A_64 : i1 to i32
      %cond3A_66 = arith.constant 0 : i32
      %cond3A_67 = arith.cmpi ne, %convert_element_type3A_65, %cond3A_66 : i32
      scf.if %cond3A_67 {
        %dma_wait3A_114 = arith.constant 0 : i32
        %dma_wait3A_115 = arith.constant 0 : i32
        %dma_wait3A_116 = arith.constant 0 : i32
        %dma_wait3A_117 = arith.constant 0 : i32
        %dma_wait3A_118 = tpu.memref_slice %arg9[%sub3A_58, %dma_wait3A_116, %dma_wait3A_117] : memref<2x128x128xf32, #tpu.memory_space<vmem>> -> memref<1x128x128xf32, #tpu.memory_space<vmem>>
        %dma_wait3A_119 = tpu.memref_squeeze %dma_wait3A_118 : memref<1x128x128xf32, #tpu.memory_space<vmem>> -> memref<128x128xf32, #tpu.memory_space<vmem>>
        %dma_wait3A_120 = arith.constant 0 : i32
        %dma_wait3A_121 = tpu.memref_slice %arg7[%dma_wait3A_114, %dma_wait3A_115, %dma_wait3A_120] : memref<2x16x128xi32, #tpu.memory_space<vmem>> -> memref<1x1x128xi32, #tpu.memory_space<vmem>>
        %dma_wait3A_122 = tpu.memref_squeeze %dma_wait3A_121 : memref<1x1x128xi32, #tpu.memory_space<vmem>> -> memref<128xi32, #tpu.memory_space<vmem>>
        %dma_wait3A_123 = arith.constant 0 : i32
        %dma_wait3A_124 = arith.constant 0 : i32
        %dma_wait3A_125 = tpu.memref_slice %arg2[%dma_wait3A_123, %dma_wait3A_124] : memref<10240x128xf32, #tpu.memory_space<hbm>> -> memref<10240x128xf32, #tpu.memory_space<hbm>>
        %dma_wait3A_126 = tpu.memref_slice %arg12[%sub3A_58] : memref<2x!tpu.dma_semaphore, #tpu.memory_space<semaphore_mem>> -> memref<1x!tpu.dma_semaphore, #tpu.memory_space<semaphore_mem>>
        %dma_wait3A_127 = tpu.memref_squeeze %dma_wait3A_126 : memref<1x!tpu.dma_semaphore, #tpu.memory_space<semaphore_mem>> -> memref<!tpu.dma_semaphore, #tpu.memory_space<semaphore_mem>>
        tpu.wait_indirect_dma semaphore(%dma_wait3A_127 : memref<!tpu.dma_semaphore, #tpu.memory_space<semaphore_mem>>) src(%dma_wait3A_125 : memref<10240x128xf32, #tpu.memory_space<hbm>>) dst(%dma_wait3A_119 : memref<128x128xf32, #tpu.memory_space<vmem>>)
      } else {
      }
      %eq3A_68 = arith.constant 2 : i32
      %eq3A_69 = arith.cmpi eq, %rem3A_63, %eq3A_68 : i32
      %add3A_70 = arith.constant 16 : i32
      %add3A_71 = arith.addi %while3A_56, %add3A_70 : i32
      %lt3A = arith.cmpi slt, %add3A_71, %select_n3A : i32
      %and3A = arith.andi %eq3A_69, %lt3A : i1
      %convert_element_type3A_72 = arith.extui %and3A : i1 to i32
      %cond3A_73 = arith.constant 0 : i32
      %cond3A_74 = arith.cmpi ne, %convert_element_type3A_72, %cond3A_73 : i32
      scf.if %cond3A_74 {
        %add3A_114 = arith.constant 1 : i32
        %add3A_115 = arith.addi %div3A_59, %add3A_114 : i32
        %mul3A_116 = arith.constant 16 : i32
        %mul3A_117 = arith.muli %add3A_115, %mul3A_116 : i32
        %add3A_118 = arith.addi %min3A_29, %mul3A_117 : i32
        %sub3A_119 = arith.constant 1 : i32
        %sub3A_120 = arith.subi %sub3A_119, %rem3A_61 : i32
        %dma_start3A_121 = arith.constant 0 : i32
        %dma_start3A_122 = arith.constant 0 : i32
        %dma_start3A_123 = arith.constant 0 : i32
        %dma_start3A_124 = tpu.memref_slice %arg7[%sub3A_120, %dma_start3A_122, %dma_start3A_123] : memref<2x16x128xi32, #tpu.memory_space<vmem>> -> memref<1x16x128xi32, #tpu.memory_space<vmem>>
        %dma_start3A_125 = tpu.memref_squeeze %dma_start3A_124 : memref<1x16x128xi32, #tpu.memory_space<vmem>> -> memref<16x128xi32, #tpu.memory_space<vmem>>
        %dma_start3A_126 = arith.constant 0 : i32
        %dma_start3A_127 = tpu.memref_slice %arg3[%add3A_118, %dma_start3A_126] : memref<2560x128xi32, #tpu.memory_space<hbm>> -> memref<16x128xi32, #tpu.memory_space<hbm>>
        %dma_start3A_128 = tpu.memref_slice %arg13[%dma_start3A_121] : memref<2x!tpu.dma_semaphore, #tpu.memory_space<semaphore_mem>> -> memref<1x!tpu.dma_semaphore, #tpu.memory_space<semaphore_mem>>
        %dma_start3A_129 = tpu.memref_squeeze %dma_start3A_128 : memref<1x!tpu.dma_semaphore, #tpu.memory_space<semaphore_mem>> -> memref<!tpu.dma_semaphore, #tpu.memory_space<semaphore_mem>>
        %dma_start3A_130 = arith.constant 0 : i32
        %dma_start3A_131 = arith.constant 0 : i32
        %dma_start3A_132 = tpu.memref_slice %arg7[%sub3A_120, %dma_start3A_130, %dma_start3A_131] : memref<2x16x128xi32, #tpu.memory_space<vmem>> -> memref<1x16x128xi32, #tpu.memory_space<vmem>>
        %dma_start3A_133 = tpu.memref_squeeze %dma_start3A_132 : memref<1x16x128xi32, #tpu.memory_space<vmem>> -> memref<16x128xi32, #tpu.memory_space<vmem>>
        %dma_start3A_134 = arith.constant 0 : i32
        %dma_start3A_135 = tpu.memref_slice %arg3[%add3A_118, %dma_start3A_134] : memref<2560x128xi32, #tpu.memory_space<hbm>> -> memref<16x128xi32, #tpu.memory_space<hbm>>
        tpu.enqueue_dma source(%dma_start3A_135 : memref<16x128xi32, #tpu.memory_space<hbm>>) target(%dma_start3A_133 : memref<16x128xi32, #tpu.memory_space<vmem>>) target_semaphore(%dma_start3A_129 : memref<!tpu.dma_semaphore, #tpu.memory_space<semaphore_mem>>)
        %add3A_136 = arith.addi %min3A_29, %mul3A_117 : i32
        %sub3A_137 = arith.constant 1 : i32
        %sub3A_138 = arith.subi %sub3A_137, %rem3A_61 : i32
        %dma_start3A_139 = arith.constant 1 : i32
        %dma_start3A_140 = arith.constant 0 : i32
        %dma_start3A_141 = arith.constant 0 : i32
        %dma_start3A_142 = tpu.memref_slice %arg8[%sub3A_138, %dma_start3A_140, %dma_start3A_141] : memref<2x16x128xi32, #tpu.memory_space<vmem>> -> memref<1x16x128xi32, #tpu.memory_space<vmem>>
        %dma_start3A_143 = tpu.memref_squeeze %dma_start3A_142 : memref<1x16x128xi32, #tpu.memory_space<vmem>> -> memref<16x128xi32, #tpu.memory_space<vmem>>
        %dma_start3A_144 = arith.constant 0 : i32
        %dma_start3A_145 = tpu.memref_slice %arg4[%add3A_136, %dma_start3A_144] : memref<2560x128xi32, #tpu.memory_space<hbm>> -> memref<16x128xi32, #tpu.memory_space<hbm>>
        %dma_start3A_146 = tpu.memref_slice %arg13[%dma_start3A_139] : memref<2x!tpu.dma_semaphore, #tpu.memory_space<semaphore_mem>> -> memref<1x!tpu.dma_semaphore, #tpu.memory_space<semaphore_mem>>
        %dma_start3A_147 = tpu.memref_squeeze %dma_start3A_146 : memref<1x!tpu.dma_semaphore, #tpu.memory_space<semaphore_mem>> -> memref<!tpu.dma_semaphore, #tpu.memory_space<semaphore_mem>>
        %dma_start3A_148 = arith.constant 0 : i32
        %dma_start3A_149 = arith.constant 0 : i32
        %dma_start3A_150 = tpu.memref_slice %arg8[%sub3A_138, %dma_start3A_148, %dma_start3A_149] : memref<2x16x128xi32, #tpu.memory_space<vmem>> -> memref<1x16x128xi32, #tpu.memory_space<vmem>>
        %dma_start3A_151 = tpu.memref_squeeze %dma_start3A_150 : memref<1x16x128xi32, #tpu.memory_space<vmem>> -> memref<16x128xi32, #tpu.memory_space<vmem>>
        %dma_start3A_152 = arith.constant 0 : i32
        %dma_start3A_153 = tpu.memref_slice %arg4[%add3A_136, %dma_start3A_152] : memref<2560x128xi32, #tpu.memory_space<hbm>> -> memref<16x128xi32, #tpu.memory_space<hbm>>
        tpu.enqueue_dma source(%dma_start3A_153 : memref<16x128xi32, #tpu.memory_space<hbm>>) target(%dma_start3A_151 : memref<16x128xi32, #tpu.memory_space<vmem>>) target_semaphore(%dma_start3A_147 : memref<!tpu.dma_semaphore, #tpu.memory_space<semaphore_mem>>)
      } else {
      }
      %eq3A_75 = arith.constant 15 : i32
      %eq3A_76 = arith.cmpi eq, %rem3A_63, %eq3A_75 : i32
      %add3A_77 = arith.constant 16 : i32
      %add3A_78 = arith.addi %while3A_56, %add3A_77 : i32
      %lt3A_79 = arith.cmpi slt, %add3A_78, %select_n3A : i32
      %and3A_80 = arith.andi %eq3A_76, %lt3A_79 : i1
      %convert_element_type3A_81 = arith.extui %and3A_80 : i1 to i32
      %cond3A_82 = arith.constant 0 : i32
      %cond3A_83 = arith.cmpi ne, %convert_element_type3A_81, %cond3A_82 : i32
      scf.if %cond3A_83 {
        %dma_wait3A_114 = arith.constant 0 : i32
        %dma_wait3A_115 = arith.constant 0 : i32
        %dma_wait3A_116 = arith.constant 0 : i32
        %dma_wait3A_117 = arith.constant 0 : i32
        %dma_wait3A_118 = tpu.memref_slice %arg7[%dma_wait3A_114, %dma_wait3A_116, %dma_wait3A_117] : memref<2x16x128xi32, #tpu.memory_space<vmem>> -> memref<1x16x128xi32, #tpu.memory_space<vmem>>
        %dma_wait3A_119 = tpu.memref_squeeze %dma_wait3A_118 : memref<1x16x128xi32, #tpu.memory_space<vmem>> -> memref<16x128xi32, #tpu.memory_space<vmem>>
        %dma_wait3A_120 = arith.constant 0 : i32
        %dma_wait3A_121 = tpu.memref_slice %arg3[%min3A_29, %dma_wait3A_120] : memref<2560x128xi32, #tpu.memory_space<hbm>> -> memref<16x128xi32, #tpu.memory_space<hbm>>
        %dma_wait3A_122 = tpu.memref_slice %arg13[%dma_wait3A_115] : memref<2x!tpu.dma_semaphore, #tpu.memory_space<semaphore_mem>> -> memref<1x!tpu.dma_semaphore, #tpu.memory_space<semaphore_mem>>
        %dma_wait3A_123 = tpu.memref_squeeze %dma_wait3A_122 : memref<1x!tpu.dma_semaphore, #tpu.memory_space<semaphore_mem>> -> memref<!tpu.dma_semaphore, #tpu.memory_space<semaphore_mem>>
        %dma_wait3A_124 = arith.constant 0 : i32
        %dma_wait3A_125 = arith.constant 0 : i32
        %dma_wait3A_126 = tpu.memref_slice %arg7[%dma_wait3A_114, %dma_wait3A_124, %dma_wait3A_125] : memref<2x16x128xi32, #tpu.memory_space<vmem>> -> memref<1x16x128xi32, #tpu.memory_space<vmem>>
        %dma_wait3A_127 = tpu.memref_squeeze %dma_wait3A_126 : memref<1x16x128xi32, #tpu.memory_space<vmem>> -> memref<16x128xi32, #tpu.memory_space<vmem>>
        %dma_wait3A_128 = arith.constant 0 : i32
        %dma_wait3A_129 = tpu.memref_slice %arg3[%min3A_29, %dma_wait3A_128] : memref<2560x128xi32, #tpu.memory_space<hbm>> -> memref<16x128xi32, #tpu.memory_space<hbm>>
        tpu.wait_dma2 semaphore(%dma_wait3A_123 : memref<!tpu.dma_semaphore, #tpu.memory_space<semaphore_mem>>) src(%dma_wait3A_129 : memref<16x128xi32, #tpu.memory_space<hbm>>) dst(%dma_wait3A_127 : memref<16x128xi32, #tpu.memory_space<vmem>>)
        %dma_wait3A_130 = arith.constant 0 : i32
        %dma_wait3A_131 = arith.constant 1 : i32
        %dma_wait3A_132 = arith.constant 0 : i32
        %dma_wait3A_133 = arith.constant 0 : i32
        %dma_wait3A_134 = tpu.memref_slice %arg8[%dma_wait3A_130, %dma_wait3A_132, %dma_wait3A_133] : memref<2x16x128xi32, #tpu.memory_space<vmem>> -> memref<1x16x128xi32, #tpu.memory_space<vmem>>
        %dma_wait3A_135 = tpu.memref_squeeze %dma_wait3A_134 : memref<1x16x128xi32, #tpu.memory_space<vmem>> -> memref<16x128xi32, #tpu.memory_space<vmem>>
        %dma_wait3A_136 = arith.constant 0 : i32
        %dma_wait3A_137 = tpu.memref_slice %arg4[%min3A_29, %dma_wait3A_136] : memref<2560x128xi32, #tpu.memory_space<hbm>> -> memref<16x128xi32, #tpu.memory_space<hbm>>
        %dma_wait3A_138 = tpu.memref_slice %arg13[%dma_wait3A_131] : memref<2x!tpu.dma_semaphore, #tpu.memory_space<semaphore_mem>> -> memref<1x!tpu.dma_semaphore, #tpu.memory_space<semaphore_mem>>
        %dma_wait3A_139 = tpu.memref_squeeze %dma_wait3A_138 : memref<1x!tpu.dma_semaphore, #tpu.memory_space<semaphore_mem>> -> memref<!tpu.dma_semaphore, #tpu.memory_space<semaphore_mem>>
        %dma_wait3A_140 = arith.constant 0 : i32
        %dma_wait3A_141 = arith.constant 0 : i32
        %dma_wait3A_142 = tpu.memref_slice %arg8[%dma_wait3A_130, %dma_wait3A_140, %dma_wait3A_141] : memref<2x16x128xi32, #tpu.memory_space<vmem>> -> memref<1x16x128xi32, #tpu.memory_space<vmem>>
        %dma_wait3A_143 = tpu.memref_squeeze %dma_wait3A_142 : memref<1x16x128xi32, #tpu.memory_space<vmem>> -> memref<16x128xi32, #tpu.memory_space<vmem>>
        %dma_wait3A_144 = arith.constant 0 : i32
        %dma_wait3A_145 = tpu.memref_slice %arg4[%min3A_29, %dma_wait3A_144] : memref<2560x128xi32, #tpu.memory_space<hbm>> -> memref<16x128xi32, #tpu.memory_space<hbm>>
        tpu.wait_dma2 semaphore(%dma_wait3A_139 : memref<!tpu.dma_semaphore, #tpu.memory_space<semaphore_mem>>) src(%dma_wait3A_145 : memref<16x128xi32, #tpu.memory_space<hbm>>) dst(%dma_wait3A_143 : memref<16x128xi32, #tpu.memory_space<vmem>>)
      } else {
      }
      %add3A_84 = arith.constant 1 : i32
      %add3A_85 = arith.addi %while3A_56, %add3A_84 : i32
      %lt3A_86 = arith.cmpi slt, %add3A_85, %select_n3A : i32
      %convert_element_type3A_87 = arith.extui %lt3A_86 : i1 to i32
      %cond3A_88 = arith.constant 0 : i32
      %cond3A_89 = arith.cmpi ne, %convert_element_type3A_87, %cond3A_88 : i32
      scf.if %cond3A_89 {
        %add3A_114 = arith.constant 1 : i32
        %add3A_115 = arith.addi %while3A_56, %add3A_114 : i32
        %div3A_116 = arith.constant 16 : i32
        %div3A_117 = arith.divsi %add3A_115, %div3A_116 : i32
        %rem3A_118 = arith.constant 2 : i32
        %rem3A_119 = arith.remsi %div3A_117, %rem3A_118 : i32
        %rem3A_120 = arith.constant 16 : i32
        %rem3A_121 = arith.remsi %add3A_115, %rem3A_120 : i32
        %dma_start3A_122 = arith.constant 0 : i32
        %dma_start3A_123 = arith.constant 0 : i32
        %dma_start3A_124 = tpu.memref_slice %arg9[%sub3A_58, %dma_start3A_122, %dma_start3A_123] : memref<2x128x128xf32, #tpu.memory_space<vmem>> -> memref<1x32x128xf32, #tpu.memory_space<vmem>>
        %dma_start3A_125 = tpu.memref_squeeze %dma_start3A_124 : memref<1x32x128xf32, #tpu.memory_space<vmem>> -> memref<32x128xf32, #tpu.memory_space<vmem>>
        %dma_start3A_126 = arith.constant 0 : i32
        %dma_start3A_127 = tpu.memref_slice %arg7[%rem3A_119, %rem3A_121, %dma_start3A_126] : memref<2x16x128xi32, #tpu.memory_space<vmem>> -> memref<1x1x32xi32, #tpu.memory_space<vmem>>
        %dma_start3A_128 = tpu.memref_squeeze %dma_start3A_127 : memref<1x1x32xi32, #tpu.memory_space<vmem>> -> memref<32xi32, #tpu.memory_space<vmem>>
        %dma_start3A_129 = arith.constant 0 : i32
        %dma_start3A_130 = arith.constant 0 : i32
        %dma_start3A_131 = tpu.memref_slice %arg2[%dma_start3A_129, %dma_start3A_130] : memref<10240x128xf32, #tpu.memory_space<hbm>> -> memref<10240x128xf32, #tpu.memory_space<hbm>>
        %dma_start3A_132 = tpu.memref_slice %arg11[%sub3A_58] : memref<2x!tpu.dma_semaphore, #tpu.memory_space<semaphore_mem>> -> memref<1x!tpu.dma_semaphore, #tpu.memory_space<semaphore_mem>>
        %dma_start3A_133 = tpu.memref_squeeze %dma_start3A_132 : memref<1x!tpu.dma_semaphore, #tpu.memory_space<semaphore_mem>> -> memref<!tpu.dma_semaphore, #tpu.memory_space<semaphore_mem>>
        tpu.enqueue_indirect_dma source(%dma_start3A_131 : memref<10240x128xf32, #tpu.memory_space<hbm>>) target(%dma_start3A_125 : memref<32x128xf32, #tpu.memory_space<vmem>>) offsets(%dma_start3A_128 : memref<32xi32, #tpu.memory_space<vmem>>) semaphore(%dma_start3A_133 : memref<!tpu.dma_semaphore, #tpu.memory_space<semaphore_mem>>)
        %dma_start3A_134 = arith.constant 32 : i32
        %dma_start3A_135 = arith.constant 0 : i32
        %dma_start3A_136 = tpu.memref_slice %arg9[%sub3A_58, %dma_start3A_134, %dma_start3A_135] : memref<2x128x128xf32, #tpu.memory_space<vmem>> -> memref<1x32x128xf32, #tpu.memory_space<vmem>>
        %dma_start3A_137 = tpu.memref_squeeze %dma_start3A_136 : memref<1x32x128xf32, #tpu.memory_space<vmem>> -> memref<32x128xf32, #tpu.memory_space<vmem>>
        %dma_start3A_138 = arith.constant 32 : i32
        %dma_start3A_139 = tpu.memref_slice %arg7[%rem3A_119, %rem3A_121, %dma_start3A_138] : memref<2x16x128xi32, #tpu.memory_space<vmem>> -> memref<1x1x32xi32, #tpu.memory_space<vmem>>
        %dma_start3A_140 = tpu.memref_squeeze %dma_start3A_139 : memref<1x1x32xi32, #tpu.memory_space<vmem>> -> memref<32xi32, #tpu.memory_space<vmem>>
        %dma_start3A_141 = arith.constant 0 : i32
        %dma_start3A_142 = arith.constant 0 : i32
        %dma_start3A_143 = tpu.memref_slice %arg2[%dma_start3A_141, %dma_start3A_142] : memref<10240x128xf32, #tpu.memory_space<hbm>> -> memref<10240x128xf32, #tpu.memory_space<hbm>>
        %dma_start3A_144 = tpu.memref_slice %arg11[%sub3A_58] : memref<2x!tpu.dma_semaphore, #tpu.memory_space<semaphore_mem>> -> memref<1x!tpu.dma_semaphore, #tpu.memory_space<semaphore_mem>>
        %dma_start3A_145 = tpu.memref_squeeze %dma_start3A_144 : memref<1x!tpu.dma_semaphore, #tpu.memory_space<semaphore_mem>> -> memref<!tpu.dma_semaphore, #tpu.memory_space<semaphore_mem>>
        tpu.enqueue_indirect_dma source(%dma_start3A_143 : memref<10240x128xf32, #tpu.memory_space<hbm>>) target(%dma_start3A_137 : memref<32x128xf32, #tpu.memory_space<vmem>>) offsets(%dma_start3A_140 : memref<32xi32, #tpu.memory_space<vmem>>) semaphore(%dma_start3A_145 : memref<!tpu.dma_semaphore, #tpu.memory_space<semaphore_mem>>)
        %dma_start3A_146 = arith.constant 64 : i32
        %dma_start3A_147 = arith.constant 0 : i32
        %dma_start3A_148 = tpu.memref_slice %arg9[%sub3A_58, %dma_start3A_146, %dma_start3A_147] : memref<2x128x128xf32, #tpu.memory_space<vmem>> -> memref<1x32x128xf32, #tpu.memory_space<vmem>>
        %dma_start3A_149 = tpu.memref_squeeze %dma_start3A_148 : memref<1x32x128xf32, #tpu.memory_space<vmem>> -> memref<32x128xf32, #tpu.memory_space<vmem>>
        %dma_start3A_150 = arith.constant 64 : i32
        %dma_start3A_151 = tpu.memref_slice %arg7[%rem3A_119, %rem3A_121, %dma_start3A_150] : memref<2x16x128xi32, #tpu.memory_space<vmem>> -> memref<1x1x32xi32, #tpu.memory_space<vmem>>
        %dma_start3A_152 = tpu.memref_squeeze %dma_start3A_151 : memref<1x1x32xi32, #tpu.memory_space<vmem>> -> memref<32xi32, #tpu.memory_space<vmem>>
        %dma_start3A_153 = arith.constant 0 : i32
        %dma_start3A_154 = arith.constant 0 : i32
        %dma_start3A_155 = tpu.memref_slice %arg2[%dma_start3A_153, %dma_start3A_154] : memref<10240x128xf32, #tpu.memory_space<hbm>> -> memref<10240x128xf32, #tpu.memory_space<hbm>>
        %dma_start3A_156 = tpu.memref_slice %arg11[%sub3A_58] : memref<2x!tpu.dma_semaphore, #tpu.memory_space<semaphore_mem>> -> memref<1x!tpu.dma_semaphore, #tpu.memory_space<semaphore_mem>>
        %dma_start3A_157 = tpu.memref_squeeze %dma_start3A_156 : memref<1x!tpu.dma_semaphore, #tpu.memory_space<semaphore_mem>> -> memref<!tpu.dma_semaphore, #tpu.memory_space<semaphore_mem>>
        tpu.enqueue_indirect_dma source(%dma_start3A_155 : memref<10240x128xf32, #tpu.memory_space<hbm>>) target(%dma_start3A_149 : memref<32x128xf32, #tpu.memory_space<vmem>>) offsets(%dma_start3A_152 : memref<32xi32, #tpu.memory_space<vmem>>) semaphore(%dma_start3A_157 : memref<!tpu.dma_semaphore, #tpu.memory_space<semaphore_mem>>)
        %dma_start3A_158 = arith.constant 96 : i32
        %dma_start3A_159 = arith.constant 0 : i32
        %dma_start3A_160 = tpu.memref_slice %arg9[%sub3A_58, %dma_start3A_158, %dma_start3A_159] : memref<2x128x128xf32, #tpu.memory_space<vmem>> -> memref<1x32x128xf32, #tpu.memory_space<vmem>>
        %dma_start3A_161 = tpu.memref_squeeze %dma_start3A_160 : memref<1x32x128xf32, #tpu.memory_space<vmem>> -> memref<32x128xf32, #tpu.memory_space<vmem>>
        %dma_start3A_162 = arith.constant 96 : i32
        %dma_start3A_163 = tpu.memref_slice %arg7[%rem3A_119, %rem3A_121, %dma_start3A_162] : memref<2x16x128xi32, #tpu.memory_space<vmem>> -> memref<1x1x32xi32, #tpu.memory_space<vmem>>
        %dma_start3A_164 = tpu.memref_squeeze %dma_start3A_163 : memref<1x1x32xi32, #tpu.memory_space<vmem>> -> memref<32xi32, #tpu.memory_space<vmem>>
        %dma_start3A_165 = arith.constant 0 : i32
        %dma_start3A_166 = arith.constant 0 : i32
        %dma_start3A_167 = tpu.memref_slice %arg2[%dma_start3A_165, %dma_start3A_166] : memref<10240x128xf32, #tpu.memory_space<hbm>> -> memref<10240x128xf32, #tpu.memory_space<hbm>>
        %dma_start3A_168 = tpu.memref_slice %arg11[%sub3A_58] : memref<2x!tpu.dma_semaphore, #tpu.memory_space<semaphore_mem>> -> memref<1x!tpu.dma_semaphore, #tpu.memory_space<semaphore_mem>>
        %dma_start3A_169 = tpu.memref_squeeze %dma_start3A_168 : memref<1x!tpu.dma_semaphore, #tpu.memory_space<semaphore_mem>> -> memref<!tpu.dma_semaphore, #tpu.memory_space<semaphore_mem>>
        tpu.enqueue_indirect_dma source(%dma_start3A_167 : memref<10240x128xf32, #tpu.memory_space<hbm>>) target(%dma_start3A_161 : memref<32x128xf32, #tpu.memory_space<vmem>>) offsets(%dma_start3A_164 : memref<32xi32, #tpu.memory_space<vmem>>) semaphore(%dma_start3A_169 : memref<!tpu.dma_semaphore, #tpu.memory_space<semaphore_mem>>)
      } else {
      }
      %dma_wait3A = arith.constant 0 : i32
      %dma_wait3A_90 = arith.constant 0 : i32
      %dma_wait3A_91 = arith.constant 0 : i32
      %dma_wait3A_92 = arith.constant 0 : i32
      %dma_wait3A_93 = tpu.memref_slice %arg9[%rem3A_57, %dma_wait3A_91, %dma_wait3A_92] : memref<2x128x128xf32, #tpu.memory_space<vmem>> -> memref<1x128x128xf32, #tpu.memory_space<vmem>>
      %dma_wait3A_94 = tpu.memref_squeeze %dma_wait3A_93 : memref<1x128x128xf32, #tpu.memory_space<vmem>> -> memref<128x128xf32, #tpu.memory_space<vmem>>
      %dma_wait3A_95 = arith.constant 0 : i32
      %dma_wait3A_96 = tpu.memref_slice %arg7[%dma_wait3A, %dma_wait3A_90, %dma_wait3A_95] : memref<2x16x128xi32, #tpu.memory_space<vmem>> -> memref<1x1x128xi32, #tpu.memory_space<vmem>>
      %dma_wait3A_97 = tpu.memref_squeeze %dma_wait3A_96 : memref<1x1x128xi32, #tpu.memory_space<vmem>> -> memref<128xi32, #tpu.memory_space<vmem>>
      %dma_wait3A_98 = arith.constant 0 : i32
      %dma_wait3A_99 = arith.constant 0 : i32
      %dma_wait3A_100 = tpu.memref_slice %arg2[%dma_wait3A_98, %dma_wait3A_99] : memref<10240x128xf32, #tpu.memory_space<hbm>> -> memref<10240x128xf32, #tpu.memory_space<hbm>>
      %dma_wait3A_101 = tpu.memref_slice %arg11[%rem3A_57] : memref<2x!tpu.dma_semaphore, #tpu.memory_space<semaphore_mem>> -> memref<1x!tpu.dma_semaphore, #tpu.memory_space<semaphore_mem>>
      %dma_wait3A_102 = tpu.memref_squeeze %dma_wait3A_101 : memref<1x!tpu.dma_semaphore, #tpu.memory_space<semaphore_mem>> -> memref<!tpu.dma_semaphore, #tpu.memory_space<semaphore_mem>>
      tpu.wait_indirect_dma semaphore(%dma_wait3A_102 : memref<!tpu.dma_semaphore, #tpu.memory_space<semaphore_mem>>) src(%dma_wait3A_100 : memref<10240x128xf32, #tpu.memory_space<hbm>>) dst(%dma_wait3A_94 : memref<128x128xf32, #tpu.memory_space<vmem>>)
      %dma_start3A = arith.constant 0 : i32
      %dma_start3A_103 = arith.constant 0 : i32
      %dma_start3A_104 = tpu.memref_slice %arg9[%rem3A_57, %dma_start3A, %dma_start3A_103] : memref<2x128x128xf32, #tpu.memory_space<vmem>> -> memref<1x128x128xf32, #tpu.memory_space<vmem>>
      %dma_start3A_105 = tpu.memref_squeeze %dma_start3A_104 : memref<1x128x128xf32, #tpu.memory_space<vmem>> -> memref<128x128xf32, #tpu.memory_space<vmem>>
      %dma_start3A_106 = arith.constant 0 : i32
      %dma_start3A_107 = tpu.memref_slice %arg8[%rem3A_61, %rem3A_63, %dma_start3A_106] : memref<2x16x128xi32, #tpu.memory_space<vmem>> -> memref<1x1x128xi32, #tpu.memory_space<vmem>>
      %dma_start3A_108 = tpu.memref_squeeze %dma_start3A_107 : memref<1x1x128xi32, #tpu.memory_space<vmem>> -> memref<128xi32, #tpu.memory_space<vmem>>
      %dma_start3A_109 = arith.constant 0 : i32
      %dma_start3A_110 = arith.constant 0 : i32
      %dma_start3A_111 = tpu.memref_slice %arg10[%dma_start3A_109, %dma_start3A_110] : memref<10240x128xf32, #tpu.memory_space<vmem_shared>> -> memref<10240x128xf32, #tpu.memory_space<vmem_shared>>
      %dma_start3A_112 = tpu.memref_slice %arg12[%rem3A_57] : memref<2x!tpu.dma_semaphore, #tpu.memory_space<semaphore_mem>> -> memref<1x!tpu.dma_semaphore, #tpu.memory_space<semaphore_mem>>
      %dma_start3A_113 = tpu.memref_squeeze %dma_start3A_112 : memref<1x!tpu.dma_semaphore, #tpu.memory_space<semaphore_mem>> -> memref<!tpu.dma_semaphore, #tpu.memory_space<semaphore_mem>>
      tpu.enqueue_indirect_dma source(%dma_start3A_105 : memref<128x128xf32, #tpu.memory_space<vmem>>) target(%dma_start3A_111 : memref<10240x128xf32, #tpu.memory_space<vmem_shared>>) offsets(%dma_start3A_108 : memref<128xi32, #tpu.memory_space<vmem>>) semaphore(%dma_start3A_113 : memref<!tpu.dma_semaphore, #tpu.memory_space<semaphore_mem>>) {add = true}
    }
    %while3A_45 = arith.constant 1 : i32
    scf.for %while3A_56 = %while3A_43 to %while3A_39 step %while3A_45  : i32 {
      %rem3A = arith.constant 2 : i32
      %rem3A_57 = arith.remsi %while3A_56, %rem3A : i32
      %sub3A = arith.constant 1 : i32
      %sub3A_58 = arith.subi %sub3A, %rem3A_57 : i32
      %div3A = arith.constant 16 : i32
      %div3A_59 = arith.divsi %while3A_56, %div3A : i32
      %rem3A_60 = arith.constant 2 : i32
      %rem3A_61 = arith.remsi %div3A_59, %rem3A_60 : i32
      %rem3A_62 = arith.constant 16 : i32
      %rem3A_63 = arith.remsi %while3A_56, %rem3A_62 : i32
      %ge3A = arith.constant 1 : i32
      %ge3A_64 = arith.cmpi sge, %while3A_56, %ge3A : i32
      %convert_element_type3A_65 = arith.extui %ge3A_64 : i1 to i32
      %cond3A_66 = arith.constant 0 : i32
      %cond3A_67 = arith.cmpi ne, %convert_element_type3A_65, %cond3A_66 : i32
      scf.if %cond3A_67 {
        %dma_wait3A_114 = arith.constant 0 : i32
        %dma_wait3A_115 = arith.constant 0 : i32
        %dma_wait3A_116 = arith.constant 0 : i32
        %dma_wait3A_117 = arith.constant 0 : i32
        %dma_wait3A_118 = tpu.memref_slice %arg9[%sub3A_58, %dma_wait3A_116, %dma_wait3A_117] : memref<2x128x128xf32, #tpu.memory_space<vmem>> -> memref<1x128x128xf32, #tpu.memory_space<vmem>>
        %dma_wait3A_119 = tpu.memref_squeeze %dma_wait3A_118 : memref<1x128x128xf32, #tpu.memory_space<vmem>> -> memref<128x128xf32, #tpu.memory_space<vmem>>
        %dma_wait3A_120 = arith.constant 0 : i32
        %dma_wait3A_121 = tpu.memref_slice %arg7[%dma_wait3A_114, %dma_wait3A_115, %dma_wait3A_120] : memref<2x16x128xi32, #tpu.memory_space<vmem>> -> memref<1x1x128xi32, #tpu.memory_space<vmem>>
        %dma_wait3A_122 = tpu.memref_squeeze %dma_wait3A_121 : memref<1x1x128xi32, #tpu.memory_space<vmem>> -> memref<128xi32, #tpu.memory_space<vmem>>
        %dma_wait3A_123 = arith.constant 0 : i32
        %dma_wait3A_124 = arith.constant 0 : i32
        %dma_wait3A_125 = tpu.memref_slice %arg2[%dma_wait3A_123, %dma_wait3A_124] : memref<10240x128xf32, #tpu.memory_space<hbm>> -> memref<10240x128xf32, #tpu.memory_space<hbm>>
        %dma_wait3A_126 = tpu.memref_slice %arg12[%sub3A_58] : memref<2x!tpu.dma_semaphore, #tpu.memory_space<semaphore_mem>> -> memref<1x!tpu.dma_semaphore, #tpu.memory_space<semaphore_mem>>
        %dma_wait3A_127 = tpu.memref_squeeze %dma_wait3A_126 : memref<1x!tpu.dma_semaphore, #tpu.memory_space<semaphore_mem>> -> memref<!tpu.dma_semaphore, #tpu.memory_space<semaphore_mem>>
        tpu.wait_indirect_dma semaphore(%dma_wait3A_127 : memref<!tpu.dma_semaphore, #tpu.memory_space<semaphore_mem>>) src(%dma_wait3A_125 : memref<10240x128xf32, #tpu.memory_space<hbm>>) dst(%dma_wait3A_119 : memref<128x128xf32, #tpu.memory_space<vmem>>)
      } else {
      }
      %eq3A_68 = arith.constant 2 : i32
      %eq3A_69 = arith.cmpi eq, %rem3A_63, %eq3A_68 : i32
      %add3A_70 = arith.constant 16 : i32
      %add3A_71 = arith.addi %while3A_56, %add3A_70 : i32
      %lt3A = arith.cmpi slt, %add3A_71, %select_n3A : i32
      %and3A = arith.andi %eq3A_69, %lt3A : i1
      %convert_element_type3A_72 = arith.extui %and3A : i1 to i32
      %cond3A_73 = arith.constant 0 : i32
      %cond3A_74 = arith.cmpi ne, %convert_element_type3A_72, %cond3A_73 : i32
      scf.if %cond3A_74 {
        %add3A_114 = arith.constant 1 : i32
        %add3A_115 = arith.addi %div3A_59, %add3A_114 : i32
        %mul3A_116 = arith.constant 16 : i32
        %mul3A_117 = arith.muli %add3A_115, %mul3A_116 : i32
        %add3A_118 = arith.addi %min3A_29, %mul3A_117 : i32
        %sub3A_119 = arith.constant 1 : i32
        %sub3A_120 = arith.subi %sub3A_119, %rem3A_61 : i32
        %dma_start3A_121 = arith.constant 0 : i32
        %dma_start3A_122 = arith.constant 0 : i32
        %dma_start3A_123 = arith.constant 0 : i32
        %dma_start3A_124 = tpu.memref_slice %arg7[%sub3A_120, %dma_start3A_122, %dma_start3A_123] : memref<2x16x128xi32, #tpu.memory_space<vmem>> -> memref<1x16x128xi32, #tpu.memory_space<vmem>>
        %dma_start3A_125 = tpu.memref_squeeze %dma_start3A_124 : memref<1x16x128xi32, #tpu.memory_space<vmem>> -> memref<16x128xi32, #tpu.memory_space<vmem>>
        %dma_start3A_126 = arith.constant 0 : i32
        %dma_start3A_127 = tpu.memref_slice %arg3[%add3A_118, %dma_start3A_126] : memref<2560x128xi32, #tpu.memory_space<hbm>> -> memref<16x128xi32, #tpu.memory_space<hbm>>
        %dma_start3A_128 = tpu.memref_slice %arg13[%dma_start3A_121] : memref<2x!tpu.dma_semaphore, #tpu.memory_space<semaphore_mem>> -> memref<1x!tpu.dma_semaphore, #tpu.memory_space<semaphore_mem>>
        %dma_start3A_129 = tpu.memref_squeeze %dma_start3A_128 : memref<1x!tpu.dma_semaphore, #tpu.memory_space<semaphore_mem>> -> memref<!tpu.dma_semaphore, #tpu.memory_space<semaphore_mem>>
        %dma_start3A_130 = arith.constant 0 : i32
        %dma_start3A_131 = arith.constant 0 : i32
        %dma_start3A_132 = tpu.memref_slice %arg7[%sub3A_120, %dma_start3A_130, %dma_start3A_131] : memref<2x16x128xi32, #tpu.memory_space<vmem>> -> memref<1x16x128xi32, #tpu.memory_space<vmem>>
        %dma_start3A_133 = tpu.memref_squeeze %dma_start3A_132 : memref<1x16x128xi32, #tpu.memory_space<vmem>> -> memref<16x128xi32, #tpu.memory_space<vmem>>
        %dma_start3A_134 = arith.constant 0 : i32
        %dma_start3A_135 = tpu.memref_slice %arg3[%add3A_118, %dma_start3A_134] : memref<2560x128xi32, #tpu.memory_space<hbm>> -> memref<16x128xi32, #tpu.memory_space<hbm>>
        tpu.enqueue_dma source(%dma_start3A_135 : memref<16x128xi32, #tpu.memory_space<hbm>>) target(%dma_start3A_133 : memref<16x128xi32, #tpu.memory_space<vmem>>) target_semaphore(%dma_start3A_129 : memref<!tpu.dma_semaphore, #tpu.memory_space<semaphore_mem>>)
        %add3A_136 = arith.addi %min3A_29, %mul3A_117 : i32
        %sub3A_137 = arith.constant 1 : i32
        %sub3A_138 = arith.subi %sub3A_137, %rem3A_61 : i32
        %dma_start3A_139 = arith.constant 1 : i32
        %dma_start3A_140 = arith.constant 0 : i32
        %dma_start3A_141 = arith.constant 0 : i32
        %dma_start3A_142 = tpu.memref_slice %arg8[%sub3A_138, %dma_start3A_140, %dma_start3A_141] : memref<2x16x128xi32, #tpu.memory_space<vmem>> -> memref<1x16x128xi32, #tpu.memory_space<vmem>>
        %dma_start3A_143 = tpu.memref_squeeze %dma_start3A_142 : memref<1x16x128xi32, #tpu.memory_space<vmem>> -> memref<16x128xi32, #tpu.memory_space<vmem>>
        %dma_start3A_144 = arith.constant 0 : i32
        %dma_start3A_145 = tpu.memref_slice %arg4[%add3A_136, %dma_start3A_144] : memref<2560x128xi32, #tpu.memory_space<hbm>> -> memref<16x128xi32, #tpu.memory_space<hbm>>
        %dma_start3A_146 = tpu.memref_slice %arg13[%dma_start3A_139] : memref<2x!tpu.dma_semaphore, #tpu.memory_space<semaphore_mem>> -> memref<1x!tpu.dma_semaphore, #tpu.memory_space<semaphore_mem>>
        %dma_start3A_147 = tpu.memref_squeeze %dma_start3A_146 : memref<1x!tpu.dma_semaphore, #tpu.memory_space<semaphore_mem>> -> memref<!tpu.dma_semaphore, #tpu.memory_space<semaphore_mem>>
        %dma_start3A_148 = arith.constant 0 : i32
        %dma_start3A_149 = arith.constant 0 : i32
        %dma_start3A_150 = tpu.memref_slice %arg8[%sub3A_138, %dma_start3A_148, %dma_start3A_149] : memref<2x16x128xi32, #tpu.memory_space<vmem>> -> memref<1x16x128xi32, #tpu.memory_space<vmem>>
        %dma_start3A_151 = tpu.memref_squeeze %dma_start3A_150 : memref<1x16x128xi32, #tpu.memory_space<vmem>> -> memref<16x128xi32, #tpu.memory_space<vmem>>
        %dma_start3A_152 = arith.constant 0 : i32
        %dma_start3A_153 = tpu.memref_slice %arg4[%add3A_136, %dma_start3A_152] : memref<2560x128xi32, #tpu.memory_space<hbm>> -> memref<16x128xi32, #tpu.memory_space<hbm>>
        tpu.enqueue_dma source(%dma_start3A_153 : memref<16x128xi32, #tpu.memory_space<hbm>>) target(%dma_start3A_151 : memref<16x128xi32, #tpu.memory_space<vmem>>) target_semaphore(%dma_start3A_147 : memref<!tpu.dma_semaphore, #tpu.memory_space<semaphore_mem>>)
      } else {
      }
      %eq3A_75 = arith.constant 15 : i32
      %eq3A_76 = arith.cmpi eq, %rem3A_63, %eq3A_75 : i32
      %add3A_77 = arith.constant 16 : i32
      %add3A_78 = arith.addi %while3A_56, %add3A_77 : i32
      %lt3A_79 = arith.cmpi slt, %add3A_78, %select_n3A : i32
      %and3A_80 = arith.andi %eq3A_76, %lt3A_79 : i1
      %convert_element_type3A_81 = arith.extui %and3A_80 : i1 to i32
      %cond3A_82 = arith.constant 0 : i32
      %cond3A_83 = arith.cmpi ne, %convert_element_type3A_81, %cond3A_82 : i32
      scf.if %cond3A_83 {
        %dma_wait3A_114 = arith.constant 0 : i32
        %dma_wait3A_115 = arith.constant 0 : i32
        %dma_wait3A_116 = arith.constant 0 : i32
        %dma_wait3A_117 = arith.constant 0 : i32
        %dma_wait3A_118 = tpu.memref_slice %arg7[%dma_wait3A_114, %dma_wait3A_116, %dma_wait3A_117] : memref<2x16x128xi32, #tpu.memory_space<vmem>> -> memref<1x16x128xi32, #tpu.memory_space<vmem>>
        %dma_wait3A_119 = tpu.memref_squeeze %dma_wait3A_118 : memref<1x16x128xi32, #tpu.memory_space<vmem>> -> memref<16x128xi32, #tpu.memory_space<vmem>>
        %dma_wait3A_120 = arith.constant 0 : i32
        %dma_wait3A_121 = tpu.memref_slice %arg3[%min3A_29, %dma_wait3A_120] : memref<2560x128xi32, #tpu.memory_space<hbm>> -> memref<16x128xi32, #tpu.memory_space<hbm>>
        %dma_wait3A_122 = tpu.memref_slice %arg13[%dma_wait3A_115] : memref<2x!tpu.dma_semaphore, #tpu.memory_space<semaphore_mem>> -> memref<1x!tpu.dma_semaphore, #tpu.memory_space<semaphore_mem>>
        %dma_wait3A_123 = tpu.memref_squeeze %dma_wait3A_122 : memref<1x!tpu.dma_semaphore, #tpu.memory_space<semaphore_mem>> -> memref<!tpu.dma_semaphore, #tpu.memory_space<semaphore_mem>>
        %dma_wait3A_124 = arith.constant 0 : i32
        %dma_wait3A_125 = arith.constant 0 : i32
        %dma_wait3A_126 = tpu.memref_slice %arg7[%dma_wait3A_114, %dma_wait3A_124, %dma_wait3A_125] : memref<2x16x128xi32, #tpu.memory_space<vmem>> -> memref<1x16x128xi32, #tpu.memory_space<vmem>>
        %dma_wait3A_127 = tpu.memref_squeeze %dma_wait3A_126 : memref<1x16x128xi32, #tpu.memory_space<vmem>> -> memref<16x128xi32, #tpu.memory_space<vmem>>
        %dma_wait3A_128 = arith.constant 0 : i32
        %dma_wait3A_129 = tpu.memref_slice %arg3[%min3A_29, %dma_wait3A_128] : memref<2560x128xi32, #tpu.memory_space<hbm>> -> memref<16x128xi32, #tpu.memory_space<hbm>>
        tpu.wait_dma2 semaphore(%dma_wait3A_123 : memref<!tpu.dma_semaphore, #tpu.memory_space<semaphore_mem>>) src(%dma_wait3A_129 : memref<16x128xi32, #tpu.memory_space<hbm>>) dst(%dma_wait3A_127 : memref<16x128xi32, #tpu.memory_space<vmem>>)
        %dma_wait3A_130 = arith.constant 0 : i32
        %dma_wait3A_131 = arith.constant 1 : i32
        %dma_wait3A_132 = arith.constant 0 : i32
        %dma_wait3A_133 = arith.constant 0 : i32
        %dma_wait3A_134 = tpu.memref_slice %arg8[%dma_wait3A_130, %dma_wait3A_132, %dma_wait3A_133] : memref<2x16x128xi32, #tpu.memory_space<vmem>> -> memref<1x16x128xi32, #tpu.memory_space<vmem>>
        %dma_wait3A_135 = tpu.memref_squeeze %dma_wait3A_134 : memref<1x16x128xi32, #tpu.memory_space<vmem>> -> memref<16x128xi32, #tpu.memory_space<vmem>>
        %dma_wait3A_136 = arith.constant 0 : i32
        %dma_wait3A_137 = tpu.memref_slice %arg4[%min3A_29, %dma_wait3A_136] : memref<2560x128xi32, #tpu.memory_space<hbm>> -> memref<16x128xi32, #tpu.memory_space<hbm>>
        %dma_wait3A_138 = tpu.memref_slice %arg13[%dma_wait3A_131] : memref<2x!tpu.dma_semaphore, #tpu.memory_space<semaphore_mem>> -> memref<1x!tpu.dma_semaphore, #tpu.memory_space<semaphore_mem>>
        %dma_wait3A_139 = tpu.memref_squeeze %dma_wait3A_138 : memref<1x!tpu.dma_semaphore, #tpu.memory_space<semaphore_mem>> -> memref<!tpu.dma_semaphore, #tpu.memory_space<semaphore_mem>>
        %dma_wait3A_140 = arith.constant 0 : i32
        %dma_wait3A_141 = arith.constant 0 : i32
        %dma_wait3A_142 = tpu.memref_slice %arg8[%dma_wait3A_130, %dma_wait3A_140, %dma_wait3A_141] : memref<2x16x128xi32, #tpu.memory_space<vmem>> -> memref<1x16x128xi32, #tpu.memory_space<vmem>>
        %dma_wait3A_143 = tpu.memref_squeeze %dma_wait3A_142 : memref<1x16x128xi32, #tpu.memory_space<vmem>> -> memref<16x128xi32, #tpu.memory_space<vmem>>
        %dma_wait3A_144 = arith.constant 0 : i32
        %dma_wait3A_145 = tpu.memref_slice %arg4[%min3A_29, %dma_wait3A_144] : memref<2560x128xi32, #tpu.memory_space<hbm>> -> memref<16x128xi32, #tpu.memory_space<hbm>>
        tpu.wait_dma2 semaphore(%dma_wait3A_139 : memref<!tpu.dma_semaphore, #tpu.memory_space<semaphore_mem>>) src(%dma_wait3A_145 : memref<16x128xi32, #tpu.memory_space<hbm>>) dst(%dma_wait3A_143 : memref<16x128xi32, #tpu.memory_space<vmem>>)
      } else {
      }
      %add3A_84 = arith.constant 1 : i32
      %add3A_85 = arith.addi %while3A_56, %add3A_84 : i32
      %lt3A_86 = arith.cmpi slt, %add3A_85, %select_n3A : i32
      %convert_element_type3A_87 = arith.extui %lt3A_86 : i1 to i32
      %cond3A_88 = arith.constant 0 : i32
      %cond3A_89 = arith.cmpi ne, %convert_element_type3A_87, %cond3A_88 : i32
      scf.if %cond3A_89 {
        %add3A_114 = arith.constant 1 : i32
        %add3A_115 = arith.addi %while3A_56, %add3A_114 : i32
        %div3A_116 = arith.constant 16 : i32
        %div3A_117 = arith.divsi %add3A_115, %div3A_116 : i32
        %rem3A_118 = arith.constant 2 : i32
        %rem3A_119 = arith.remsi %div3A_117, %rem3A_118 : i32
        %rem3A_120 = arith.constant 16 : i32
        %rem3A_121 = arith.remsi %add3A_115, %rem3A_120 : i32
        %dma_start3A_122 = arith.constant 0 : i32
        %dma_start3A_123 = arith.constant 0 : i32
        %dma_start3A_124 = tpu.memref_slice %arg9[%sub3A_58, %dma_start3A_122, %dma_start3A_123] : memref<2x128x128xf32, #tpu.memory_space<vmem>> -> memref<1x32x128xf32, #tpu.memory_space<vmem>>
        %dma_start3A_125 = tpu.memref_squeeze %dma_start3A_124 : memref<1x32x128xf32, #tpu.memory_space<vmem>> -> memref<32x128xf32, #tpu.memory_space<vmem>>
        %dma_start3A_126 = arith.constant 0 : i32
        %dma_start3A_127 = tpu.memref_slice %arg7[%rem3A_119, %rem3A_121, %dma_start3A_126] : memref<2x16x128xi32, #tpu.memory_space<vmem>> -> memref<1x1x32xi32, #tpu.memory_space<vmem>>
        %dma_start3A_128 = tpu.memref_squeeze %dma_start3A_127 : memref<1x1x32xi32, #tpu.memory_space<vmem>> -> memref<32xi32, #tpu.memory_space<vmem>>
        %dma_start3A_129 = arith.constant 0 : i32
        %dma_start3A_130 = arith.constant 0 : i32
        %dma_start3A_131 = tpu.memref_slice %arg2[%dma_start3A_129, %dma_start3A_130] : memref<10240x128xf32, #tpu.memory_space<hbm>> -> memref<10240x128xf32, #tpu.memory_space<hbm>>
        %dma_start3A_132 = tpu.memref_slice %arg11[%sub3A_58] : memref<2x!tpu.dma_semaphore, #tpu.memory_space<semaphore_mem>> -> memref<1x!tpu.dma_semaphore, #tpu.memory_space<semaphore_mem>>
        %dma_start3A_133 = tpu.memref_squeeze %dma_start3A_132 : memref<1x!tpu.dma_semaphore, #tpu.memory_space<semaphore_mem>> -> memref<!tpu.dma_semaphore, #tpu.memory_space<semaphore_mem>>
        tpu.enqueue_indirect_dma source(%dma_start3A_131 : memref<10240x128xf32, #tpu.memory_space<hbm>>) target(%dma_start3A_125 : memref<32x128xf32, #tpu.memory_space<vmem>>) offsets(%dma_start3A_128 : memref<32xi32, #tpu.memory_space<vmem>>) semaphore(%dma_start3A_133 : memref<!tpu.dma_semaphore, #tpu.memory_space<semaphore_mem>>)
        %dma_start3A_134 = arith.constant 32 : i32
        %dma_start3A_135 = arith.constant 0 : i32
        %dma_start3A_136 = tpu.memref_slice %arg9[%sub3A_58, %dma_start3A_134, %dma_start3A_135] : memref<2x128x128xf32, #tpu.memory_space<vmem>> -> memref<1x32x128xf32, #tpu.memory_space<vmem>>
        %dma_start3A_137 = tpu.memref_squeeze %dma_start3A_136 : memref<1x32x128xf32, #tpu.memory_space<vmem>> -> memref<32x128xf32, #tpu.memory_space<vmem>>
        %dma_start3A_138 = arith.constant 32 : i32
        %dma_start3A_139 = tpu.memref_slice %arg7[%rem3A_119, %rem3A_121, %dma_start3A_138] : memref<2x16x128xi32, #tpu.memory_space<vmem>> -> memref<1x1x32xi32, #tpu.memory_space<vmem>>
        %dma_start3A_140 = tpu.memref_squeeze %dma_start3A_139 : memref<1x1x32xi32, #tpu.memory_space<vmem>> -> memref<32xi32, #tpu.memory_space<vmem>>
        %dma_start3A_141 = arith.constant 0 : i32
        %dma_start3A_142 = arith.constant 0 : i32
        %dma_start3A_143 = tpu.memref_slice %arg2[%dma_start3A_141, %dma_start3A_142] : memref<10240x128xf32, #tpu.memory_space<hbm>> -> memref<10240x128xf32, #tpu.memory_space<hbm>>
        %dma_start3A_144 = tpu.memref_slice %arg11[%sub3A_58] : memref<2x!tpu.dma_semaphore, #tpu.memory_space<semaphore_mem>> -> memref<1x!tpu.dma_semaphore, #tpu.memory_space<semaphore_mem>>
        %dma_start3A_145 = tpu.memref_squeeze %dma_start3A_144 : memref<1x!tpu.dma_semaphore, #tpu.memory_space<semaphore_mem>> -> memref<!tpu.dma_semaphore, #tpu.memory_space<semaphore_mem>>
        tpu.enqueue_indirect_dma source(%dma_start3A_143 : memref<10240x128xf32, #tpu.memory_space<hbm>>) target(%dma_start3A_137 : memref<32x128xf32, #tpu.memory_space<vmem>>) offsets(%dma_start3A_140 : memref<32xi32, #tpu.memory_space<vmem>>) semaphore(%dma_start3A_145 : memref<!tpu.dma_semaphore, #tpu.memory_space<semaphore_mem>>)
        %dma_start3A_146 = arith.constant 64 : i32
        %dma_start3A_147 = arith.constant 0 : i32
        %dma_start3A_148 = tpu.memref_slice %arg9[%sub3A_58, %dma_start3A_146, %dma_start3A_147] : memref<2x128x128xf32, #tpu.memory_space<vmem>> -> memref<1x32x128xf32, #tpu.memory_space<vmem>>
        %dma_start3A_149 = tpu.memref_squeeze %dma_start3A_148 : memref<1x32x128xf32, #tpu.memory_space<vmem>> -> memref<32x128xf32, #tpu.memory_space<vmem>>
        %dma_start3A_150 = arith.constant 64 : i32
        %dma_start3A_151 = tpu.memref_slice %arg7[%rem3A_119, %rem3A_121, %dma_start3A_150] : memref<2x16x128xi32, #tpu.memory_space<vmem>> -> memref<1x1x32xi32, #tpu.memory_space<vmem>>
        %dma_start3A_152 = tpu.memref_squeeze %dma_start3A_151 : memref<1x1x32xi32, #tpu.memory_space<vmem>> -> memref<32xi32, #tpu.memory_space<vmem>>
        %dma_start3A_153 = arith.constant 0 : i32
        %dma_start3A_154 = arith.constant 0 : i32
        %dma_start3A_155 = tpu.memref_slice %arg2[%dma_start3A_153, %dma_start3A_154] : memref<10240x128xf32, #tpu.memory_space<hbm>> -> memref<10240x128xf32, #tpu.memory_space<hbm>>
        %dma_start3A_156 = tpu.memref_slice %arg11[%sub3A_58] : memref<2x!tpu.dma_semaphore, #tpu.memory_space<semaphore_mem>> -> memref<1x!tpu.dma_semaphore, #tpu.memory_space<semaphore_mem>>
        %dma_start3A_157 = tpu.memref_squeeze %dma_start3A_156 : memref<1x!tpu.dma_semaphore, #tpu.memory_space<semaphore_mem>> -> memref<!tpu.dma_semaphore, #tpu.memory_space<semaphore_mem>>
        tpu.enqueue_indirect_dma source(%dma_start3A_155 : memref<10240x128xf32, #tpu.memory_space<hbm>>) target(%dma_start3A_149 : memref<32x128xf32, #tpu.memory_space<vmem>>) offsets(%dma_start3A_152 : memref<32xi32, #tpu.memory_space<vmem>>) semaphore(%dma_start3A_157 : memref<!tpu.dma_semaphore, #tpu.memory_space<semaphore_mem>>)
        %dma_start3A_158 = arith.constant 96 : i32
        %dma_start3A_159 = arith.constant 0 : i32
        %dma_start3A_160 = tpu.memref_slice %arg9[%sub3A_58, %dma_start3A_158, %dma_start3A_159] : memref<2x128x128xf32, #tpu.memory_space<vmem>> -> memref<1x32x128xf32, #tpu.memory_space<vmem>>
        %dma_start3A_161 = tpu.memref_squeeze %dma_start3A_160 : memref<1x32x128xf32, #tpu.memory_space<vmem>> -> memref<32x128xf32, #tpu.memory_space<vmem>>
        %dma_start3A_162 = arith.constant 96 : i32
        %dma_start3A_163 = tpu.memref_slice %arg7[%rem3A_119, %rem3A_121, %dma_start3A_162] : memref<2x16x128xi32, #tpu.memory_space<vmem>> -> memref<1x1x32xi32, #tpu.memory_space<vmem>>
        %dma_start3A_164 = tpu.memref_squeeze %dma_start3A_163 : memref<1x1x32xi32, #tpu.memory_space<vmem>> -> memref<32xi32, #tpu.memory_space<vmem>>
        %dma_start3A_165 = arith.constant 0 : i32
        %dma_start3A_166 = arith.constant 0 : i32
        %dma_start3A_167 = tpu.memref_slice %arg2[%dma_start3A_165, %dma_start3A_166] : memref<10240x128xf32, #tpu.memory_space<hbm>> -> memref<10240x128xf32, #tpu.memory_space<hbm>>
        %dma_start3A_168 = tpu.memref_slice %arg11[%sub3A_58] : memref<2x!tpu.dma_semaphore, #tpu.memory_space<semaphore_mem>> -> memref<1x!tpu.dma_semaphore, #tpu.memory_space<semaphore_mem>>
        %dma_start3A_169 = tpu.memref_squeeze %dma_start3A_168 : memref<1x!tpu.dma_semaphore, #tpu.memory_space<semaphore_mem>> -> memref<!tpu.dma_semaphore, #tpu.memory_space<semaphore_mem>>
        tpu.enqueue_indirect_dma source(%dma_start3A_167 : memref<10240x128xf32, #tpu.memory_space<hbm>>) target(%dma_start3A_161 : memref<32x128xf32, #tpu.memory_space<vmem>>) offsets(%dma_start3A_164 : memref<32xi32, #tpu.memory_space<vmem>>) semaphore(%dma_start3A_169 : memref<!tpu.dma_semaphore, #tpu.memory_space<semaphore_mem>>)
      } else {
      }
      %dma_wait3A = arith.constant 0 : i32
      %dma_wait3A_90 = arith.constant 0 : i32
      %dma_wait3A_91 = arith.constant 0 : i32
      %dma_wait3A_92 = arith.constant 0 : i32
      %dma_wait3A_93 = tpu.memref_slice %arg9[%rem3A_57, %dma_wait3A_91, %dma_wait3A_92] : memref<2x128x128xf32, #tpu.memory_space<vmem>> -> memref<1x128x128xf32, #tpu.memory_space<vmem>>
      %dma_wait3A_94 = tpu.memref_squeeze %dma_wait3A_93 : memref<1x128x128xf32, #tpu.memory_space<vmem>> -> memref<128x128xf32, #tpu.memory_space<vmem>>
      %dma_wait3A_95 = arith.constant 0 : i32
      %dma_wait3A_96 = tpu.memref_slice %arg7[%dma_wait3A, %dma_wait3A_90, %dma_wait3A_95] : memref<2x16x128xi32, #tpu.memory_space<vmem>> -> memref<1x1x128xi32, #tpu.memory_space<vmem>>
      %dma_wait3A_97 = tpu.memref_squeeze %dma_wait3A_96 : memref<1x1x128xi32, #tpu.memory_space<vmem>> -> memref<128xi32, #tpu.memory_space<vmem>>
      %dma_wait3A_98 = arith.constant 0 : i32
      %dma_wait3A_99 = arith.constant 0 : i32
      %dma_wait3A_100 = tpu.memref_slice %arg2[%dma_wait3A_98, %dma_wait3A_99] : memref<10240x128xf32, #tpu.memory_space<hbm>> -> memref<10240x128xf32, #tpu.memory_space<hbm>>
      %dma_wait3A_101 = tpu.memref_slice %arg11[%rem3A_57] : memref<2x!tpu.dma_semaphore, #tpu.memory_space<semaphore_mem>> -> memref<1x!tpu.dma_semaphore, #tpu.memory_space<semaphore_mem>>
      %dma_wait3A_102 = tpu.memref_squeeze %dma_wait3A_101 : memref<1x!tpu.dma_semaphore, #tpu.memory_space<semaphore_mem>> -> memref<!tpu.dma_semaphore, #tpu.memory_space<semaphore_mem>>
      tpu.wait_indirect_dma semaphore(%dma_wait3A_102 : memref<!tpu.dma_semaphore, #tpu.memory_space<semaphore_mem>>) src(%dma_wait3A_100 : memref<10240x128xf32, #tpu.memory_space<hbm>>) dst(%dma_wait3A_94 : memref<128x128xf32, #tpu.memory_space<vmem>>)
      %dma_start3A = arith.constant 0 : i32
      %dma_start3A_103 = arith.constant 0 : i32
      %dma_start3A_104 = tpu.memref_slice %arg9[%rem3A_57, %dma_start3A, %dma_start3A_103] : memref<2x128x128xf32, #tpu.memory_space<vmem>> -> memref<1x128x128xf32, #tpu.memory_space<vmem>>
      %dma_start3A_105 = tpu.memref_squeeze %dma_start3A_104 : memref<1x128x128xf32, #tpu.memory_space<vmem>> -> memref<128x128xf32, #tpu.memory_space<vmem>>
      %dma_start3A_106 = arith.constant 0 : i32
      %dma_start3A_107 = tpu.memref_slice %arg8[%rem3A_61, %rem3A_63, %dma_start3A_106] : memref<2x16x128xi32, #tpu.memory_space<vmem>> -> memref<1x1x128xi32, #tpu.memory_space<vmem>>
      %dma_start3A_108 = tpu.memref_squeeze %dma_start3A_107 : memref<1x1x128xi32, #tpu.memory_space<vmem>> -> memref<128xi32, #tpu.memory_space<vmem>>
      %dma_start3A_109 = arith.constant 0 : i32
      %dma_start3A_110 = arith.constant 0 : i32
      %dma_start3A_111 = tpu.memref_slice %arg10[%dma_start3A_109, %dma_start3A_110] : memref<10240x128xf32, #tpu.memory_space<vmem_shared>> -> memref<10240x128xf32, #tpu.memory_space<vmem_shared>>
      %dma_start3A_112 = tpu.memref_slice %arg12[%rem3A_57] : memref<2x!tpu.dma_semaphore, #tpu.memory_space<semaphore_mem>> -> memref<1x!tpu.dma_semaphore, #tpu.memory_space<semaphore_mem>>
      %dma_start3A_113 = tpu.memref_squeeze %dma_start3A_112 : memref<1x!tpu.dma_semaphore, #tpu.memory_space<semaphore_mem>> -> memref<!tpu.dma_semaphore, #tpu.memory_space<semaphore_mem>>
      tpu.enqueue_indirect_dma source(%dma_start3A_105 : memref<128x128xf32, #tpu.memory_space<vmem>>) target(%dma_start3A_111 : memref<10240x128xf32, #tpu.memory_space<vmem_shared>>) offsets(%dma_start3A_108 : memref<128xi32, #tpu.memory_space<vmem>>) semaphore(%dma_start3A_113 : memref<!tpu.dma_semaphore, #tpu.memory_space<semaphore_mem>>) {add = true}
    }
    %gt3A_46 = arith.constant 0 : i32
    %gt3A_47 = arith.cmpi sgt, %select_n3A, %gt3A_46 : i32
    %convert_element_type3A_48 = arith.extui %gt3A_47 : i1 to i32
    %cond3A_49 = arith.constant 0 : i32
    %cond3A_50 = arith.cmpi ne, %convert_element_type3A_48, %cond3A_49 : i32
    scf.if %cond3A_50 {
      %dma_wait3A = arith.constant 0 : i32
      %dma_wait3A_56 = arith.constant 0 : i32
      %dma_wait3A_57 = arith.constant 1 : i32
      %dma_wait3A_58 = arith.constant 1 : i32
      %dma_wait3A_59 = arith.constant 0 : i32
      %dma_wait3A_60 = arith.constant 0 : i32
      %dma_wait3A_61 = tpu.memref_slice %arg9[%dma_wait3A_57, %dma_wait3A_59, %dma_wait3A_60] : memref<2x128x128xf32, #tpu.memory_space<vmem>> -> memref<1x128x128xf32, #tpu.memory_space<vmem>>
      %dma_wait3A_62 = tpu.memref_squeeze %dma_wait3A_61 : memref<1x128x128xf32, #tpu.memory_space<vmem>> -> memref<128x128xf32, #tpu.memory_space<vmem>>
      %dma_wait3A_63 = arith.constant 0 : i32
      %dma_wait3A_64 = tpu.memref_slice %arg7[%dma_wait3A, %dma_wait3A_56, %dma_wait3A_63] : memref<2x16x128xi32, #tpu.memory_space<vmem>> -> memref<1x1x128xi32, #tpu.memory_space<vmem>>
      %dma_wait3A_65 = tpu.memref_squeeze %dma_wait3A_64 : memref<1x1x128xi32, #tpu.memory_space<vmem>> -> memref<128xi32, #tpu.memory_space<vmem>>
      %dma_wait3A_66 = arith.constant 0 : i32
      %dma_wait3A_67 = arith.constant 0 : i32
      %dma_wait3A_68 = tpu.memref_slice %arg2[%dma_wait3A_66, %dma_wait3A_67] : memref<10240x128xf32, #tpu.memory_space<hbm>> -> memref<10240x128xf32, #tpu.memory_space<hbm>>
      %dma_wait3A_69 = tpu.memref_slice %arg12[%dma_wait3A_58] : memref<2x!tpu.dma_semaphore, #tpu.memory_space<semaphore_mem>> -> memref<1x!tpu.dma_semaphore, #tpu.memory_space<semaphore_mem>>
      %dma_wait3A_70 = tpu.memref_squeeze %dma_wait3A_69 : memref<1x!tpu.dma_semaphore, #tpu.memory_space<semaphore_mem>> -> memref<!tpu.dma_semaphore, #tpu.memory_space<semaphore_mem>>
      tpu.wait_indirect_dma semaphore(%dma_wait3A_70 : memref<!tpu.dma_semaphore, #tpu.memory_space<semaphore_mem>>) src(%dma_wait3A_68 : memref<10240x128xf32, #tpu.memory_space<hbm>>) dst(%dma_wait3A_62 : memref<128x128xf32, #tpu.memory_space<vmem>>)
    } else {
    }
    %barrier3A_51 = arith.constant 0 : index
    tpu.barrier barrier_id(%barrier3A_51)
    %mul3A_52 = arith.constant 640 : i32
    %mul3A_53 = arith.muli %arg1, %mul3A_52 : i32
    %mul3A_54 = arith.constant 640 : i32
    %mul3A_55 = arith.muli %arg1, %mul3A_54 : i32
    "tpu.region"() ({
      %run_scoped3A = tpu.sem_alloc : memref<!tpu.dma_semaphore, #tpu.memory_space<semaphore_mem>>
      %dma_start3A = arith.constant 0 : i32
      %dma_start3A_56 = tpu.memref_slice %arg6[%arg0, %mul3A_55, %dma_start3A] : memref<2x10240x128xf32, #tpu.memory_space<hbm>> -> memref<1x640x128xf32, #tpu.memory_space<hbm>>
      %dma_start3A_57 = tpu.memref_squeeze %dma_start3A_56 : memref<1x640x128xf32, #tpu.memory_space<hbm>> -> memref<640x128xf32, #tpu.memory_space<hbm>>
      %dma_start3A_58 = arith.constant 0 : i32
      %dma_start3A_59 = tpu.memref_slice %arg10[%mul3A_53, %dma_start3A_58] : memref<10240x128xf32, #tpu.memory_space<vmem_shared>> -> memref<640x128xf32, #tpu.memory_space<vmem_shared>>
      tpu.enqueue_dma source(%dma_start3A_59 : memref<640x128xf32, #tpu.memory_space<vmem_shared>>) target(%dma_start3A_57 : memref<640x128xf32, #tpu.memory_space<hbm>>) target_semaphore(%run_scoped3A : memref<!tpu.dma_semaphore, #tpu.memory_space<semaphore_mem>>)
      %dma_wait3A = arith.constant 0 : i32
      %dma_wait3A_60 = tpu.memref_slice %arg6[%arg0, %mul3A_55, %dma_wait3A] : memref<2x10240x128xf32, #tpu.memory_space<hbm>> -> memref<1x640x128xf32, #tpu.memory_space<hbm>>
      %dma_wait3A_61 = tpu.memref_squeeze %dma_wait3A_60 : memref<1x640x128xf32, #tpu.memory_space<hbm>> -> memref<640x128xf32, #tpu.memory_space<hbm>>
      %dma_wait3A_62 = arith.constant 0 : i32
      %dma_wait3A_63 = tpu.memref_slice %arg10[%mul3A_53, %dma_wait3A_62] : memref<10240x128xf32, #tpu.memory_space<vmem_shared>> -> memref<640x128xf32, #tpu.memory_space<vmem_shared>>
      tpu.wait_dma2 semaphore(%run_scoped3A : memref<!tpu.dma_semaphore, #tpu.memory_space<semaphore_mem>>) src(%dma_wait3A_63 : memref<640x128xf32, #tpu.memory_space<vmem_shared>>) dst(%dma_wait3A_61 : memref<640x128xf32, #tpu.memory_space<hbm>>)
      tpu.yield
    }) : () -> ()
    return
  }
}

#map = affine_map<(d0, d1) -> (0, 0)>
#map1 = affine_map<(d0, d1) -> (0, 0, 0)>
module attributes {stable_mosaic.version = 14 : i64} {
  func.func @_sc_msgpass_body(%arg0: i32, %arg1: i32, %arg2: memref<10240x128xf32, #tpu.memory_space<hbm>>, %arg3: memref<2560x128xi32, #tpu.memory_space<hbm>>, %arg4: memref<2560x128xi32, #tpu.memory_space<hbm>>, %arg5: memref<128x128xf32, #tpu.memory_space<hbm>>, %arg6: memref<2x10240x128xf32, #tpu.memory_space<hbm>>, %arg7: memref<2x16x128xi32, #tpu.memory_space<vmem>>, %arg8: memref<2x16x128xi32, #tpu.memory_space<vmem>>, %arg9: memref<2x128x128xf32, #tpu.memory_space<vmem>>, %arg10: memref<10240x128xf32, #tpu.memory_space<vmem_shared>>, %arg11: memref<2x!tpu.dma_semaphore, #tpu.memory_space<semaphore_mem>>, %arg12: memref<2x!tpu.dma_semaphore, #tpu.memory_space<semaphore_mem>>, %arg13: memref<2x!tpu.dma_semaphore, #tpu.memory_space<semaphore_mem>>) attributes {dimension_semantics = [#tpu.dimension_semantics<core_parallel>, #tpu.dimension_semantics<subcore_parallel>], iteration_bounds = array<i64: 2, 16>, scalar_prefetch = 0 : i64, scratch_operands = 7 : i64, tpu.core_type = #tpu.core_type<sc_vector_subcore>, window_params = [{transform_indices = #map}, {transform_indices = #map}, {transform_indices = #map}, {transform_indices = #map}, {transform_indices = #map1}]} {
    %mul3A = arith.constant 640 : i32
    %mul3A_0 = arith.muli %arg1, %mul3A : i32
    %add3A = arith.constant 0 : i32
    %add3A_1 = arith.addi %mul3A_0, %add3A : i32
    "tpu.region"() ({
      %run_scoped3A = tpu.sem_alloc : memref<!tpu.dma_semaphore, #tpu.memory_space<semaphore_mem>>
      %dma_start3A = arith.constant 0 : i32
      %dma_start3A_56 = tpu.memref_slice %arg10[%add3A_1, %dma_start3A] : memref<10240x128xf32, #tpu.memory_space<vmem_shared>> -> memref<128x128xf32, #tpu.memory_space<vmem_shared>>
      tpu.enqueue_dma source(%arg5 : memref<128x128xf32, #tpu.memory_space<hbm>>) target(%dma_start3A_56 : memref<128x128xf32, #tpu.memory_space<vmem_shared>>) target_semaphore(%run_scoped3A : memref<!tpu.dma_semaphore, #tpu.memory_space<semaphore_mem>>)
      %dma_wait3A = arith.constant 0 : i32
      %dma_wait3A_57 = tpu.memref_slice %arg10[%add3A_1, %dma_wait3A] : memref<10240x128xf32, #tpu.memory_space<vmem_shared>> -> memref<128x128xf32, #tpu.memory_space<vmem_shared>>
      tpu.wait_dma2 semaphore(%run_scoped3A : memref<!tpu.dma_semaphore, #tpu.memory_space<semaphore_mem>>) src(%arg5 : memref<128x128xf32, #tpu.memory_space<hbm>>) dst(%dma_wait3A_57 : memref<128x128xf32, #tpu.memory_space<vmem_shared>>)
      tpu.yield
    }) : () -> ()
    %mul3A_2 = arith.constant 640 : i32
    %mul3A_3 = arith.muli %arg1, %mul3A_2 : i32
    %add3A_4 = arith.constant 128 : i32
    %add3A_5 = arith.addi %mul3A_3, %add3A_4 : i32
    "tpu.region"() ({
      %run_scoped3A = tpu.sem_alloc : memref<!tpu.dma_semaphore, #tpu.memory_space<semaphore_mem>>
      %dma_start3A = arith.constant 0 : i32
      %dma_start3A_56 = tpu.memref_slice %arg10[%add3A_5, %dma_start3A] : memref<10240x128xf32, #tpu.memory_space<vmem_shared>> -> memref<128x128xf32, #tpu.memory_space<vmem_shared>>
      tpu.enqueue_dma source(%arg5 : memref<128x128xf32, #tpu.memory_space<hbm>>) target(%dma_start3A_56 : memref<128x128xf32, #tpu.memory_space<vmem_shared>>) target_semaphore(%run_scoped3A : memref<!tpu.dma_semaphore, #tpu.memory_space<semaphore_mem>>)
      %dma_wait3A = arith.constant 0 : i32
      %dma_wait3A_57 = tpu.memref_slice %arg10[%add3A_5, %dma_wait3A] : memref<10240x128xf32, #tpu.memory_space<vmem_shared>> -> memref<128x128xf32, #tpu.memory_space<vmem_shared>>
      tpu.wait_dma2 semaphore(%run_scoped3A : memref<!tpu.dma_semaphore, #tpu.memory_space<semaphore_mem>>) src(%arg5 : memref<128x128xf32, #tpu.memory_space<hbm>>) dst(%dma_wait3A_57 : memref<128x128xf32, #tpu.memory_space<vmem_shared>>)
      tpu.yield
    }) : () -> ()
    %mul3A_6 = arith.constant 640 : i32
    %mul3A_7 = arith.muli %arg1, %mul3A_6 : i32
    %add3A_8 = arith.constant 256 : i32
    %add3A_9 = arith.addi %mul3A_7, %add3A_8 : i32
    "tpu.region"() ({
      %run_scoped3A = tpu.sem_alloc : memref<!tpu.dma_semaphore, #tpu.memory_space<semaphore_mem>>
      %dma_start3A = arith.constant 0 : i32
      %dma_start3A_56 = tpu.memref_slice %arg10[%add3A_9, %dma_start3A] : memref<10240x128xf32, #tpu.memory_space<vmem_shared>> -> memref<128x128xf32, #tpu.memory_space<vmem_shared>>
      tpu.enqueue_dma source(%arg5 : memref<128x128xf32, #tpu.memory_space<hbm>>) target(%dma_start3A_56 : memref<128x128xf32, #tpu.memory_space<vmem_shared>>) target_semaphore(%run_scoped3A : memref<!tpu.dma_semaphore, #tpu.memory_space<semaphore_mem>>)
      %dma_wait3A = arith.constant 0 : i32
      %dma_wait3A_57 = tpu.memref_slice %arg10[%add3A_9, %dma_wait3A] : memref<10240x128xf32, #tpu.memory_space<vmem_shared>> -> memref<128x128xf32, #tpu.memory_space<vmem_shared>>
      tpu.wait_dma2 semaphore(%run_scoped3A : memref<!tpu.dma_semaphore, #tpu.memory_space<semaphore_mem>>) src(%arg5 : memref<128x128xf32, #tpu.memory_space<hbm>>) dst(%dma_wait3A_57 : memref<128x128xf32, #tpu.memory_space<vmem_shared>>)
      tpu.yield
    }) : () -> ()
    %mul3A_10 = arith.constant 640 : i32
    %mul3A_11 = arith.muli %arg1, %mul3A_10 : i32
    %add3A_12 = arith.constant 384 : i32
    %add3A_13 = arith.addi %mul3A_11, %add3A_12 : i32
    "tpu.region"() ({
      %run_scoped3A = tpu.sem_alloc : memref<!tpu.dma_semaphore, #tpu.memory_space<semaphore_mem>>
      %dma_start3A = arith.constant 0 : i32
      %dma_start3A_56 = tpu.memref_slice %arg10[%add3A_13, %dma_start3A] : memref<10240x128xf32, #tpu.memory_space<vmem_shared>> -> memref<128x128xf32, #tpu.memory_space<vmem_shared>>
      tpu.enqueue_dma source(%arg5 : memref<128x128xf32, #tpu.memory_space<hbm>>) target(%dma_start3A_56 : memref<128x128xf32, #tpu.memory_space<vmem_shared>>) target_semaphore(%run_scoped3A : memref<!tpu.dma_semaphore, #tpu.memory_space<semaphore_mem>>)
      %dma_wait3A = arith.constant 0 : i32
      %dma_wait3A_57 = tpu.memref_slice %arg10[%add3A_13, %dma_wait3A] : memref<10240x128xf32, #tpu.memory_space<vmem_shared>> -> memref<128x128xf32, #tpu.memory_space<vmem_shared>>
      tpu.wait_dma2 semaphore(%run_scoped3A : memref<!tpu.dma_semaphore, #tpu.memory_space<semaphore_mem>>) src(%arg5 : memref<128x128xf32, #tpu.memory_space<hbm>>) dst(%dma_wait3A_57 : memref<128x128xf32, #tpu.memory_space<vmem_shared>>)
      tpu.yield
    }) : () -> ()
    %mul3A_14 = arith.constant 640 : i32
    %mul3A_15 = arith.muli %arg1, %mul3A_14 : i32
    %add3A_16 = arith.constant 512 : i32
    %add3A_17 = arith.addi %mul3A_15, %add3A_16 : i32
    "tpu.region"() ({
      %run_scoped3A = tpu.sem_alloc : memref<!tpu.dma_semaphore, #tpu.memory_space<semaphore_mem>>
      %dma_start3A = arith.constant 0 : i32
      %dma_start3A_56 = tpu.memref_slice %arg10[%add3A_17, %dma_start3A] : memref<10240x128xf32, #tpu.memory_space<vmem_shared>> -> memref<128x128xf32, #tpu.memory_space<vmem_shared>>
      tpu.enqueue_dma source(%arg5 : memref<128x128xf32, #tpu.memory_space<hbm>>) target(%dma_start3A_56 : memref<128x128xf32, #tpu.memory_space<vmem_shared>>) target_semaphore(%run_scoped3A : memref<!tpu.dma_semaphore, #tpu.memory_space<semaphore_mem>>)
      %dma_wait3A = arith.constant 0 : i32
      %dma_wait3A_57 = tpu.memref_slice %arg10[%add3A_17, %dma_wait3A] : memref<10240x128xf32, #tpu.memory_space<vmem_shared>> -> memref<128x128xf32, #tpu.memory_space<vmem_shared>>
      tpu.wait_dma2 semaphore(%run_scoped3A : memref<!tpu.dma_semaphore, #tpu.memory_space<semaphore_mem>>) src(%arg5 : memref<128x128xf32, #tpu.memory_space<hbm>>) dst(%dma_wait3A_57 : memref<128x128xf32, #tpu.memory_space<vmem_shared>>)
      tpu.yield
    }) : () -> ()
    %eq3A = arith.constant 0 : i32
    %eq3A_18 = arith.cmpi eq, %arg0, %eq3A : i32
    %jit3A = arith.constant 128 : i32
    %jit3A_19 = arith.constant 32 : i32
    %select_n3A = arith.select %eq3A_18, %jit3A, %jit3A_19 : i32
    %eq3A_20 = arith.constant 0 : i32
    %eq3A_21 = arith.cmpi eq, %arg0, %eq3A_20 : i32
    %mul3A_22 = arith.constant 128 : i32
    %mul3A_23 = arith.muli %arg1, %mul3A_22 : i32
    %mul3A_24 = arith.constant 32 : i32
    %mul3A_25 = arith.muli %arg1, %mul3A_24 : i32
    %add3A_26 = arith.constant 2048 : i32
    %add3A_27 = arith.addi %add3A_26, %mul3A_25 : i32
    %select_n3A_28 = arith.select %eq3A_21, %mul3A_23, %add3A_27 : i32
    %min3A = arith.constant 2544 : i32
    %min3A_29 = arith.minsi %select_n3A_28, %min3A : i32
    %gt3A = arith.constant 0 : i32
    %gt3A_30 = arith.cmpi sgt, %select_n3A, %gt3A : i32
    %convert_element_type3A = arith.extui %gt3A_30 : i1 to i32
    %cond3A = arith.constant 0 : i32
    %cond3A_31 = arith.cmpi ne, %convert_element_type3A, %cond3A : i32
    scf.if %cond3A_31 {
      %run_scoped3A = arith.constant 0 : i32
      "tpu.region"() ({
        %run_scoped3A_57 = tpu.sem_alloc : memref<!tpu.dma_semaphore, #tpu.memory_space<semaphore_mem>>
        %dma_start3A = arith.constant 0 : i32
        %dma_start3A_58 = arith.constant 0 : i32
        %dma_start3A_59 = tpu.memref_slice %arg7[%run_scoped3A, %dma_start3A, %dma_start3A_58] : memref<2x16x128xi32, #tpu.memory_space<vmem>> -> memref<1x16x128xi32, #tpu.memory_space<vmem>>
        %dma_start3A_60 = tpu.memref_squeeze %dma_start3A_59 : memref<1x16x128xi32, #tpu.memory_space<vmem>> -> memref<16x128xi32, #tpu.memory_space<vmem>>
        %dma_start3A_61 = arith.constant 0 : i32
        %dma_start3A_62 = tpu.memref_slice %arg3[%min3A_29, %dma_start3A_61] : memref<2560x128xi32, #tpu.memory_space<hbm>> -> memref<16x128xi32, #tpu.memory_space<hbm>>
        %dma_start3A_63 = arith.constant 0 : i32
        %dma_start3A_64 = arith.constant 0 : i32
        %dma_start3A_65 = tpu.memref_slice %arg7[%run_scoped3A, %dma_start3A_63, %dma_start3A_64] : memref<2x16x128xi32, #tpu.memory_space<vmem>> -> memref<1x16x128xi32, #tpu.memory_space<vmem>>
        %dma_start3A_66 = tpu.memref_squeeze %dma_start3A_65 : memref<1x16x128xi32, #tpu.memory_space<vmem>> -> memref<16x128xi32, #tpu.memory_space<vmem>>
        %dma_start3A_67 = arith.constant 0 : i32
        %dma_start3A_68 = tpu.memref_slice %arg3[%min3A_29, %dma_start3A_67] : memref<2560x128xi32, #tpu.memory_space<hbm>> -> memref<16x128xi32, #tpu.memory_space<hbm>>
        tpu.enqueue_dma source(%dma_start3A_68 : memref<16x128xi32, #tpu.memory_space<hbm>>) target(%dma_start3A_66 : memref<16x128xi32, #tpu.memory_space<vmem>>) target_semaphore(%run_scoped3A_57 : memref<!tpu.dma_semaphore, #tpu.memory_space<semaphore_mem>>)
        %dma_wait3A = arith.constant 0 : i32
        %dma_wait3A_69 = arith.constant 0 : i32
        %dma_wait3A_70 = tpu.memref_slice %arg7[%run_scoped3A, %dma_wait3A, %dma_wait3A_69] : memref<2x16x128xi32, #tpu.memory_space<vmem>> -> memref<1x16x128xi32, #tpu.memory_space<vmem>>
        %dma_wait3A_71 = tpu.memref_squeeze %dma_wait3A_70 : memref<1x16x128xi32, #tpu.memory_space<vmem>> -> memref<16x128xi32, #tpu.memory_space<vmem>>
        %dma_wait3A_72 = arith.constant 0 : i32
        %dma_wait3A_73 = tpu.memref_slice %arg3[%min3A_29, %dma_wait3A_72] : memref<2560x128xi32, #tpu.memory_space<hbm>> -> memref<16x128xi32, #tpu.memory_space<hbm>>
        %dma_wait3A_74 = arith.constant 0 : i32
        %dma_wait3A_75 = arith.constant 0 : i32
        %dma_wait3A_76 = tpu.memref_slice %arg7[%run_scoped3A, %dma_wait3A_74, %dma_wait3A_75] : memref<2x16x128xi32, #tpu.memory_space<vmem>> -> memref<1x16x128xi32, #tpu.memory_space<vmem>>
        %dma_wait3A_77 = tpu.memref_squeeze %dma_wait3A_76 : memref<1x16x128xi32, #tpu.memory_space<vmem>> -> memref<16x128xi32, #tpu.memory_space<vmem>>
        %dma_wait3A_78 = arith.constant 0 : i32
        %dma_wait3A_79 = tpu.memref_slice %arg3[%min3A_29, %dma_wait3A_78] : memref<2560x128xi32, #tpu.memory_space<hbm>> -> memref<16x128xi32, #tpu.memory_space<hbm>>
        tpu.wait_dma2 semaphore(%run_scoped3A_57 : memref<!tpu.dma_semaphore, #tpu.memory_space<semaphore_mem>>) src(%dma_wait3A_79 : memref<16x128xi32, #tpu.memory_space<hbm>>) dst(%dma_wait3A_77 : memref<16x128xi32, #tpu.memory_space<vmem>>)
        tpu.yield
      }) : () -> ()
      %run_scoped3A_56 = arith.constant 0 : i32
      "tpu.region"() ({
        %run_scoped3A_57 = tpu.sem_alloc : memref<!tpu.dma_semaphore, #tpu.memory_space<semaphore_mem>>
        %dma_start3A = arith.constant 0 : i32
        %dma_start3A_58 = arith.constant 0 : i32
        %dma_start3A_59 = tpu.memref_slice %arg8[%run_scoped3A_56, %dma_start3A, %dma_start3A_58] : memref<2x16x128xi32, #tpu.memory_space<vmem>> -> memref<1x16x128xi32, #tpu.memory_space<vmem>>
        %dma_start3A_60 = tpu.memref_squeeze %dma_start3A_59 : memref<1x16x128xi32, #tpu.memory_space<vmem>> -> memref<16x128xi32, #tpu.memory_space<vmem>>
        %dma_start3A_61 = arith.constant 0 : i32
        %dma_start3A_62 = tpu.memref_slice %arg4[%min3A_29, %dma_start3A_61] : memref<2560x128xi32, #tpu.memory_space<hbm>> -> memref<16x128xi32, #tpu.memory_space<hbm>>
        %dma_start3A_63 = arith.constant 0 : i32
        %dma_start3A_64 = arith.constant 0 : i32
        %dma_start3A_65 = tpu.memref_slice %arg8[%run_scoped3A_56, %dma_start3A_63, %dma_start3A_64] : memref<2x16x128xi32, #tpu.memory_space<vmem>> -> memref<1x16x128xi32, #tpu.memory_space<vmem>>
        %dma_start3A_66 = tpu.memref_squeeze %dma_start3A_65 : memref<1x16x128xi32, #tpu.memory_space<vmem>> -> memref<16x128xi32, #tpu.memory_space<vmem>>
        %dma_start3A_67 = arith.constant 0 : i32
        %dma_start3A_68 = tpu.memref_slice %arg4[%min3A_29, %dma_start3A_67] : memref<2560x128xi32, #tpu.memory_space<hbm>> -> memref<16x128xi32, #tpu.memory_space<hbm>>
        tpu.enqueue_dma source(%dma_start3A_68 : memref<16x128xi32, #tpu.memory_space<hbm>>) target(%dma_start3A_66 : memref<16x128xi32, #tpu.memory_space<vmem>>) target_semaphore(%run_scoped3A_57 : memref<!tpu.dma_semaphore, #tpu.memory_space<semaphore_mem>>)
        %dma_wait3A = arith.constant 0 : i32
        %dma_wait3A_69 = arith.constant 0 : i32
        %dma_wait3A_70 = tpu.memref_slice %arg8[%run_scoped3A_56, %dma_wait3A, %dma_wait3A_69] : memref<2x16x128xi32, #tpu.memory_space<vmem>> -> memref<1x16x128xi32, #tpu.memory_space<vmem>>
        %dma_wait3A_71 = tpu.memref_squeeze %dma_wait3A_70 : memref<1x16x128xi32, #tpu.memory_space<vmem>> -> memref<16x128xi32, #tpu.memory_space<vmem>>
        %dma_wait3A_72 = arith.constant 0 : i32
        %dma_wait3A_73 = tpu.memref_slice %arg4[%min3A_29, %dma_wait3A_72] : memref<2560x128xi32, #tpu.memory_space<hbm>> -> memref<16x128xi32, #tpu.memory_space<hbm>>
        %dma_wait3A_74 = arith.constant 0 : i32
        %dma_wait3A_75 = arith.constant 0 : i32
        %dma_wait3A_76 = tpu.memref_slice %arg8[%run_scoped3A_56, %dma_wait3A_74, %dma_wait3A_75] : memref<2x16x128xi32, #tpu.memory_space<vmem>> -> memref<1x16x128xi32, #tpu.memory_space<vmem>>
        %dma_wait3A_77 = tpu.memref_squeeze %dma_wait3A_76 : memref<1x16x128xi32, #tpu.memory_space<vmem>> -> memref<16x128xi32, #tpu.memory_space<vmem>>
        %dma_wait3A_78 = arith.constant 0 : i32
        %dma_wait3A_79 = tpu.memref_slice %arg4[%min3A_29, %dma_wait3A_78] : memref<2560x128xi32, #tpu.memory_space<hbm>> -> memref<16x128xi32, #tpu.memory_space<hbm>>
        tpu.wait_dma2 semaphore(%run_scoped3A_57 : memref<!tpu.dma_semaphore, #tpu.memory_space<semaphore_mem>>) src(%dma_wait3A_79 : memref<16x128xi32, #tpu.memory_space<hbm>>) dst(%dma_wait3A_77 : memref<16x128xi32, #tpu.memory_space<vmem>>)
        tpu.yield
      }) : () -> ()
    } else {
    }
    %barrier3A = arith.constant 0 : index
    tpu.barrier barrier_id(%barrier3A)
    %gt3A_32 = arith.constant 0 : i32
    %gt3A_33 = arith.cmpi sgt, %select_n3A, %gt3A_32 : i32
    %convert_element_type3A_34 = arith.extui %gt3A_33 : i1 to i32
    %cond3A_35 = arith.constant 0 : i32
    %cond3A_36 = arith.cmpi ne, %convert_element_type3A_34, %cond3A_35 : i32
    scf.if %cond3A_36 {
      %dma_start3A = arith.constant 0 : i32
      %dma_start3A_56 = arith.constant 0 : i32
      %dma_start3A_57 = arith.constant 0 : i32
      %dma_start3A_58 = arith.constant 0 : i32
      %dma_start3A_59 = arith.constant 0 : i32
      %dma_start3A_60 = arith.constant 0 : i32
      %dma_start3A_61 = tpu.memref_slice %arg9[%dma_start3A_57, %dma_start3A_59, %dma_start3A_60] : memref<2x128x128xf32, #tpu.memory_space<vmem>> -> memref<1x32x128xf32, #tpu.memory_space<vmem>>
      %dma_start3A_62 = tpu.memref_squeeze %dma_start3A_61 : memref<1x32x128xf32, #tpu.memory_space<vmem>> -> memref<32x128xf32, #tpu.memory_space<vmem>>
      %dma_start3A_63 = arith.constant 0 : i32
      %dma_start3A_64 = tpu.memref_slice %arg7[%dma_start3A, %dma_start3A_56, %dma_start3A_63] : memref<2x16x128xi32, #tpu.memory_space<vmem>> -> memref<1x1x32xi32, #tpu.memory_space<vmem>>
      %dma_start3A_65 = tpu.memref_squeeze %dma_start3A_64 : memref<1x1x32xi32, #tpu.memory_space<vmem>> -> memref<32xi32, #tpu.memory_space<vmem>>
      %dma_start3A_66 = arith.constant 0 : i32
      %dma_start3A_67 = arith.constant 0 : i32
      %dma_start3A_68 = tpu.memref_slice %arg2[%dma_start3A_66, %dma_start3A_67] : memref<10240x128xf32, #tpu.memory_space<hbm>> -> memref<10240x128xf32, #tpu.memory_space<hbm>>
      %dma_start3A_69 = tpu.memref_slice %arg11[%dma_start3A_58] : memref<2x!tpu.dma_semaphore, #tpu.memory_space<semaphore_mem>> -> memref<1x!tpu.dma_semaphore, #tpu.memory_space<semaphore_mem>>
      %dma_start3A_70 = tpu.memref_squeeze %dma_start3A_69 : memref<1x!tpu.dma_semaphore, #tpu.memory_space<semaphore_mem>> -> memref<!tpu.dma_semaphore, #tpu.memory_space<semaphore_mem>>
      tpu.enqueue_indirect_dma source(%dma_start3A_68 : memref<10240x128xf32, #tpu.memory_space<hbm>>) target(%dma_start3A_62 : memref<32x128xf32, #tpu.memory_space<vmem>>) offsets(%dma_start3A_65 : memref<32xi32, #tpu.memory_space<vmem>>) semaphore(%dma_start3A_70 : memref<!tpu.dma_semaphore, #tpu.memory_space<semaphore_mem>>)
      %dma_start3A_71 = arith.constant 0 : i32
      %dma_start3A_72 = arith.constant 0 : i32
      %dma_start3A_73 = arith.constant 0 : i32
      %dma_start3A_74 = arith.constant 0 : i32
      %dma_start3A_75 = arith.constant 32 : i32
      %dma_start3A_76 = arith.constant 0 : i32
      %dma_start3A_77 = tpu.memref_slice %arg9[%dma_start3A_73, %dma_start3A_75, %dma_start3A_76] : memref<2x128x128xf32, #tpu.memory_space<vmem>> -> memref<1x32x128xf32, #tpu.memory_space<vmem>>
      %dma_start3A_78 = tpu.memref_squeeze %dma_start3A_77 : memref<1x32x128xf32, #tpu.memory_space<vmem>> -> memref<32x128xf32, #tpu.memory_space<vmem>>
      %dma_start3A_79 = arith.constant 32 : i32
      %dma_start3A_80 = tpu.memref_slice %arg7[%dma_start3A_71, %dma_start3A_72, %dma_start3A_79] : memref<2x16x128xi32, #tpu.memory_space<vmem>> -> memref<1x1x32xi32, #tpu.memory_space<vmem>>
      %dma_start3A_81 = tpu.memref_squeeze %dma_start3A_80 : memref<1x1x32xi32, #tpu.memory_space<vmem>> -> memref<32xi32, #tpu.memory_space<vmem>>
      %dma_start3A_82 = arith.constant 0 : i32
      %dma_start3A_83 = arith.constant 0 : i32
      %dma_start3A_84 = tpu.memref_slice %arg2[%dma_start3A_82, %dma_start3A_83] : memref<10240x128xf32, #tpu.memory_space<hbm>> -> memref<10240x128xf32, #tpu.memory_space<hbm>>
      %dma_start3A_85 = tpu.memref_slice %arg11[%dma_start3A_74] : memref<2x!tpu.dma_semaphore, #tpu.memory_space<semaphore_mem>> -> memref<1x!tpu.dma_semaphore, #tpu.memory_space<semaphore_mem>>
      %dma_start3A_86 = tpu.memref_squeeze %dma_start3A_85 : memref<1x!tpu.dma_semaphore, #tpu.memory_space<semaphore_mem>> -> memref<!tpu.dma_semaphore, #tpu.memory_space<semaphore_mem>>
      tpu.enqueue_indirect_dma source(%dma_start3A_84 : memref<10240x128xf32, #tpu.memory_space<hbm>>) target(%dma_start3A_78 : memref<32x128xf32, #tpu.memory_space<vmem>>) offsets(%dma_start3A_81 : memref<32xi32, #tpu.memory_space<vmem>>) semaphore(%dma_start3A_86 : memref<!tpu.dma_semaphore, #tpu.memory_space<semaphore_mem>>)
      %dma_start3A_87 = arith.constant 0 : i32
      %dma_start3A_88 = arith.constant 0 : i32
      %dma_start3A_89 = arith.constant 0 : i32
      %dma_start3A_90 = arith.constant 0 : i32
      %dma_start3A_91 = arith.constant 64 : i32
      %dma_start3A_92 = arith.constant 0 : i32
      %dma_start3A_93 = tpu.memref_slice %arg9[%dma_start3A_89, %dma_start3A_91, %dma_start3A_92] : memref<2x128x128xf32, #tpu.memory_space<vmem>> -> memref<1x32x128xf32, #tpu.memory_space<vmem>>
      %dma_start3A_94 = tpu.memref_squeeze %dma_start3A_93 : memref<1x32x128xf32, #tpu.memory_space<vmem>> -> memref<32x128xf32, #tpu.memory_space<vmem>>
      %dma_start3A_95 = arith.constant 64 : i32
      %dma_start3A_96 = tpu.memref_slice %arg7[%dma_start3A_87, %dma_start3A_88, %dma_start3A_95] : memref<2x16x128xi32, #tpu.memory_space<vmem>> -> memref<1x1x32xi32, #tpu.memory_space<vmem>>
      %dma_start3A_97 = tpu.memref_squeeze %dma_start3A_96 : memref<1x1x32xi32, #tpu.memory_space<vmem>> -> memref<32xi32, #tpu.memory_space<vmem>>
      %dma_start3A_98 = arith.constant 0 : i32
      %dma_start3A_99 = arith.constant 0 : i32
      %dma_start3A_100 = tpu.memref_slice %arg2[%dma_start3A_98, %dma_start3A_99] : memref<10240x128xf32, #tpu.memory_space<hbm>> -> memref<10240x128xf32, #tpu.memory_space<hbm>>
      %dma_start3A_101 = tpu.memref_slice %arg11[%dma_start3A_90] : memref<2x!tpu.dma_semaphore, #tpu.memory_space<semaphore_mem>> -> memref<1x!tpu.dma_semaphore, #tpu.memory_space<semaphore_mem>>
      %dma_start3A_102 = tpu.memref_squeeze %dma_start3A_101 : memref<1x!tpu.dma_semaphore, #tpu.memory_space<semaphore_mem>> -> memref<!tpu.dma_semaphore, #tpu.memory_space<semaphore_mem>>
      tpu.enqueue_indirect_dma source(%dma_start3A_100 : memref<10240x128xf32, #tpu.memory_space<hbm>>) target(%dma_start3A_94 : memref<32x128xf32, #tpu.memory_space<vmem>>) offsets(%dma_start3A_97 : memref<32xi32, #tpu.memory_space<vmem>>) semaphore(%dma_start3A_102 : memref<!tpu.dma_semaphore, #tpu.memory_space<semaphore_mem>>)
      %dma_start3A_103 = arith.constant 0 : i32
      %dma_start3A_104 = arith.constant 0 : i32
      %dma_start3A_105 = arith.constant 0 : i32
      %dma_start3A_106 = arith.constant 0 : i32
      %dma_start3A_107 = arith.constant 96 : i32
      %dma_start3A_108 = arith.constant 0 : i32
      %dma_start3A_109 = tpu.memref_slice %arg9[%dma_start3A_105, %dma_start3A_107, %dma_start3A_108] : memref<2x128x128xf32, #tpu.memory_space<vmem>> -> memref<1x32x128xf32, #tpu.memory_space<vmem>>
      %dma_start3A_110 = tpu.memref_squeeze %dma_start3A_109 : memref<1x32x128xf32, #tpu.memory_space<vmem>> -> memref<32x128xf32, #tpu.memory_space<vmem>>
      %dma_start3A_111 = arith.constant 96 : i32
      %dma_start3A_112 = tpu.memref_slice %arg7[%dma_start3A_103, %dma_start3A_104, %dma_start3A_111] : memref<2x16x128xi32, #tpu.memory_space<vmem>> -> memref<1x1x32xi32, #tpu.memory_space<vmem>>
      %dma_start3A_113 = tpu.memref_squeeze %dma_start3A_112 : memref<1x1x32xi32, #tpu.memory_space<vmem>> -> memref<32xi32, #tpu.memory_space<vmem>>
      %dma_start3A_114 = arith.constant 0 : i32
      %dma_start3A_115 = arith.constant 0 : i32
      %dma_start3A_116 = tpu.memref_slice %arg2[%dma_start3A_114, %dma_start3A_115] : memref<10240x128xf32, #tpu.memory_space<hbm>> -> memref<10240x128xf32, #tpu.memory_space<hbm>>
      %dma_start3A_117 = tpu.memref_slice %arg11[%dma_start3A_106] : memref<2x!tpu.dma_semaphore, #tpu.memory_space<semaphore_mem>> -> memref<1x!tpu.dma_semaphore, #tpu.memory_space<semaphore_mem>>
      %dma_start3A_118 = tpu.memref_squeeze %dma_start3A_117 : memref<1x!tpu.dma_semaphore, #tpu.memory_space<semaphore_mem>> -> memref<!tpu.dma_semaphore, #tpu.memory_space<semaphore_mem>>
      tpu.enqueue_indirect_dma source(%dma_start3A_116 : memref<10240x128xf32, #tpu.memory_space<hbm>>) target(%dma_start3A_110 : memref<32x128xf32, #tpu.memory_space<vmem>>) offsets(%dma_start3A_113 : memref<32xi32, #tpu.memory_space<vmem>>) semaphore(%dma_start3A_118 : memref<!tpu.dma_semaphore, #tpu.memory_space<semaphore_mem>>)
    } else {
    }
    %while3A = arith.constant 0 : i32
    %while3A_37 = arith.constant 0 : i32
    %while3A_38 = arith.subi %select_n3A, %while3A_37 : i32
    %while3A_39 = arith.addi %while3A_37, %while3A_38 : i32
    %while3A_40 = arith.constant 1 : i32
    %while3A_41 = arith.divsi %while3A_38, %while3A_40 : i32
    %while3A_42 = arith.muli %while3A_41, %while3A_40 : i32
    %while3A_43 = arith.addi %while3A_37, %while3A_42 : i32
    %while3A_44 = arith.constant 1 : i32
    scf.for %while3A_56 = %while3A_37 to %while3A_43 step %while3A_44  : i32 {
      %rem3A = arith.constant 2 : i32
      %rem3A_57 = arith.remsi %while3A_56, %rem3A : i32
      %sub3A = arith.constant 1 : i32
      %sub3A_58 = arith.subi %sub3A, %rem3A_57 : i32
      %div3A = arith.constant 16 : i32
      %div3A_59 = arith.divsi %while3A_56, %div3A : i32
      %rem3A_60 = arith.constant 2 : i32
      %rem3A_61 = arith.remsi %div3A_59, %rem3A_60 : i32
      %rem3A_62 = arith.constant 16 : i32
      %rem3A_63 = arith.remsi %while3A_56, %rem3A_62 : i32
      %ge3A = arith.constant 1 : i32
      %ge3A_64 = arith.cmpi sge, %while3A_56, %ge3A : i32
      %convert_element_type3A_65 = arith.extui %ge3A_64 : i1 to i32
      %cond3A_66 = arith.constant 0 : i32
      %cond3A_67 = arith.cmpi ne, %convert_element_type3A_65, %cond3A_66 : i32
      scf.if %cond3A_67 {
        %dma_wait3A_114 = arith.constant 0 : i32
        %dma_wait3A_115 = arith.constant 0 : i32
        %dma_wait3A_116 = arith.constant 0 : i32
        %dma_wait3A_117 = arith.constant 0 : i32
        %dma_wait3A_118 = tpu.memref_slice %arg9[%sub3A_58, %dma_wait3A_116, %dma_wait3A_117] : memref<2x128x128xf32, #tpu.memory_space<vmem>> -> memref<1x128x128xf32, #tpu.memory_space<vmem>>
        %dma_wait3A_119 = tpu.memref_squeeze %dma_wait3A_118 : memref<1x128x128xf32, #tpu.memory_space<vmem>> -> memref<128x128xf32, #tpu.memory_space<vmem>>
        %dma_wait3A_120 = arith.constant 0 : i32
        %dma_wait3A_121 = tpu.memref_slice %arg7[%dma_wait3A_114, %dma_wait3A_115, %dma_wait3A_120] : memref<2x16x128xi32, #tpu.memory_space<vmem>> -> memref<1x1x128xi32, #tpu.memory_space<vmem>>
        %dma_wait3A_122 = tpu.memref_squeeze %dma_wait3A_121 : memref<1x1x128xi32, #tpu.memory_space<vmem>> -> memref<128xi32, #tpu.memory_space<vmem>>
        %dma_wait3A_123 = arith.constant 0 : i32
        %dma_wait3A_124 = arith.constant 0 : i32
        %dma_wait3A_125 = tpu.memref_slice %arg2[%dma_wait3A_123, %dma_wait3A_124] : memref<10240x128xf32, #tpu.memory_space<hbm>> -> memref<10240x128xf32, #tpu.memory_space<hbm>>
        %dma_wait3A_126 = tpu.memref_slice %arg12[%sub3A_58] : memref<2x!tpu.dma_semaphore, #tpu.memory_space<semaphore_mem>> -> memref<1x!tpu.dma_semaphore, #tpu.memory_space<semaphore_mem>>
        %dma_wait3A_127 = tpu.memref_squeeze %dma_wait3A_126 : memref<1x!tpu.dma_semaphore, #tpu.memory_space<semaphore_mem>> -> memref<!tpu.dma_semaphore, #tpu.memory_space<semaphore_mem>>
        tpu.wait_indirect_dma semaphore(%dma_wait3A_127 : memref<!tpu.dma_semaphore, #tpu.memory_space<semaphore_mem>>) src(%dma_wait3A_125 : memref<10240x128xf32, #tpu.memory_space<hbm>>) dst(%dma_wait3A_119 : memref<128x128xf32, #tpu.memory_space<vmem>>)
      } else {
      }
      %eq3A_68 = arith.constant 2 : i32
      %eq3A_69 = arith.cmpi eq, %rem3A_63, %eq3A_68 : i32
      %add3A_70 = arith.constant 16 : i32
      %add3A_71 = arith.addi %while3A_56, %add3A_70 : i32
      %lt3A = arith.cmpi slt, %add3A_71, %select_n3A : i32
      %and3A = arith.andi %eq3A_69, %lt3A : i1
      %convert_element_type3A_72 = arith.extui %and3A : i1 to i32
      %cond3A_73 = arith.constant 0 : i32
      %cond3A_74 = arith.cmpi ne, %convert_element_type3A_72, %cond3A_73 : i32
      scf.if %cond3A_74 {
        %add3A_114 = arith.constant 1 : i32
        %add3A_115 = arith.addi %div3A_59, %add3A_114 : i32
        %mul3A_116 = arith.constant 16 : i32
        %mul3A_117 = arith.muli %add3A_115, %mul3A_116 : i32
        %add3A_118 = arith.addi %min3A_29, %mul3A_117 : i32
        %sub3A_119 = arith.constant 1 : i32
        %sub3A_120 = arith.subi %sub3A_119, %rem3A_61 : i32
        %dma_start3A_121 = arith.constant 0 : i32
        %dma_start3A_122 = arith.constant 0 : i32
        %dma_start3A_123 = arith.constant 0 : i32
        %dma_start3A_124 = tpu.memref_slice %arg7[%sub3A_120, %dma_start3A_122, %dma_start3A_123] : memref<2x16x128xi32, #tpu.memory_space<vmem>> -> memref<1x16x128xi32, #tpu.memory_space<vmem>>
        %dma_start3A_125 = tpu.memref_squeeze %dma_start3A_124 : memref<1x16x128xi32, #tpu.memory_space<vmem>> -> memref<16x128xi32, #tpu.memory_space<vmem>>
        %dma_start3A_126 = arith.constant 0 : i32
        %dma_start3A_127 = tpu.memref_slice %arg3[%add3A_118, %dma_start3A_126] : memref<2560x128xi32, #tpu.memory_space<hbm>> -> memref<16x128xi32, #tpu.memory_space<hbm>>
        %dma_start3A_128 = tpu.memref_slice %arg13[%dma_start3A_121] : memref<2x!tpu.dma_semaphore, #tpu.memory_space<semaphore_mem>> -> memref<1x!tpu.dma_semaphore, #tpu.memory_space<semaphore_mem>>
        %dma_start3A_129 = tpu.memref_squeeze %dma_start3A_128 : memref<1x!tpu.dma_semaphore, #tpu.memory_space<semaphore_mem>> -> memref<!tpu.dma_semaphore, #tpu.memory_space<semaphore_mem>>
        %dma_start3A_130 = arith.constant 0 : i32
        %dma_start3A_131 = arith.constant 0 : i32
        %dma_start3A_132 = tpu.memref_slice %arg7[%sub3A_120, %dma_start3A_130, %dma_start3A_131] : memref<2x16x128xi32, #tpu.memory_space<vmem>> -> memref<1x16x128xi32, #tpu.memory_space<vmem>>
        %dma_start3A_133 = tpu.memref_squeeze %dma_start3A_132 : memref<1x16x128xi32, #tpu.memory_space<vmem>> -> memref<16x128xi32, #tpu.memory_space<vmem>>
        %dma_start3A_134 = arith.constant 0 : i32
        %dma_start3A_135 = tpu.memref_slice %arg3[%add3A_118, %dma_start3A_134] : memref<2560x128xi32, #tpu.memory_space<hbm>> -> memref<16x128xi32, #tpu.memory_space<hbm>>
        tpu.enqueue_dma source(%dma_start3A_135 : memref<16x128xi32, #tpu.memory_space<hbm>>) target(%dma_start3A_133 : memref<16x128xi32, #tpu.memory_space<vmem>>) target_semaphore(%dma_start3A_129 : memref<!tpu.dma_semaphore, #tpu.memory_space<semaphore_mem>>)
        %add3A_136 = arith.addi %min3A_29, %mul3A_117 : i32
        %sub3A_137 = arith.constant 1 : i32
        %sub3A_138 = arith.subi %sub3A_137, %rem3A_61 : i32
        %dma_start3A_139 = arith.constant 1 : i32
        %dma_start3A_140 = arith.constant 0 : i32
        %dma_start3A_141 = arith.constant 0 : i32
        %dma_start3A_142 = tpu.memref_slice %arg8[%sub3A_138, %dma_start3A_140, %dma_start3A_141] : memref<2x16x128xi32, #tpu.memory_space<vmem>> -> memref<1x16x128xi32, #tpu.memory_space<vmem>>
        %dma_start3A_143 = tpu.memref_squeeze %dma_start3A_142 : memref<1x16x128xi32, #tpu.memory_space<vmem>> -> memref<16x128xi32, #tpu.memory_space<vmem>>
        %dma_start3A_144 = arith.constant 0 : i32
        %dma_start3A_145 = tpu.memref_slice %arg4[%add3A_136, %dma_start3A_144] : memref<2560x128xi32, #tpu.memory_space<hbm>> -> memref<16x128xi32, #tpu.memory_space<hbm>>
        %dma_start3A_146 = tpu.memref_slice %arg13[%dma_start3A_139] : memref<2x!tpu.dma_semaphore, #tpu.memory_space<semaphore_mem>> -> memref<1x!tpu.dma_semaphore, #tpu.memory_space<semaphore_mem>>
        %dma_start3A_147 = tpu.memref_squeeze %dma_start3A_146 : memref<1x!tpu.dma_semaphore, #tpu.memory_space<semaphore_mem>> -> memref<!tpu.dma_semaphore, #tpu.memory_space<semaphore_mem>>
        %dma_start3A_148 = arith.constant 0 : i32
        %dma_start3A_149 = arith.constant 0 : i32
        %dma_start3A_150 = tpu.memref_slice %arg8[%sub3A_138, %dma_start3A_148, %dma_start3A_149] : memref<2x16x128xi32, #tpu.memory_space<vmem>> -> memref<1x16x128xi32, #tpu.memory_space<vmem>>
        %dma_start3A_151 = tpu.memref_squeeze %dma_start3A_150 : memref<1x16x128xi32, #tpu.memory_space<vmem>> -> memref<16x128xi32, #tpu.memory_space<vmem>>
        %dma_start3A_152 = arith.constant 0 : i32
        %dma_start3A_153 = tpu.memref_slice %arg4[%add3A_136, %dma_start3A_152] : memref<2560x128xi32, #tpu.memory_space<hbm>> -> memref<16x128xi32, #tpu.memory_space<hbm>>
        tpu.enqueue_dma source(%dma_start3A_153 : memref<16x128xi32, #tpu.memory_space<hbm>>) target(%dma_start3A_151 : memref<16x128xi32, #tpu.memory_space<vmem>>) target_semaphore(%dma_start3A_147 : memref<!tpu.dma_semaphore, #tpu.memory_space<semaphore_mem>>)
      } else {
      }
      %eq3A_75 = arith.constant 15 : i32
      %eq3A_76 = arith.cmpi eq, %rem3A_63, %eq3A_75 : i32
      %add3A_77 = arith.constant 16 : i32
      %add3A_78 = arith.addi %while3A_56, %add3A_77 : i32
      %lt3A_79 = arith.cmpi slt, %add3A_78, %select_n3A : i32
      %and3A_80 = arith.andi %eq3A_76, %lt3A_79 : i1
      %convert_element_type3A_81 = arith.extui %and3A_80 : i1 to i32
      %cond3A_82 = arith.constant 0 : i32
      %cond3A_83 = arith.cmpi ne, %convert_element_type3A_81, %cond3A_82 : i32
      scf.if %cond3A_83 {
        %dma_wait3A_114 = arith.constant 0 : i32
        %dma_wait3A_115 = arith.constant 0 : i32
        %dma_wait3A_116 = arith.constant 0 : i32
        %dma_wait3A_117 = arith.constant 0 : i32
        %dma_wait3A_118 = tpu.memref_slice %arg7[%dma_wait3A_114, %dma_wait3A_116, %dma_wait3A_117] : memref<2x16x128xi32, #tpu.memory_space<vmem>> -> memref<1x16x128xi32, #tpu.memory_space<vmem>>
        %dma_wait3A_119 = tpu.memref_squeeze %dma_wait3A_118 : memref<1x16x128xi32, #tpu.memory_space<vmem>> -> memref<16x128xi32, #tpu.memory_space<vmem>>
        %dma_wait3A_120 = arith.constant 0 : i32
        %dma_wait3A_121 = tpu.memref_slice %arg3[%min3A_29, %dma_wait3A_120] : memref<2560x128xi32, #tpu.memory_space<hbm>> -> memref<16x128xi32, #tpu.memory_space<hbm>>
        %dma_wait3A_122 = tpu.memref_slice %arg13[%dma_wait3A_115] : memref<2x!tpu.dma_semaphore, #tpu.memory_space<semaphore_mem>> -> memref<1x!tpu.dma_semaphore, #tpu.memory_space<semaphore_mem>>
        %dma_wait3A_123 = tpu.memref_squeeze %dma_wait3A_122 : memref<1x!tpu.dma_semaphore, #tpu.memory_space<semaphore_mem>> -> memref<!tpu.dma_semaphore, #tpu.memory_space<semaphore_mem>>
        %dma_wait3A_124 = arith.constant 0 : i32
        %dma_wait3A_125 = arith.constant 0 : i32
        %dma_wait3A_126 = tpu.memref_slice %arg7[%dma_wait3A_114, %dma_wait3A_124, %dma_wait3A_125] : memref<2x16x128xi32, #tpu.memory_space<vmem>> -> memref<1x16x128xi32, #tpu.memory_space<vmem>>
        %dma_wait3A_127 = tpu.memref_squeeze %dma_wait3A_126 : memref<1x16x128xi32, #tpu.memory_space<vmem>> -> memref<16x128xi32, #tpu.memory_space<vmem>>
        %dma_wait3A_128 = arith.constant 0 : i32
        %dma_wait3A_129 = tpu.memref_slice %arg3[%min3A_29, %dma_wait3A_128] : memref<2560x128xi32, #tpu.memory_space<hbm>> -> memref<16x128xi32, #tpu.memory_space<hbm>>
        tpu.wait_dma2 semaphore(%dma_wait3A_123 : memref<!tpu.dma_semaphore, #tpu.memory_space<semaphore_mem>>) src(%dma_wait3A_129 : memref<16x128xi32, #tpu.memory_space<hbm>>) dst(%dma_wait3A_127 : memref<16x128xi32, #tpu.memory_space<vmem>>)
        %dma_wait3A_130 = arith.constant 0 : i32
        %dma_wait3A_131 = arith.constant 1 : i32
        %dma_wait3A_132 = arith.constant 0 : i32
        %dma_wait3A_133 = arith.constant 0 : i32
        %dma_wait3A_134 = tpu.memref_slice %arg8[%dma_wait3A_130, %dma_wait3A_132, %dma_wait3A_133] : memref<2x16x128xi32, #tpu.memory_space<vmem>> -> memref<1x16x128xi32, #tpu.memory_space<vmem>>
        %dma_wait3A_135 = tpu.memref_squeeze %dma_wait3A_134 : memref<1x16x128xi32, #tpu.memory_space<vmem>> -> memref<16x128xi32, #tpu.memory_space<vmem>>
        %dma_wait3A_136 = arith.constant 0 : i32
        %dma_wait3A_137 = tpu.memref_slice %arg4[%min3A_29, %dma_wait3A_136] : memref<2560x128xi32, #tpu.memory_space<hbm>> -> memref<16x128xi32, #tpu.memory_space<hbm>>
        %dma_wait3A_138 = tpu.memref_slice %arg13[%dma_wait3A_131] : memref<2x!tpu.dma_semaphore, #tpu.memory_space<semaphore_mem>> -> memref<1x!tpu.dma_semaphore, #tpu.memory_space<semaphore_mem>>
        %dma_wait3A_139 = tpu.memref_squeeze %dma_wait3A_138 : memref<1x!tpu.dma_semaphore, #tpu.memory_space<semaphore_mem>> -> memref<!tpu.dma_semaphore, #tpu.memory_space<semaphore_mem>>
        %dma_wait3A_140 = arith.constant 0 : i32
        %dma_wait3A_141 = arith.constant 0 : i32
        %dma_wait3A_142 = tpu.memref_slice %arg8[%dma_wait3A_130, %dma_wait3A_140, %dma_wait3A_141] : memref<2x16x128xi32, #tpu.memory_space<vmem>> -> memref<1x16x128xi32, #tpu.memory_space<vmem>>
        %dma_wait3A_143 = tpu.memref_squeeze %dma_wait3A_142 : memref<1x16x128xi32, #tpu.memory_space<vmem>> -> memref<16x128xi32, #tpu.memory_space<vmem>>
        %dma_wait3A_144 = arith.constant 0 : i32
        %dma_wait3A_145 = tpu.memref_slice %arg4[%min3A_29, %dma_wait3A_144] : memref<2560x128xi32, #tpu.memory_space<hbm>> -> memref<16x128xi32, #tpu.memory_space<hbm>>
        tpu.wait_dma2 semaphore(%dma_wait3A_139 : memref<!tpu.dma_semaphore, #tpu.memory_space<semaphore_mem>>) src(%dma_wait3A_145 : memref<16x128xi32, #tpu.memory_space<hbm>>) dst(%dma_wait3A_143 : memref<16x128xi32, #tpu.memory_space<vmem>>)
      } else {
      }
      %add3A_84 = arith.constant 1 : i32
      %add3A_85 = arith.addi %while3A_56, %add3A_84 : i32
      %lt3A_86 = arith.cmpi slt, %add3A_85, %select_n3A : i32
      %convert_element_type3A_87 = arith.extui %lt3A_86 : i1 to i32
      %cond3A_88 = arith.constant 0 : i32
      %cond3A_89 = arith.cmpi ne, %convert_element_type3A_87, %cond3A_88 : i32
      scf.if %cond3A_89 {
        %add3A_114 = arith.constant 1 : i32
        %add3A_115 = arith.addi %while3A_56, %add3A_114 : i32
        %div3A_116 = arith.constant 16 : i32
        %div3A_117 = arith.divsi %add3A_115, %div3A_116 : i32
        %rem3A_118 = arith.constant 2 : i32
        %rem3A_119 = arith.remsi %div3A_117, %rem3A_118 : i32
        %rem3A_120 = arith.constant 16 : i32
        %rem3A_121 = arith.remsi %add3A_115, %rem3A_120 : i32
        %dma_start3A_122 = arith.constant 0 : i32
        %dma_start3A_123 = arith.constant 0 : i32
        %dma_start3A_124 = tpu.memref_slice %arg9[%sub3A_58, %dma_start3A_122, %dma_start3A_123] : memref<2x128x128xf32, #tpu.memory_space<vmem>> -> memref<1x32x128xf32, #tpu.memory_space<vmem>>
        %dma_start3A_125 = tpu.memref_squeeze %dma_start3A_124 : memref<1x32x128xf32, #tpu.memory_space<vmem>> -> memref<32x128xf32, #tpu.memory_space<vmem>>
        %dma_start3A_126 = arith.constant 0 : i32
        %dma_start3A_127 = tpu.memref_slice %arg7[%rem3A_119, %rem3A_121, %dma_start3A_126] : memref<2x16x128xi32, #tpu.memory_space<vmem>> -> memref<1x1x32xi32, #tpu.memory_space<vmem>>
        %dma_start3A_128 = tpu.memref_squeeze %dma_start3A_127 : memref<1x1x32xi32, #tpu.memory_space<vmem>> -> memref<32xi32, #tpu.memory_space<vmem>>
        %dma_start3A_129 = arith.constant 0 : i32
        %dma_start3A_130 = arith.constant 0 : i32
        %dma_start3A_131 = tpu.memref_slice %arg2[%dma_start3A_129, %dma_start3A_130] : memref<10240x128xf32, #tpu.memory_space<hbm>> -> memref<10240x128xf32, #tpu.memory_space<hbm>>
        %dma_start3A_132 = tpu.memref_slice %arg11[%sub3A_58] : memref<2x!tpu.dma_semaphore, #tpu.memory_space<semaphore_mem>> -> memref<1x!tpu.dma_semaphore, #tpu.memory_space<semaphore_mem>>
        %dma_start3A_133 = tpu.memref_squeeze %dma_start3A_132 : memref<1x!tpu.dma_semaphore, #tpu.memory_space<semaphore_mem>> -> memref<!tpu.dma_semaphore, #tpu.memory_space<semaphore_mem>>
        tpu.enqueue_indirect_dma source(%dma_start3A_131 : memref<10240x128xf32, #tpu.memory_space<hbm>>) target(%dma_start3A_125 : memref<32x128xf32, #tpu.memory_space<vmem>>) offsets(%dma_start3A_128 : memref<32xi32, #tpu.memory_space<vmem>>) semaphore(%dma_start3A_133 : memref<!tpu.dma_semaphore, #tpu.memory_space<semaphore_mem>>)
        %dma_start3A_134 = arith.constant 32 : i32
        %dma_start3A_135 = arith.constant 0 : i32
        %dma_start3A_136 = tpu.memref_slice %arg9[%sub3A_58, %dma_start3A_134, %dma_start3A_135] : memref<2x128x128xf32, #tpu.memory_space<vmem>> -> memref<1x32x128xf32, #tpu.memory_space<vmem>>
        %dma_start3A_137 = tpu.memref_squeeze %dma_start3A_136 : memref<1x32x128xf32, #tpu.memory_space<vmem>> -> memref<32x128xf32, #tpu.memory_space<vmem>>
        %dma_start3A_138 = arith.constant 32 : i32
        %dma_start3A_139 = tpu.memref_slice %arg7[%rem3A_119, %rem3A_121, %dma_start3A_138] : memref<2x16x128xi32, #tpu.memory_space<vmem>> -> memref<1x1x32xi32, #tpu.memory_space<vmem>>
        %dma_start3A_140 = tpu.memref_squeeze %dma_start3A_139 : memref<1x1x32xi32, #tpu.memory_space<vmem>> -> memref<32xi32, #tpu.memory_space<vmem>>
        %dma_start3A_141 = arith.constant 0 : i32
        %dma_start3A_142 = arith.constant 0 : i32
        %dma_start3A_143 = tpu.memref_slice %arg2[%dma_start3A_141, %dma_start3A_142] : memref<10240x128xf32, #tpu.memory_space<hbm>> -> memref<10240x128xf32, #tpu.memory_space<hbm>>
        %dma_start3A_144 = tpu.memref_slice %arg11[%sub3A_58] : memref<2x!tpu.dma_semaphore, #tpu.memory_space<semaphore_mem>> -> memref<1x!tpu.dma_semaphore, #tpu.memory_space<semaphore_mem>>
        %dma_start3A_145 = tpu.memref_squeeze %dma_start3A_144 : memref<1x!tpu.dma_semaphore, #tpu.memory_space<semaphore_mem>> -> memref<!tpu.dma_semaphore, #tpu.memory_space<semaphore_mem>>
        tpu.enqueue_indirect_dma source(%dma_start3A_143 : memref<10240x128xf32, #tpu.memory_space<hbm>>) target(%dma_start3A_137 : memref<32x128xf32, #tpu.memory_space<vmem>>) offsets(%dma_start3A_140 : memref<32xi32, #tpu.memory_space<vmem>>) semaphore(%dma_start3A_145 : memref<!tpu.dma_semaphore, #tpu.memory_space<semaphore_mem>>)
        %dma_start3A_146 = arith.constant 64 : i32
        %dma_start3A_147 = arith.constant 0 : i32
        %dma_start3A_148 = tpu.memref_slice %arg9[%sub3A_58, %dma_start3A_146, %dma_start3A_147] : memref<2x128x128xf32, #tpu.memory_space<vmem>> -> memref<1x32x128xf32, #tpu.memory_space<vmem>>
        %dma_start3A_149 = tpu.memref_squeeze %dma_start3A_148 : memref<1x32x128xf32, #tpu.memory_space<vmem>> -> memref<32x128xf32, #tpu.memory_space<vmem>>
        %dma_start3A_150 = arith.constant 64 : i32
        %dma_start3A_151 = tpu.memref_slice %arg7[%rem3A_119, %rem3A_121, %dma_start3A_150] : memref<2x16x128xi32, #tpu.memory_space<vmem>> -> memref<1x1x32xi32, #tpu.memory_space<vmem>>
        %dma_start3A_152 = tpu.memref_squeeze %dma_start3A_151 : memref<1x1x32xi32, #tpu.memory_space<vmem>> -> memref<32xi32, #tpu.memory_space<vmem>>
        %dma_start3A_153 = arith.constant 0 : i32
        %dma_start3A_154 = arith.constant 0 : i32
        %dma_start3A_155 = tpu.memref_slice %arg2[%dma_start3A_153, %dma_start3A_154] : memref<10240x128xf32, #tpu.memory_space<hbm>> -> memref<10240x128xf32, #tpu.memory_space<hbm>>
        %dma_start3A_156 = tpu.memref_slice %arg11[%sub3A_58] : memref<2x!tpu.dma_semaphore, #tpu.memory_space<semaphore_mem>> -> memref<1x!tpu.dma_semaphore, #tpu.memory_space<semaphore_mem>>
        %dma_start3A_157 = tpu.memref_squeeze %dma_start3A_156 : memref<1x!tpu.dma_semaphore, #tpu.memory_space<semaphore_mem>> -> memref<!tpu.dma_semaphore, #tpu.memory_space<semaphore_mem>>
        tpu.enqueue_indirect_dma source(%dma_start3A_155 : memref<10240x128xf32, #tpu.memory_space<hbm>>) target(%dma_start3A_149 : memref<32x128xf32, #tpu.memory_space<vmem>>) offsets(%dma_start3A_152 : memref<32xi32, #tpu.memory_space<vmem>>) semaphore(%dma_start3A_157 : memref<!tpu.dma_semaphore, #tpu.memory_space<semaphore_mem>>)
        %dma_start3A_158 = arith.constant 96 : i32
        %dma_start3A_159 = arith.constant 0 : i32
        %dma_start3A_160 = tpu.memref_slice %arg9[%sub3A_58, %dma_start3A_158, %dma_start3A_159] : memref<2x128x128xf32, #tpu.memory_space<vmem>> -> memref<1x32x128xf32, #tpu.memory_space<vmem>>
        %dma_start3A_161 = tpu.memref_squeeze %dma_start3A_160 : memref<1x32x128xf32, #tpu.memory_space<vmem>> -> memref<32x128xf32, #tpu.memory_space<vmem>>
        %dma_start3A_162 = arith.constant 96 : i32
        %dma_start3A_163 = tpu.memref_slice %arg7[%rem3A_119, %rem3A_121, %dma_start3A_162] : memref<2x16x128xi32, #tpu.memory_space<vmem>> -> memref<1x1x32xi32, #tpu.memory_space<vmem>>
        %dma_start3A_164 = tpu.memref_squeeze %dma_start3A_163 : memref<1x1x32xi32, #tpu.memory_space<vmem>> -> memref<32xi32, #tpu.memory_space<vmem>>
        %dma_start3A_165 = arith.constant 0 : i32
        %dma_start3A_166 = arith.constant 0 : i32
        %dma_start3A_167 = tpu.memref_slice %arg2[%dma_start3A_165, %dma_start3A_166] : memref<10240x128xf32, #tpu.memory_space<hbm>> -> memref<10240x128xf32, #tpu.memory_space<hbm>>
        %dma_start3A_168 = tpu.memref_slice %arg11[%sub3A_58] : memref<2x!tpu.dma_semaphore, #tpu.memory_space<semaphore_mem>> -> memref<1x!tpu.dma_semaphore, #tpu.memory_space<semaphore_mem>>
        %dma_start3A_169 = tpu.memref_squeeze %dma_start3A_168 : memref<1x!tpu.dma_semaphore, #tpu.memory_space<semaphore_mem>> -> memref<!tpu.dma_semaphore, #tpu.memory_space<semaphore_mem>>
        tpu.enqueue_indirect_dma source(%dma_start3A_167 : memref<10240x128xf32, #tpu.memory_space<hbm>>) target(%dma_start3A_161 : memref<32x128xf32, #tpu.memory_space<vmem>>) offsets(%dma_start3A_164 : memref<32xi32, #tpu.memory_space<vmem>>) semaphore(%dma_start3A_169 : memref<!tpu.dma_semaphore, #tpu.memory_space<semaphore_mem>>)
      } else {
      }
      %dma_wait3A = arith.constant 0 : i32
      %dma_wait3A_90 = arith.constant 0 : i32
      %dma_wait3A_91 = arith.constant 0 : i32
      %dma_wait3A_92 = arith.constant 0 : i32
      %dma_wait3A_93 = tpu.memref_slice %arg9[%rem3A_57, %dma_wait3A_91, %dma_wait3A_92] : memref<2x128x128xf32, #tpu.memory_space<vmem>> -> memref<1x128x128xf32, #tpu.memory_space<vmem>>
      %dma_wait3A_94 = tpu.memref_squeeze %dma_wait3A_93 : memref<1x128x128xf32, #tpu.memory_space<vmem>> -> memref<128x128xf32, #tpu.memory_space<vmem>>
      %dma_wait3A_95 = arith.constant 0 : i32
      %dma_wait3A_96 = tpu.memref_slice %arg7[%dma_wait3A, %dma_wait3A_90, %dma_wait3A_95] : memref<2x16x128xi32, #tpu.memory_space<vmem>> -> memref<1x1x128xi32, #tpu.memory_space<vmem>>
      %dma_wait3A_97 = tpu.memref_squeeze %dma_wait3A_96 : memref<1x1x128xi32, #tpu.memory_space<vmem>> -> memref<128xi32, #tpu.memory_space<vmem>>
      %dma_wait3A_98 = arith.constant 0 : i32
      %dma_wait3A_99 = arith.constant 0 : i32
      %dma_wait3A_100 = tpu.memref_slice %arg2[%dma_wait3A_98, %dma_wait3A_99] : memref<10240x128xf32, #tpu.memory_space<hbm>> -> memref<10240x128xf32, #tpu.memory_space<hbm>>
      %dma_wait3A_101 = tpu.memref_slice %arg11[%rem3A_57] : memref<2x!tpu.dma_semaphore, #tpu.memory_space<semaphore_mem>> -> memref<1x!tpu.dma_semaphore, #tpu.memory_space<semaphore_mem>>
      %dma_wait3A_102 = tpu.memref_squeeze %dma_wait3A_101 : memref<1x!tpu.dma_semaphore, #tpu.memory_space<semaphore_mem>> -> memref<!tpu.dma_semaphore, #tpu.memory_space<semaphore_mem>>
      tpu.wait_indirect_dma semaphore(%dma_wait3A_102 : memref<!tpu.dma_semaphore, #tpu.memory_space<semaphore_mem>>) src(%dma_wait3A_100 : memref<10240x128xf32, #tpu.memory_space<hbm>>) dst(%dma_wait3A_94 : memref<128x128xf32, #tpu.memory_space<vmem>>)
      %dma_start3A = arith.constant 0 : i32
      %dma_start3A_103 = arith.constant 0 : i32
      %dma_start3A_104 = tpu.memref_slice %arg9[%rem3A_57, %dma_start3A, %dma_start3A_103] : memref<2x128x128xf32, #tpu.memory_space<vmem>> -> memref<1x128x128xf32, #tpu.memory_space<vmem>>
      %dma_start3A_105 = tpu.memref_squeeze %dma_start3A_104 : memref<1x128x128xf32, #tpu.memory_space<vmem>> -> memref<128x128xf32, #tpu.memory_space<vmem>>
      %dma_start3A_106 = arith.constant 0 : i32
      %dma_start3A_107 = tpu.memref_slice %arg8[%rem3A_61, %rem3A_63, %dma_start3A_106] : memref<2x16x128xi32, #tpu.memory_space<vmem>> -> memref<1x1x128xi32, #tpu.memory_space<vmem>>
      %dma_start3A_108 = tpu.memref_squeeze %dma_start3A_107 : memref<1x1x128xi32, #tpu.memory_space<vmem>> -> memref<128xi32, #tpu.memory_space<vmem>>
      %dma_start3A_109 = arith.constant 0 : i32
      %dma_start3A_110 = arith.constant 0 : i32
      %dma_start3A_111 = tpu.memref_slice %arg10[%dma_start3A_109, %dma_start3A_110] : memref<10240x128xf32, #tpu.memory_space<vmem_shared>> -> memref<10240x128xf32, #tpu.memory_space<vmem_shared>>
      %dma_start3A_112 = tpu.memref_slice %arg12[%rem3A_57] : memref<2x!tpu.dma_semaphore, #tpu.memory_space<semaphore_mem>> -> memref<1x!tpu.dma_semaphore, #tpu.memory_space<semaphore_mem>>
      %dma_start3A_113 = tpu.memref_squeeze %dma_start3A_112 : memref<1x!tpu.dma_semaphore, #tpu.memory_space<semaphore_mem>> -> memref<!tpu.dma_semaphore, #tpu.memory_space<semaphore_mem>>
      tpu.enqueue_indirect_dma source(%dma_start3A_105 : memref<128x128xf32, #tpu.memory_space<vmem>>) target(%dma_start3A_111 : memref<10240x128xf32, #tpu.memory_space<vmem_shared>>) offsets(%dma_start3A_108 : memref<128xi32, #tpu.memory_space<vmem>>) semaphore(%dma_start3A_113 : memref<!tpu.dma_semaphore, #tpu.memory_space<semaphore_mem>>) {add = true}
    }
    %while3A_45 = arith.constant 1 : i32
    scf.for %while3A_56 = %while3A_43 to %while3A_39 step %while3A_45  : i32 {
      %rem3A = arith.constant 2 : i32
      %rem3A_57 = arith.remsi %while3A_56, %rem3A : i32
      %sub3A = arith.constant 1 : i32
      %sub3A_58 = arith.subi %sub3A, %rem3A_57 : i32
      %div3A = arith.constant 16 : i32
      %div3A_59 = arith.divsi %while3A_56, %div3A : i32
      %rem3A_60 = arith.constant 2 : i32
      %rem3A_61 = arith.remsi %div3A_59, %rem3A_60 : i32
      %rem3A_62 = arith.constant 16 : i32
      %rem3A_63 = arith.remsi %while3A_56, %rem3A_62 : i32
      %ge3A = arith.constant 1 : i32
      %ge3A_64 = arith.cmpi sge, %while3A_56, %ge3A : i32
      %convert_element_type3A_65 = arith.extui %ge3A_64 : i1 to i32
      %cond3A_66 = arith.constant 0 : i32
      %cond3A_67 = arith.cmpi ne, %convert_element_type3A_65, %cond3A_66 : i32
      scf.if %cond3A_67 {
        %dma_wait3A_114 = arith.constant 0 : i32
        %dma_wait3A_115 = arith.constant 0 : i32
        %dma_wait3A_116 = arith.constant 0 : i32
        %dma_wait3A_117 = arith.constant 0 : i32
        %dma_wait3A_118 = tpu.memref_slice %arg9[%sub3A_58, %dma_wait3A_116, %dma_wait3A_117] : memref<2x128x128xf32, #tpu.memory_space<vmem>> -> memref<1x128x128xf32, #tpu.memory_space<vmem>>
        %dma_wait3A_119 = tpu.memref_squeeze %dma_wait3A_118 : memref<1x128x128xf32, #tpu.memory_space<vmem>> -> memref<128x128xf32, #tpu.memory_space<vmem>>
        %dma_wait3A_120 = arith.constant 0 : i32
        %dma_wait3A_121 = tpu.memref_slice %arg7[%dma_wait3A_114, %dma_wait3A_115, %dma_wait3A_120] : memref<2x16x128xi32, #tpu.memory_space<vmem>> -> memref<1x1x128xi32, #tpu.memory_space<vmem>>
        %dma_wait3A_122 = tpu.memref_squeeze %dma_wait3A_121 : memref<1x1x128xi32, #tpu.memory_space<vmem>> -> memref<128xi32, #tpu.memory_space<vmem>>
        %dma_wait3A_123 = arith.constant 0 : i32
        %dma_wait3A_124 = arith.constant 0 : i32
        %dma_wait3A_125 = tpu.memref_slice %arg2[%dma_wait3A_123, %dma_wait3A_124] : memref<10240x128xf32, #tpu.memory_space<hbm>> -> memref<10240x128xf32, #tpu.memory_space<hbm>>
        %dma_wait3A_126 = tpu.memref_slice %arg12[%sub3A_58] : memref<2x!tpu.dma_semaphore, #tpu.memory_space<semaphore_mem>> -> memref<1x!tpu.dma_semaphore, #tpu.memory_space<semaphore_mem>>
        %dma_wait3A_127 = tpu.memref_squeeze %dma_wait3A_126 : memref<1x!tpu.dma_semaphore, #tpu.memory_space<semaphore_mem>> -> memref<!tpu.dma_semaphore, #tpu.memory_space<semaphore_mem>>
        tpu.wait_indirect_dma semaphore(%dma_wait3A_127 : memref<!tpu.dma_semaphore, #tpu.memory_space<semaphore_mem>>) src(%dma_wait3A_125 : memref<10240x128xf32, #tpu.memory_space<hbm>>) dst(%dma_wait3A_119 : memref<128x128xf32, #tpu.memory_space<vmem>>)
      } else {
      }
      %eq3A_68 = arith.constant 2 : i32
      %eq3A_69 = arith.cmpi eq, %rem3A_63, %eq3A_68 : i32
      %add3A_70 = arith.constant 16 : i32
      %add3A_71 = arith.addi %while3A_56, %add3A_70 : i32
      %lt3A = arith.cmpi slt, %add3A_71, %select_n3A : i32
      %and3A = arith.andi %eq3A_69, %lt3A : i1
      %convert_element_type3A_72 = arith.extui %and3A : i1 to i32
      %cond3A_73 = arith.constant 0 : i32
      %cond3A_74 = arith.cmpi ne, %convert_element_type3A_72, %cond3A_73 : i32
      scf.if %cond3A_74 {
        %add3A_114 = arith.constant 1 : i32
        %add3A_115 = arith.addi %div3A_59, %add3A_114 : i32
        %mul3A_116 = arith.constant 16 : i32
        %mul3A_117 = arith.muli %add3A_115, %mul3A_116 : i32
        %add3A_118 = arith.addi %min3A_29, %mul3A_117 : i32
        %sub3A_119 = arith.constant 1 : i32
        %sub3A_120 = arith.subi %sub3A_119, %rem3A_61 : i32
        %dma_start3A_121 = arith.constant 0 : i32
        %dma_start3A_122 = arith.constant 0 : i32
        %dma_start3A_123 = arith.constant 0 : i32
        %dma_start3A_124 = tpu.memref_slice %arg7[%sub3A_120, %dma_start3A_122, %dma_start3A_123] : memref<2x16x128xi32, #tpu.memory_space<vmem>> -> memref<1x16x128xi32, #tpu.memory_space<vmem>>
        %dma_start3A_125 = tpu.memref_squeeze %dma_start3A_124 : memref<1x16x128xi32, #tpu.memory_space<vmem>> -> memref<16x128xi32, #tpu.memory_space<vmem>>
        %dma_start3A_126 = arith.constant 0 : i32
        %dma_start3A_127 = tpu.memref_slice %arg3[%add3A_118, %dma_start3A_126] : memref<2560x128xi32, #tpu.memory_space<hbm>> -> memref<16x128xi32, #tpu.memory_space<hbm>>
        %dma_start3A_128 = tpu.memref_slice %arg13[%dma_start3A_121] : memref<2x!tpu.dma_semaphore, #tpu.memory_space<semaphore_mem>> -> memref<1x!tpu.dma_semaphore, #tpu.memory_space<semaphore_mem>>
        %dma_start3A_129 = tpu.memref_squeeze %dma_start3A_128 : memref<1x!tpu.dma_semaphore, #tpu.memory_space<semaphore_mem>> -> memref<!tpu.dma_semaphore, #tpu.memory_space<semaphore_mem>>
        %dma_start3A_130 = arith.constant 0 : i32
        %dma_start3A_131 = arith.constant 0 : i32
        %dma_start3A_132 = tpu.memref_slice %arg7[%sub3A_120, %dma_start3A_130, %dma_start3A_131] : memref<2x16x128xi32, #tpu.memory_space<vmem>> -> memref<1x16x128xi32, #tpu.memory_space<vmem>>
        %dma_start3A_133 = tpu.memref_squeeze %dma_start3A_132 : memref<1x16x128xi32, #tpu.memory_space<vmem>> -> memref<16x128xi32, #tpu.memory_space<vmem>>
        %dma_start3A_134 = arith.constant 0 : i32
        %dma_start3A_135 = tpu.memref_slice %arg3[%add3A_118, %dma_start3A_134] : memref<2560x128xi32, #tpu.memory_space<hbm>> -> memref<16x128xi32, #tpu.memory_space<hbm>>
        tpu.enqueue_dma source(%dma_start3A_135 : memref<16x128xi32, #tpu.memory_space<hbm>>) target(%dma_start3A_133 : memref<16x128xi32, #tpu.memory_space<vmem>>) target_semaphore(%dma_start3A_129 : memref<!tpu.dma_semaphore, #tpu.memory_space<semaphore_mem>>)
        %add3A_136 = arith.addi %min3A_29, %mul3A_117 : i32
        %sub3A_137 = arith.constant 1 : i32
        %sub3A_138 = arith.subi %sub3A_137, %rem3A_61 : i32
        %dma_start3A_139 = arith.constant 1 : i32
        %dma_start3A_140 = arith.constant 0 : i32
        %dma_start3A_141 = arith.constant 0 : i32
        %dma_start3A_142 = tpu.memref_slice %arg8[%sub3A_138, %dma_start3A_140, %dma_start3A_141] : memref<2x16x128xi32, #tpu.memory_space<vmem>> -> memref<1x16x128xi32, #tpu.memory_space<vmem>>
        %dma_start3A_143 = tpu.memref_squeeze %dma_start3A_142 : memref<1x16x128xi32, #tpu.memory_space<vmem>> -> memref<16x128xi32, #tpu.memory_space<vmem>>
        %dma_start3A_144 = arith.constant 0 : i32
        %dma_start3A_145 = tpu.memref_slice %arg4[%add3A_136, %dma_start3A_144] : memref<2560x128xi32, #tpu.memory_space<hbm>> -> memref<16x128xi32, #tpu.memory_space<hbm>>
        %dma_start3A_146 = tpu.memref_slice %arg13[%dma_start3A_139] : memref<2x!tpu.dma_semaphore, #tpu.memory_space<semaphore_mem>> -> memref<1x!tpu.dma_semaphore, #tpu.memory_space<semaphore_mem>>
        %dma_start3A_147 = tpu.memref_squeeze %dma_start3A_146 : memref<1x!tpu.dma_semaphore, #tpu.memory_space<semaphore_mem>> -> memref<!tpu.dma_semaphore, #tpu.memory_space<semaphore_mem>>
        %dma_start3A_148 = arith.constant 0 : i32
        %dma_start3A_149 = arith.constant 0 : i32
        %dma_start3A_150 = tpu.memref_slice %arg8[%sub3A_138, %dma_start3A_148, %dma_start3A_149] : memref<2x16x128xi32, #tpu.memory_space<vmem>> -> memref<1x16x128xi32, #tpu.memory_space<vmem>>
        %dma_start3A_151 = tpu.memref_squeeze %dma_start3A_150 : memref<1x16x128xi32, #tpu.memory_space<vmem>> -> memref<16x128xi32, #tpu.memory_space<vmem>>
        %dma_start3A_152 = arith.constant 0 : i32
        %dma_start3A_153 = tpu.memref_slice %arg4[%add3A_136, %dma_start3A_152] : memref<2560x128xi32, #tpu.memory_space<hbm>> -> memref<16x128xi32, #tpu.memory_space<hbm>>
        tpu.enqueue_dma source(%dma_start3A_153 : memref<16x128xi32, #tpu.memory_space<hbm>>) target(%dma_start3A_151 : memref<16x128xi32, #tpu.memory_space<vmem>>) target_semaphore(%dma_start3A_147 : memref<!tpu.dma_semaphore, #tpu.memory_space<semaphore_mem>>)
      } else {
      }
      %eq3A_75 = arith.constant 15 : i32
      %eq3A_76 = arith.cmpi eq, %rem3A_63, %eq3A_75 : i32
      %add3A_77 = arith.constant 16 : i32
      %add3A_78 = arith.addi %while3A_56, %add3A_77 : i32
      %lt3A_79 = arith.cmpi slt, %add3A_78, %select_n3A : i32
      %and3A_80 = arith.andi %eq3A_76, %lt3A_79 : i1
      %convert_element_type3A_81 = arith.extui %and3A_80 : i1 to i32
      %cond3A_82 = arith.constant 0 : i32
      %cond3A_83 = arith.cmpi ne, %convert_element_type3A_81, %cond3A_82 : i32
      scf.if %cond3A_83 {
        %dma_wait3A_114 = arith.constant 0 : i32
        %dma_wait3A_115 = arith.constant 0 : i32
        %dma_wait3A_116 = arith.constant 0 : i32
        %dma_wait3A_117 = arith.constant 0 : i32
        %dma_wait3A_118 = tpu.memref_slice %arg7[%dma_wait3A_114, %dma_wait3A_116, %dma_wait3A_117] : memref<2x16x128xi32, #tpu.memory_space<vmem>> -> memref<1x16x128xi32, #tpu.memory_space<vmem>>
        %dma_wait3A_119 = tpu.memref_squeeze %dma_wait3A_118 : memref<1x16x128xi32, #tpu.memory_space<vmem>> -> memref<16x128xi32, #tpu.memory_space<vmem>>
        %dma_wait3A_120 = arith.constant 0 : i32
        %dma_wait3A_121 = tpu.memref_slice %arg3[%min3A_29, %dma_wait3A_120] : memref<2560x128xi32, #tpu.memory_space<hbm>> -> memref<16x128xi32, #tpu.memory_space<hbm>>
        %dma_wait3A_122 = tpu.memref_slice %arg13[%dma_wait3A_115] : memref<2x!tpu.dma_semaphore, #tpu.memory_space<semaphore_mem>> -> memref<1x!tpu.dma_semaphore, #tpu.memory_space<semaphore_mem>>
        %dma_wait3A_123 = tpu.memref_squeeze %dma_wait3A_122 : memref<1x!tpu.dma_semaphore, #tpu.memory_space<semaphore_mem>> -> memref<!tpu.dma_semaphore, #tpu.memory_space<semaphore_mem>>
        %dma_wait3A_124 = arith.constant 0 : i32
        %dma_wait3A_125 = arith.constant 0 : i32
        %dma_wait3A_126 = tpu.memref_slice %arg7[%dma_wait3A_114, %dma_wait3A_124, %dma_wait3A_125] : memref<2x16x128xi32, #tpu.memory_space<vmem>> -> memref<1x16x128xi32, #tpu.memory_space<vmem>>
        %dma_wait3A_127 = tpu.memref_squeeze %dma_wait3A_126 : memref<1x16x128xi32, #tpu.memory_space<vmem>> -> memref<16x128xi32, #tpu.memory_space<vmem>>
        %dma_wait3A_128 = arith.constant 0 : i32
        %dma_wait3A_129 = tpu.memref_slice %arg3[%min3A_29, %dma_wait3A_128] : memref<2560x128xi32, #tpu.memory_space<hbm>> -> memref<16x128xi32, #tpu.memory_space<hbm>>
        tpu.wait_dma2 semaphore(%dma_wait3A_123 : memref<!tpu.dma_semaphore, #tpu.memory_space<semaphore_mem>>) src(%dma_wait3A_129 : memref<16x128xi32, #tpu.memory_space<hbm>>) dst(%dma_wait3A_127 : memref<16x128xi32, #tpu.memory_space<vmem>>)
        %dma_wait3A_130 = arith.constant 0 : i32
        %dma_wait3A_131 = arith.constant 1 : i32
        %dma_wait3A_132 = arith.constant 0 : i32
        %dma_wait3A_133 = arith.constant 0 : i32
        %dma_wait3A_134 = tpu.memref_slice %arg8[%dma_wait3A_130, %dma_wait3A_132, %dma_wait3A_133] : memref<2x16x128xi32, #tpu.memory_space<vmem>> -> memref<1x16x128xi32, #tpu.memory_space<vmem>>
        %dma_wait3A_135 = tpu.memref_squeeze %dma_wait3A_134 : memref<1x16x128xi32, #tpu.memory_space<vmem>> -> memref<16x128xi32, #tpu.memory_space<vmem>>
        %dma_wait3A_136 = arith.constant 0 : i32
        %dma_wait3A_137 = tpu.memref_slice %arg4[%min3A_29, %dma_wait3A_136] : memref<2560x128xi32, #tpu.memory_space<hbm>> -> memref<16x128xi32, #tpu.memory_space<hbm>>
        %dma_wait3A_138 = tpu.memref_slice %arg13[%dma_wait3A_131] : memref<2x!tpu.dma_semaphore, #tpu.memory_space<semaphore_mem>> -> memref<1x!tpu.dma_semaphore, #tpu.memory_space<semaphore_mem>>
        %dma_wait3A_139 = tpu.memref_squeeze %dma_wait3A_138 : memref<1x!tpu.dma_semaphore, #tpu.memory_space<semaphore_mem>> -> memref<!tpu.dma_semaphore, #tpu.memory_space<semaphore_mem>>
        %dma_wait3A_140 = arith.constant 0 : i32
        %dma_wait3A_141 = arith.constant 0 : i32
        %dma_wait3A_142 = tpu.memref_slice %arg8[%dma_wait3A_130, %dma_wait3A_140, %dma_wait3A_141] : memref<2x16x128xi32, #tpu.memory_space<vmem>> -> memref<1x16x128xi32, #tpu.memory_space<vmem>>
        %dma_wait3A_143 = tpu.memref_squeeze %dma_wait3A_142 : memref<1x16x128xi32, #tpu.memory_space<vmem>> -> memref<16x128xi32, #tpu.memory_space<vmem>>
        %dma_wait3A_144 = arith.constant 0 : i32
        %dma_wait3A_145 = tpu.memref_slice %arg4[%min3A_29, %dma_wait3A_144] : memref<2560x128xi32, #tpu.memory_space<hbm>> -> memref<16x128xi32, #tpu.memory_space<hbm>>
        tpu.wait_dma2 semaphore(%dma_wait3A_139 : memref<!tpu.dma_semaphore, #tpu.memory_space<semaphore_mem>>) src(%dma_wait3A_145 : memref<16x128xi32, #tpu.memory_space<hbm>>) dst(%dma_wait3A_143 : memref<16x128xi32, #tpu.memory_space<vmem>>)
      } else {
      }
      %add3A_84 = arith.constant 1 : i32
      %add3A_85 = arith.addi %while3A_56, %add3A_84 : i32
      %lt3A_86 = arith.cmpi slt, %add3A_85, %select_n3A : i32
      %convert_element_type3A_87 = arith.extui %lt3A_86 : i1 to i32
      %cond3A_88 = arith.constant 0 : i32
      %cond3A_89 = arith.cmpi ne, %convert_element_type3A_87, %cond3A_88 : i32
      scf.if %cond3A_89 {
        %add3A_114 = arith.constant 1 : i32
        %add3A_115 = arith.addi %while3A_56, %add3A_114 : i32
        %div3A_116 = arith.constant 16 : i32
        %div3A_117 = arith.divsi %add3A_115, %div3A_116 : i32
        %rem3A_118 = arith.constant 2 : i32
        %rem3A_119 = arith.remsi %div3A_117, %rem3A_118 : i32
        %rem3A_120 = arith.constant 16 : i32
        %rem3A_121 = arith.remsi %add3A_115, %rem3A_120 : i32
        %dma_start3A_122 = arith.constant 0 : i32
        %dma_start3A_123 = arith.constant 0 : i32
        %dma_start3A_124 = tpu.memref_slice %arg9[%sub3A_58, %dma_start3A_122, %dma_start3A_123] : memref<2x128x128xf32, #tpu.memory_space<vmem>> -> memref<1x32x128xf32, #tpu.memory_space<vmem>>
        %dma_start3A_125 = tpu.memref_squeeze %dma_start3A_124 : memref<1x32x128xf32, #tpu.memory_space<vmem>> -> memref<32x128xf32, #tpu.memory_space<vmem>>
        %dma_start3A_126 = arith.constant 0 : i32
        %dma_start3A_127 = tpu.memref_slice %arg7[%rem3A_119, %rem3A_121, %dma_start3A_126] : memref<2x16x128xi32, #tpu.memory_space<vmem>> -> memref<1x1x32xi32, #tpu.memory_space<vmem>>
        %dma_start3A_128 = tpu.memref_squeeze %dma_start3A_127 : memref<1x1x32xi32, #tpu.memory_space<vmem>> -> memref<32xi32, #tpu.memory_space<vmem>>
        %dma_start3A_129 = arith.constant 0 : i32
        %dma_start3A_130 = arith.constant 0 : i32
        %dma_start3A_131 = tpu.memref_slice %arg2[%dma_start3A_129, %dma_start3A_130] : memref<10240x128xf32, #tpu.memory_space<hbm>> -> memref<10240x128xf32, #tpu.memory_space<hbm>>
        %dma_start3A_132 = tpu.memref_slice %arg11[%sub3A_58] : memref<2x!tpu.dma_semaphore, #tpu.memory_space<semaphore_mem>> -> memref<1x!tpu.dma_semaphore, #tpu.memory_space<semaphore_mem>>
        %dma_start3A_133 = tpu.memref_squeeze %dma_start3A_132 : memref<1x!tpu.dma_semaphore, #tpu.memory_space<semaphore_mem>> -> memref<!tpu.dma_semaphore, #tpu.memory_space<semaphore_mem>>
        tpu.enqueue_indirect_dma source(%dma_start3A_131 : memref<10240x128xf32, #tpu.memory_space<hbm>>) target(%dma_start3A_125 : memref<32x128xf32, #tpu.memory_space<vmem>>) offsets(%dma_start3A_128 : memref<32xi32, #tpu.memory_space<vmem>>) semaphore(%dma_start3A_133 : memref<!tpu.dma_semaphore, #tpu.memory_space<semaphore_mem>>)
        %dma_start3A_134 = arith.constant 32 : i32
        %dma_start3A_135 = arith.constant 0 : i32
        %dma_start3A_136 = tpu.memref_slice %arg9[%sub3A_58, %dma_start3A_134, %dma_start3A_135] : memref<2x128x128xf32, #tpu.memory_space<vmem>> -> memref<1x32x128xf32, #tpu.memory_space<vmem>>
        %dma_start3A_137 = tpu.memref_squeeze %dma_start3A_136 : memref<1x32x128xf32, #tpu.memory_space<vmem>> -> memref<32x128xf32, #tpu.memory_space<vmem>>
        %dma_start3A_138 = arith.constant 32 : i32
        %dma_start3A_139 = tpu.memref_slice %arg7[%rem3A_119, %rem3A_121, %dma_start3A_138] : memref<2x16x128xi32, #tpu.memory_space<vmem>> -> memref<1x1x32xi32, #tpu.memory_space<vmem>>
        %dma_start3A_140 = tpu.memref_squeeze %dma_start3A_139 : memref<1x1x32xi32, #tpu.memory_space<vmem>> -> memref<32xi32, #tpu.memory_space<vmem>>
        %dma_start3A_141 = arith.constant 0 : i32
        %dma_start3A_142 = arith.constant 0 : i32
        %dma_start3A_143 = tpu.memref_slice %arg2[%dma_start3A_141, %dma_start3A_142] : memref<10240x128xf32, #tpu.memory_space<hbm>> -> memref<10240x128xf32, #tpu.memory_space<hbm>>
        %dma_start3A_144 = tpu.memref_slice %arg11[%sub3A_58] : memref<2x!tpu.dma_semaphore, #tpu.memory_space<semaphore_mem>> -> memref<1x!tpu.dma_semaphore, #tpu.memory_space<semaphore_mem>>
        %dma_start3A_145 = tpu.memref_squeeze %dma_start3A_144 : memref<1x!tpu.dma_semaphore, #tpu.memory_space<semaphore_mem>> -> memref<!tpu.dma_semaphore, #tpu.memory_space<semaphore_mem>>
        tpu.enqueue_indirect_dma source(%dma_start3A_143 : memref<10240x128xf32, #tpu.memory_space<hbm>>) target(%dma_start3A_137 : memref<32x128xf32, #tpu.memory_space<vmem>>) offsets(%dma_start3A_140 : memref<32xi32, #tpu.memory_space<vmem>>) semaphore(%dma_start3A_145 : memref<!tpu.dma_semaphore, #tpu.memory_space<semaphore_mem>>)
        %dma_start3A_146 = arith.constant 64 : i32
        %dma_start3A_147 = arith.constant 0 : i32
        %dma_start3A_148 = tpu.memref_slice %arg9[%sub3A_58, %dma_start3A_146, %dma_start3A_147] : memref<2x128x128xf32, #tpu.memory_space<vmem>> -> memref<1x32x128xf32, #tpu.memory_space<vmem>>
        %dma_start3A_149 = tpu.memref_squeeze %dma_start3A_148 : memref<1x32x128xf32, #tpu.memory_space<vmem>> -> memref<32x128xf32, #tpu.memory_space<vmem>>
        %dma_start3A_150 = arith.constant 64 : i32
        %dma_start3A_151 = tpu.memref_slice %arg7[%rem3A_119, %rem3A_121, %dma_start3A_150] : memref<2x16x128xi32, #tpu.memory_space<vmem>> -> memref<1x1x32xi32, #tpu.memory_space<vmem>>
        %dma_start3A_152 = tpu.memref_squeeze %dma_start3A_151 : memref<1x1x32xi32, #tpu.memory_space<vmem>> -> memref<32xi32, #tpu.memory_space<vmem>>
        %dma_start3A_153 = arith.constant 0 : i32
        %dma_start3A_154 = arith.constant 0 : i32
        %dma_start3A_155 = tpu.memref_slice %arg2[%dma_start3A_153, %dma_start3A_154] : memref<10240x128xf32, #tpu.memory_space<hbm>> -> memref<10240x128xf32, #tpu.memory_space<hbm>>
        %dma_start3A_156 = tpu.memref_slice %arg11[%sub3A_58] : memref<2x!tpu.dma_semaphore, #tpu.memory_space<semaphore_mem>> -> memref<1x!tpu.dma_semaphore, #tpu.memory_space<semaphore_mem>>
        %dma_start3A_157 = tpu.memref_squeeze %dma_start3A_156 : memref<1x!tpu.dma_semaphore, #tpu.memory_space<semaphore_mem>> -> memref<!tpu.dma_semaphore, #tpu.memory_space<semaphore_mem>>
        tpu.enqueue_indirect_dma source(%dma_start3A_155 : memref<10240x128xf32, #tpu.memory_space<hbm>>) target(%dma_start3A_149 : memref<32x128xf32, #tpu.memory_space<vmem>>) offsets(%dma_start3A_152 : memref<32xi32, #tpu.memory_space<vmem>>) semaphore(%dma_start3A_157 : memref<!tpu.dma_semaphore, #tpu.memory_space<semaphore_mem>>)
        %dma_start3A_158 = arith.constant 96 : i32
        %dma_start3A_159 = arith.constant 0 : i32
        %dma_start3A_160 = tpu.memref_slice %arg9[%sub3A_58, %dma_start3A_158, %dma_start3A_159] : memref<2x128x128xf32, #tpu.memory_space<vmem>> -> memref<1x32x128xf32, #tpu.memory_space<vmem>>
        %dma_start3A_161 = tpu.memref_squeeze %dma_start3A_160 : memref<1x32x128xf32, #tpu.memory_space<vmem>> -> memref<32x128xf32, #tpu.memory_space<vmem>>
        %dma_start3A_162 = arith.constant 96 : i32
        %dma_start3A_163 = tpu.memref_slice %arg7[%rem3A_119, %rem3A_121, %dma_start3A_162] : memref<2x16x128xi32, #tpu.memory_space<vmem>> -> memref<1x1x32xi32, #tpu.memory_space<vmem>>
        %dma_start3A_164 = tpu.memref_squeeze %dma_start3A_163 : memref<1x1x32xi32, #tpu.memory_space<vmem>> -> memref<32xi32, #tpu.memory_space<vmem>>
        %dma_start3A_165 = arith.constant 0 : i32
        %dma_start3A_166 = arith.constant 0 : i32
        %dma_start3A_167 = tpu.memref_slice %arg2[%dma_start3A_165, %dma_start3A_166] : memref<10240x128xf32, #tpu.memory_space<hbm>> -> memref<10240x128xf32, #tpu.memory_space<hbm>>
        %dma_start3A_168 = tpu.memref_slice %arg11[%sub3A_58] : memref<2x!tpu.dma_semaphore, #tpu.memory_space<semaphore_mem>> -> memref<1x!tpu.dma_semaphore, #tpu.memory_space<semaphore_mem>>
        %dma_start3A_169 = tpu.memref_squeeze %dma_start3A_168 : memref<1x!tpu.dma_semaphore, #tpu.memory_space<semaphore_mem>> -> memref<!tpu.dma_semaphore, #tpu.memory_space<semaphore_mem>>
        tpu.enqueue_indirect_dma source(%dma_start3A_167 : memref<10240x128xf32, #tpu.memory_space<hbm>>) target(%dma_start3A_161 : memref<32x128xf32, #tpu.memory_space<vmem>>) offsets(%dma_start3A_164 : memref<32xi32, #tpu.memory_space<vmem>>) semaphore(%dma_start3A_169 : memref<!tpu.dma_semaphore, #tpu.memory_space<semaphore_mem>>)
      } else {
      }
      %dma_wait3A = arith.constant 0 : i32
      %dma_wait3A_90 = arith.constant 0 : i32
      %dma_wait3A_91 = arith.constant 0 : i32
      %dma_wait3A_92 = arith.constant 0 : i32
      %dma_wait3A_93 = tpu.memref_slice %arg9[%rem3A_57, %dma_wait3A_91, %dma_wait3A_92] : memref<2x128x128xf32, #tpu.memory_space<vmem>> -> memref<1x128x128xf32, #tpu.memory_space<vmem>>
      %dma_wait3A_94 = tpu.memref_squeeze %dma_wait3A_93 : memref<1x128x128xf32, #tpu.memory_space<vmem>> -> memref<128x128xf32, #tpu.memory_space<vmem>>
      %dma_wait3A_95 = arith.constant 0 : i32
      %dma_wait3A_96 = tpu.memref_slice %arg7[%dma_wait3A, %dma_wait3A_90, %dma_wait3A_95] : memref<2x16x128xi32, #tpu.memory_space<vmem>> -> memref<1x1x128xi32, #tpu.memory_space<vmem>>
      %dma_wait3A_97 = tpu.memref_squeeze %dma_wait3A_96 : memref<1x1x128xi32, #tpu.memory_space<vmem>> -> memref<128xi32, #tpu.memory_space<vmem>>
      %dma_wait3A_98 = arith.constant 0 : i32
      %dma_wait3A_99 = arith.constant 0 : i32
      %dma_wait3A_100 = tpu.memref_slice %arg2[%dma_wait3A_98, %dma_wait3A_99] : memref<10240x128xf32, #tpu.memory_space<hbm>> -> memref<10240x128xf32, #tpu.memory_space<hbm>>
      %dma_wait3A_101 = tpu.memref_slice %arg11[%rem3A_57] : memref<2x!tpu.dma_semaphore, #tpu.memory_space<semaphore_mem>> -> memref<1x!tpu.dma_semaphore, #tpu.memory_space<semaphore_mem>>
      %dma_wait3A_102 = tpu.memref_squeeze %dma_wait3A_101 : memref<1x!tpu.dma_semaphore, #tpu.memory_space<semaphore_mem>> -> memref<!tpu.dma_semaphore, #tpu.memory_space<semaphore_mem>>
      tpu.wait_indirect_dma semaphore(%dma_wait3A_102 : memref<!tpu.dma_semaphore, #tpu.memory_space<semaphore_mem>>) src(%dma_wait3A_100 : memref<10240x128xf32, #tpu.memory_space<hbm>>) dst(%dma_wait3A_94 : memref<128x128xf32, #tpu.memory_space<vmem>>)
      %dma_start3A = arith.constant 0 : i32
      %dma_start3A_103 = arith.constant 0 : i32
      %dma_start3A_104 = tpu.memref_slice %arg9[%rem3A_57, %dma_start3A, %dma_start3A_103] : memref<2x128x128xf32, #tpu.memory_space<vmem>> -> memref<1x128x128xf32, #tpu.memory_space<vmem>>
      %dma_start3A_105 = tpu.memref_squeeze %dma_start3A_104 : memref<1x128x128xf32, #tpu.memory_space<vmem>> -> memref<128x128xf32, #tpu.memory_space<vmem>>
      %dma_start3A_106 = arith.constant 0 : i32
      %dma_start3A_107 = tpu.memref_slice %arg8[%rem3A_61, %rem3A_63, %dma_start3A_106] : memref<2x16x128xi32, #tpu.memory_space<vmem>> -> memref<1x1x128xi32, #tpu.memory_space<vmem>>
      %dma_start3A_108 = tpu.memref_squeeze %dma_start3A_107 : memref<1x1x128xi32, #tpu.memory_space<vmem>> -> memref<128xi32, #tpu.memory_space<vmem>>
      %dma_start3A_109 = arith.constant 0 : i32
      %dma_start3A_110 = arith.constant 0 : i32
      %dma_start3A_111 = tpu.memref_slice %arg10[%dma_start3A_109, %dma_start3A_110] : memref<10240x128xf32, #tpu.memory_space<vmem_shared>> -> memref<10240x128xf32, #tpu.memory_space<vmem_shared>>
      %dma_start3A_112 = tpu.memref_slice %arg12[%rem3A_57] : memref<2x!tpu.dma_semaphore, #tpu.memory_space<semaphore_mem>> -> memref<1x!tpu.dma_semaphore, #tpu.memory_space<semaphore_mem>>
      %dma_start3A_113 = tpu.memref_squeeze %dma_start3A_112 : memref<1x!tpu.dma_semaphore, #tpu.memory_space<semaphore_mem>> -> memref<!tpu.dma_semaphore, #tpu.memory_space<semaphore_mem>>
      tpu.enqueue_indirect_dma source(%dma_start3A_105 : memref<128x128xf32, #tpu.memory_space<vmem>>) target(%dma_start3A_111 : memref<10240x128xf32, #tpu.memory_space<vmem_shared>>) offsets(%dma_start3A_108 : memref<128xi32, #tpu.memory_space<vmem>>) semaphore(%dma_start3A_113 : memref<!tpu.dma_semaphore, #tpu.memory_space<semaphore_mem>>) {add = true}
    }
    %gt3A_46 = arith.constant 0 : i32
    %gt3A_47 = arith.cmpi sgt, %select_n3A, %gt3A_46 : i32
    %convert_element_type3A_48 = arith.extui %gt3A_47 : i1 to i32
    %cond3A_49 = arith.constant 0 : i32
    %cond3A_50 = arith.cmpi ne, %convert_element_type3A_48, %cond3A_49 : i32
    scf.if %cond3A_50 {
      %dma_wait3A = arith.constant 0 : i32
      %dma_wait3A_56 = arith.constant 0 : i32
      %dma_wait3A_57 = arith.constant 1 : i32
      %dma_wait3A_58 = arith.constant 1 : i32
      %dma_wait3A_59 = arith.constant 0 : i32
      %dma_wait3A_60 = arith.constant 0 : i32
      %dma_wait3A_61 = tpu.memref_slice %arg9[%dma_wait3A_57, %dma_wait3A_59, %dma_wait3A_60] : memref<2x128x128xf32, #tpu.memory_space<vmem>> -> memref<1x128x128xf32, #tpu.memory_space<vmem>>
      %dma_wait3A_62 = tpu.memref_squeeze %dma_wait3A_61 : memref<1x128x128xf32, #tpu.memory_space<vmem>> -> memref<128x128xf32, #tpu.memory_space<vmem>>
      %dma_wait3A_63 = arith.constant 0 : i32
      %dma_wait3A_64 = tpu.memref_slice %arg7[%dma_wait3A, %dma_wait3A_56, %dma_wait3A_63] : memref<2x16x128xi32, #tpu.memory_space<vmem>> -> memref<1x1x128xi32, #tpu.memory_space<vmem>>
      %dma_wait3A_65 = tpu.memref_squeeze %dma_wait3A_64 : memref<1x1x128xi32, #tpu.memory_space<vmem>> -> memref<128xi32, #tpu.memory_space<vmem>>
      %dma_wait3A_66 = arith.constant 0 : i32
      %dma_wait3A_67 = arith.constant 0 : i32
      %dma_wait3A_68 = tpu.memref_slice %arg2[%dma_wait3A_66, %dma_wait3A_67] : memref<10240x128xf32, #tpu.memory_space<hbm>> -> memref<10240x128xf32, #tpu.memory_space<hbm>>
      %dma_wait3A_69 = tpu.memref_slice %arg12[%dma_wait3A_58] : memref<2x!tpu.dma_semaphore, #tpu.memory_space<semaphore_mem>> -> memref<1x!tpu.dma_semaphore, #tpu.memory_space<semaphore_mem>>
      %dma_wait3A_70 = tpu.memref_squeeze %dma_wait3A_69 : memref<1x!tpu.dma_semaphore, #tpu.memory_space<semaphore_mem>> -> memref<!tpu.dma_semaphore, #tpu.memory_space<semaphore_mem>>
      tpu.wait_indirect_dma semaphore(%dma_wait3A_70 : memref<!tpu.dma_semaphore, #tpu.memory_space<semaphore_mem>>) src(%dma_wait3A_68 : memref<10240x128xf32, #tpu.memory_space<hbm>>) dst(%dma_wait3A_62 : memref<128x128xf32, #tpu.memory_space<vmem>>)
    } else {
    }
    %barrier3A_51 = arith.constant 0 : index
    tpu.barrier barrier_id(%barrier3A_51)
    %mul3A_52 = arith.constant 640 : i32
    %mul3A_53 = arith.muli %arg1, %mul3A_52 : i32
    %mul3A_54 = arith.constant 640 : i32
    %mul3A_55 = arith.muli %arg1, %mul3A_54 : i32
    "tpu.region"() ({
      %run_scoped3A = tpu.sem_alloc : memref<!tpu.dma_semaphore, #tpu.memory_space<semaphore_mem>>
      %dma_start3A = arith.constant 0 : i32
      %dma_start3A_56 = tpu.memref_slice %arg6[%arg0, %mul3A_55, %dma_start3A] : memref<2x10240x128xf32, #tpu.memory_space<hbm>> -> memref<1x640x128xf32, #tpu.memory_space<hbm>>
      %dma_start3A_57 = tpu.memref_squeeze %dma_start3A_56 : memref<1x640x128xf32, #tpu.memory_space<hbm>> -> memref<640x128xf32, #tpu.memory_space<hbm>>
      %dma_start3A_58 = arith.constant 0 : i32
      %dma_start3A_59 = tpu.memref_slice %arg10[%mul3A_53, %dma_start3A_58] : memref<10240x128xf32, #tpu.memory_space<vmem_shared>> -> memref<640x128xf32, #tpu.memory_space<vmem_shared>>
      tpu.enqueue_dma source(%dma_start3A_59 : memref<640x128xf32, #tpu.memory_space<vmem_shared>>) target(%dma_start3A_57 : memref<640x128xf32, #tpu.memory_space<hbm>>) target_semaphore(%run_scoped3A : memref<!tpu.dma_semaphore, #tpu.memory_space<semaphore_mem>>)
      %dma_wait3A = arith.constant 0 : i32
      %dma_wait3A_60 = tpu.memref_slice %arg6[%arg0, %mul3A_55, %dma_wait3A] : memref<2x10240x128xf32, #tpu.memory_space<hbm>> -> memref<1x640x128xf32, #tpu.memory_space<hbm>>
      %dma_wait3A_61 = tpu.memref_squeeze %dma_wait3A_60 : memref<1x640x128xf32, #tpu.memory_space<hbm>> -> memref<640x128xf32, #tpu.memory_space<hbm>>
      %dma_wait3A_62 = arith.constant 0 : i32
      %dma_wait3A_63 = tpu.memref_slice %arg10[%mul3A_53, %dma_wait3A_62] : memref<10240x128xf32, #tpu.memory_space<vmem_shared>> -> memref<640x128xf32, #tpu.memory_space<vmem_shared>>
      tpu.wait_dma2 semaphore(%run_scoped3A : memref<!tpu.dma_semaphore, #tpu.memory_space<semaphore_mem>>) src(%dma_wait3A_63 : memref<640x128xf32, #tpu.memory_space<vmem_shared>>) dst(%dma_wait3A_61 : memref<640x128xf32, #tpu.memory_space<hbm>>)
      tpu.yield
    }) : () -> ()
    return
  }
}

#map = affine_map<(d0, d1) -> (0, 0)>
#map1 = affine_map<(d0, d1) -> (0, 0, 0)>
module attributes {stable_mosaic.version = 14 : i64} {
  func.func @_sc_msgpass_body(%arg0: i32, %arg1: i32, %arg2: memref<10240x128xf32, #tpu.memory_space<hbm>>, %arg3: memref<2560x128xi32, #tpu.memory_space<hbm>>, %arg4: memref<2560x128xi32, #tpu.memory_space<hbm>>, %arg5: memref<128x128xf32, #tpu.memory_space<hbm>>, %arg6: memref<2x10240x128xf32, #tpu.memory_space<hbm>>, %arg7: memref<2x16x128xi32, #tpu.memory_space<vmem>>, %arg8: memref<2x16x128xi32, #tpu.memory_space<vmem>>, %arg9: memref<2x128x128xf32, #tpu.memory_space<vmem>>, %arg10: memref<10240x128xf32, #tpu.memory_space<vmem_shared>>, %arg11: memref<2x!tpu.dma_semaphore, #tpu.memory_space<semaphore_mem>>, %arg12: memref<2x!tpu.dma_semaphore, #tpu.memory_space<semaphore_mem>>, %arg13: memref<2x!tpu.dma_semaphore, #tpu.memory_space<semaphore_mem>>) attributes {dimension_semantics = [#tpu.dimension_semantics<core_parallel>, #tpu.dimension_semantics<subcore_parallel>], iteration_bounds = array<i64: 2, 16>, scalar_prefetch = 0 : i64, scratch_operands = 7 : i64, tpu.core_type = #tpu.core_type<sc_vector_subcore>, window_params = [{transform_indices = #map}, {transform_indices = #map}, {transform_indices = #map}, {transform_indices = #map}, {transform_indices = #map1}]} {
    %mul3A = arith.constant 640 : i32
    %mul3A_0 = arith.muli %arg1, %mul3A : i32
    %add3A = arith.constant 0 : i32
    %add3A_1 = arith.addi %mul3A_0, %add3A : i32
    "tpu.region"() ({
      %run_scoped3A = tpu.sem_alloc : memref<!tpu.dma_semaphore, #tpu.memory_space<semaphore_mem>>
      %dma_start3A = arith.constant 0 : i32
      %dma_start3A_56 = tpu.memref_slice %arg10[%add3A_1, %dma_start3A] : memref<10240x128xf32, #tpu.memory_space<vmem_shared>> -> memref<128x128xf32, #tpu.memory_space<vmem_shared>>
      tpu.enqueue_dma source(%arg5 : memref<128x128xf32, #tpu.memory_space<hbm>>) target(%dma_start3A_56 : memref<128x128xf32, #tpu.memory_space<vmem_shared>>) target_semaphore(%run_scoped3A : memref<!tpu.dma_semaphore, #tpu.memory_space<semaphore_mem>>)
      %dma_wait3A = arith.constant 0 : i32
      %dma_wait3A_57 = tpu.memref_slice %arg10[%add3A_1, %dma_wait3A] : memref<10240x128xf32, #tpu.memory_space<vmem_shared>> -> memref<128x128xf32, #tpu.memory_space<vmem_shared>>
      tpu.wait_dma2 semaphore(%run_scoped3A : memref<!tpu.dma_semaphore, #tpu.memory_space<semaphore_mem>>) src(%arg5 : memref<128x128xf32, #tpu.memory_space<hbm>>) dst(%dma_wait3A_57 : memref<128x128xf32, #tpu.memory_space<vmem_shared>>)
      tpu.yield
    }) : () -> ()
    %mul3A_2 = arith.constant 640 : i32
    %mul3A_3 = arith.muli %arg1, %mul3A_2 : i32
    %add3A_4 = arith.constant 128 : i32
    %add3A_5 = arith.addi %mul3A_3, %add3A_4 : i32
    "tpu.region"() ({
      %run_scoped3A = tpu.sem_alloc : memref<!tpu.dma_semaphore, #tpu.memory_space<semaphore_mem>>
      %dma_start3A = arith.constant 0 : i32
      %dma_start3A_56 = tpu.memref_slice %arg10[%add3A_5, %dma_start3A] : memref<10240x128xf32, #tpu.memory_space<vmem_shared>> -> memref<128x128xf32, #tpu.memory_space<vmem_shared>>
      tpu.enqueue_dma source(%arg5 : memref<128x128xf32, #tpu.memory_space<hbm>>) target(%dma_start3A_56 : memref<128x128xf32, #tpu.memory_space<vmem_shared>>) target_semaphore(%run_scoped3A : memref<!tpu.dma_semaphore, #tpu.memory_space<semaphore_mem>>)
      %dma_wait3A = arith.constant 0 : i32
      %dma_wait3A_57 = tpu.memref_slice %arg10[%add3A_5, %dma_wait3A] : memref<10240x128xf32, #tpu.memory_space<vmem_shared>> -> memref<128x128xf32, #tpu.memory_space<vmem_shared>>
      tpu.wait_dma2 semaphore(%run_scoped3A : memref<!tpu.dma_semaphore, #tpu.memory_space<semaphore_mem>>) src(%arg5 : memref<128x128xf32, #tpu.memory_space<hbm>>) dst(%dma_wait3A_57 : memref<128x128xf32, #tpu.memory_space<vmem_shared>>)
      tpu.yield
    }) : () -> ()
    %mul3A_6 = arith.constant 640 : i32
    %mul3A_7 = arith.muli %arg1, %mul3A_6 : i32
    %add3A_8 = arith.constant 256 : i32
    %add3A_9 = arith.addi %mul3A_7, %add3A_8 : i32
    "tpu.region"() ({
      %run_scoped3A = tpu.sem_alloc : memref<!tpu.dma_semaphore, #tpu.memory_space<semaphore_mem>>
      %dma_start3A = arith.constant 0 : i32
      %dma_start3A_56 = tpu.memref_slice %arg10[%add3A_9, %dma_start3A] : memref<10240x128xf32, #tpu.memory_space<vmem_shared>> -> memref<128x128xf32, #tpu.memory_space<vmem_shared>>
      tpu.enqueue_dma source(%arg5 : memref<128x128xf32, #tpu.memory_space<hbm>>) target(%dma_start3A_56 : memref<128x128xf32, #tpu.memory_space<vmem_shared>>) target_semaphore(%run_scoped3A : memref<!tpu.dma_semaphore, #tpu.memory_space<semaphore_mem>>)
      %dma_wait3A = arith.constant 0 : i32
      %dma_wait3A_57 = tpu.memref_slice %arg10[%add3A_9, %dma_wait3A] : memref<10240x128xf32, #tpu.memory_space<vmem_shared>> -> memref<128x128xf32, #tpu.memory_space<vmem_shared>>
      tpu.wait_dma2 semaphore(%run_scoped3A : memref<!tpu.dma_semaphore, #tpu.memory_space<semaphore_mem>>) src(%arg5 : memref<128x128xf32, #tpu.memory_space<hbm>>) dst(%dma_wait3A_57 : memref<128x128xf32, #tpu.memory_space<vmem_shared>>)
      tpu.yield
    }) : () -> ()
    %mul3A_10 = arith.constant 640 : i32
    %mul3A_11 = arith.muli %arg1, %mul3A_10 : i32
    %add3A_12 = arith.constant 384 : i32
    %add3A_13 = arith.addi %mul3A_11, %add3A_12 : i32
    "tpu.region"() ({
      %run_scoped3A = tpu.sem_alloc : memref<!tpu.dma_semaphore, #tpu.memory_space<semaphore_mem>>
      %dma_start3A = arith.constant 0 : i32
      %dma_start3A_56 = tpu.memref_slice %arg10[%add3A_13, %dma_start3A] : memref<10240x128xf32, #tpu.memory_space<vmem_shared>> -> memref<128x128xf32, #tpu.memory_space<vmem_shared>>
      tpu.enqueue_dma source(%arg5 : memref<128x128xf32, #tpu.memory_space<hbm>>) target(%dma_start3A_56 : memref<128x128xf32, #tpu.memory_space<vmem_shared>>) target_semaphore(%run_scoped3A : memref<!tpu.dma_semaphore, #tpu.memory_space<semaphore_mem>>)
      %dma_wait3A = arith.constant 0 : i32
      %dma_wait3A_57 = tpu.memref_slice %arg10[%add3A_13, %dma_wait3A] : memref<10240x128xf32, #tpu.memory_space<vmem_shared>> -> memref<128x128xf32, #tpu.memory_space<vmem_shared>>
      tpu.wait_dma2 semaphore(%run_scoped3A : memref<!tpu.dma_semaphore, #tpu.memory_space<semaphore_mem>>) src(%arg5 : memref<128x128xf32, #tpu.memory_space<hbm>>) dst(%dma_wait3A_57 : memref<128x128xf32, #tpu.memory_space<vmem_shared>>)
      tpu.yield
    }) : () -> ()
    %mul3A_14 = arith.constant 640 : i32
    %mul3A_15 = arith.muli %arg1, %mul3A_14 : i32
    %add3A_16 = arith.constant 512 : i32
    %add3A_17 = arith.addi %mul3A_15, %add3A_16 : i32
    "tpu.region"() ({
      %run_scoped3A = tpu.sem_alloc : memref<!tpu.dma_semaphore, #tpu.memory_space<semaphore_mem>>
      %dma_start3A = arith.constant 0 : i32
      %dma_start3A_56 = tpu.memref_slice %arg10[%add3A_17, %dma_start3A] : memref<10240x128xf32, #tpu.memory_space<vmem_shared>> -> memref<128x128xf32, #tpu.memory_space<vmem_shared>>
      tpu.enqueue_dma source(%arg5 : memref<128x128xf32, #tpu.memory_space<hbm>>) target(%dma_start3A_56 : memref<128x128xf32, #tpu.memory_space<vmem_shared>>) target_semaphore(%run_scoped3A : memref<!tpu.dma_semaphore, #tpu.memory_space<semaphore_mem>>)
      %dma_wait3A = arith.constant 0 : i32
      %dma_wait3A_57 = tpu.memref_slice %arg10[%add3A_17, %dma_wait3A] : memref<10240x128xf32, #tpu.memory_space<vmem_shared>> -> memref<128x128xf32, #tpu.memory_space<vmem_shared>>
      tpu.wait_dma2 semaphore(%run_scoped3A : memref<!tpu.dma_semaphore, #tpu.memory_space<semaphore_mem>>) src(%arg5 : memref<128x128xf32, #tpu.memory_space<hbm>>) dst(%dma_wait3A_57 : memref<128x128xf32, #tpu.memory_space<vmem_shared>>)
      tpu.yield
    }) : () -> ()
    %eq3A = arith.constant 0 : i32
    %eq3A_18 = arith.cmpi eq, %arg0, %eq3A : i32
    %jit3A = arith.constant 128 : i32
    %jit3A_19 = arith.constant 32 : i32
    %select_n3A = arith.select %eq3A_18, %jit3A, %jit3A_19 : i32
    %eq3A_20 = arith.constant 0 : i32
    %eq3A_21 = arith.cmpi eq, %arg0, %eq3A_20 : i32
    %mul3A_22 = arith.constant 128 : i32
    %mul3A_23 = arith.muli %arg1, %mul3A_22 : i32
    %mul3A_24 = arith.constant 32 : i32
    %mul3A_25 = arith.muli %arg1, %mul3A_24 : i32
    %add3A_26 = arith.constant 2048 : i32
    %add3A_27 = arith.addi %add3A_26, %mul3A_25 : i32
    %select_n3A_28 = arith.select %eq3A_21, %mul3A_23, %add3A_27 : i32
    %min3A = arith.constant 2544 : i32
    %min3A_29 = arith.minsi %select_n3A_28, %min3A : i32
    %gt3A = arith.constant 0 : i32
    %gt3A_30 = arith.cmpi sgt, %select_n3A, %gt3A : i32
    %convert_element_type3A = arith.extui %gt3A_30 : i1 to i32
    %cond3A = arith.constant 0 : i32
    %cond3A_31 = arith.cmpi ne, %convert_element_type3A, %cond3A : i32
    scf.if %cond3A_31 {
      %run_scoped3A = arith.constant 0 : i32
      "tpu.region"() ({
        %run_scoped3A_57 = tpu.sem_alloc : memref<!tpu.dma_semaphore, #tpu.memory_space<semaphore_mem>>
        %dma_start3A = arith.constant 0 : i32
        %dma_start3A_58 = arith.constant 0 : i32
        %dma_start3A_59 = tpu.memref_slice %arg7[%run_scoped3A, %dma_start3A, %dma_start3A_58] : memref<2x16x128xi32, #tpu.memory_space<vmem>> -> memref<1x16x128xi32, #tpu.memory_space<vmem>>
        %dma_start3A_60 = tpu.memref_squeeze %dma_start3A_59 : memref<1x16x128xi32, #tpu.memory_space<vmem>> -> memref<16x128xi32, #tpu.memory_space<vmem>>
        %dma_start3A_61 = arith.constant 0 : i32
        %dma_start3A_62 = tpu.memref_slice %arg3[%min3A_29, %dma_start3A_61] : memref<2560x128xi32, #tpu.memory_space<hbm>> -> memref<16x128xi32, #tpu.memory_space<hbm>>
        %dma_start3A_63 = arith.constant 0 : i32
        %dma_start3A_64 = arith.constant 0 : i32
        %dma_start3A_65 = tpu.memref_slice %arg7[%run_scoped3A, %dma_start3A_63, %dma_start3A_64] : memref<2x16x128xi32, #tpu.memory_space<vmem>> -> memref<1x16x128xi32, #tpu.memory_space<vmem>>
        %dma_start3A_66 = tpu.memref_squeeze %dma_start3A_65 : memref<1x16x128xi32, #tpu.memory_space<vmem>> -> memref<16x128xi32, #tpu.memory_space<vmem>>
        %dma_start3A_67 = arith.constant 0 : i32
        %dma_start3A_68 = tpu.memref_slice %arg3[%min3A_29, %dma_start3A_67] : memref<2560x128xi32, #tpu.memory_space<hbm>> -> memref<16x128xi32, #tpu.memory_space<hbm>>
        tpu.enqueue_dma source(%dma_start3A_68 : memref<16x128xi32, #tpu.memory_space<hbm>>) target(%dma_start3A_66 : memref<16x128xi32, #tpu.memory_space<vmem>>) target_semaphore(%run_scoped3A_57 : memref<!tpu.dma_semaphore, #tpu.memory_space<semaphore_mem>>)
        %dma_wait3A = arith.constant 0 : i32
        %dma_wait3A_69 = arith.constant 0 : i32
        %dma_wait3A_70 = tpu.memref_slice %arg7[%run_scoped3A, %dma_wait3A, %dma_wait3A_69] : memref<2x16x128xi32, #tpu.memory_space<vmem>> -> memref<1x16x128xi32, #tpu.memory_space<vmem>>
        %dma_wait3A_71 = tpu.memref_squeeze %dma_wait3A_70 : memref<1x16x128xi32, #tpu.memory_space<vmem>> -> memref<16x128xi32, #tpu.memory_space<vmem>>
        %dma_wait3A_72 = arith.constant 0 : i32
        %dma_wait3A_73 = tpu.memref_slice %arg3[%min3A_29, %dma_wait3A_72] : memref<2560x128xi32, #tpu.memory_space<hbm>> -> memref<16x128xi32, #tpu.memory_space<hbm>>
        %dma_wait3A_74 = arith.constant 0 : i32
        %dma_wait3A_75 = arith.constant 0 : i32
        %dma_wait3A_76 = tpu.memref_slice %arg7[%run_scoped3A, %dma_wait3A_74, %dma_wait3A_75] : memref<2x16x128xi32, #tpu.memory_space<vmem>> -> memref<1x16x128xi32, #tpu.memory_space<vmem>>
        %dma_wait3A_77 = tpu.memref_squeeze %dma_wait3A_76 : memref<1x16x128xi32, #tpu.memory_space<vmem>> -> memref<16x128xi32, #tpu.memory_space<vmem>>
        %dma_wait3A_78 = arith.constant 0 : i32
        %dma_wait3A_79 = tpu.memref_slice %arg3[%min3A_29, %dma_wait3A_78] : memref<2560x128xi32, #tpu.memory_space<hbm>> -> memref<16x128xi32, #tpu.memory_space<hbm>>
        tpu.wait_dma2 semaphore(%run_scoped3A_57 : memref<!tpu.dma_semaphore, #tpu.memory_space<semaphore_mem>>) src(%dma_wait3A_79 : memref<16x128xi32, #tpu.memory_space<hbm>>) dst(%dma_wait3A_77 : memref<16x128xi32, #tpu.memory_space<vmem>>)
        tpu.yield
      }) : () -> ()
      %run_scoped3A_56 = arith.constant 0 : i32
      "tpu.region"() ({
        %run_scoped3A_57 = tpu.sem_alloc : memref<!tpu.dma_semaphore, #tpu.memory_space<semaphore_mem>>
        %dma_start3A = arith.constant 0 : i32
        %dma_start3A_58 = arith.constant 0 : i32
        %dma_start3A_59 = tpu.memref_slice %arg8[%run_scoped3A_56, %dma_start3A, %dma_start3A_58] : memref<2x16x128xi32, #tpu.memory_space<vmem>> -> memref<1x16x128xi32, #tpu.memory_space<vmem>>
        %dma_start3A_60 = tpu.memref_squeeze %dma_start3A_59 : memref<1x16x128xi32, #tpu.memory_space<vmem>> -> memref<16x128xi32, #tpu.memory_space<vmem>>
        %dma_start3A_61 = arith.constant 0 : i32
        %dma_start3A_62 = tpu.memref_slice %arg4[%min3A_29, %dma_start3A_61] : memref<2560x128xi32, #tpu.memory_space<hbm>> -> memref<16x128xi32, #tpu.memory_space<hbm>>
        %dma_start3A_63 = arith.constant 0 : i32
        %dma_start3A_64 = arith.constant 0 : i32
        %dma_start3A_65 = tpu.memref_slice %arg8[%run_scoped3A_56, %dma_start3A_63, %dma_start3A_64] : memref<2x16x128xi32, #tpu.memory_space<vmem>> -> memref<1x16x128xi32, #tpu.memory_space<vmem>>
        %dma_start3A_66 = tpu.memref_squeeze %dma_start3A_65 : memref<1x16x128xi32, #tpu.memory_space<vmem>> -> memref<16x128xi32, #tpu.memory_space<vmem>>
        %dma_start3A_67 = arith.constant 0 : i32
        %dma_start3A_68 = tpu.memref_slice %arg4[%min3A_29, %dma_start3A_67] : memref<2560x128xi32, #tpu.memory_space<hbm>> -> memref<16x128xi32, #tpu.memory_space<hbm>>
        tpu.enqueue_dma source(%dma_start3A_68 : memref<16x128xi32, #tpu.memory_space<hbm>>) target(%dma_start3A_66 : memref<16x128xi32, #tpu.memory_space<vmem>>) target_semaphore(%run_scoped3A_57 : memref<!tpu.dma_semaphore, #tpu.memory_space<semaphore_mem>>)
        %dma_wait3A = arith.constant 0 : i32
        %dma_wait3A_69 = arith.constant 0 : i32
        %dma_wait3A_70 = tpu.memref_slice %arg8[%run_scoped3A_56, %dma_wait3A, %dma_wait3A_69] : memref<2x16x128xi32, #tpu.memory_space<vmem>> -> memref<1x16x128xi32, #tpu.memory_space<vmem>>
        %dma_wait3A_71 = tpu.memref_squeeze %dma_wait3A_70 : memref<1x16x128xi32, #tpu.memory_space<vmem>> -> memref<16x128xi32, #tpu.memory_space<vmem>>
        %dma_wait3A_72 = arith.constant 0 : i32
        %dma_wait3A_73 = tpu.memref_slice %arg4[%min3A_29, %dma_wait3A_72] : memref<2560x128xi32, #tpu.memory_space<hbm>> -> memref<16x128xi32, #tpu.memory_space<hbm>>
        %dma_wait3A_74 = arith.constant 0 : i32
        %dma_wait3A_75 = arith.constant 0 : i32
        %dma_wait3A_76 = tpu.memref_slice %arg8[%run_scoped3A_56, %dma_wait3A_74, %dma_wait3A_75] : memref<2x16x128xi32, #tpu.memory_space<vmem>> -> memref<1x16x128xi32, #tpu.memory_space<vmem>>
        %dma_wait3A_77 = tpu.memref_squeeze %dma_wait3A_76 : memref<1x16x128xi32, #tpu.memory_space<vmem>> -> memref<16x128xi32, #tpu.memory_space<vmem>>
        %dma_wait3A_78 = arith.constant 0 : i32
        %dma_wait3A_79 = tpu.memref_slice %arg4[%min3A_29, %dma_wait3A_78] : memref<2560x128xi32, #tpu.memory_space<hbm>> -> memref<16x128xi32, #tpu.memory_space<hbm>>
        tpu.wait_dma2 semaphore(%run_scoped3A_57 : memref<!tpu.dma_semaphore, #tpu.memory_space<semaphore_mem>>) src(%dma_wait3A_79 : memref<16x128xi32, #tpu.memory_space<hbm>>) dst(%dma_wait3A_77 : memref<16x128xi32, #tpu.memory_space<vmem>>)
        tpu.yield
      }) : () -> ()
    } else {
    }
    %barrier3A = arith.constant 0 : index
    tpu.barrier barrier_id(%barrier3A)
    %gt3A_32 = arith.constant 0 : i32
    %gt3A_33 = arith.cmpi sgt, %select_n3A, %gt3A_32 : i32
    %convert_element_type3A_34 = arith.extui %gt3A_33 : i1 to i32
    %cond3A_35 = arith.constant 0 : i32
    %cond3A_36 = arith.cmpi ne, %convert_element_type3A_34, %cond3A_35 : i32
    scf.if %cond3A_36 {
      %dma_start3A = arith.constant 0 : i32
      %dma_start3A_56 = arith.constant 0 : i32
      %dma_start3A_57 = arith.constant 0 : i32
      %dma_start3A_58 = arith.constant 0 : i32
      %dma_start3A_59 = arith.constant 0 : i32
      %dma_start3A_60 = arith.constant 0 : i32
      %dma_start3A_61 = tpu.memref_slice %arg9[%dma_start3A_57, %dma_start3A_59, %dma_start3A_60] : memref<2x128x128xf32, #tpu.memory_space<vmem>> -> memref<1x32x128xf32, #tpu.memory_space<vmem>>
      %dma_start3A_62 = tpu.memref_squeeze %dma_start3A_61 : memref<1x32x128xf32, #tpu.memory_space<vmem>> -> memref<32x128xf32, #tpu.memory_space<vmem>>
      %dma_start3A_63 = arith.constant 0 : i32
      %dma_start3A_64 = tpu.memref_slice %arg7[%dma_start3A, %dma_start3A_56, %dma_start3A_63] : memref<2x16x128xi32, #tpu.memory_space<vmem>> -> memref<1x1x32xi32, #tpu.memory_space<vmem>>
      %dma_start3A_65 = tpu.memref_squeeze %dma_start3A_64 : memref<1x1x32xi32, #tpu.memory_space<vmem>> -> memref<32xi32, #tpu.memory_space<vmem>>
      %dma_start3A_66 = arith.constant 0 : i32
      %dma_start3A_67 = arith.constant 0 : i32
      %dma_start3A_68 = tpu.memref_slice %arg2[%dma_start3A_66, %dma_start3A_67] : memref<10240x128xf32, #tpu.memory_space<hbm>> -> memref<10240x128xf32, #tpu.memory_space<hbm>>
      %dma_start3A_69 = tpu.memref_slice %arg11[%dma_start3A_58] : memref<2x!tpu.dma_semaphore, #tpu.memory_space<semaphore_mem>> -> memref<1x!tpu.dma_semaphore, #tpu.memory_space<semaphore_mem>>
      %dma_start3A_70 = tpu.memref_squeeze %dma_start3A_69 : memref<1x!tpu.dma_semaphore, #tpu.memory_space<semaphore_mem>> -> memref<!tpu.dma_semaphore, #tpu.memory_space<semaphore_mem>>
      tpu.enqueue_indirect_dma source(%dma_start3A_68 : memref<10240x128xf32, #tpu.memory_space<hbm>>) target(%dma_start3A_62 : memref<32x128xf32, #tpu.memory_space<vmem>>) offsets(%dma_start3A_65 : memref<32xi32, #tpu.memory_space<vmem>>) semaphore(%dma_start3A_70 : memref<!tpu.dma_semaphore, #tpu.memory_space<semaphore_mem>>)
      %dma_start3A_71 = arith.constant 0 : i32
      %dma_start3A_72 = arith.constant 0 : i32
      %dma_start3A_73 = arith.constant 0 : i32
      %dma_start3A_74 = arith.constant 0 : i32
      %dma_start3A_75 = arith.constant 32 : i32
      %dma_start3A_76 = arith.constant 0 : i32
      %dma_start3A_77 = tpu.memref_slice %arg9[%dma_start3A_73, %dma_start3A_75, %dma_start3A_76] : memref<2x128x128xf32, #tpu.memory_space<vmem>> -> memref<1x32x128xf32, #tpu.memory_space<vmem>>
      %dma_start3A_78 = tpu.memref_squeeze %dma_start3A_77 : memref<1x32x128xf32, #tpu.memory_space<vmem>> -> memref<32x128xf32, #tpu.memory_space<vmem>>
      %dma_start3A_79 = arith.constant 32 : i32
      %dma_start3A_80 = tpu.memref_slice %arg7[%dma_start3A_71, %dma_start3A_72, %dma_start3A_79] : memref<2x16x128xi32, #tpu.memory_space<vmem>> -> memref<1x1x32xi32, #tpu.memory_space<vmem>>
      %dma_start3A_81 = tpu.memref_squeeze %dma_start3A_80 : memref<1x1x32xi32, #tpu.memory_space<vmem>> -> memref<32xi32, #tpu.memory_space<vmem>>
      %dma_start3A_82 = arith.constant 0 : i32
      %dma_start3A_83 = arith.constant 0 : i32
      %dma_start3A_84 = tpu.memref_slice %arg2[%dma_start3A_82, %dma_start3A_83] : memref<10240x128xf32, #tpu.memory_space<hbm>> -> memref<10240x128xf32, #tpu.memory_space<hbm>>
      %dma_start3A_85 = tpu.memref_slice %arg11[%dma_start3A_74] : memref<2x!tpu.dma_semaphore, #tpu.memory_space<semaphore_mem>> -> memref<1x!tpu.dma_semaphore, #tpu.memory_space<semaphore_mem>>
      %dma_start3A_86 = tpu.memref_squeeze %dma_start3A_85 : memref<1x!tpu.dma_semaphore, #tpu.memory_space<semaphore_mem>> -> memref<!tpu.dma_semaphore, #tpu.memory_space<semaphore_mem>>
      tpu.enqueue_indirect_dma source(%dma_start3A_84 : memref<10240x128xf32, #tpu.memory_space<hbm>>) target(%dma_start3A_78 : memref<32x128xf32, #tpu.memory_space<vmem>>) offsets(%dma_start3A_81 : memref<32xi32, #tpu.memory_space<vmem>>) semaphore(%dma_start3A_86 : memref<!tpu.dma_semaphore, #tpu.memory_space<semaphore_mem>>)
      %dma_start3A_87 = arith.constant 0 : i32
      %dma_start3A_88 = arith.constant 0 : i32
      %dma_start3A_89 = arith.constant 0 : i32
      %dma_start3A_90 = arith.constant 0 : i32
      %dma_start3A_91 = arith.constant 64 : i32
      %dma_start3A_92 = arith.constant 0 : i32
      %dma_start3A_93 = tpu.memref_slice %arg9[%dma_start3A_89, %dma_start3A_91, %dma_start3A_92] : memref<2x128x128xf32, #tpu.memory_space<vmem>> -> memref<1x32x128xf32, #tpu.memory_space<vmem>>
      %dma_start3A_94 = tpu.memref_squeeze %dma_start3A_93 : memref<1x32x128xf32, #tpu.memory_space<vmem>> -> memref<32x128xf32, #tpu.memory_space<vmem>>
      %dma_start3A_95 = arith.constant 64 : i32
      %dma_start3A_96 = tpu.memref_slice %arg7[%dma_start3A_87, %dma_start3A_88, %dma_start3A_95] : memref<2x16x128xi32, #tpu.memory_space<vmem>> -> memref<1x1x32xi32, #tpu.memory_space<vmem>>
      %dma_start3A_97 = tpu.memref_squeeze %dma_start3A_96 : memref<1x1x32xi32, #tpu.memory_space<vmem>> -> memref<32xi32, #tpu.memory_space<vmem>>
      %dma_start3A_98 = arith.constant 0 : i32
      %dma_start3A_99 = arith.constant 0 : i32
      %dma_start3A_100 = tpu.memref_slice %arg2[%dma_start3A_98, %dma_start3A_99] : memref<10240x128xf32, #tpu.memory_space<hbm>> -> memref<10240x128xf32, #tpu.memory_space<hbm>>
      %dma_start3A_101 = tpu.memref_slice %arg11[%dma_start3A_90] : memref<2x!tpu.dma_semaphore, #tpu.memory_space<semaphore_mem>> -> memref<1x!tpu.dma_semaphore, #tpu.memory_space<semaphore_mem>>
      %dma_start3A_102 = tpu.memref_squeeze %dma_start3A_101 : memref<1x!tpu.dma_semaphore, #tpu.memory_space<semaphore_mem>> -> memref<!tpu.dma_semaphore, #tpu.memory_space<semaphore_mem>>
      tpu.enqueue_indirect_dma source(%dma_start3A_100 : memref<10240x128xf32, #tpu.memory_space<hbm>>) target(%dma_start3A_94 : memref<32x128xf32, #tpu.memory_space<vmem>>) offsets(%dma_start3A_97 : memref<32xi32, #tpu.memory_space<vmem>>) semaphore(%dma_start3A_102 : memref<!tpu.dma_semaphore, #tpu.memory_space<semaphore_mem>>)
      %dma_start3A_103 = arith.constant 0 : i32
      %dma_start3A_104 = arith.constant 0 : i32
      %dma_start3A_105 = arith.constant 0 : i32
      %dma_start3A_106 = arith.constant 0 : i32
      %dma_start3A_107 = arith.constant 96 : i32
      %dma_start3A_108 = arith.constant 0 : i32
      %dma_start3A_109 = tpu.memref_slice %arg9[%dma_start3A_105, %dma_start3A_107, %dma_start3A_108] : memref<2x128x128xf32, #tpu.memory_space<vmem>> -> memref<1x32x128xf32, #tpu.memory_space<vmem>>
      %dma_start3A_110 = tpu.memref_squeeze %dma_start3A_109 : memref<1x32x128xf32, #tpu.memory_space<vmem>> -> memref<32x128xf32, #tpu.memory_space<vmem>>
      %dma_start3A_111 = arith.constant 96 : i32
      %dma_start3A_112 = tpu.memref_slice %arg7[%dma_start3A_103, %dma_start3A_104, %dma_start3A_111] : memref<2x16x128xi32, #tpu.memory_space<vmem>> -> memref<1x1x32xi32, #tpu.memory_space<vmem>>
      %dma_start3A_113 = tpu.memref_squeeze %dma_start3A_112 : memref<1x1x32xi32, #tpu.memory_space<vmem>> -> memref<32xi32, #tpu.memory_space<vmem>>
      %dma_start3A_114 = arith.constant 0 : i32
      %dma_start3A_115 = arith.constant 0 : i32
      %dma_start3A_116 = tpu.memref_slice %arg2[%dma_start3A_114, %dma_start3A_115] : memref<10240x128xf32, #tpu.memory_space<hbm>> -> memref<10240x128xf32, #tpu.memory_space<hbm>>
      %dma_start3A_117 = tpu.memref_slice %arg11[%dma_start3A_106] : memref<2x!tpu.dma_semaphore, #tpu.memory_space<semaphore_mem>> -> memref<1x!tpu.dma_semaphore, #tpu.memory_space<semaphore_mem>>
      %dma_start3A_118 = tpu.memref_squeeze %dma_start3A_117 : memref<1x!tpu.dma_semaphore, #tpu.memory_space<semaphore_mem>> -> memref<!tpu.dma_semaphore, #tpu.memory_space<semaphore_mem>>
      tpu.enqueue_indirect_dma source(%dma_start3A_116 : memref<10240x128xf32, #tpu.memory_space<hbm>>) target(%dma_start3A_110 : memref<32x128xf32, #tpu.memory_space<vmem>>) offsets(%dma_start3A_113 : memref<32xi32, #tpu.memory_space<vmem>>) semaphore(%dma_start3A_118 : memref<!tpu.dma_semaphore, #tpu.memory_space<semaphore_mem>>)
    } else {
    }
    %while3A = arith.constant 0 : i32
    %while3A_37 = arith.constant 0 : i32
    %while3A_38 = arith.subi %select_n3A, %while3A_37 : i32
    %while3A_39 = arith.addi %while3A_37, %while3A_38 : i32
    %while3A_40 = arith.constant 1 : i32
    %while3A_41 = arith.divsi %while3A_38, %while3A_40 : i32
    %while3A_42 = arith.muli %while3A_41, %while3A_40 : i32
    %while3A_43 = arith.addi %while3A_37, %while3A_42 : i32
    %while3A_44 = arith.constant 1 : i32
    scf.for %while3A_56 = %while3A_37 to %while3A_43 step %while3A_44  : i32 {
      %rem3A = arith.constant 2 : i32
      %rem3A_57 = arith.remsi %while3A_56, %rem3A : i32
      %sub3A = arith.constant 1 : i32
      %sub3A_58 = arith.subi %sub3A, %rem3A_57 : i32
      %div3A = arith.constant 16 : i32
      %div3A_59 = arith.divsi %while3A_56, %div3A : i32
      %rem3A_60 = arith.constant 2 : i32
      %rem3A_61 = arith.remsi %div3A_59, %rem3A_60 : i32
      %rem3A_62 = arith.constant 16 : i32
      %rem3A_63 = arith.remsi %while3A_56, %rem3A_62 : i32
      %ge3A = arith.constant 1 : i32
      %ge3A_64 = arith.cmpi sge, %while3A_56, %ge3A : i32
      %convert_element_type3A_65 = arith.extui %ge3A_64 : i1 to i32
      %cond3A_66 = arith.constant 0 : i32
      %cond3A_67 = arith.cmpi ne, %convert_element_type3A_65, %cond3A_66 : i32
      scf.if %cond3A_67 {
        %dma_wait3A_114 = arith.constant 0 : i32
        %dma_wait3A_115 = arith.constant 0 : i32
        %dma_wait3A_116 = arith.constant 0 : i32
        %dma_wait3A_117 = arith.constant 0 : i32
        %dma_wait3A_118 = tpu.memref_slice %arg9[%sub3A_58, %dma_wait3A_116, %dma_wait3A_117] : memref<2x128x128xf32, #tpu.memory_space<vmem>> -> memref<1x128x128xf32, #tpu.memory_space<vmem>>
        %dma_wait3A_119 = tpu.memref_squeeze %dma_wait3A_118 : memref<1x128x128xf32, #tpu.memory_space<vmem>> -> memref<128x128xf32, #tpu.memory_space<vmem>>
        %dma_wait3A_120 = arith.constant 0 : i32
        %dma_wait3A_121 = tpu.memref_slice %arg7[%dma_wait3A_114, %dma_wait3A_115, %dma_wait3A_120] : memref<2x16x128xi32, #tpu.memory_space<vmem>> -> memref<1x1x128xi32, #tpu.memory_space<vmem>>
        %dma_wait3A_122 = tpu.memref_squeeze %dma_wait3A_121 : memref<1x1x128xi32, #tpu.memory_space<vmem>> -> memref<128xi32, #tpu.memory_space<vmem>>
        %dma_wait3A_123 = arith.constant 0 : i32
        %dma_wait3A_124 = arith.constant 0 : i32
        %dma_wait3A_125 = tpu.memref_slice %arg2[%dma_wait3A_123, %dma_wait3A_124] : memref<10240x128xf32, #tpu.memory_space<hbm>> -> memref<10240x128xf32, #tpu.memory_space<hbm>>
        %dma_wait3A_126 = tpu.memref_slice %arg12[%sub3A_58] : memref<2x!tpu.dma_semaphore, #tpu.memory_space<semaphore_mem>> -> memref<1x!tpu.dma_semaphore, #tpu.memory_space<semaphore_mem>>
        %dma_wait3A_127 = tpu.memref_squeeze %dma_wait3A_126 : memref<1x!tpu.dma_semaphore, #tpu.memory_space<semaphore_mem>> -> memref<!tpu.dma_semaphore, #tpu.memory_space<semaphore_mem>>
        tpu.wait_indirect_dma semaphore(%dma_wait3A_127 : memref<!tpu.dma_semaphore, #tpu.memory_space<semaphore_mem>>) src(%dma_wait3A_125 : memref<10240x128xf32, #tpu.memory_space<hbm>>) dst(%dma_wait3A_119 : memref<128x128xf32, #tpu.memory_space<vmem>>)
      } else {
      }
      %eq3A_68 = arith.constant 2 : i32
      %eq3A_69 = arith.cmpi eq, %rem3A_63, %eq3A_68 : i32
      %add3A_70 = arith.constant 16 : i32
      %add3A_71 = arith.addi %while3A_56, %add3A_70 : i32
      %lt3A = arith.cmpi slt, %add3A_71, %select_n3A : i32
      %and3A = arith.andi %eq3A_69, %lt3A : i1
      %convert_element_type3A_72 = arith.extui %and3A : i1 to i32
      %cond3A_73 = arith.constant 0 : i32
      %cond3A_74 = arith.cmpi ne, %convert_element_type3A_72, %cond3A_73 : i32
      scf.if %cond3A_74 {
        %add3A_114 = arith.constant 1 : i32
        %add3A_115 = arith.addi %div3A_59, %add3A_114 : i32
        %mul3A_116 = arith.constant 16 : i32
        %mul3A_117 = arith.muli %add3A_115, %mul3A_116 : i32
        %add3A_118 = arith.addi %min3A_29, %mul3A_117 : i32
        %sub3A_119 = arith.constant 1 : i32
        %sub3A_120 = arith.subi %sub3A_119, %rem3A_61 : i32
        %dma_start3A_121 = arith.constant 0 : i32
        %dma_start3A_122 = arith.constant 0 : i32
        %dma_start3A_123 = arith.constant 0 : i32
        %dma_start3A_124 = tpu.memref_slice %arg7[%sub3A_120, %dma_start3A_122, %dma_start3A_123] : memref<2x16x128xi32, #tpu.memory_space<vmem>> -> memref<1x16x128xi32, #tpu.memory_space<vmem>>
        %dma_start3A_125 = tpu.memref_squeeze %dma_start3A_124 : memref<1x16x128xi32, #tpu.memory_space<vmem>> -> memref<16x128xi32, #tpu.memory_space<vmem>>
        %dma_start3A_126 = arith.constant 0 : i32
        %dma_start3A_127 = tpu.memref_slice %arg3[%add3A_118, %dma_start3A_126] : memref<2560x128xi32, #tpu.memory_space<hbm>> -> memref<16x128xi32, #tpu.memory_space<hbm>>
        %dma_start3A_128 = tpu.memref_slice %arg13[%dma_start3A_121] : memref<2x!tpu.dma_semaphore, #tpu.memory_space<semaphore_mem>> -> memref<1x!tpu.dma_semaphore, #tpu.memory_space<semaphore_mem>>
        %dma_start3A_129 = tpu.memref_squeeze %dma_start3A_128 : memref<1x!tpu.dma_semaphore, #tpu.memory_space<semaphore_mem>> -> memref<!tpu.dma_semaphore, #tpu.memory_space<semaphore_mem>>
        %dma_start3A_130 = arith.constant 0 : i32
        %dma_start3A_131 = arith.constant 0 : i32
        %dma_start3A_132 = tpu.memref_slice %arg7[%sub3A_120, %dma_start3A_130, %dma_start3A_131] : memref<2x16x128xi32, #tpu.memory_space<vmem>> -> memref<1x16x128xi32, #tpu.memory_space<vmem>>
        %dma_start3A_133 = tpu.memref_squeeze %dma_start3A_132 : memref<1x16x128xi32, #tpu.memory_space<vmem>> -> memref<16x128xi32, #tpu.memory_space<vmem>>
        %dma_start3A_134 = arith.constant 0 : i32
        %dma_start3A_135 = tpu.memref_slice %arg3[%add3A_118, %dma_start3A_134] : memref<2560x128xi32, #tpu.memory_space<hbm>> -> memref<16x128xi32, #tpu.memory_space<hbm>>
        tpu.enqueue_dma source(%dma_start3A_135 : memref<16x128xi32, #tpu.memory_space<hbm>>) target(%dma_start3A_133 : memref<16x128xi32, #tpu.memory_space<vmem>>) target_semaphore(%dma_start3A_129 : memref<!tpu.dma_semaphore, #tpu.memory_space<semaphore_mem>>)
        %add3A_136 = arith.addi %min3A_29, %mul3A_117 : i32
        %sub3A_137 = arith.constant 1 : i32
        %sub3A_138 = arith.subi %sub3A_137, %rem3A_61 : i32
        %dma_start3A_139 = arith.constant 1 : i32
        %dma_start3A_140 = arith.constant 0 : i32
        %dma_start3A_141 = arith.constant 0 : i32
        %dma_start3A_142 = tpu.memref_slice %arg8[%sub3A_138, %dma_start3A_140, %dma_start3A_141] : memref<2x16x128xi32, #tpu.memory_space<vmem>> -> memref<1x16x128xi32, #tpu.memory_space<vmem>>
        %dma_start3A_143 = tpu.memref_squeeze %dma_start3A_142 : memref<1x16x128xi32, #tpu.memory_space<vmem>> -> memref<16x128xi32, #tpu.memory_space<vmem>>
        %dma_start3A_144 = arith.constant 0 : i32
        %dma_start3A_145 = tpu.memref_slice %arg4[%add3A_136, %dma_start3A_144] : memref<2560x128xi32, #tpu.memory_space<hbm>> -> memref<16x128xi32, #tpu.memory_space<hbm>>
        %dma_start3A_146 = tpu.memref_slice %arg13[%dma_start3A_139] : memref<2x!tpu.dma_semaphore, #tpu.memory_space<semaphore_mem>> -> memref<1x!tpu.dma_semaphore, #tpu.memory_space<semaphore_mem>>
        %dma_start3A_147 = tpu.memref_squeeze %dma_start3A_146 : memref<1x!tpu.dma_semaphore, #tpu.memory_space<semaphore_mem>> -> memref<!tpu.dma_semaphore, #tpu.memory_space<semaphore_mem>>
        %dma_start3A_148 = arith.constant 0 : i32
        %dma_start3A_149 = arith.constant 0 : i32
        %dma_start3A_150 = tpu.memref_slice %arg8[%sub3A_138, %dma_start3A_148, %dma_start3A_149] : memref<2x16x128xi32, #tpu.memory_space<vmem>> -> memref<1x16x128xi32, #tpu.memory_space<vmem>>
        %dma_start3A_151 = tpu.memref_squeeze %dma_start3A_150 : memref<1x16x128xi32, #tpu.memory_space<vmem>> -> memref<16x128xi32, #tpu.memory_space<vmem>>
        %dma_start3A_152 = arith.constant 0 : i32
        %dma_start3A_153 = tpu.memref_slice %arg4[%add3A_136, %dma_start3A_152] : memref<2560x128xi32, #tpu.memory_space<hbm>> -> memref<16x128xi32, #tpu.memory_space<hbm>>
        tpu.enqueue_dma source(%dma_start3A_153 : memref<16x128xi32, #tpu.memory_space<hbm>>) target(%dma_start3A_151 : memref<16x128xi32, #tpu.memory_space<vmem>>) target_semaphore(%dma_start3A_147 : memref<!tpu.dma_semaphore, #tpu.memory_space<semaphore_mem>>)
      } else {
      }
      %eq3A_75 = arith.constant 15 : i32
      %eq3A_76 = arith.cmpi eq, %rem3A_63, %eq3A_75 : i32
      %add3A_77 = arith.constant 16 : i32
      %add3A_78 = arith.addi %while3A_56, %add3A_77 : i32
      %lt3A_79 = arith.cmpi slt, %add3A_78, %select_n3A : i32
      %and3A_80 = arith.andi %eq3A_76, %lt3A_79 : i1
      %convert_element_type3A_81 = arith.extui %and3A_80 : i1 to i32
      %cond3A_82 = arith.constant 0 : i32
      %cond3A_83 = arith.cmpi ne, %convert_element_type3A_81, %cond3A_82 : i32
      scf.if %cond3A_83 {
        %dma_wait3A_114 = arith.constant 0 : i32
        %dma_wait3A_115 = arith.constant 0 : i32
        %dma_wait3A_116 = arith.constant 0 : i32
        %dma_wait3A_117 = arith.constant 0 : i32
        %dma_wait3A_118 = tpu.memref_slice %arg7[%dma_wait3A_114, %dma_wait3A_116, %dma_wait3A_117] : memref<2x16x128xi32, #tpu.memory_space<vmem>> -> memref<1x16x128xi32, #tpu.memory_space<vmem>>
        %dma_wait3A_119 = tpu.memref_squeeze %dma_wait3A_118 : memref<1x16x128xi32, #tpu.memory_space<vmem>> -> memref<16x128xi32, #tpu.memory_space<vmem>>
        %dma_wait3A_120 = arith.constant 0 : i32
        %dma_wait3A_121 = tpu.memref_slice %arg3[%min3A_29, %dma_wait3A_120] : memref<2560x128xi32, #tpu.memory_space<hbm>> -> memref<16x128xi32, #tpu.memory_space<hbm>>
        %dma_wait3A_122 = tpu.memref_slice %arg13[%dma_wait3A_115] : memref<2x!tpu.dma_semaphore, #tpu.memory_space<semaphore_mem>> -> memref<1x!tpu.dma_semaphore, #tpu.memory_space<semaphore_mem>>
        %dma_wait3A_123 = tpu.memref_squeeze %dma_wait3A_122 : memref<1x!tpu.dma_semaphore, #tpu.memory_space<semaphore_mem>> -> memref<!tpu.dma_semaphore, #tpu.memory_space<semaphore_mem>>
        %dma_wait3A_124 = arith.constant 0 : i32
        %dma_wait3A_125 = arith.constant 0 : i32
        %dma_wait3A_126 = tpu.memref_slice %arg7[%dma_wait3A_114, %dma_wait3A_124, %dma_wait3A_125] : memref<2x16x128xi32, #tpu.memory_space<vmem>> -> memref<1x16x128xi32, #tpu.memory_space<vmem>>
        %dma_wait3A_127 = tpu.memref_squeeze %dma_wait3A_126 : memref<1x16x128xi32, #tpu.memory_space<vmem>> -> memref<16x128xi32, #tpu.memory_space<vmem>>
        %dma_wait3A_128 = arith.constant 0 : i32
        %dma_wait3A_129 = tpu.memref_slice %arg3[%min3A_29, %dma_wait3A_128] : memref<2560x128xi32, #tpu.memory_space<hbm>> -> memref<16x128xi32, #tpu.memory_space<hbm>>
        tpu.wait_dma2 semaphore(%dma_wait3A_123 : memref<!tpu.dma_semaphore, #tpu.memory_space<semaphore_mem>>) src(%dma_wait3A_129 : memref<16x128xi32, #tpu.memory_space<hbm>>) dst(%dma_wait3A_127 : memref<16x128xi32, #tpu.memory_space<vmem>>)
        %dma_wait3A_130 = arith.constant 0 : i32
        %dma_wait3A_131 = arith.constant 1 : i32
        %dma_wait3A_132 = arith.constant 0 : i32
        %dma_wait3A_133 = arith.constant 0 : i32
        %dma_wait3A_134 = tpu.memref_slice %arg8[%dma_wait3A_130, %dma_wait3A_132, %dma_wait3A_133] : memref<2x16x128xi32, #tpu.memory_space<vmem>> -> memref<1x16x128xi32, #tpu.memory_space<vmem>>
        %dma_wait3A_135 = tpu.memref_squeeze %dma_wait3A_134 : memref<1x16x128xi32, #tpu.memory_space<vmem>> -> memref<16x128xi32, #tpu.memory_space<vmem>>
        %dma_wait3A_136 = arith.constant 0 : i32
        %dma_wait3A_137 = tpu.memref_slice %arg4[%min3A_29, %dma_wait3A_136] : memref<2560x128xi32, #tpu.memory_space<hbm>> -> memref<16x128xi32, #tpu.memory_space<hbm>>
        %dma_wait3A_138 = tpu.memref_slice %arg13[%dma_wait3A_131] : memref<2x!tpu.dma_semaphore, #tpu.memory_space<semaphore_mem>> -> memref<1x!tpu.dma_semaphore, #tpu.memory_space<semaphore_mem>>
        %dma_wait3A_139 = tpu.memref_squeeze %dma_wait3A_138 : memref<1x!tpu.dma_semaphore, #tpu.memory_space<semaphore_mem>> -> memref<!tpu.dma_semaphore, #tpu.memory_space<semaphore_mem>>
        %dma_wait3A_140 = arith.constant 0 : i32
        %dma_wait3A_141 = arith.constant 0 : i32
        %dma_wait3A_142 = tpu.memref_slice %arg8[%dma_wait3A_130, %dma_wait3A_140, %dma_wait3A_141] : memref<2x16x128xi32, #tpu.memory_space<vmem>> -> memref<1x16x128xi32, #tpu.memory_space<vmem>>
        %dma_wait3A_143 = tpu.memref_squeeze %dma_wait3A_142 : memref<1x16x128xi32, #tpu.memory_space<vmem>> -> memref<16x128xi32, #tpu.memory_space<vmem>>
        %dma_wait3A_144 = arith.constant 0 : i32
        %dma_wait3A_145 = tpu.memref_slice %arg4[%min3A_29, %dma_wait3A_144] : memref<2560x128xi32, #tpu.memory_space<hbm>> -> memref<16x128xi32, #tpu.memory_space<hbm>>
        tpu.wait_dma2 semaphore(%dma_wait3A_139 : memref<!tpu.dma_semaphore, #tpu.memory_space<semaphore_mem>>) src(%dma_wait3A_145 : memref<16x128xi32, #tpu.memory_space<hbm>>) dst(%dma_wait3A_143 : memref<16x128xi32, #tpu.memory_space<vmem>>)
      } else {
      }
      %add3A_84 = arith.constant 1 : i32
      %add3A_85 = arith.addi %while3A_56, %add3A_84 : i32
      %lt3A_86 = arith.cmpi slt, %add3A_85, %select_n3A : i32
      %convert_element_type3A_87 = arith.extui %lt3A_86 : i1 to i32
      %cond3A_88 = arith.constant 0 : i32
      %cond3A_89 = arith.cmpi ne, %convert_element_type3A_87, %cond3A_88 : i32
      scf.if %cond3A_89 {
        %add3A_114 = arith.constant 1 : i32
        %add3A_115 = arith.addi %while3A_56, %add3A_114 : i32
        %div3A_116 = arith.constant 16 : i32
        %div3A_117 = arith.divsi %add3A_115, %div3A_116 : i32
        %rem3A_118 = arith.constant 2 : i32
        %rem3A_119 = arith.remsi %div3A_117, %rem3A_118 : i32
        %rem3A_120 = arith.constant 16 : i32
        %rem3A_121 = arith.remsi %add3A_115, %rem3A_120 : i32
        %dma_start3A_122 = arith.constant 0 : i32
        %dma_start3A_123 = arith.constant 0 : i32
        %dma_start3A_124 = tpu.memref_slice %arg9[%sub3A_58, %dma_start3A_122, %dma_start3A_123] : memref<2x128x128xf32, #tpu.memory_space<vmem>> -> memref<1x32x128xf32, #tpu.memory_space<vmem>>
        %dma_start3A_125 = tpu.memref_squeeze %dma_start3A_124 : memref<1x32x128xf32, #tpu.memory_space<vmem>> -> memref<32x128xf32, #tpu.memory_space<vmem>>
        %dma_start3A_126 = arith.constant 0 : i32
        %dma_start3A_127 = tpu.memref_slice %arg7[%rem3A_119, %rem3A_121, %dma_start3A_126] : memref<2x16x128xi32, #tpu.memory_space<vmem>> -> memref<1x1x32xi32, #tpu.memory_space<vmem>>
        %dma_start3A_128 = tpu.memref_squeeze %dma_start3A_127 : memref<1x1x32xi32, #tpu.memory_space<vmem>> -> memref<32xi32, #tpu.memory_space<vmem>>
        %dma_start3A_129 = arith.constant 0 : i32
        %dma_start3A_130 = arith.constant 0 : i32
        %dma_start3A_131 = tpu.memref_slice %arg2[%dma_start3A_129, %dma_start3A_130] : memref<10240x128xf32, #tpu.memory_space<hbm>> -> memref<10240x128xf32, #tpu.memory_space<hbm>>
        %dma_start3A_132 = tpu.memref_slice %arg11[%sub3A_58] : memref<2x!tpu.dma_semaphore, #tpu.memory_space<semaphore_mem>> -> memref<1x!tpu.dma_semaphore, #tpu.memory_space<semaphore_mem>>
        %dma_start3A_133 = tpu.memref_squeeze %dma_start3A_132 : memref<1x!tpu.dma_semaphore, #tpu.memory_space<semaphore_mem>> -> memref<!tpu.dma_semaphore, #tpu.memory_space<semaphore_mem>>
        tpu.enqueue_indirect_dma source(%dma_start3A_131 : memref<10240x128xf32, #tpu.memory_space<hbm>>) target(%dma_start3A_125 : memref<32x128xf32, #tpu.memory_space<vmem>>) offsets(%dma_start3A_128 : memref<32xi32, #tpu.memory_space<vmem>>) semaphore(%dma_start3A_133 : memref<!tpu.dma_semaphore, #tpu.memory_space<semaphore_mem>>)
        %dma_start3A_134 = arith.constant 32 : i32
        %dma_start3A_135 = arith.constant 0 : i32
        %dma_start3A_136 = tpu.memref_slice %arg9[%sub3A_58, %dma_start3A_134, %dma_start3A_135] : memref<2x128x128xf32, #tpu.memory_space<vmem>> -> memref<1x32x128xf32, #tpu.memory_space<vmem>>
        %dma_start3A_137 = tpu.memref_squeeze %dma_start3A_136 : memref<1x32x128xf32, #tpu.memory_space<vmem>> -> memref<32x128xf32, #tpu.memory_space<vmem>>
        %dma_start3A_138 = arith.constant 32 : i32
        %dma_start3A_139 = tpu.memref_slice %arg7[%rem3A_119, %rem3A_121, %dma_start3A_138] : memref<2x16x128xi32, #tpu.memory_space<vmem>> -> memref<1x1x32xi32, #tpu.memory_space<vmem>>
        %dma_start3A_140 = tpu.memref_squeeze %dma_start3A_139 : memref<1x1x32xi32, #tpu.memory_space<vmem>> -> memref<32xi32, #tpu.memory_space<vmem>>
        %dma_start3A_141 = arith.constant 0 : i32
        %dma_start3A_142 = arith.constant 0 : i32
        %dma_start3A_143 = tpu.memref_slice %arg2[%dma_start3A_141, %dma_start3A_142] : memref<10240x128xf32, #tpu.memory_space<hbm>> -> memref<10240x128xf32, #tpu.memory_space<hbm>>
        %dma_start3A_144 = tpu.memref_slice %arg11[%sub3A_58] : memref<2x!tpu.dma_semaphore, #tpu.memory_space<semaphore_mem>> -> memref<1x!tpu.dma_semaphore, #tpu.memory_space<semaphore_mem>>
        %dma_start3A_145 = tpu.memref_squeeze %dma_start3A_144 : memref<1x!tpu.dma_semaphore, #tpu.memory_space<semaphore_mem>> -> memref<!tpu.dma_semaphore, #tpu.memory_space<semaphore_mem>>
        tpu.enqueue_indirect_dma source(%dma_start3A_143 : memref<10240x128xf32, #tpu.memory_space<hbm>>) target(%dma_start3A_137 : memref<32x128xf32, #tpu.memory_space<vmem>>) offsets(%dma_start3A_140 : memref<32xi32, #tpu.memory_space<vmem>>) semaphore(%dma_start3A_145 : memref<!tpu.dma_semaphore, #tpu.memory_space<semaphore_mem>>)
        %dma_start3A_146 = arith.constant 64 : i32
        %dma_start3A_147 = arith.constant 0 : i32
        %dma_start3A_148 = tpu.memref_slice %arg9[%sub3A_58, %dma_start3A_146, %dma_start3A_147] : memref<2x128x128xf32, #tpu.memory_space<vmem>> -> memref<1x32x128xf32, #tpu.memory_space<vmem>>
        %dma_start3A_149 = tpu.memref_squeeze %dma_start3A_148 : memref<1x32x128xf32, #tpu.memory_space<vmem>> -> memref<32x128xf32, #tpu.memory_space<vmem>>
        %dma_start3A_150 = arith.constant 64 : i32
        %dma_start3A_151 = tpu.memref_slice %arg7[%rem3A_119, %rem3A_121, %dma_start3A_150] : memref<2x16x128xi32, #tpu.memory_space<vmem>> -> memref<1x1x32xi32, #tpu.memory_space<vmem>>
        %dma_start3A_152 = tpu.memref_squeeze %dma_start3A_151 : memref<1x1x32xi32, #tpu.memory_space<vmem>> -> memref<32xi32, #tpu.memory_space<vmem>>
        %dma_start3A_153 = arith.constant 0 : i32
        %dma_start3A_154 = arith.constant 0 : i32
        %dma_start3A_155 = tpu.memref_slice %arg2[%dma_start3A_153, %dma_start3A_154] : memref<10240x128xf32, #tpu.memory_space<hbm>> -> memref<10240x128xf32, #tpu.memory_space<hbm>>
        %dma_start3A_156 = tpu.memref_slice %arg11[%sub3A_58] : memref<2x!tpu.dma_semaphore, #tpu.memory_space<semaphore_mem>> -> memref<1x!tpu.dma_semaphore, #tpu.memory_space<semaphore_mem>>
        %dma_start3A_157 = tpu.memref_squeeze %dma_start3A_156 : memref<1x!tpu.dma_semaphore, #tpu.memory_space<semaphore_mem>> -> memref<!tpu.dma_semaphore, #tpu.memory_space<semaphore_mem>>
        tpu.enqueue_indirect_dma source(%dma_start3A_155 : memref<10240x128xf32, #tpu.memory_space<hbm>>) target(%dma_start3A_149 : memref<32x128xf32, #tpu.memory_space<vmem>>) offsets(%dma_start3A_152 : memref<32xi32, #tpu.memory_space<vmem>>) semaphore(%dma_start3A_157 : memref<!tpu.dma_semaphore, #tpu.memory_space<semaphore_mem>>)
        %dma_start3A_158 = arith.constant 96 : i32
        %dma_start3A_159 = arith.constant 0 : i32
        %dma_start3A_160 = tpu.memref_slice %arg9[%sub3A_58, %dma_start3A_158, %dma_start3A_159] : memref<2x128x128xf32, #tpu.memory_space<vmem>> -> memref<1x32x128xf32, #tpu.memory_space<vmem>>
        %dma_start3A_161 = tpu.memref_squeeze %dma_start3A_160 : memref<1x32x128xf32, #tpu.memory_space<vmem>> -> memref<32x128xf32, #tpu.memory_space<vmem>>
        %dma_start3A_162 = arith.constant 96 : i32
        %dma_start3A_163 = tpu.memref_slice %arg7[%rem3A_119, %rem3A_121, %dma_start3A_162] : memref<2x16x128xi32, #tpu.memory_space<vmem>> -> memref<1x1x32xi32, #tpu.memory_space<vmem>>
        %dma_start3A_164 = tpu.memref_squeeze %dma_start3A_163 : memref<1x1x32xi32, #tpu.memory_space<vmem>> -> memref<32xi32, #tpu.memory_space<vmem>>
        %dma_start3A_165 = arith.constant 0 : i32
        %dma_start3A_166 = arith.constant 0 : i32
        %dma_start3A_167 = tpu.memref_slice %arg2[%dma_start3A_165, %dma_start3A_166] : memref<10240x128xf32, #tpu.memory_space<hbm>> -> memref<10240x128xf32, #tpu.memory_space<hbm>>
        %dma_start3A_168 = tpu.memref_slice %arg11[%sub3A_58] : memref<2x!tpu.dma_semaphore, #tpu.memory_space<semaphore_mem>> -> memref<1x!tpu.dma_semaphore, #tpu.memory_space<semaphore_mem>>
        %dma_start3A_169 = tpu.memref_squeeze %dma_start3A_168 : memref<1x!tpu.dma_semaphore, #tpu.memory_space<semaphore_mem>> -> memref<!tpu.dma_semaphore, #tpu.memory_space<semaphore_mem>>
        tpu.enqueue_indirect_dma source(%dma_start3A_167 : memref<10240x128xf32, #tpu.memory_space<hbm>>) target(%dma_start3A_161 : memref<32x128xf32, #tpu.memory_space<vmem>>) offsets(%dma_start3A_164 : memref<32xi32, #tpu.memory_space<vmem>>) semaphore(%dma_start3A_169 : memref<!tpu.dma_semaphore, #tpu.memory_space<semaphore_mem>>)
      } else {
      }
      %dma_wait3A = arith.constant 0 : i32
      %dma_wait3A_90 = arith.constant 0 : i32
      %dma_wait3A_91 = arith.constant 0 : i32
      %dma_wait3A_92 = arith.constant 0 : i32
      %dma_wait3A_93 = tpu.memref_slice %arg9[%rem3A_57, %dma_wait3A_91, %dma_wait3A_92] : memref<2x128x128xf32, #tpu.memory_space<vmem>> -> memref<1x128x128xf32, #tpu.memory_space<vmem>>
      %dma_wait3A_94 = tpu.memref_squeeze %dma_wait3A_93 : memref<1x128x128xf32, #tpu.memory_space<vmem>> -> memref<128x128xf32, #tpu.memory_space<vmem>>
      %dma_wait3A_95 = arith.constant 0 : i32
      %dma_wait3A_96 = tpu.memref_slice %arg7[%dma_wait3A, %dma_wait3A_90, %dma_wait3A_95] : memref<2x16x128xi32, #tpu.memory_space<vmem>> -> memref<1x1x128xi32, #tpu.memory_space<vmem>>
      %dma_wait3A_97 = tpu.memref_squeeze %dma_wait3A_96 : memref<1x1x128xi32, #tpu.memory_space<vmem>> -> memref<128xi32, #tpu.memory_space<vmem>>
      %dma_wait3A_98 = arith.constant 0 : i32
      %dma_wait3A_99 = arith.constant 0 : i32
      %dma_wait3A_100 = tpu.memref_slice %arg2[%dma_wait3A_98, %dma_wait3A_99] : memref<10240x128xf32, #tpu.memory_space<hbm>> -> memref<10240x128xf32, #tpu.memory_space<hbm>>
      %dma_wait3A_101 = tpu.memref_slice %arg11[%rem3A_57] : memref<2x!tpu.dma_semaphore, #tpu.memory_space<semaphore_mem>> -> memref<1x!tpu.dma_semaphore, #tpu.memory_space<semaphore_mem>>
      %dma_wait3A_102 = tpu.memref_squeeze %dma_wait3A_101 : memref<1x!tpu.dma_semaphore, #tpu.memory_space<semaphore_mem>> -> memref<!tpu.dma_semaphore, #tpu.memory_space<semaphore_mem>>
      tpu.wait_indirect_dma semaphore(%dma_wait3A_102 : memref<!tpu.dma_semaphore, #tpu.memory_space<semaphore_mem>>) src(%dma_wait3A_100 : memref<10240x128xf32, #tpu.memory_space<hbm>>) dst(%dma_wait3A_94 : memref<128x128xf32, #tpu.memory_space<vmem>>)
      %dma_start3A = arith.constant 0 : i32
      %dma_start3A_103 = arith.constant 0 : i32
      %dma_start3A_104 = tpu.memref_slice %arg9[%rem3A_57, %dma_start3A, %dma_start3A_103] : memref<2x128x128xf32, #tpu.memory_space<vmem>> -> memref<1x128x128xf32, #tpu.memory_space<vmem>>
      %dma_start3A_105 = tpu.memref_squeeze %dma_start3A_104 : memref<1x128x128xf32, #tpu.memory_space<vmem>> -> memref<128x128xf32, #tpu.memory_space<vmem>>
      %dma_start3A_106 = arith.constant 0 : i32
      %dma_start3A_107 = tpu.memref_slice %arg8[%rem3A_61, %rem3A_63, %dma_start3A_106] : memref<2x16x128xi32, #tpu.memory_space<vmem>> -> memref<1x1x128xi32, #tpu.memory_space<vmem>>
      %dma_start3A_108 = tpu.memref_squeeze %dma_start3A_107 : memref<1x1x128xi32, #tpu.memory_space<vmem>> -> memref<128xi32, #tpu.memory_space<vmem>>
      %dma_start3A_109 = arith.constant 0 : i32
      %dma_start3A_110 = arith.constant 0 : i32
      %dma_start3A_111 = tpu.memref_slice %arg10[%dma_start3A_109, %dma_start3A_110] : memref<10240x128xf32, #tpu.memory_space<vmem_shared>> -> memref<10240x128xf32, #tpu.memory_space<vmem_shared>>
      %dma_start3A_112 = tpu.memref_slice %arg12[%rem3A_57] : memref<2x!tpu.dma_semaphore, #tpu.memory_space<semaphore_mem>> -> memref<1x!tpu.dma_semaphore, #tpu.memory_space<semaphore_mem>>
      %dma_start3A_113 = tpu.memref_squeeze %dma_start3A_112 : memref<1x!tpu.dma_semaphore, #tpu.memory_space<semaphore_mem>> -> memref<!tpu.dma_semaphore, #tpu.memory_space<semaphore_mem>>
      tpu.enqueue_indirect_dma source(%dma_start3A_105 : memref<128x128xf32, #tpu.memory_space<vmem>>) target(%dma_start3A_111 : memref<10240x128xf32, #tpu.memory_space<vmem_shared>>) offsets(%dma_start3A_108 : memref<128xi32, #tpu.memory_space<vmem>>) semaphore(%dma_start3A_113 : memref<!tpu.dma_semaphore, #tpu.memory_space<semaphore_mem>>) {add = true}
    }
    %while3A_45 = arith.constant 1 : i32
    scf.for %while3A_56 = %while3A_43 to %while3A_39 step %while3A_45  : i32 {
      %rem3A = arith.constant 2 : i32
      %rem3A_57 = arith.remsi %while3A_56, %rem3A : i32
      %sub3A = arith.constant 1 : i32
      %sub3A_58 = arith.subi %sub3A, %rem3A_57 : i32
      %div3A = arith.constant 16 : i32
      %div3A_59 = arith.divsi %while3A_56, %div3A : i32
      %rem3A_60 = arith.constant 2 : i32
      %rem3A_61 = arith.remsi %div3A_59, %rem3A_60 : i32
      %rem3A_62 = arith.constant 16 : i32
      %rem3A_63 = arith.remsi %while3A_56, %rem3A_62 : i32
      %ge3A = arith.constant 1 : i32
      %ge3A_64 = arith.cmpi sge, %while3A_56, %ge3A : i32
      %convert_element_type3A_65 = arith.extui %ge3A_64 : i1 to i32
      %cond3A_66 = arith.constant 0 : i32
      %cond3A_67 = arith.cmpi ne, %convert_element_type3A_65, %cond3A_66 : i32
      scf.if %cond3A_67 {
        %dma_wait3A_114 = arith.constant 0 : i32
        %dma_wait3A_115 = arith.constant 0 : i32
        %dma_wait3A_116 = arith.constant 0 : i32
        %dma_wait3A_117 = arith.constant 0 : i32
        %dma_wait3A_118 = tpu.memref_slice %arg9[%sub3A_58, %dma_wait3A_116, %dma_wait3A_117] : memref<2x128x128xf32, #tpu.memory_space<vmem>> -> memref<1x128x128xf32, #tpu.memory_space<vmem>>
        %dma_wait3A_119 = tpu.memref_squeeze %dma_wait3A_118 : memref<1x128x128xf32, #tpu.memory_space<vmem>> -> memref<128x128xf32, #tpu.memory_space<vmem>>
        %dma_wait3A_120 = arith.constant 0 : i32
        %dma_wait3A_121 = tpu.memref_slice %arg7[%dma_wait3A_114, %dma_wait3A_115, %dma_wait3A_120] : memref<2x16x128xi32, #tpu.memory_space<vmem>> -> memref<1x1x128xi32, #tpu.memory_space<vmem>>
        %dma_wait3A_122 = tpu.memref_squeeze %dma_wait3A_121 : memref<1x1x128xi32, #tpu.memory_space<vmem>> -> memref<128xi32, #tpu.memory_space<vmem>>
        %dma_wait3A_123 = arith.constant 0 : i32
        %dma_wait3A_124 = arith.constant 0 : i32
        %dma_wait3A_125 = tpu.memref_slice %arg2[%dma_wait3A_123, %dma_wait3A_124] : memref<10240x128xf32, #tpu.memory_space<hbm>> -> memref<10240x128xf32, #tpu.memory_space<hbm>>
        %dma_wait3A_126 = tpu.memref_slice %arg12[%sub3A_58] : memref<2x!tpu.dma_semaphore, #tpu.memory_space<semaphore_mem>> -> memref<1x!tpu.dma_semaphore, #tpu.memory_space<semaphore_mem>>
        %dma_wait3A_127 = tpu.memref_squeeze %dma_wait3A_126 : memref<1x!tpu.dma_semaphore, #tpu.memory_space<semaphore_mem>> -> memref<!tpu.dma_semaphore, #tpu.memory_space<semaphore_mem>>
        tpu.wait_indirect_dma semaphore(%dma_wait3A_127 : memref<!tpu.dma_semaphore, #tpu.memory_space<semaphore_mem>>) src(%dma_wait3A_125 : memref<10240x128xf32, #tpu.memory_space<hbm>>) dst(%dma_wait3A_119 : memref<128x128xf32, #tpu.memory_space<vmem>>)
      } else {
      }
      %eq3A_68 = arith.constant 2 : i32
      %eq3A_69 = arith.cmpi eq, %rem3A_63, %eq3A_68 : i32
      %add3A_70 = arith.constant 16 : i32
      %add3A_71 = arith.addi %while3A_56, %add3A_70 : i32
      %lt3A = arith.cmpi slt, %add3A_71, %select_n3A : i32
      %and3A = arith.andi %eq3A_69, %lt3A : i1
      %convert_element_type3A_72 = arith.extui %and3A : i1 to i32
      %cond3A_73 = arith.constant 0 : i32
      %cond3A_74 = arith.cmpi ne, %convert_element_type3A_72, %cond3A_73 : i32
      scf.if %cond3A_74 {
        %add3A_114 = arith.constant 1 : i32
        %add3A_115 = arith.addi %div3A_59, %add3A_114 : i32
        %mul3A_116 = arith.constant 16 : i32
        %mul3A_117 = arith.muli %add3A_115, %mul3A_116 : i32
        %add3A_118 = arith.addi %min3A_29, %mul3A_117 : i32
        %sub3A_119 = arith.constant 1 : i32
        %sub3A_120 = arith.subi %sub3A_119, %rem3A_61 : i32
        %dma_start3A_121 = arith.constant 0 : i32
        %dma_start3A_122 = arith.constant 0 : i32
        %dma_start3A_123 = arith.constant 0 : i32
        %dma_start3A_124 = tpu.memref_slice %arg7[%sub3A_120, %dma_start3A_122, %dma_start3A_123] : memref<2x16x128xi32, #tpu.memory_space<vmem>> -> memref<1x16x128xi32, #tpu.memory_space<vmem>>
        %dma_start3A_125 = tpu.memref_squeeze %dma_start3A_124 : memref<1x16x128xi32, #tpu.memory_space<vmem>> -> memref<16x128xi32, #tpu.memory_space<vmem>>
        %dma_start3A_126 = arith.constant 0 : i32
        %dma_start3A_127 = tpu.memref_slice %arg3[%add3A_118, %dma_start3A_126] : memref<2560x128xi32, #tpu.memory_space<hbm>> -> memref<16x128xi32, #tpu.memory_space<hbm>>
        %dma_start3A_128 = tpu.memref_slice %arg13[%dma_start3A_121] : memref<2x!tpu.dma_semaphore, #tpu.memory_space<semaphore_mem>> -> memref<1x!tpu.dma_semaphore, #tpu.memory_space<semaphore_mem>>
        %dma_start3A_129 = tpu.memref_squeeze %dma_start3A_128 : memref<1x!tpu.dma_semaphore, #tpu.memory_space<semaphore_mem>> -> memref<!tpu.dma_semaphore, #tpu.memory_space<semaphore_mem>>
        %dma_start3A_130 = arith.constant 0 : i32
        %dma_start3A_131 = arith.constant 0 : i32
        %dma_start3A_132 = tpu.memref_slice %arg7[%sub3A_120, %dma_start3A_130, %dma_start3A_131] : memref<2x16x128xi32, #tpu.memory_space<vmem>> -> memref<1x16x128xi32, #tpu.memory_space<vmem>>
        %dma_start3A_133 = tpu.memref_squeeze %dma_start3A_132 : memref<1x16x128xi32, #tpu.memory_space<vmem>> -> memref<16x128xi32, #tpu.memory_space<vmem>>
        %dma_start3A_134 = arith.constant 0 : i32
        %dma_start3A_135 = tpu.memref_slice %arg3[%add3A_118, %dma_start3A_134] : memref<2560x128xi32, #tpu.memory_space<hbm>> -> memref<16x128xi32, #tpu.memory_space<hbm>>
        tpu.enqueue_dma source(%dma_start3A_135 : memref<16x128xi32, #tpu.memory_space<hbm>>) target(%dma_start3A_133 : memref<16x128xi32, #tpu.memory_space<vmem>>) target_semaphore(%dma_start3A_129 : memref<!tpu.dma_semaphore, #tpu.memory_space<semaphore_mem>>)
        %add3A_136 = arith.addi %min3A_29, %mul3A_117 : i32
        %sub3A_137 = arith.constant 1 : i32
        %sub3A_138 = arith.subi %sub3A_137, %rem3A_61 : i32
        %dma_start3A_139 = arith.constant 1 : i32
        %dma_start3A_140 = arith.constant 0 : i32
        %dma_start3A_141 = arith.constant 0 : i32
        %dma_start3A_142 = tpu.memref_slice %arg8[%sub3A_138, %dma_start3A_140, %dma_start3A_141] : memref<2x16x128xi32, #tpu.memory_space<vmem>> -> memref<1x16x128xi32, #tpu.memory_space<vmem>>
        %dma_start3A_143 = tpu.memref_squeeze %dma_start3A_142 : memref<1x16x128xi32, #tpu.memory_space<vmem>> -> memref<16x128xi32, #tpu.memory_space<vmem>>
        %dma_start3A_144 = arith.constant 0 : i32
        %dma_start3A_145 = tpu.memref_slice %arg4[%add3A_136, %dma_start3A_144] : memref<2560x128xi32, #tpu.memory_space<hbm>> -> memref<16x128xi32, #tpu.memory_space<hbm>>
        %dma_start3A_146 = tpu.memref_slice %arg13[%dma_start3A_139] : memref<2x!tpu.dma_semaphore, #tpu.memory_space<semaphore_mem>> -> memref<1x!tpu.dma_semaphore, #tpu.memory_space<semaphore_mem>>
        %dma_start3A_147 = tpu.memref_squeeze %dma_start3A_146 : memref<1x!tpu.dma_semaphore, #tpu.memory_space<semaphore_mem>> -> memref<!tpu.dma_semaphore, #tpu.memory_space<semaphore_mem>>
        %dma_start3A_148 = arith.constant 0 : i32
        %dma_start3A_149 = arith.constant 0 : i32
        %dma_start3A_150 = tpu.memref_slice %arg8[%sub3A_138, %dma_start3A_148, %dma_start3A_149] : memref<2x16x128xi32, #tpu.memory_space<vmem>> -> memref<1x16x128xi32, #tpu.memory_space<vmem>>
        %dma_start3A_151 = tpu.memref_squeeze %dma_start3A_150 : memref<1x16x128xi32, #tpu.memory_space<vmem>> -> memref<16x128xi32, #tpu.memory_space<vmem>>
        %dma_start3A_152 = arith.constant 0 : i32
        %dma_start3A_153 = tpu.memref_slice %arg4[%add3A_136, %dma_start3A_152] : memref<2560x128xi32, #tpu.memory_space<hbm>> -> memref<16x128xi32, #tpu.memory_space<hbm>>
        tpu.enqueue_dma source(%dma_start3A_153 : memref<16x128xi32, #tpu.memory_space<hbm>>) target(%dma_start3A_151 : memref<16x128xi32, #tpu.memory_space<vmem>>) target_semaphore(%dma_start3A_147 : memref<!tpu.dma_semaphore, #tpu.memory_space<semaphore_mem>>)
      } else {
      }
      %eq3A_75 = arith.constant 15 : i32
      %eq3A_76 = arith.cmpi eq, %rem3A_63, %eq3A_75 : i32
      %add3A_77 = arith.constant 16 : i32
      %add3A_78 = arith.addi %while3A_56, %add3A_77 : i32
      %lt3A_79 = arith.cmpi slt, %add3A_78, %select_n3A : i32
      %and3A_80 = arith.andi %eq3A_76, %lt3A_79 : i1
      %convert_element_type3A_81 = arith.extui %and3A_80 : i1 to i32
      %cond3A_82 = arith.constant 0 : i32
      %cond3A_83 = arith.cmpi ne, %convert_element_type3A_81, %cond3A_82 : i32
      scf.if %cond3A_83 {
        %dma_wait3A_114 = arith.constant 0 : i32
        %dma_wait3A_115 = arith.constant 0 : i32
        %dma_wait3A_116 = arith.constant 0 : i32
        %dma_wait3A_117 = arith.constant 0 : i32
        %dma_wait3A_118 = tpu.memref_slice %arg7[%dma_wait3A_114, %dma_wait3A_116, %dma_wait3A_117] : memref<2x16x128xi32, #tpu.memory_space<vmem>> -> memref<1x16x128xi32, #tpu.memory_space<vmem>>
        %dma_wait3A_119 = tpu.memref_squeeze %dma_wait3A_118 : memref<1x16x128xi32, #tpu.memory_space<vmem>> -> memref<16x128xi32, #tpu.memory_space<vmem>>
        %dma_wait3A_120 = arith.constant 0 : i32
        %dma_wait3A_121 = tpu.memref_slice %arg3[%min3A_29, %dma_wait3A_120] : memref<2560x128xi32, #tpu.memory_space<hbm>> -> memref<16x128xi32, #tpu.memory_space<hbm>>
        %dma_wait3A_122 = tpu.memref_slice %arg13[%dma_wait3A_115] : memref<2x!tpu.dma_semaphore, #tpu.memory_space<semaphore_mem>> -> memref<1x!tpu.dma_semaphore, #tpu.memory_space<semaphore_mem>>
        %dma_wait3A_123 = tpu.memref_squeeze %dma_wait3A_122 : memref<1x!tpu.dma_semaphore, #tpu.memory_space<semaphore_mem>> -> memref<!tpu.dma_semaphore, #tpu.memory_space<semaphore_mem>>
        %dma_wait3A_124 = arith.constant 0 : i32
        %dma_wait3A_125 = arith.constant 0 : i32
        %dma_wait3A_126 = tpu.memref_slice %arg7[%dma_wait3A_114, %dma_wait3A_124, %dma_wait3A_125] : memref<2x16x128xi32, #tpu.memory_space<vmem>> -> memref<1x16x128xi32, #tpu.memory_space<vmem>>
        %dma_wait3A_127 = tpu.memref_squeeze %dma_wait3A_126 : memref<1x16x128xi32, #tpu.memory_space<vmem>> -> memref<16x128xi32, #tpu.memory_space<vmem>>
        %dma_wait3A_128 = arith.constant 0 : i32
        %dma_wait3A_129 = tpu.memref_slice %arg3[%min3A_29, %dma_wait3A_128] : memref<2560x128xi32, #tpu.memory_space<hbm>> -> memref<16x128xi32, #tpu.memory_space<hbm>>
        tpu.wait_dma2 semaphore(%dma_wait3A_123 : memref<!tpu.dma_semaphore, #tpu.memory_space<semaphore_mem>>) src(%dma_wait3A_129 : memref<16x128xi32, #tpu.memory_space<hbm>>) dst(%dma_wait3A_127 : memref<16x128xi32, #tpu.memory_space<vmem>>)
        %dma_wait3A_130 = arith.constant 0 : i32
        %dma_wait3A_131 = arith.constant 1 : i32
        %dma_wait3A_132 = arith.constant 0 : i32
        %dma_wait3A_133 = arith.constant 0 : i32
        %dma_wait3A_134 = tpu.memref_slice %arg8[%dma_wait3A_130, %dma_wait3A_132, %dma_wait3A_133] : memref<2x16x128xi32, #tpu.memory_space<vmem>> -> memref<1x16x128xi32, #tpu.memory_space<vmem>>
        %dma_wait3A_135 = tpu.memref_squeeze %dma_wait3A_134 : memref<1x16x128xi32, #tpu.memory_space<vmem>> -> memref<16x128xi32, #tpu.memory_space<vmem>>
        %dma_wait3A_136 = arith.constant 0 : i32
        %dma_wait3A_137 = tpu.memref_slice %arg4[%min3A_29, %dma_wait3A_136] : memref<2560x128xi32, #tpu.memory_space<hbm>> -> memref<16x128xi32, #tpu.memory_space<hbm>>
        %dma_wait3A_138 = tpu.memref_slice %arg13[%dma_wait3A_131] : memref<2x!tpu.dma_semaphore, #tpu.memory_space<semaphore_mem>> -> memref<1x!tpu.dma_semaphore, #tpu.memory_space<semaphore_mem>>
        %dma_wait3A_139 = tpu.memref_squeeze %dma_wait3A_138 : memref<1x!tpu.dma_semaphore, #tpu.memory_space<semaphore_mem>> -> memref<!tpu.dma_semaphore, #tpu.memory_space<semaphore_mem>>
        %dma_wait3A_140 = arith.constant 0 : i32
        %dma_wait3A_141 = arith.constant 0 : i32
        %dma_wait3A_142 = tpu.memref_slice %arg8[%dma_wait3A_130, %dma_wait3A_140, %dma_wait3A_141] : memref<2x16x128xi32, #tpu.memory_space<vmem>> -> memref<1x16x128xi32, #tpu.memory_space<vmem>>
        %dma_wait3A_143 = tpu.memref_squeeze %dma_wait3A_142 : memref<1x16x128xi32, #tpu.memory_space<vmem>> -> memref<16x128xi32, #tpu.memory_space<vmem>>
        %dma_wait3A_144 = arith.constant 0 : i32
        %dma_wait3A_145 = tpu.memref_slice %arg4[%min3A_29, %dma_wait3A_144] : memref<2560x128xi32, #tpu.memory_space<hbm>> -> memref<16x128xi32, #tpu.memory_space<hbm>>
        tpu.wait_dma2 semaphore(%dma_wait3A_139 : memref<!tpu.dma_semaphore, #tpu.memory_space<semaphore_mem>>) src(%dma_wait3A_145 : memref<16x128xi32, #tpu.memory_space<hbm>>) dst(%dma_wait3A_143 : memref<16x128xi32, #tpu.memory_space<vmem>>)
      } else {
      }
      %add3A_84 = arith.constant 1 : i32
      %add3A_85 = arith.addi %while3A_56, %add3A_84 : i32
      %lt3A_86 = arith.cmpi slt, %add3A_85, %select_n3A : i32
      %convert_element_type3A_87 = arith.extui %lt3A_86 : i1 to i32
      %cond3A_88 = arith.constant 0 : i32
      %cond3A_89 = arith.cmpi ne, %convert_element_type3A_87, %cond3A_88 : i32
      scf.if %cond3A_89 {
        %add3A_114 = arith.constant 1 : i32
        %add3A_115 = arith.addi %while3A_56, %add3A_114 : i32
        %div3A_116 = arith.constant 16 : i32
        %div3A_117 = arith.divsi %add3A_115, %div3A_116 : i32
        %rem3A_118 = arith.constant 2 : i32
        %rem3A_119 = arith.remsi %div3A_117, %rem3A_118 : i32
        %rem3A_120 = arith.constant 16 : i32
        %rem3A_121 = arith.remsi %add3A_115, %rem3A_120 : i32
        %dma_start3A_122 = arith.constant 0 : i32
        %dma_start3A_123 = arith.constant 0 : i32
        %dma_start3A_124 = tpu.memref_slice %arg9[%sub3A_58, %dma_start3A_122, %dma_start3A_123] : memref<2x128x128xf32, #tpu.memory_space<vmem>> -> memref<1x32x128xf32, #tpu.memory_space<vmem>>
        %dma_start3A_125 = tpu.memref_squeeze %dma_start3A_124 : memref<1x32x128xf32, #tpu.memory_space<vmem>> -> memref<32x128xf32, #tpu.memory_space<vmem>>
        %dma_start3A_126 = arith.constant 0 : i32
        %dma_start3A_127 = tpu.memref_slice %arg7[%rem3A_119, %rem3A_121, %dma_start3A_126] : memref<2x16x128xi32, #tpu.memory_space<vmem>> -> memref<1x1x32xi32, #tpu.memory_space<vmem>>
        %dma_start3A_128 = tpu.memref_squeeze %dma_start3A_127 : memref<1x1x32xi32, #tpu.memory_space<vmem>> -> memref<32xi32, #tpu.memory_space<vmem>>
        %dma_start3A_129 = arith.constant 0 : i32
        %dma_start3A_130 = arith.constant 0 : i32
        %dma_start3A_131 = tpu.memref_slice %arg2[%dma_start3A_129, %dma_start3A_130] : memref<10240x128xf32, #tpu.memory_space<hbm>> -> memref<10240x128xf32, #tpu.memory_space<hbm>>
        %dma_start3A_132 = tpu.memref_slice %arg11[%sub3A_58] : memref<2x!tpu.dma_semaphore, #tpu.memory_space<semaphore_mem>> -> memref<1x!tpu.dma_semaphore, #tpu.memory_space<semaphore_mem>>
        %dma_start3A_133 = tpu.memref_squeeze %dma_start3A_132 : memref<1x!tpu.dma_semaphore, #tpu.memory_space<semaphore_mem>> -> memref<!tpu.dma_semaphore, #tpu.memory_space<semaphore_mem>>
        tpu.enqueue_indirect_dma source(%dma_start3A_131 : memref<10240x128xf32, #tpu.memory_space<hbm>>) target(%dma_start3A_125 : memref<32x128xf32, #tpu.memory_space<vmem>>) offsets(%dma_start3A_128 : memref<32xi32, #tpu.memory_space<vmem>>) semaphore(%dma_start3A_133 : memref<!tpu.dma_semaphore, #tpu.memory_space<semaphore_mem>>)
        %dma_start3A_134 = arith.constant 32 : i32
        %dma_start3A_135 = arith.constant 0 : i32
        %dma_start3A_136 = tpu.memref_slice %arg9[%sub3A_58, %dma_start3A_134, %dma_start3A_135] : memref<2x128x128xf32, #tpu.memory_space<vmem>> -> memref<1x32x128xf32, #tpu.memory_space<vmem>>
        %dma_start3A_137 = tpu.memref_squeeze %dma_start3A_136 : memref<1x32x128xf32, #tpu.memory_space<vmem>> -> memref<32x128xf32, #tpu.memory_space<vmem>>
        %dma_start3A_138 = arith.constant 32 : i32
        %dma_start3A_139 = tpu.memref_slice %arg7[%rem3A_119, %rem3A_121, %dma_start3A_138] : memref<2x16x128xi32, #tpu.memory_space<vmem>> -> memref<1x1x32xi32, #tpu.memory_space<vmem>>
        %dma_start3A_140 = tpu.memref_squeeze %dma_start3A_139 : memref<1x1x32xi32, #tpu.memory_space<vmem>> -> memref<32xi32, #tpu.memory_space<vmem>>
        %dma_start3A_141 = arith.constant 0 : i32
        %dma_start3A_142 = arith.constant 0 : i32
        %dma_start3A_143 = tpu.memref_slice %arg2[%dma_start3A_141, %dma_start3A_142] : memref<10240x128xf32, #tpu.memory_space<hbm>> -> memref<10240x128xf32, #tpu.memory_space<hbm>>
        %dma_start3A_144 = tpu.memref_slice %arg11[%sub3A_58] : memref<2x!tpu.dma_semaphore, #tpu.memory_space<semaphore_mem>> -> memref<1x!tpu.dma_semaphore, #tpu.memory_space<semaphore_mem>>
        %dma_start3A_145 = tpu.memref_squeeze %dma_start3A_144 : memref<1x!tpu.dma_semaphore, #tpu.memory_space<semaphore_mem>> -> memref<!tpu.dma_semaphore, #tpu.memory_space<semaphore_mem>>
        tpu.enqueue_indirect_dma source(%dma_start3A_143 : memref<10240x128xf32, #tpu.memory_space<hbm>>) target(%dma_start3A_137 : memref<32x128xf32, #tpu.memory_space<vmem>>) offsets(%dma_start3A_140 : memref<32xi32, #tpu.memory_space<vmem>>) semaphore(%dma_start3A_145 : memref<!tpu.dma_semaphore, #tpu.memory_space<semaphore_mem>>)
        %dma_start3A_146 = arith.constant 64 : i32
        %dma_start3A_147 = arith.constant 0 : i32
        %dma_start3A_148 = tpu.memref_slice %arg9[%sub3A_58, %dma_start3A_146, %dma_start3A_147] : memref<2x128x128xf32, #tpu.memory_space<vmem>> -> memref<1x32x128xf32, #tpu.memory_space<vmem>>
        %dma_start3A_149 = tpu.memref_squeeze %dma_start3A_148 : memref<1x32x128xf32, #tpu.memory_space<vmem>> -> memref<32x128xf32, #tpu.memory_space<vmem>>
        %dma_start3A_150 = arith.constant 64 : i32
        %dma_start3A_151 = tpu.memref_slice %arg7[%rem3A_119, %rem3A_121, %dma_start3A_150] : memref<2x16x128xi32, #tpu.memory_space<vmem>> -> memref<1x1x32xi32, #tpu.memory_space<vmem>>
        %dma_start3A_152 = tpu.memref_squeeze %dma_start3A_151 : memref<1x1x32xi32, #tpu.memory_space<vmem>> -> memref<32xi32, #tpu.memory_space<vmem>>
        %dma_start3A_153 = arith.constant 0 : i32
        %dma_start3A_154 = arith.constant 0 : i32
        %dma_start3A_155 = tpu.memref_slice %arg2[%dma_start3A_153, %dma_start3A_154] : memref<10240x128xf32, #tpu.memory_space<hbm>> -> memref<10240x128xf32, #tpu.memory_space<hbm>>
        %dma_start3A_156 = tpu.memref_slice %arg11[%sub3A_58] : memref<2x!tpu.dma_semaphore, #tpu.memory_space<semaphore_mem>> -> memref<1x!tpu.dma_semaphore, #tpu.memory_space<semaphore_mem>>
        %dma_start3A_157 = tpu.memref_squeeze %dma_start3A_156 : memref<1x!tpu.dma_semaphore, #tpu.memory_space<semaphore_mem>> -> memref<!tpu.dma_semaphore, #tpu.memory_space<semaphore_mem>>
        tpu.enqueue_indirect_dma source(%dma_start3A_155 : memref<10240x128xf32, #tpu.memory_space<hbm>>) target(%dma_start3A_149 : memref<32x128xf32, #tpu.memory_space<vmem>>) offsets(%dma_start3A_152 : memref<32xi32, #tpu.memory_space<vmem>>) semaphore(%dma_start3A_157 : memref<!tpu.dma_semaphore, #tpu.memory_space<semaphore_mem>>)
        %dma_start3A_158 = arith.constant 96 : i32
        %dma_start3A_159 = arith.constant 0 : i32
        %dma_start3A_160 = tpu.memref_slice %arg9[%sub3A_58, %dma_start3A_158, %dma_start3A_159] : memref<2x128x128xf32, #tpu.memory_space<vmem>> -> memref<1x32x128xf32, #tpu.memory_space<vmem>>
        %dma_start3A_161 = tpu.memref_squeeze %dma_start3A_160 : memref<1x32x128xf32, #tpu.memory_space<vmem>> -> memref<32x128xf32, #tpu.memory_space<vmem>>
        %dma_start3A_162 = arith.constant 96 : i32
        %dma_start3A_163 = tpu.memref_slice %arg7[%rem3A_119, %rem3A_121, %dma_start3A_162] : memref<2x16x128xi32, #tpu.memory_space<vmem>> -> memref<1x1x32xi32, #tpu.memory_space<vmem>>
        %dma_start3A_164 = tpu.memref_squeeze %dma_start3A_163 : memref<1x1x32xi32, #tpu.memory_space<vmem>> -> memref<32xi32, #tpu.memory_space<vmem>>
        %dma_start3A_165 = arith.constant 0 : i32
        %dma_start3A_166 = arith.constant 0 : i32
        %dma_start3A_167 = tpu.memref_slice %arg2[%dma_start3A_165, %dma_start3A_166] : memref<10240x128xf32, #tpu.memory_space<hbm>> -> memref<10240x128xf32, #tpu.memory_space<hbm>>
        %dma_start3A_168 = tpu.memref_slice %arg11[%sub3A_58] : memref<2x!tpu.dma_semaphore, #tpu.memory_space<semaphore_mem>> -> memref<1x!tpu.dma_semaphore, #tpu.memory_space<semaphore_mem>>
        %dma_start3A_169 = tpu.memref_squeeze %dma_start3A_168 : memref<1x!tpu.dma_semaphore, #tpu.memory_space<semaphore_mem>> -> memref<!tpu.dma_semaphore, #tpu.memory_space<semaphore_mem>>
        tpu.enqueue_indirect_dma source(%dma_start3A_167 : memref<10240x128xf32, #tpu.memory_space<hbm>>) target(%dma_start3A_161 : memref<32x128xf32, #tpu.memory_space<vmem>>) offsets(%dma_start3A_164 : memref<32xi32, #tpu.memory_space<vmem>>) semaphore(%dma_start3A_169 : memref<!tpu.dma_semaphore, #tpu.memory_space<semaphore_mem>>)
      } else {
      }
      %dma_wait3A = arith.constant 0 : i32
      %dma_wait3A_90 = arith.constant 0 : i32
      %dma_wait3A_91 = arith.constant 0 : i32
      %dma_wait3A_92 = arith.constant 0 : i32
      %dma_wait3A_93 = tpu.memref_slice %arg9[%rem3A_57, %dma_wait3A_91, %dma_wait3A_92] : memref<2x128x128xf32, #tpu.memory_space<vmem>> -> memref<1x128x128xf32, #tpu.memory_space<vmem>>
      %dma_wait3A_94 = tpu.memref_squeeze %dma_wait3A_93 : memref<1x128x128xf32, #tpu.memory_space<vmem>> -> memref<128x128xf32, #tpu.memory_space<vmem>>
      %dma_wait3A_95 = arith.constant 0 : i32
      %dma_wait3A_96 = tpu.memref_slice %arg7[%dma_wait3A, %dma_wait3A_90, %dma_wait3A_95] : memref<2x16x128xi32, #tpu.memory_space<vmem>> -> memref<1x1x128xi32, #tpu.memory_space<vmem>>
      %dma_wait3A_97 = tpu.memref_squeeze %dma_wait3A_96 : memref<1x1x128xi32, #tpu.memory_space<vmem>> -> memref<128xi32, #tpu.memory_space<vmem>>
      %dma_wait3A_98 = arith.constant 0 : i32
      %dma_wait3A_99 = arith.constant 0 : i32
      %dma_wait3A_100 = tpu.memref_slice %arg2[%dma_wait3A_98, %dma_wait3A_99] : memref<10240x128xf32, #tpu.memory_space<hbm>> -> memref<10240x128xf32, #tpu.memory_space<hbm>>
      %dma_wait3A_101 = tpu.memref_slice %arg11[%rem3A_57] : memref<2x!tpu.dma_semaphore, #tpu.memory_space<semaphore_mem>> -> memref<1x!tpu.dma_semaphore, #tpu.memory_space<semaphore_mem>>
      %dma_wait3A_102 = tpu.memref_squeeze %dma_wait3A_101 : memref<1x!tpu.dma_semaphore, #tpu.memory_space<semaphore_mem>> -> memref<!tpu.dma_semaphore, #tpu.memory_space<semaphore_mem>>
      tpu.wait_indirect_dma semaphore(%dma_wait3A_102 : memref<!tpu.dma_semaphore, #tpu.memory_space<semaphore_mem>>) src(%dma_wait3A_100 : memref<10240x128xf32, #tpu.memory_space<hbm>>) dst(%dma_wait3A_94 : memref<128x128xf32, #tpu.memory_space<vmem>>)
      %dma_start3A = arith.constant 0 : i32
      %dma_start3A_103 = arith.constant 0 : i32
      %dma_start3A_104 = tpu.memref_slice %arg9[%rem3A_57, %dma_start3A, %dma_start3A_103] : memref<2x128x128xf32, #tpu.memory_space<vmem>> -> memref<1x128x128xf32, #tpu.memory_space<vmem>>
      %dma_start3A_105 = tpu.memref_squeeze %dma_start3A_104 : memref<1x128x128xf32, #tpu.memory_space<vmem>> -> memref<128x128xf32, #tpu.memory_space<vmem>>
      %dma_start3A_106 = arith.constant 0 : i32
      %dma_start3A_107 = tpu.memref_slice %arg8[%rem3A_61, %rem3A_63, %dma_start3A_106] : memref<2x16x128xi32, #tpu.memory_space<vmem>> -> memref<1x1x128xi32, #tpu.memory_space<vmem>>
      %dma_start3A_108 = tpu.memref_squeeze %dma_start3A_107 : memref<1x1x128xi32, #tpu.memory_space<vmem>> -> memref<128xi32, #tpu.memory_space<vmem>>
      %dma_start3A_109 = arith.constant 0 : i32
      %dma_start3A_110 = arith.constant 0 : i32
      %dma_start3A_111 = tpu.memref_slice %arg10[%dma_start3A_109, %dma_start3A_110] : memref<10240x128xf32, #tpu.memory_space<vmem_shared>> -> memref<10240x128xf32, #tpu.memory_space<vmem_shared>>
      %dma_start3A_112 = tpu.memref_slice %arg12[%rem3A_57] : memref<2x!tpu.dma_semaphore, #tpu.memory_space<semaphore_mem>> -> memref<1x!tpu.dma_semaphore, #tpu.memory_space<semaphore_mem>>
      %dma_start3A_113 = tpu.memref_squeeze %dma_start3A_112 : memref<1x!tpu.dma_semaphore, #tpu.memory_space<semaphore_mem>> -> memref<!tpu.dma_semaphore, #tpu.memory_space<semaphore_mem>>
      tpu.enqueue_indirect_dma source(%dma_start3A_105 : memref<128x128xf32, #tpu.memory_space<vmem>>) target(%dma_start3A_111 : memref<10240x128xf32, #tpu.memory_space<vmem_shared>>) offsets(%dma_start3A_108 : memref<128xi32, #tpu.memory_space<vmem>>) semaphore(%dma_start3A_113 : memref<!tpu.dma_semaphore, #tpu.memory_space<semaphore_mem>>) {add = true}
    }
    %gt3A_46 = arith.constant 0 : i32
    %gt3A_47 = arith.cmpi sgt, %select_n3A, %gt3A_46 : i32
    %convert_element_type3A_48 = arith.extui %gt3A_47 : i1 to i32
    %cond3A_49 = arith.constant 0 : i32
    %cond3A_50 = arith.cmpi ne, %convert_element_type3A_48, %cond3A_49 : i32
    scf.if %cond3A_50 {
      %dma_wait3A = arith.constant 0 : i32
      %dma_wait3A_56 = arith.constant 0 : i32
      %dma_wait3A_57 = arith.constant 1 : i32
      %dma_wait3A_58 = arith.constant 1 : i32
      %dma_wait3A_59 = arith.constant 0 : i32
      %dma_wait3A_60 = arith.constant 0 : i32
      %dma_wait3A_61 = tpu.memref_slice %arg9[%dma_wait3A_57, %dma_wait3A_59, %dma_wait3A_60] : memref<2x128x128xf32, #tpu.memory_space<vmem>> -> memref<1x128x128xf32, #tpu.memory_space<vmem>>
      %dma_wait3A_62 = tpu.memref_squeeze %dma_wait3A_61 : memref<1x128x128xf32, #tpu.memory_space<vmem>> -> memref<128x128xf32, #tpu.memory_space<vmem>>
      %dma_wait3A_63 = arith.constant 0 : i32
      %dma_wait3A_64 = tpu.memref_slice %arg7[%dma_wait3A, %dma_wait3A_56, %dma_wait3A_63] : memref<2x16x128xi32, #tpu.memory_space<vmem>> -> memref<1x1x128xi32, #tpu.memory_space<vmem>>
      %dma_wait3A_65 = tpu.memref_squeeze %dma_wait3A_64 : memref<1x1x128xi32, #tpu.memory_space<vmem>> -> memref<128xi32, #tpu.memory_space<vmem>>
      %dma_wait3A_66 = arith.constant 0 : i32
      %dma_wait3A_67 = arith.constant 0 : i32
      %dma_wait3A_68 = tpu.memref_slice %arg2[%dma_wait3A_66, %dma_wait3A_67] : memref<10240x128xf32, #tpu.memory_space<hbm>> -> memref<10240x128xf32, #tpu.memory_space<hbm>>
      %dma_wait3A_69 = tpu.memref_slice %arg12[%dma_wait3A_58] : memref<2x!tpu.dma_semaphore, #tpu.memory_space<semaphore_mem>> -> memref<1x!tpu.dma_semaphore, #tpu.memory_space<semaphore_mem>>
      %dma_wait3A_70 = tpu.memref_squeeze %dma_wait3A_69 : memref<1x!tpu.dma_semaphore, #tpu.memory_space<semaphore_mem>> -> memref<!tpu.dma_semaphore, #tpu.memory_space<semaphore_mem>>
      tpu.wait_indirect_dma semaphore(%dma_wait3A_70 : memref<!tpu.dma_semaphore, #tpu.memory_space<semaphore_mem>>) src(%dma_wait3A_68 : memref<10240x128xf32, #tpu.memory_space<hbm>>) dst(%dma_wait3A_62 : memref<128x128xf32, #tpu.memory_space<vmem>>)
    } else {
    }
    %barrier3A_51 = arith.constant 0 : index
    tpu.barrier barrier_id(%barrier3A_51)
    %mul3A_52 = arith.constant 640 : i32
    %mul3A_53 = arith.muli %arg1, %mul3A_52 : i32
    %mul3A_54 = arith.constant 640 : i32
    %mul3A_55 = arith.muli %arg1, %mul3A_54 : i32
    "tpu.region"() ({
      %run_scoped3A = tpu.sem_alloc : memref<!tpu.dma_semaphore, #tpu.memory_space<semaphore_mem>>
      %dma_start3A = arith.constant 0 : i32
      %dma_start3A_56 = tpu.memref_slice %arg6[%arg0, %mul3A_55, %dma_start3A] : memref<2x10240x128xf32, #tpu.memory_space<hbm>> -> memref<1x640x128xf32, #tpu.memory_space<hbm>>
      %dma_start3A_57 = tpu.memref_squeeze %dma_start3A_56 : memref<1x640x128xf32, #tpu.memory_space<hbm>> -> memref<640x128xf32, #tpu.memory_space<hbm>>
      %dma_start3A_58 = arith.constant 0 : i32
      %dma_start3A_59 = tpu.memref_slice %arg10[%mul3A_53, %dma_start3A_58] : memref<10240x128xf32, #tpu.memory_space<vmem_shared>> -> memref<640x128xf32, #tpu.memory_space<vmem_shared>>
      tpu.enqueue_dma source(%dma_start3A_59 : memref<640x128xf32, #tpu.memory_space<vmem_shared>>) target(%dma_start3A_57 : memref<640x128xf32, #tpu.memory_space<hbm>>) target_semaphore(%run_scoped3A : memref<!tpu.dma_semaphore, #tpu.memory_space<semaphore_mem>>)
      %dma_wait3A = arith.constant 0 : i32
      %dma_wait3A_60 = tpu.memref_slice %arg6[%arg0, %mul3A_55, %dma_wait3A] : memref<2x10240x128xf32, #tpu.memory_space<hbm>> -> memref<1x640x128xf32, #tpu.memory_space<hbm>>
      %dma_wait3A_61 = tpu.memref_squeeze %dma_wait3A_60 : memref<1x640x128xf32, #tpu.memory_space<hbm>> -> memref<640x128xf32, #tpu.memory_space<hbm>>
      %dma_wait3A_62 = arith.constant 0 : i32
      %dma_wait3A_63 = tpu.memref_slice %arg10[%mul3A_53, %dma_wait3A_62] : memref<10240x128xf32, #tpu.memory_space<vmem_shared>> -> memref<640x128xf32, #tpu.memory_space<vmem_shared>>
      tpu.wait_dma2 semaphore(%run_scoped3A : memref<!tpu.dma_semaphore, #tpu.memory_space<semaphore_mem>>) src(%dma_wait3A_63 : memref<640x128xf32, #tpu.memory_space<vmem_shared>>) dst(%dma_wait3A_61 : memref<640x128xf32, #tpu.memory_space<hbm>>)
      tpu.yield
    }) : () -> ()
    return
  }
}

module attributes {stable_mosaic.version = 14 : i64} {
  func.func @_tc_prep_body(%arg0: i32, %arg1: memref<1024x128xf32, #tpu.memory_space<vmem>>, %arg2: memref<1024x128xf32, #tpu.memory_space<vmem>>, %arg3: memref<1024x128xf32, #tpu.memory_space<vmem>>, %arg4: memref<1024x128xf32, #tpu.memory_space<vmem>>, %arg5: memref<1024x16xf32, #tpu.memory_space<vmem>>, %arg6: memref<1024x16xf32, #tpu.memory_space<vmem>>) attributes {dimension_semantics = [#tpu.dimension_semantics<arbitrary>], iteration_bounds = array<i64: 10>, scalar_prefetch = 0 : i64, scratch_operands = 0 : i64, tpu.core_type = #tpu.core_type<tc>, window_params = [{transform_indices = @transform_0, window_bounds = array<i64: 1024, 128>}, {transform_indices = @transform_1, window_bounds = array<i64: 1024, 128>}, {transform_indices = @transform_2, window_bounds = array<i64: 1024, 128>}, {transform_indices = @transform_3, window_bounds = array<i64: 1024, 128>}, {transform_indices = @transform_4, window_bounds = array<i64: 1024, 16>}, {transform_indices = @transform_5, window_bounds = array<i64: 1024, 16>}]} {
    %get3A = arith.constant 0 : index
    %get3A_0 = arith.constant 0 : index
    %get3A_1 = vector.load %arg2[%get3A, %get3A_0] : memref<1024x128xf32, #tpu.memory_space<vmem>>, vector<1024x128xf32>
    %get3A_2 = arith.constant 0 : index
    %get3A_3 = arith.constant 0 : index
    %get3A_4 = vector.load %arg3[%get3A_2, %get3A_3] : memref<1024x128xf32, #tpu.memory_space<vmem>>, vector<1024x128xf32>
    %add3A = arith.addf %get3A_1, %get3A_4 : vector<1024x128xf32>
    %slice3A = vector.extract_strided_slice %add3A {offsets = [0, 0], sizes = [1024, 1], strides = [1, 1]} : vector<1024x128xf32> to vector<1024x1xf32>
    %max3A = arith.constant 1.000000e+00 : f32
    %max3A_5 = vector.broadcast %max3A : f32 to vector<1024x1xf32>
    %max3A_6 = arith.maximumf %slice3A, %max3A_5 : vector<1024x1xf32>
    %slice3A_7 = vector.extract_strided_slice %add3A {offsets = [0, 64], sizes = [1024, 1], strides = [1, 1]} : vector<1024x128xf32> to vector<1024x1xf32>
    %max3A_8 = arith.constant 1.000000e+00 : f32
    %max3A_9 = vector.broadcast %max3A_8 : f32 to vector<1024x1xf32>
    %max3A_10 = arith.maximumf %slice3A_7, %max3A_9 : vector<1024x1xf32>
    %rsqrt3A = math.rsqrt %max3A_6 : vector<1024x1xf32>
    %rsqrt3A_11 = math.rsqrt %max3A_10 : vector<1024x1xf32>
    %broadcast_in_dim3A = vector.shape_cast %rsqrt3A : vector<1024x1xf32> to vector<1024x1xf32>
    %broadcast_in_dim3A_12 = vector.broadcast %broadcast_in_dim3A : vector<1024x1xf32> to vector<1024x16xf32>
    %swap3A = arith.constant 0 : index
    %swap3A_13 = arith.constant 0 : index
    %swap3A_14 = vector.load %arg5[%swap3A, %swap3A_13] : memref<1024x16xf32, #tpu.memory_space<vmem>>, vector<1024x16xf32>
    tpu.vector_store %arg5[%swap3A, %swap3A_13], %broadcast_in_dim3A_12 {strides = array<i32>} : memref<1024x16xf32, #tpu.memory_space<vmem>>, vector<1024x16xf32>,
    %broadcast_in_dim3A_15 = vector.shape_cast %rsqrt3A_11 : vector<1024x1xf32> to vector<1024x1xf32>
    %broadcast_in_dim3A_16 = vector.broadcast %broadcast_in_dim3A_15 : vector<1024x1xf32> to vector<1024x16xf32>
    %swap3A_17 = arith.constant 0 : index
    %swap3A_18 = arith.constant 0 : index
    %swap3A_19 = vector.load %arg6[%swap3A_17, %swap3A_18] : memref<1024x16xf32, #tpu.memory_space<vmem>>, vector<1024x16xf32>
    tpu.vector_store %arg6[%swap3A_17, %swap3A_18], %broadcast_in_dim3A_16 {strides = array<i32>} : memref<1024x16xf32, #tpu.memory_space<vmem>>, vector<1024x16xf32>,
    %get3A_20 = arith.constant 0 : index
    %get3A_21 = arith.constant 0 : index
    %get3A_22 = vector.load %arg1[%get3A_20, %get3A_21] : memref<1024x128xf32, #tpu.memory_space<vmem>>, vector<1024x128xf32>
    %mul3A = vector.broadcast %rsqrt3A : vector<1024x1xf32> to vector<1024x128xf32>
    %mul3A_23 = arith.mulf %get3A_22, %mul3A : vector<1024x128xf32>
    %swap3A_24 = arith.constant 0 : index
    %swap3A_25 = arith.constant 0 : index
    %swap3A_26 = vector.load %arg4[%swap3A_24, %swap3A_25] : memref<1024x128xf32, #tpu.memory_space<vmem>>, vector<1024x128xf32>
    tpu.vector_store %arg4[%swap3A_24, %swap3A_25], %mul3A_23 {strides = array<i32>} : memref<1024x128xf32, #tpu.memory_space<vmem>>, vector<1024x128xf32>,
    return
  }
  func.func @transform_0(%arg0: i32) -> (i32, i32) {
    %c0_i32 = arith.constant 0 : i32
    %c0_i32_0 = arith.constant 0 : i32
    return %arg0, %c0_i32 : i32, i32
  }
  func.func @transform_1(%arg0: i32) -> (i32, i32) {
    %c0_i32 = arith.constant 0 : i32
    %c0_i32_0 = arith.constant 0 : i32
    return %arg0, %c0_i32 : i32, i32
  }
  func.func @transform_2(%arg0: i32) -> (i32, i32) {
    %c0_i32 = arith.constant 0 : i32
    %c0_i32_0 = arith.constant 0 : i32
    return %arg0, %c0_i32 : i32, i32
  }
  func.func @transform_3(%arg0: i32) -> (i32, i32) {
    %c0_i32 = arith.constant 0 : i32
    %c0_i32_0 = arith.constant 0 : i32
    return %arg0, %c0_i32 : i32, i32
  }
  func.func @transform_4(%arg0: i32) -> (i32, i32) {
    %c0_i32 = arith.constant 0 : i32
    %c0_i32_0 = arith.constant 0 : i32
    return %arg0, %c0_i32 : i32, i32
  }
  func.func @transform_5(%arg0: i32) -> (i32, i32) {
    %c0_i32 = arith.constant 0 : i32
    %c0_i32_0 = arith.constant 0 : i32
    return %arg0, %c0_i32 : i32, i32
  }
}

module attributes {stable_mosaic.version = 14 : i64} {
  func.func @_tc_layer_body(%arg0: i32, %arg1: memref<1024x128xf32, #tpu.memory_space<vmem>>, %arg2: memref<1024x128xf32, #tpu.memory_space<vmem>>, %arg3: memref<1024x16xf32, #tpu.memory_space<vmem>>, %arg4: memref<1024x16xf32, #tpu.memory_space<vmem>>, %arg5: memref<128x128xf32, #tpu.memory_space<vmem>>, %arg6: memref<1x128xf32, #tpu.memory_space<vmem>>, %arg7: memref<1024x128xf32, #tpu.memory_space<vmem>>) attributes {dimension_semantics = [#tpu.dimension_semantics<arbitrary>], iteration_bounds = array<i64: 10>, scalar_prefetch = 0 : i64, scratch_operands = 0 : i64, tpu.core_type = #tpu.core_type<tc>, window_params = [{transform_indices = @transform_0, window_bounds = array<i64: 1024, 128>}, {transform_indices = @transform_1, window_bounds = array<i64: 1024, 128>}, {transform_indices = @transform_2, window_bounds = array<i64: 1024, 16>}, {transform_indices = @transform_3, window_bounds = array<i64: 1024, 16>}, {pipeline_mode = #tpu.pipeline_mode<synchronous>, transform_indices = @transform_4, window_bounds = array<i64: 128, 128>}, {pipeline_mode = #tpu.pipeline_mode<synchronous>, transform_indices = @transform_5, window_bounds = array<i64: 1, 128>}, {transform_indices = @transform_6, window_bounds = array<i64: 1024, 128>}]} {
    %get3A = arith.constant 0 : index
    %get3A_0 = arith.constant 0 : index
    %get3A_1 = vector.load %arg1[%get3A, %get3A_0] : memref<1024x128xf32, #tpu.memory_space<vmem>>, vector<1024x128xf32>
    %get3A_2 = arith.constant 0 : index
    %get3A_3 = arith.constant 0 : index
    %get3A_4 = vector.load %arg2[%get3A_2, %get3A_3] : memref<1024x128xf32, #tpu.memory_space<vmem>>, vector<1024x128xf32>
    %add3A = arith.addf %get3A_1, %get3A_4 : vector<1024x128xf32>
    %get3A_5 = arith.constant 0 : index
    %get3A_6 = arith.constant 0 : index
    %get3A_7 = vector.load %arg3[%get3A_5, %get3A_6] : memref<1024x16xf32, #tpu.memory_space<vmem>>, vector<1024x16xf32>
    %slice3A = vector.extract_strided_slice %get3A_7 {offsets = [0, 0], sizes = [1024, 1], strides = [1, 1]} : vector<1024x16xf32> to vector<1024x1xf32>
    %mul3A = vector.broadcast %slice3A : vector<1024x1xf32> to vector<1024x128xf32>
    %mul3A_8 = arith.mulf %add3A, %mul3A : vector<1024x128xf32>
    %get3A_9 = arith.constant 0 : index
    %get3A_10 = arith.constant 0 : index
    %get3A_11 = vector.load %arg5[%get3A_9, %get3A_10] : memref<128x128xf32, #tpu.memory_space<vmem>>, vector<128x128xf32>
    %dot_general3A = arith.constant dense<0.000000e+00> : vector<1024x128xf32>
    %dot_general3A_12 = tpu.matmul %mul3A_8, %get3A_11, %dot_general3A {dimension_numbers = #tpu.dot_dimension_numbers<[1], [0], [0], [1], [0, 0, 1, 1], [], []>, transpose_lhs_hint = false} : vector<1024x128xf32>, vector<128x128xf32>, vector<1024x128xf32> -> vector<1024x128xf32>
    %get3A_13 = arith.constant 0 : index
    %get3A_14 = arith.constant 0 : index
    %get3A_15 = vector.load %arg6[%get3A_13, %get3A_14] : memref<1x128xf32, #tpu.memory_space<vmem>>, vector<1x128xf32>
    %add3A_16 = vector.broadcast %get3A_15 : vector<1x128xf32> to vector<1024x128xf32>
    %add3A_17 = arith.addf %dot_general3A_12, %add3A_16 : vector<1024x128xf32>
    %max3A = arith.constant 0.000000e+00 : f32
    %max3A_18 = vector.broadcast %max3A : f32 to vector<1024x128xf32>
    %max3A_19 = arith.maximumf %add3A_17, %max3A_18 : vector<1024x128xf32>
    %get3A_20 = arith.constant 0 : index
    %get3A_21 = arith.constant 0 : index
    %get3A_22 = vector.load %arg4[%get3A_20, %get3A_21] : memref<1024x16xf32, #tpu.memory_space<vmem>>, vector<1024x16xf32>
    %slice3A_23 = vector.extract_strided_slice %get3A_22 {offsets = [0, 0], sizes = [1024, 1], strides = [1, 1]} : vector<1024x16xf32> to vector<1024x1xf32>
    %mul3A_24 = vector.broadcast %slice3A_23 : vector<1024x1xf32> to vector<1024x128xf32>
    %mul3A_25 = arith.mulf %max3A_19, %mul3A_24 : vector<1024x128xf32>
    %swap3A = arith.constant 0 : index
    %swap3A_26 = arith.constant 0 : index
    %swap3A_27 = vector.load %arg7[%swap3A, %swap3A_26] : memref<1024x128xf32, #tpu.memory_space<vmem>>, vector<1024x128xf32>
    tpu.vector_store %arg7[%swap3A, %swap3A_26], %mul3A_25 {strides = array<i32>} : memref<1024x128xf32, #tpu.memory_space<vmem>>, vector<1024x128xf32>,
    return
  }
  func.func @transform_0(%arg0: i32) -> (i32, i32) {
    %c0_i32 = arith.constant 0 : i32
    %c0_i32_0 = arith.constant 0 : i32
    return %arg0, %c0_i32 : i32, i32
  }
  func.func @transform_1(%arg0: i32) -> (i32, i32) {
    %c0_i32 = arith.constant 0 : i32
    %c0_i32_0 = arith.constant 0 : i32
    return %arg0, %c0_i32 : i32, i32
  }
  func.func @transform_2(%arg0: i32) -> (i32, i32) {
    %c0_i32 = arith.constant 0 : i32
    %c0_i32_0 = arith.constant 0 : i32
    return %arg0, %c0_i32 : i32, i32
  }
  func.func @transform_3(%arg0: i32) -> (i32, i32) {
    %c0_i32 = arith.constant 0 : i32
    %c0_i32_0 = arith.constant 0 : i32
    return %arg0, %c0_i32 : i32, i32
  }
  func.func @transform_4(%arg0: i32) -> (i32, i32) {
    %c0_i32 = arith.constant 0 : i32
    %c0_i32_0 = arith.constant 0 : i32
    %c0_i32_1 = arith.constant 0 : i32
    return %c0_i32, %c0_i32_0 : i32, i32
  }
  func.func @transform_5(%arg0: i32) -> (i32, i32) {
    %c0_i32 = arith.constant 0 : i32
    %c0_i32_0 = arith.constant 0 : i32
    %c0_i32_1 = arith.constant 0 : i32
    return %c0_i32, %c0_i32_0 : i32, i32
  }
  func.func @transform_6(%arg0: i32) -> (i32, i32) {
    %c0_i32 = arith.constant 0 : i32
    %c0_i32_0 = arith.constant 0 : i32
    return %arg0, %c0_i32 : i32, i32
  }
}

module attributes {stable_mosaic.version = 14 : i64} {
  func.func @_tc_layer_body(%arg0: i32, %arg1: memref<1024x128xf32, #tpu.memory_space<vmem>>, %arg2: memref<1024x128xf32, #tpu.memory_space<vmem>>, %arg3: memref<1024x16xf32, #tpu.memory_space<vmem>>, %arg4: memref<1024x16xf32, #tpu.memory_space<vmem>>, %arg5: memref<128x128xf32, #tpu.memory_space<vmem>>, %arg6: memref<1x128xf32, #tpu.memory_space<vmem>>, %arg7: memref<1024x128xf32, #tpu.memory_space<vmem>>) attributes {dimension_semantics = [#tpu.dimension_semantics<arbitrary>], iteration_bounds = array<i64: 10>, scalar_prefetch = 0 : i64, scratch_operands = 0 : i64, tpu.core_type = #tpu.core_type<tc>, window_params = [{transform_indices = @transform_0, window_bounds = array<i64: 1024, 128>}, {transform_indices = @transform_1, window_bounds = array<i64: 1024, 128>}, {transform_indices = @transform_2, window_bounds = array<i64: 1024, 16>}, {transform_indices = @transform_3, window_bounds = array<i64: 1024, 16>}, {pipeline_mode = #tpu.pipeline_mode<synchronous>, transform_indices = @transform_4, window_bounds = array<i64: 128, 128>}, {pipeline_mode = #tpu.pipeline_mode<synchronous>, transform_indices = @transform_5, window_bounds = array<i64: 1, 128>}, {transform_indices = @transform_6, window_bounds = array<i64: 1024, 128>}]} {
    %get3A = arith.constant 0 : index
    %get3A_0 = arith.constant 0 : index
    %get3A_1 = vector.load %arg1[%get3A, %get3A_0] : memref<1024x128xf32, #tpu.memory_space<vmem>>, vector<1024x128xf32>
    %get3A_2 = arith.constant 0 : index
    %get3A_3 = arith.constant 0 : index
    %get3A_4 = vector.load %arg2[%get3A_2, %get3A_3] : memref<1024x128xf32, #tpu.memory_space<vmem>>, vector<1024x128xf32>
    %add3A = arith.addf %get3A_1, %get3A_4 : vector<1024x128xf32>
    %get3A_5 = arith.constant 0 : index
    %get3A_6 = arith.constant 0 : index
    %get3A_7 = vector.load %arg3[%get3A_5, %get3A_6] : memref<1024x16xf32, #tpu.memory_space<vmem>>, vector<1024x16xf32>
    %slice3A = vector.extract_strided_slice %get3A_7 {offsets = [0, 0], sizes = [1024, 1], strides = [1, 1]} : vector<1024x16xf32> to vector<1024x1xf32>
    %mul3A = vector.broadcast %slice3A : vector<1024x1xf32> to vector<1024x128xf32>
    %mul3A_8 = arith.mulf %add3A, %mul3A : vector<1024x128xf32>
    %get3A_9 = arith.constant 0 : index
    %get3A_10 = arith.constant 0 : index
    %get3A_11 = vector.load %arg5[%get3A_9, %get3A_10] : memref<128x128xf32, #tpu.memory_space<vmem>>, vector<128x128xf32>
    %dot_general3A = arith.constant dense<0.000000e+00> : vector<1024x128xf32>
    %dot_general3A_12 = tpu.matmul %mul3A_8, %get3A_11, %dot_general3A {dimension_numbers = #tpu.dot_dimension_numbers<[1], [0], [0], [1], [0, 0, 1, 1], [], []>, transpose_lhs_hint = false} : vector<1024x128xf32>, vector<128x128xf32>, vector<1024x128xf32> -> vector<1024x128xf32>
    %get3A_13 = arith.constant 0 : index
    %get3A_14 = arith.constant 0 : index
    %get3A_15 = vector.load %arg6[%get3A_13, %get3A_14] : memref<1x128xf32, #tpu.memory_space<vmem>>, vector<1x128xf32>
    %add3A_16 = vector.broadcast %get3A_15 : vector<1x128xf32> to vector<1024x128xf32>
    %add3A_17 = arith.addf %dot_general3A_12, %add3A_16 : vector<1024x128xf32>
    %swap3A = arith.constant 0 : index
    %swap3A_18 = arith.constant 0 : index
    %swap3A_19 = vector.load %arg7[%swap3A, %swap3A_18] : memref<1024x128xf32, #tpu.memory_space<vmem>>, vector<1024x128xf32>
    tpu.vector_store %arg7[%swap3A, %swap3A_18], %add3A_17 {strides = array<i32>} : memref<1024x128xf32, #tpu.memory_space<vmem>>, vector<1024x128xf32>,
    return
  }
  func.func @transform_0(%arg0: i32) -> (i32, i32) {
    %c0_i32 = arith.constant 0 : i32
    %c0_i32_0 = arith.constant 0 : i32
    return %arg0, %c0_i32 : i32, i32
  }
  func.func @transform_1(%arg0: i32) -> (i32, i32) {
    %c0_i32 = arith.constant 0 : i32
    %c0_i32_0 = arith.constant 0 : i32
    return %arg0, %c0_i32 : i32, i32
  }
  func.func @transform_2(%arg0: i32) -> (i32, i32) {
    %c0_i32 = arith.constant 0 : i32
    %c0_i32_0 = arith.constant 0 : i32
    return %arg0, %c0_i32 : i32, i32
  }
  func.func @transform_3(%arg0: i32) -> (i32, i32) {
    %c0_i32 = arith.constant 0 : i32
    %c0_i32_0 = arith.constant 0 : i32
    return %arg0, %c0_i32 : i32, i32
  }
  func.func @transform_4(%arg0: i32) -> (i32, i32) {
    %c0_i32 = arith.constant 0 : i32
    %c0_i32_0 = arith.constant 0 : i32
    %c0_i32_1 = arith.constant 0 : i32
    return %c0_i32, %c0_i32_0 : i32, i32
  }
  func.func @transform_5(%arg0: i32) -> (i32, i32) {
    %c0_i32 = arith.constant 0 : i32
    %c0_i32_0 = arith.constant 0 : i32
    %c0_i32_1 = arith.constant 0 : i32
    return %c0_i32, %c0_i32_0 : i32, i32
  }
  func.func @transform_6(%arg0: i32) -> (i32, i32) {
    %c0_i32 = arith.constant 0 : i32
    %c0_i32_0 = arith.constant 0 : i32
    return %arg0, %c0_i32 : i32, i32
  }
}

</mosaic_0001>

<sc_bundles>
// kernel: kernel.10.cloned.1.call-start
scs
__scs_entry_jumppad:
0x0: {  	(pc) =	sbr.rel $0x88, $3  }
0x1: {  	(tag) =	ssettag $0x0;
	lr =	simm.s32 $0x1  }
0x2: {  	[smem:$0x3F99] =	sst lr;
	_ =	strace $0xD0000000  }
0x3: {  	_ = 	snop  }
0x4: {  	_ = 	snop  }
0x5: {  	_ = 	snop  }
0x6: {  	_ = 	snop  }
0x7: {  	_ = 	snop  }
__scs_overlays_trampoline_lowered:
0x8: {  	[smem:$0x3FA8] =	sst s0  }
0x9: {  	[smem:$0x3FA9] =	sst s1  }
0xa: {  	[smem:$0x3FAA] =	sst s2  }
0xb: {  	[smem:$0x3FAB] =	sst s3  }
0xc: {  	[smem:$0x3FAC] =	sst s4  }
0xd: {  	[smem:$0x3FAD] =	sst s5  }
0xe: {  	[smem:$0x3FAE] =	sst s6  }
0xf: {  	[smem:$0x3FAF] =	sst s7  }
0x10: {  	[smem:$0x3FB0] =	sst s8  }
0x11: {  	[smem:$0x3FB1] =	sst s9;
	s0 =	simm.s32 @!p0 $0x0  }
0x12: {  	s1 =	sld [smem:$0x3F97];
	s0 =	simm.s32 @p0 $0x1  }
0x13: {  	[smem:$0x3FB2] =	sst s0;
	s0 =	simm.s32 @!p1 $0x0  }
0x14: {  	s2 =	sld [smem:$0x3F96];
	s0 =	simm.s32 @p1 $0x1  }
0x15: {  	[smem:$0x3FB3] =	sst s0;
	s0 =	simm.s32 @!p2 $0x0  }
0x16: {  	s3 =	sld [smem:$0x3FDB];
	s0 =	simm.s32 @p2 $0x1  }
0x17: {  	s4 =	simm.s32 $0x1BF5;
	[smem:$0x3FB5] =	sst s0  }
0x18: {  	s0 =	sld [smem:$0x3F98];
	_ =	swait.ge [sflag:s4], $0x0  }
0x19: {  	s7 =	sld [smem:$0x3F99]  }
0x1a: {  	s8 =	sadd.s32 $0xFFFFE003, lr  }
0x1b: {  	s9 =	sadd.s32 $0xFFFFFEF7, lr;
	s5 =	simm.s32 $0xFFFFFFFF;
	p2 =	slt.u32 s8, $0xFFFFF086  }
0x1c: {  	p1 =	slt.u32 s9, $0xF7A;
	s5 =	simm.s32 @!p2 $0x0  }
0x1d: {  	s5 =	simm.s32 @p1 $0x1;
	p0 =	seq.s32 s7, s2  }
0x1e: {  	s7 =	smul.u32 @!p0 $0xF7A, s2;
	p2 =	seq.s32 @!p0 s5, $0x0  }
0x1f: {  	s9 =	smul.u32 $0xF7A, s1;
	s8 =	simm.s32 @!p0 $0x1BF5;
	p2 =	por !p2, p0  }
0x20: {  	[sflag:s8] =	ssyncset.s32 @!p0 $0xFFFFF086;
	s6 =	sadd.s32 @!p0 s3, s7;
	s7 =	simm.s32 @!p0 $0x108  }
0x21: {  	s3 =	sadd.s32 s3, s9;
	s6 =	sadd.s32 @!p0 $0x88, s6;
	s7 =	simm.s32 @p2 $0x1082  }
0x22: {  	[simem:s7], [sflag:s8] =	dma.local @!p0 [hbm:s6], $0xF7A  }
0x23: {  	s9 =	sor.u32 $0xD0000000, s2;
	s6 =	simm.s32 $0x108;
	_ =	swait.ge @!p0 [sflag:s8], $0x0  }
0x24: {  	s3 =	sadd.s32 $0x88, s3;
	s6 =	simm.s32 @!p1 $0x1082;
	[sflag:s4] =	ssyncset.s32 $0xFFFFF086  }
0x25: {  	[simem:s6], [sflag:s4] =	dma.local [hbm:s3], $0xF7A  }
0x26: {  	[smem:$0x3F99] =	sst s1;
	(tag) =	ssettag s2;
	_ =	strace s9  }
0x27: {  	s1 =	sld [smem:$0x3FA9]  }
0x28: {  	s2 =	sld [smem:$0x3FAA]  }
0x29: {  	s4 =	sld [smem:$0x3FAC]  }
0x2a: {  	p0 =	seq.s32 s5, $0x0;
	s5 =	sld [smem:$0x3FAD]  }
0x2b: {  	s6 =	sld [smem:$0x3FAE]  }
0x2c: {  	s7 =	sld [smem:$0x3FAF]  }
0x2d: {  	s3 =	simm.s32 $0x108;
	s8 =	sld [smem:$0x3FB0]  }
0x2e: {  	s3 =	simm.s32 @!p0 $0x1082;
	s9 =	sld [smem:$0x3FB1]  }
0x2f: {  	lr =	sadd.s32 s0, s3;
	s0 =	sld [smem:$0x3FA8]  }
0x30: {  	s3 =	sld [smem:$0x3FAB]  }
0x31: {  	[smem:$0x3FB4] =	sst s10  }
0x32: {  	s10 =	sld [smem:$0x3FB2];
	_ =	sdelay $0x3  }
0x33: {  	p0 =	seq.s32 s10, $0x1;
	s10 =	sld [smem:$0x3FB4];
	_ =	sdelay $0x3  }
0x34: {  	[smem:$0x3FB4] =	sst s10  }
0x35: {  	s10 =	sld [smem:$0x3FB3];
	_ =	sdelay $0x3  }
0x36: {  	p1 =	seq.s32 s10, $0x1;
	s10 =	sld [smem:$0x3FB4];
	_ =	sdelay $0x3  }
0x37: {  	[smem:$0x3FB4] =	sst s10  }
0x38: {  	s10 =	sld [smem:$0x3FB5]  }
0x39: {  	_ = 	snop;
	(pc) =	sbr.ind lr, $3  }
0x3a: {  	_ = 	snop  }
0x3b: {  	_ = 	snop  }
0x3c: {  	p2 =	seq.s32 s10, $0x1;
	s10 =	sld [smem:$0x3FB4]  }
0x3d: {  	_ =	shalt  }
0x3e: {  	_ =	shalt  }
0x3f: {  	_ =	shalt  }
0x40: {  	_ =	shalt  }
0x41: {  	_ =	shalt  }
0x42: {  	_ =	shalt  }
0x43: {  	_ =	shalt  }
0x44: {  	_ =	shalt  }
0x45: {  	_ =	shalt  }
0x46: {  	_ =	shalt  }
0x47: {  	_ =	shalt  }
0x48: {  	_ =	shalt  }
0x49: {  	_ =	shalt  }
0x4a: {  	_ =	shalt  }
0x4b: {  	_ =	shalt  }
0x4c: {  	_ =	shalt  }
0x4d: {  	_ =	shalt  }
0x4e: {  	_ =	shalt  }
0x4f: {  	_ =	shalt  }
0x50: {  	_ =	shalt  }
0x51: {  	_ =	shalt  }
0x52: {  	_ =	shalt  }
0x53: {  	_ =	shalt  }
0x54: {  	_ =	shalt  }
0x55: {  	_ =	shalt  }
0x56: {  	_ =	shalt  }
0x57: {  	_ =	shalt  }
0x58: {  	_ =	shalt  }
0x59: {  	_ =	shalt  }
0x5a: {  	_ =	shalt  }
0x5b: {  	_ =	shalt  }
0x5c: {  	_ =	shalt  }
0x5d: {  	_ =	shalt  }
0x5e: {  	_ =	shalt  }
0x5f: {  	_ =	shalt  }
0x60: {  	_ =	shalt  }
0x61: {  	_ =	shalt  }
0x62: {  	_ =	shalt  }
0x63: {  	_ =	shalt  }
0x64: {  	_ =	shalt  }
0x65: {  	_ =	shalt  }
0x66: {  	_ =	shalt  }
0x67: {  	_ =	shalt  }
0x68: {  	_ =	shalt  }
0x69: {  	_ =	shalt  }
0x6a: {  	_ =	shalt  }
0x6b: {  	_ =	shalt  }
0x6c: {  	_ =	shalt  }
0x6d: {  	_ =	shalt  }
0x6e: {  	_ =	shalt  }
0x6f: {  	_ =	shalt  }
0x70: {  	_ =	shalt  }
0x71: {  	_ =	shalt  }
0x72: {  	_ =	shalt  }
0x73: {  	_ =	shalt  }
0x74: {  	_ =	shalt  }
0x75: {  	_ =	shalt  }
0x76: {  	_ =	shalt  }
0x77: {  	_ =	shalt  }
0x78: {  	_ =	shalt  }
0x79: {  	_ =	shalt  }
0x7a: {  	_ =	shalt  }
0x7b: {  	_ =	shalt  }
0x7c: {  	_ =	shalt  }
0x7d: {  	_ =	shalt  }
0x7e: {  	_ =	shalt  }
0x7f: {  	_ =	shalt  }
0x80: {  	_ =	shalt  }
0x81: {  	_ =	shalt  }
0x82: {  	_ =	shalt  }
0x83: {  	_ =	shalt  }
0x84: {  	_ =	shalt  }
0x85: {  	_ =	shalt  }
0x86: {  	_ =	shalt  }
0x87: {  	_ =	shalt  }
.Lfunc_end0:
.L_simem_size_0:
called_computation_lowered:
.L_overlay_start_0:
0x88: {  	s2 =	sld [smem:$0x3FD9]  }
0x89: {  	s3 =	sld [smem:$0x3FFE];
	_ =	sdelay $0x1  }
0x8a: {  	s1 =	srdreg.scid  }
0x8b: {  	s0 =	sand.u32 $0x1, s1  }
0x8c: {  	s17 =	sshll.u32 s0, $0xA;
	s2 =	sadd.s32 s3, s2  }
0x8d: {  	s2 =	sadd.s32 s2, s17  }
0x8e: {  	[smem:$0x3FC0] =	sst s2  }
0x8f: {  	_ = 	snop  }
0x90: {  	s2 =	sld [smem:$0x3FD0];
	(tm) =	ssettm $0x1  }
0x91: {  	s18 =	sld [smem:$0x3FFB];
	_ =	sdelay $0x3  }
0x92: {  	_ =	strace s18  }
0x93: {  	s3 =	sld [smem:$0x3FFC];
	_ =	sdelay $0x3  }
0x94: {  	_ =	strace s3  }
0x95: {  	s3 =	sld [smem:$0x3FFD];
	_ =	sdelay $0x3  }
0x96: {  	_ =	strace s3  }
0x97: {  	_ =	strace $0x8FFFFFFF  }
0x98: {  	s19 =	sld [smem:$0x3FDB];
	_ =	sdelay $0x1  }
0x99: {  	s4 =	simm.s32 $_scs_section_size  }
0x9a: {  	s5 =	simm.s32 $_size__tile_overlayer_lowered;
	s6 =	simm.s32 $_tile_overlayer_lowered  }
0x9b: {  	s22 =	simm.s32 $0x1BFF;
	s21 =	sshll.u32 s6, $0x1;
	s3 =	sadd.s32 s4, s19  }
0x9c: {  	s7 =	simm.s32 $0x0;
	s20 =	sshll.u32 s5, $0x1;
	s5 =	sadd.s32 s21, s3  }
0x9d: {  	[timem:s7], [sflag:s22] =	dma.local [hbm:s5], s20  }
0x9e: {  	_ =	swait.ge [sflag:s22], s20  }
0x9f: {  	s4 =	ssub.s32 $0x0, s20;
	[sflag:s22] =	ssyncset.done $0x0  }
0xa0: {  	[sflag:s22] =	ssyncadd.s32 s4;
	_ =	sdelay $0x1  }
0xa1: {  	s23 =	simm.s32 $0x1B8B  }
0xa2: {  	_ =	swait.ge [sflag:s23], $0x1  }
0xa3: {  	[sflag:s23] =	ssyncset.done $0x0  }
0xa4: {  	s25 =	simm.s32 $0x1B8E;
	s24 =	sld [smem:$0x3FFE];
	[sflag:s23] =	ssyncadd.s32 $0xFFFFFFFF  }
0xa5: {  	s26 =	simm.s32 $execute0_lowered;
	[smem:$0x3FD2] =	sst s25  }
0xa6: {  	s5 =	sshll.u32 s26, $0x1;
	_ =	strace $0x80000046;
	[dreg:$0x1] =	wrdreg $0xFFFFFFFF  }
0xa7: {  	s28 =	simm.s32 $_size_execute0_lowered;
	s3 =	sadd.s32 s3, s5;
	[dreg:$0x0] =	wrdreg $0x0  }
0xa8: {  	s5 =	sshll.u32 s28, $0x1;
	[dreg:$0x2] =	wrdreg s3  }
0xa9: {  	[dreg:$0x3] =	wrdreg s5  }
0xaa: {  	[dreg:$0x4] =	wrdreg $0xC0  }
0xab: {  	_ =	task [dreg:s7], $0x5FFFF  }
0xac: {  	[dreg:$0x1] =	wrdreg $0xFFFFFFFF  }
0xad: {  	[dreg:$0x0] =	wrdreg $0x60  }
0xae: {  	[dreg:$0x2] =	wrdreg s24  }
0xaf: {  	[dreg:$0x3] =	wrdreg s2  }
0xb0: {  	[dreg:$0x4] =	wrdreg $0xA0000  }
0xb1: {  	[dreg:$0x5] =	wrdreg $0x9  }
0xb2: {  	_ =	task.clear_ibuf [dreg:s7], $0x6FFFF;
	_ =	strace $0x90000046  }
0xb3: {  	s29 =	simm.s32 $0x9;
	_ =	strace $0x80000048  }
0xb4: {  	_ =	swait.ge [sflag:s29], $0x1  }
0xb5: {  	[sflag:s29] =	ssyncadd.s32 $0xFFFFFFFF  }
0xb6: {  	_ =	strace $0x90000048  }
0xb7: {  	_ =	sfence  }
0xb8: {  	s30 =	sld [smem:$0x0];
	_ =	sdelay $0x2  }
0xb9: {  	s31 =	sshll.u32 s1, $0xD;
	s1 =	sshrl.u32 s1, $0x2  }
0xba: {  	s3 =	sand.u32 $0x4000, s31;
	s1 =	sadd.s32 s1, s30  }
0xbb: {  	s0 =	sor.u32 s3, s0;
	s1 =	sshll.u32 s1, $0x11  }
0xbc: {  	s0 =	sor.u32 s1, s0  }
0xbd: {  	s0 =	sadd.s32 $0x8F2B, s0  }
0xbe: {  	[sflag:s0] =	ssyncadd.remote.s32 $0x1  }
0xbf: {  	_ =	sfence.sel $0xFFFF  }
0xc0: {  	[dreg:$0x0] =	wrdreg $0xFFFFFFFF;
	(pc) =	sbr.abs _section_cstart, $3  }
0xc1: {  	[dreg:$0x1] =	wrdreg $0xFFFFFFFF  }
0xc2: {  	_ =	task.clear_ibuf [dreg:s7], $0x2FFFF;
	_ =	strace $0x9FFFFFFF  }
0xc3: {  	(tm) =	ssettm $0x7FFFFFFF  }
tec
execute0_lowered:
.L_overlay_start_1:
0x0: {  	(tag) =	ssettag $0x1  }
0x1: {  	s0 =	rddreg [dreg:$0x0]  }
0x2: {  	s1 =	rddreg [dreg:$0x1]  }
0x3: {  	s2 =	rddreg [dreg:$0x2]  }
0x4: {  	s3 =	srdreg.scid;
	s4 =	simm.s32 $0x0;
	s6 =	stileid.u32  }
0x5: {  	s16 =	simm.s32 $0x4;
	s21 =	simm.s32 $0x2000;
	s22 =	simm.s32 $0x6000  }
0x6: {  	s28 =	simm.s32 $0x0;
	s3 =	sand.u32 $0x1, s3;
	[smem:$0x7FF] =	sst s4  }
0x7: {  	s10 =	smul.u32 $0x14000, s6;
	s5 =	sadd.s32 $0x3000, s0;
	s7 =	sadd.s32 $0xD800, s0  }
0x8: {  	s23 =	sadd.s32 $0xD000, s0;
	s8 =	sadd.s32 $0xE000, s0;
	s11 =	smul.u32 $0x50000, s6  }
0x9: {  	s29 =	sshll.u32 s6, $0x6;
	_ =	strace $0x80000047;
	[dreg:$0x4] =	wrdreg s7  }
0xa: {  	s9 =	smul.u32 $0x140000, s3;
	[dreg:$0x5] =	wrdreg s23;
	s24 =	ssub.s32 $0x2, s3  }
0xb: {  	s3 =	sshll.u32 s3, $0x4;
	s23 =	simm.s32 $0x1000;
	s25 =	sshrl.u32 s24, $0x1  }
0xc: {  	s3 =	sor.u32 s6, s3;
	s26 =	sshrl.u32 s11, $0x2;
	s9 =	sadd.s32 s10, s9  }
0xd: {  	s14 =	ssub.s32 s24, s25;
	s15 =	sadd.s32 s26, s2;
	s12 =	smul.u32 $0x50, s3  }
0xe: {  	s3 =	smul.u32 $0x500, s3;
	s24 =	simm.s32 $0x80;
	s26 =	simm.s32 $0x1  }
0xf: {  	s9 =	sshrl.u32 s9, $0x3;
	s17 =	sadd.s32 $0x4000, s15;
	s18 =	sadd.s32 $0x8000, s15  }
0x10: {  	s19 =	sadd.s32 $0xC000, s15;
	s20 =	sadd.s32 $0x10000, s15;
	s31 =	smax.u32 s14, $0x1  }
0x11: {  	s15 =	sshrl.u32 s15, $0x3;
	s0 =	sadd.s32 s9, s0;
	s9 =	sor.u32 $0x1C04, s29  }
0x12: {  	s30 =	sadd.s32 s5, s3;
	s3 =	sadd.s32 s1, s3;
	[dreg:$0x9] =	wrdreg s31  }
0x13: {  	s12 =	sadd.s32 $0x10, s12;
	s17 =	sshrl.u32 s17, $0x3;
	[dreg:$0x6] =	wrdreg s30  }
0x14: {  	s18 =	sshrl.u32 s18, $0x3;
	[dreg:$0x7] =	wrdreg s3;
	s0 =	sadd.s32 $0xE800, s0  }
0x15: {  	s19 =	sshrl.u32 s19, $0x3;
	s20 =	sshrl.u32 s20, $0x3;
	[dreg:$0x8] =	wrdreg s0  }
.LBB2_1:
0x16: {  	[spmem:s15], [sflag:s9] =	dma.local [hbm:s8], $0x800  }
0x17: {  	_ =	swait.ge [sflag:s16], $0x800  }
0x18: {  	[sflag:s16] =	ssyncset.done $0x0  }
0x19: {  	[sflag:s16] =	ssyncadd.s32 $0xFFFFF800  }
0x1a: {  	[spmem:s17], [sflag:s9] =	dma.local [hbm:s8], $0x800  }
0x1b: {  	_ =	swait.ge [sflag:s16], $0x800  }
0x1c: {  	[sflag:s16] =	ssyncset.done $0x0  }
0x1d: {  	[sflag:s16] =	ssyncadd.s32 $0xFFFFF800  }
0x1e: {  	[spmem:s18], [sflag:s9] =	dma.local [hbm:s8], $0x800  }
0x1f: {  	_ =	swait.ge [sflag:s16], $0x800  }
0x20: {  	[sflag:s16] =	ssyncset.done $0x0  }
0x21: {  	[sflag:s16] =	ssyncadd.s32 $0xFFFFF800  }
0x22: {  	[spmem:s19], [sflag:s9] =	dma.local [hbm:s8], $0x800  }
0x23: {  	_ =	swait.ge [sflag:s16], $0x800  }
0x24: {  	[sflag:s16] =	ssyncset.done $0x0  }
0x25: {  	[sflag:s16] =	ssyncadd.s32 $0xFFFFF800  }
0x26: {  	[spmem:s20], [sflag:s9] =	dma.local [hbm:s8], $0x800  }
0x27: {  	_ =	swait.ge [sflag:s16], $0x800  }
0x28: {  	[sflag:s16] =	ssyncset.done $0x0  }
0x29: {  	s0 =	rddreg [dreg:$0x4];
	[sflag:s16] =	ssyncadd.s32 $0xFFFFF800  }
0x2a: {  	[tilespmem:s21], [sflag:$0x4] =	stream.linear.gather [hbm4b:s0+s4], $0x4000, $0x38;
	[tilespmem:$0x1E000] =	vst v63  }
0x2b: {  	_ =	swait.ge [sflag:s16], $0x4000  }
0x2c: {  	[sflag:s16] =	ssyncset.done $0x0  }
0x2d: {  	s6 =	rddreg [dreg:$0x5];
	[sflag:s16] =	ssyncadd.s32 $0xFFFFC000  }
0x2e: {  	[tilespmem:s22], [sflag:$0x4] =	stream.linear.gather [hbm4b:s6+s4], $0x4000, $0x38;
	[tilespmem:$0x1E000] =	vst v63  }
0x2f: {  	_ =	swait.ge [sflag:s16], $0x4000  }
0x30: {  	[sflag:s16] =	ssyncset.done $0x0  }
0x31: {  	s7 =	rddreg [dreg:$0x6];
	[sflag:s16] =	ssyncadd.s32 $0xFFFFC000  }
0x32: {  	[tilespmem:s4], [sflag:$0x4] =	stream.linear.gather [hbm4b:s7+s4], $0x800, $0x38;
	[tilespmem:$0x1E000] =	vst v63  }
0x33: {  	_ =	swait.ge [sflag:s16], $0x800  }
0x34: {  	[sflag:s16] =	ssyncset.done $0x0  }
0x35: {  	s10 =	rddreg [dreg:$0x7];
	[sflag:s16] =	ssyncadd.s32 $0xFFFFF800  }
0x36: {  	[tilespmem:s23], [sflag:$0x4] =	stream.linear.gather [hbm4b:s10+s4], $0x800, $0x38;
	[tilespmem:$0x1E000] =	vst v63  }
0x37: {  	_ =	swait.ge [sflag:s16], $0x800  }
0x38: {  	[sflag:s16] =	ssyncset.done $0x0  }
0x39: {  	[sflag:s16] =	ssyncadd.s32 $0xFFFFF800  }
0x3a: {  	s0 =	simm.s32 $0x2;
	[bflag:$0x0] =	sbarrier.arrive $0xFFFF  }
0x3b: {  	[spmem:s2] =	stream.indirect.scatter.add.f32 [tilespmem:s21], [sflag:$0x1], $0x80, s4, s24, $0xb8;
	[tilespmem:$0x1E000] =	vst v63  }
0x3c: {  	s3 =	sand.u32 $0x4F, s0  }
0x3d: {  	[spmem:s2] =	stream.indirect.scatter.add.f32 [tilespmem:s22], [sflag:$0x1], $0x80, s23, s24, $0xb8;
	[tilespmem:$0x1E000] =	vst v63  }
0x3e: {  	p0 =	seq.s32 s3, $0xF  }
0x3f: {  	[spmem:s2] =	stream.indirect.scatter.add.f32 [tilespmem:s21], [sflag:$0x1], $0x80, s24, s24, $0xb8;
	[tilespmem:$0x1E000] =	vst v63  }
0x40: {  	s11 =	simm.s32 $0x1080;
	s25 =	simm.s32 @p0 $0x2;
	p1 =	sne.s32 @!p0 s3, $0x3  }
0x41: {  	[spmem:s2] =	stream.indirect.scatter.add.f32 [tilespmem:s22], [sflag:$0x1], $0x80, s11, s24, $0xb8;
	[tilespmem:$0x1E000] =	vst v63  }
0x42: {  	s29 =	simm.s32 $0x0;
	p1 =	por p1, p0;
	_ =	swait.ge @p0 [sflag:s25], $0x800  }
0x43: {  	s3 =	sand.u32 $0x1, s29;
	s0 =	sand.u32 @!p1 $0x30, s0;
	[sflag:s25] =	ssyncset.done @p0 $0x0  }
0x44: {  	s29 =	simm.s32 @p0 $0x3;
	s0 =	sadd.s32 @!p1 s0, s12;
	[sflag:s25] =	ssyncadd.s32 @p0 $0xFFFFF800  }
0x45: {  	s0 =	sshll.u32 @!p1 s0, $0x4;
	_ =	swait.ge @p0 [sflag:s29], $0x800  }
0x46: {  	s31 =	sadd.s32 @!p1 s5, s0;
	s25 =	sshll.u32 @!p1 s3, $0xB;
	[sflag:s29] =	ssyncset.done @p0 $0x0  }
0x47: {  	s30 =	sxor.u32 @!p1 $0x800, s25;
	[sflag:s29] =	ssyncadd.s32 @p0 $0xFFFFF800;
	s29 =	simm.s32 @!p1 $0x0  }
0x48: {  	[tilespmem:s30], [sflag:$0x2] =	stream.linear.gather @!p1 [hbm4b:s31+s29], $0x800, $0x38;
	[tilespmem:$0x1E000] =	vst v63  }
0x49: {  	s0 =	sadd.s32 @!p1 s1, s0;
	s25 =	sxor.u32 @!p1 $0x1800, s25  }
0x4a: {  	[tilespmem:s25], [sflag:$0x3] =	stream.linear.gather @!p1 [hbm4b:s0+s29], $0x800, $0x38;
	[tilespmem:$0x1E000] =	vst v63  }
0x4b: {  	_ =	swait.ge [sflag:s26], $0x4000  }
0x4c: {  	s13 =	simm.s32 $0x100;
	s14 =	sshll.u32 s3, $0xB;
	[sflag:s26] =	ssyncset.done $0x0  }
0x4d: {  	s31 =	simm.s32 $0x200;
	s30 =	simm.s32 $0x3;
	[sflag:s26] =	ssyncadd.s32 $0xFFFFC000  }
0x4e: {  	s3 =	sand.u32 $0x4F, s30;
	s29 =	simm.s32 $0x180;
	_ =	swait.ge [sflag:s26], $0x4000  }
0x4f: {  	s0 =	sand.u32 $0x780, s13;
	p0 =	seq.s32 s3, $0xF;
	[sflag:s26] =	ssyncset.done $0x0  }
0x50: {  	s25 =	sor.u32 s0, s14;
	s0 =	simm.s32 $0x0;
	[sflag:s26] =	ssyncadd.s32 $0xFFFFC000  }
.LBB2_2:
0x51: {  	s6 =	simm.s32 @p0 $0x2;
	p1 =	sne.s32 @!p0 s3, $0x3  }
0x52: {  	s3 =	sor.u32 $0x1000, s25;
	s7 =	smov.u32 s29;
	s29 =	smov.u32 s31  }
0x53: {  	[spmem:s2] =	stream.indirect.scatter.add.f32 [tilespmem:s21], [sflag:$0x1], $0x80, s25, s24, $0xb8;
	[tilespmem:$0x1E000] =	vst v63  }
0x54: {  	s0 =	sand.u32 $0x1, s0;
	s25 =	simm.s32 @p0 $0x3;
	p1 =	por p1, p0  }
0x55: {  	[spmem:s2] =	stream.indirect.scatter.add.f32 [tilespmem:s22], [sflag:$0x1], $0x80, s3, s24, $0xb8;
	[tilespmem:$0x1E000] =	vst v63  }
0x56: {  	s10 =	sand.u32 @!p1 $0x30, s30;
	s3 =	sshll.u32 @!p1 s0, $0xB;
	_ =	swait.ge @p0 [sflag:s6], $0x800  }
0x57: {  	s10 =	sadd.s32 @!p1 s10, s12;
	s11 =	sxor.u32 @!p1 $0x800, s3;
	[sflag:s6] =	ssyncset.done @p0 $0x0  }
0x58: {  	s3 =	sxor.u32 @!p1 $0x1800, s3;
	[sflag:s6] =	ssyncadd.s32 @p0 $0xFFFFF800;
	s6 =	sshll.u32 @!p1 s10, $0x4  }
0x59: {  	_ =	swait.ge @p0 [sflag:s25], $0x800;
	s10 =	sadd.s32 @!p1 s5, s6;
	s6 =	sadd.s32 @!p1 s1, s6  }
0x5a: {  	s14 =	sshll.u32 s0, $0xB;
	s13 =	simm.s32 @!p1 $0x0;
	[sflag:s25] =	ssyncset.done @p0 $0x0  }
0x5b: {  	s31 =	sadd.s32 $0x80, s31;
	[sflag:s25] =	ssyncadd.s32 @p0 $0xFFFFF800  }
0x5c: {  	[tilespmem:s11], [sflag:$0x2] =	stream.linear.gather @!p1 [hbm4b:s10+s13], $0x800, $0x38;
	[tilespmem:$0x1E000] =	vst v63  }
0x5d: {  	p2 =	sne.s32 s31, $0x2800  }
0x5e: {  	[tilespmem:s3], [sflag:$0x3] =	stream.linear.gather @!p1 [hbm4b:s6+s13], $0x800, $0x38;
	[tilespmem:$0x1E000] =	vst v63  }
0x5f: {  	_ =	swait.ge [sflag:s26], $0x4000  }
.Ltmp0:
0x60: {  	[sflag:s26] =	ssyncset.done $0x0;
	(pc) =	sbr.rel @p2 .LBB2_2-.Ltmp0, $4  }
0x61: {  	[sflag:s26] =	ssyncadd.s32 $0xFFFFC000  }
0x62: {  	s30 =	sadd.s32 $0x1, s30;
	s6 =	sand.u32 $0x780, s7;
	_ =	swait.ge [sflag:s26], $0x4000  }
0x63: {  	s0 =	sshrl.u32 s30, $0x4;
	s3 =	sand.u32 $0x4F, s30;
	[sflag:s26] =	ssyncset.done $0x0  }
0x64: {  	p0 =	seq.s32 s3, $0xF;
	s25 =	sor.u32 s6, s14;
	[sflag:s26] =	ssyncadd.s32 $0xFFFFC000  }
0x65: {  	[spmem:s2] =	stream.indirect.scatter.add.f32 [tilespmem:s21], [sflag:$0x1], $0x80, s25, s24, $0xb8;
	[tilespmem:$0x1E000] =	vst v63  }
0x66: {  	s6 =	simm.s32 @p0 $0x2;
	s7 =	sor.u32 $0x1000, s25  }
0x67: {  	[spmem:s2] =	stream.indirect.scatter.add.f32 [tilespmem:s22], [sflag:$0x1], $0x80, s7, s24, $0xb8;
	[tilespmem:$0x1E000] =	vst v63  }
0x68: {  	p1 =	sne.s32 @!p0 s3, $0x3;
	_ =	swait.ge @p0 [sflag:s6], $0x800  }
0x69: {  	s0 =	sand.u32 $0x1, s0;
	p1 =	por p1, p0;
	[sflag:s6] =	ssyncset.done @p0 $0x0  }
0x6a: {  	s3 =	simm.s32 @p0 $0x3;
	s7 =	sand.u32 @!p1 $0x30, s30;
	[sflag:s6] =	ssyncadd.s32 @p0 $0xFFFFF800  }
0x6b: {  	s13 =	simm.s32 @!p1 $0x0;
	s7 =	sadd.s32 @!p1 s7, s12;
	_ =	swait.ge @p0 [sflag:s3], $0x800  }
0x6c: {  	s7 =	sshll.u32 @!p1 s7, $0x4;
	s6 =	sshll.u32 @!p1 s0, $0xB;
	[sflag:s3] =	ssyncset.done @p0 $0x0  }
0x6d: {  	s11 =	sadd.s32 @!p1 s5, s7;
	s10 =	sxor.u32 @!p1 $0x800, s6;
	[sflag:s3] =	ssyncadd.s32 @p0 $0xFFFFF800  }
0x6e: {  	[tilespmem:s10], [sflag:$0x2] =	stream.linear.gather @!p1 [hbm4b:s11+s13], $0x800, $0x38;
	[tilespmem:$0x1E000] =	vst v63  }
0x6f: {  	s3 =	sxor.u32 @!p1 $0x1800, s6;
	s6 =	sadd.s32 @!p1 s1, s7  }
0x70: {  	[tilespmem:s3], [sflag:$0x3] =	stream.linear.gather @!p1 [hbm4b:s6+s13], $0x800, $0x38;
	[tilespmem:$0x1E000] =	vst v63  }
0x71: {  	_ =	swait.ge [sflag:s26], $0x4000  }
0x72: {  	[sflag:s26] =	ssyncset.done $0x0  }
0x73: {  	[sflag:s26] =	ssyncadd.s32 $0xFFFFC000  }
0x74: {  	_ =	swait.ge [sflag:s26], $0x4000  }
0x75: {  	s29 =	sand.u32 $0x780, s29;
	s0 =	sshll.u32 s0, $0xB;
	[sflag:s26] =	ssyncset.done $0x0  }
0x76: {  	s0 =	sor.u32 s29, s0;
	[sflag:s26] =	ssyncadd.s32 $0xFFFFC000  }
0x77: {  	[spmem:s2] =	stream.indirect.scatter.add.f32 [tilespmem:s21], [sflag:$0x1], $0x80, s0, s24, $0xb8;
	[tilespmem:$0x1E000] =	vst v63  }
0x78: {  	s0 =	sor.u32 $0x1000, s0  }
0x79: {  	[spmem:s2] =	stream.indirect.scatter.add.f32 [tilespmem:s22], [sflag:$0x1], $0x80, s0, s24, $0xb8;
	[tilespmem:$0x1E000] =	vst v63  }
0x7a: {  	_ =	swait.ge [sflag:s26], $0x4000  }
0x7b: {  	[sflag:s26] =	ssyncset.done $0x0  }
0x7c: {  	[sflag:s26] =	ssyncadd.s32 $0xFFFFC000  }
0x7d: {  	_ =	swait.ge [sflag:s26], $0x4000  }
0x7e: {  	[sflag:s26] =	ssyncset.done $0x0  }
0x7f: {  	[sflag:s26] =	ssyncadd.s32 $0xFFFFC000  }
0x80: {  	_ =	swait.ge [sflag:s26], $0x4000  }
0x81: {  	[sflag:s26] =	ssyncset.done $0x0  }
0x82: {  	[sflag:s26] =	ssyncadd.s32 $0xFFFFC000  }
0x83: {  	_ =	swait.ge [sflag:s26], $0x4000  }
0x84: {  	[sflag:s26] =	ssyncset.done $0x0  }
0x85: {  	[sflag:s26] =	ssyncadd.s32 $0xFFFFC000  }
0x86: {  	[bflag:$0x0] =	sbarrier.arrive $0xFFFF  }
0x87: {  	s30 =	rddreg [dreg:$0x8]  }
0x88: {  	[hbm:s30], [sflag:s9] =	dma.local [spmem:s15], $0x2800  }
0x89: {  	_ =	swait.ge [sflag:s16], $0x2800  }
0x8a: {  	s28 =	sadd.s32 $0x1, s28;
	s31 =	rddreg [dreg:$0x9]  }
0x8b: {  	p0 =	sne.s32 s28, s31  }
.Ltmp1:
0x8c: {  	_ = 	snop;
	(pc) =	sbr.rel @p0 .LBB2_1-.Ltmp1, $3  }
0x8d: {  	_ =	sdelay $0x1  }
0x8e: {  	[sflag:s16] =	ssyncset.done $0x0  }
0x8f: {  	[sflag:s16] =	ssyncadd.s32 $0xFFFFD800  }
0x90: {  	_ =	sfence.sel $0x180000  }
0x91: {  	[bflag:$0x0] =	sbarrier.arrive $0xFFFF  }
0x92: {  	_ =	strace $0x90000047  }
0x93: {  	s0 =	stileid.u32;
	[bflag:$0x2] =	sbarrier.arrive $0xFFFF  }
0x94: {  	p0 =	sne.s32 s0, $0x0;
	s0 =	rddreg [dreg:$0x3]  }
0x95: {  	s0 =	sadd.s32 @!p0 $0x100000, s0  }
0x96: {  	[sflag:s0] =	ssyncadd.tile.s32 @!p0 $0x1;
	_ =	shalt  }
.Lfunc_end2:
_tile_overlayer_lowered:
.L_overlay_start_2:
0x97: {  	(tag) =	ssettag $0x2  }
0x98: {  	s0 =	rddreg [dreg:$0x0];
	s2 =	stileid.u32  }
0x99: {  	s1 =	rddreg [dreg:$0x1];
	p0 =	sne.s32 s2, $0x0  }
0x9a: {  	s3 =	rddreg [dreg:$0x2];
	[bflag:$0x3] =	sbarrier.arrive $0xFFFF;
	s2 =	simm.s32 @!p0 $0x1C04  }
0x9b: {  	[timem:s3], [sflag:s2] =	dma.local @!p0 [hbm:s0], s1  }
0x9c: {  	s0 =	simm.s32 @!p0 $0x4  }
0x9d: {  	_ =	swait.ge @!p0 [sflag:s0], s1  }
0x9e: {  	s1 =	ssub.s32 @!p0 $0x0, s1;
	[sflag:s0] =	ssyncset.done @!p0 $0x0  }
0x9f: {  	[sflag:s0] =	ssyncadd.s32 @!p0 s1  }
0xa0: {  	[bflag:$0x3] =	sbarrier.arrive $0xFFFF  }
0xa1: {  	_ =	shalt  }

// kernel: kernel.13.cloned.1.call-start
scs
__scs_entry_jumppad:
0x0: {  	(pc) =	sbr.rel $0x88, $3  }
0x1: {  	(tag) =	ssettag $0x0;
	lr =	simm.s32 $0x1  }
0x2: {  	[smem:$0x3F99] =	sst lr;
	_ =	strace $0xD0000000  }
0x3: {  	_ = 	snop  }
0x4: {  	_ = 	snop  }
0x5: {  	_ = 	snop  }
0x6: {  	_ = 	snop  }
0x7: {  	_ = 	snop  }
__scs_overlays_trampoline_lowered:
0x8: {  	[smem:$0x3FA8] =	sst s0  }
0x9: {  	[smem:$0x3FA9] =	sst s1  }
0xa: {  	[smem:$0x3FAA] =	sst s2  }
0xb: {  	[smem:$0x3FAB] =	sst s3  }
0xc: {  	[smem:$0x3FAC] =	sst s4  }
0xd: {  	[smem:$0x3FAD] =	sst s5  }
0xe: {  	[smem:$0x3FAE] =	sst s6  }
0xf: {  	[smem:$0x3FAF] =	sst s7  }
0x10: {  	[smem:$0x3FB0] =	sst s8  }
0x11: {  	[smem:$0x3FB1] =	sst s9;
	s0 =	simm.s32 @!p0 $0x0  }
0x12: {  	s1 =	sld [smem:$0x3F97];
	s0 =	simm.s32 @p0 $0x1  }
0x13: {  	[smem:$0x3FB2] =	sst s0;
	s0 =	simm.s32 @!p1 $0x0  }
0x14: {  	s2 =	sld [smem:$0x3F96];
	s0 =	simm.s32 @p1 $0x1  }
0x15: {  	[smem:$0x3FB3] =	sst s0;
	s0 =	simm.s32 @!p2 $0x0  }
0x16: {  	s3 =	sld [smem:$0x3FDB];
	s0 =	simm.s32 @p2 $0x1  }
0x17: {  	s4 =	simm.s32 $0x1BF5;
	[smem:$0x3FB5] =	sst s0  }
0x18: {  	s0 =	sld [smem:$0x3F98];
	_ =	swait.ge [sflag:s4], $0x0  }
0x19: {  	s7 =	sld [smem:$0x3F99]  }
0x1a: {  	s8 =	sadd.s32 $0xFFFFE003, lr  }
0x1b: {  	s9 =	sadd.s32 $0xFFFFFEF7, lr;
	s5 =	simm.s32 $0xFFFFFFFF;
	p2 =	slt.u32 s8, $0xFFFFF086  }
0x1c: {  	p1 =	slt.u32 s9, $0xF7A;
	s5 =	simm.s32 @!p2 $0x0  }
0x1d: {  	s5 =	simm.s32 @p1 $0x1;
	p0 =	seq.s32 s7, s2  }
0x1e: {  	s7 =	smul.u32 @!p0 $0xF7A, s2;
	p2 =	seq.s32 @!p0 s5, $0x0  }
0x1f: {  	s9 =	smul.u32 $0xF7A, s1;
	s8 =	simm.s32 @!p0 $0x1BF5;
	p2 =	por !p2, p0  }
0x20: {  	[sflag:s8] =	ssyncset.s32 @!p0 $0xFFFFF086;
	s6 =	sadd.s32 @!p0 s3, s7;
	s7 =	simm.s32 @!p0 $0x108  }
0x21: {  	s3 =	sadd.s32 s3, s9;
	s6 =	sadd.s32 @!p0 $0x88, s6;
	s7 =	simm.s32 @p2 $0x1082  }
0x22: {  	[simem:s7], [sflag:s8] =	dma.local @!p0 [hbm:s6], $0xF7A  }
0x23: {  	s9 =	sor.u32 $0xD0000000, s2;
	s6 =	simm.s32 $0x108;
	_ =	swait.ge @!p0 [sflag:s8], $0x0  }
0x24: {  	s3 =	sadd.s32 $0x88, s3;
	s6 =	simm.s32 @!p1 $0x1082;
	[sflag:s4] =	ssyncset.s32 $0xFFFFF086  }
0x25: {  	[simem:s6], [sflag:s4] =	dma.local [hbm:s3], $0xF7A  }
0x26: {  	[smem:$0x3F99] =	sst s1;
	(tag) =	ssettag s2;
	_ =	strace s9  }
0x27: {  	s1 =	sld [smem:$0x3FA9]  }
0x28: {  	s2 =	sld [smem:$0x3FAA]  }
0x29: {  	s4 =	sld [smem:$0x3FAC]  }
0x2a: {  	p0 =	seq.s32 s5, $0x0;
	s5 =	sld [smem:$0x3FAD]  }
0x2b: {  	s6 =	sld [smem:$0x3FAE]  }
0x2c: {  	s7 =	sld [smem:$0x3FAF]  }
0x2d: {  	s3 =	simm.s32 $0x108;
	s8 =	sld [smem:$0x3FB0]  }
0x2e: {  	s3 =	simm.s32 @!p0 $0x1082;
	s9 =	sld [smem:$0x3FB1]  }
0x2f: {  	lr =	sadd.s32 s0, s3;
	s0 =	sld [smem:$0x3FA8]  }
0x30: {  	s3 =	sld [smem:$0x3FAB]  }
0x31: {  	[smem:$0x3FB4] =	sst s10  }
0x32: {  	s10 =	sld [smem:$0x3FB2];
	_ =	sdelay $0x3  }
0x33: {  	p0 =	seq.s32 s10, $0x1;
	s10 =	sld [smem:$0x3FB4];
	_ =	sdelay $0x3  }
0x34: {  	[smem:$0x3FB4] =	sst s10  }
0x35: {  	s10 =	sld [smem:$0x3FB3];
	_ =	sdelay $0x3  }
0x36: {  	p1 =	seq.s32 s10, $0x1;
	s10 =	sld [smem:$0x3FB4];
	_ =	sdelay $0x3  }
0x37: {  	[smem:$0x3FB4] =	sst s10  }
0x38: {  	s10 =	sld [smem:$0x3FB5]  }
0x39: {  	_ = 	snop;
	(pc) =	sbr.ind lr, $3  }
0x3a: {  	_ = 	snop  }
0x3b: {  	_ = 	snop  }
0x3c: {  	p2 =	seq.s32 s10, $0x1;
	s10 =	sld [smem:$0x3FB4]  }
0x3d: {  	_ =	shalt  }
0x3e: {  	_ =	shalt  }
0x3f: {  	_ =	shalt  }
0x40: {  	_ =	shalt  }
0x41: {  	_ =	shalt  }
0x42: {  	_ =	shalt  }
0x43: {  	_ =	shalt  }
0x44: {  	_ =	shalt  }
0x45: {  	_ =	shalt  }
0x46: {  	_ =	shalt  }
0x47: {  	_ =	shalt  }
0x48: {  	_ =	shalt  }
0x49: {  	_ =	shalt  }
0x4a: {  	_ =	shalt  }
0x4b: {  	_ =	shalt  }
0x4c: {  	_ =	shalt  }
0x4d: {  	_ =	shalt  }
0x4e: {  	_ =	shalt  }
0x4f: {  	_ =	shalt  }
0x50: {  	_ =	shalt  }
0x51: {  	_ =	shalt  }
0x52: {  	_ =	shalt  }
0x53: {  	_ =	shalt  }
0x54: {  	_ =	shalt  }
0x55: {  	_ =	shalt  }
0x56: {  	_ =	shalt  }
0x57: {  	_ =	shalt  }
0x58: {  	_ =	shalt  }
0x59: {  	_ =	shalt  }
0x5a: {  	_ =	shalt  }
0x5b: {  	_ =	shalt  }
0x5c: {  	_ =	shalt  }
0x5d: {  	_ =	shalt  }
0x5e: {  	_ =	shalt  }
0x5f: {  	_ =	shalt  }
0x60: {  	_ =	shalt  }
0x61: {  	_ =	shalt  }
0x62: {  	_ =	shalt  }
0x63: {  	_ =	shalt  }
0x64: {  	_ =	shalt  }
0x65: {  	_ =	shalt  }
0x66: {  	_ =	shalt  }
0x67: {  	_ =	shalt  }
0x68: {  	_ =	shalt  }
0x69: {  	_ =	shalt  }
0x6a: {  	_ =	shalt  }
0x6b: {  	_ =	shalt  }
0x6c: {  	_ =	shalt  }
0x6d: {  	_ =	shalt  }
0x6e: {  	_ =	shalt  }
0x6f: {  	_ =	shalt  }
0x70: {  	_ =	shalt  }
0x71: {  	_ =	shalt  }
0x72: {  	_ =	shalt  }
0x73: {  	_ =	shalt  }
0x74: {  	_ =	shalt  }
0x75: {  	_ =	shalt  }
0x76: {  	_ =	shalt  }
0x77: {  	_ =	shalt  }
0x78: {  	_ =	shalt  }
0x79: {  	_ =	shalt  }
0x7a: {  	_ =	shalt  }
0x7b: {  	_ =	shalt  }
0x7c: {  	_ =	shalt  }
0x7d: {  	_ =	shalt  }
0x7e: {  	_ =	shalt  }
0x7f: {  	_ =	shalt  }
0x80: {  	_ =	shalt  }
0x81: {  	_ =	shalt  }
0x82: {  	_ =	shalt  }
0x83: {  	_ =	shalt  }
0x84: {  	_ =	shalt  }
0x85: {  	_ =	shalt  }
0x86: {  	_ =	shalt  }
0x87: {  	_ =	shalt  }
.Lfunc_end0:
.L_simem_size_0:
called_computation.1_lowered:
.L_overlay_start_0:
0x88: {  	s2 =	sld [smem:$0x3FD9]  }
0x89: {  	s3 =	sld [smem:$0x3FFE];
	_ =	sdelay $0x1  }
0x8a: {  	s1 =	srdreg.scid  }
0x8b: {  	s0 =	sand.u32 $0x1, s1  }
0x8c: {  	s17 =	sshll.u32 s0, $0xA;
	s2 =	sadd.s32 s3, s2  }
0x8d: {  	s2 =	sadd.s32 s2, s17  }
0x8e: {  	[smem:$0x3FC0] =	sst s2  }
0x8f: {  	_ = 	snop  }
0x90: {  	s2 =	sld [smem:$0x3FD0];
	(tm) =	ssettm $0x1  }
0x91: {  	s18 =	sld [smem:$0x3FFB];
	_ =	sdelay $0x3  }
0x92: {  	_ =	strace s18  }
0x93: {  	s3 =	sld [smem:$0x3FFC];
	_ =	sdelay $0x3  }
0x94: {  	_ =	strace s3  }
0x95: {  	s3 =	sld [smem:$0x3FFD];
	_ =	sdelay $0x3  }
0x96: {  	_ =	strace s3  }
0x97: {  	_ =	strace $0x8FFFFFFF  }
0x98: {  	s19 =	sld [smem:$0x3FDB];
	_ =	sdelay $0x1  }
0x99: {  	s4 =	simm.s32 $_scs_section_size  }
0x9a: {  	s5 =	simm.s32 $_size__tile_overlayer_lowered;
	s6 =	simm.s32 $_tile_overlayer_lowered  }
0x9b: {  	s22 =	simm.s32 $0x1BFF;
	s21 =	sshll.u32 s6, $0x1;
	s3 =	sadd.s32 s4, s19  }
0x9c: {  	s7 =	simm.s32 $0x0;
	s20 =	sshll.u32 s5, $0x1;
	s5 =	sadd.s32 s21, s3  }
0x9d: {  	[timem:s7], [sflag:s22] =	dma.local [hbm:s5], s20  }
0x9e: {  	_ =	swait.ge [sflag:s22], s20  }
0x9f: {  	s4 =	ssub.s32 $0x0, s20;
	[sflag:s22] =	ssyncset.done $0x0  }
0xa0: {  	[sflag:s22] =	ssyncadd.s32 s4;
	_ =	sdelay $0x1  }
0xa1: {  	s23 =	simm.s32 $0x1B8B  }
0xa2: {  	_ =	swait.ge [sflag:s23], $0x1  }
0xa3: {  	[sflag:s23] =	ssyncset.done $0x0  }
0xa4: {  	s25 =	simm.s32 $0x1B8E;
	s24 =	sld [smem:$0x3FFE];
	[sflag:s23] =	ssyncadd.s32 $0xFFFFFFFF  }
0xa5: {  	s26 =	simm.s32 $execute0_lowered;
	[smem:$0x3FD2] =	sst s25  }
0xa6: {  	s5 =	sshll.u32 s26, $0x1;
	_ =	strace $0x80000049;
	[dreg:$0x1] =	wrdreg $0xFFFFFFFF  }
0xa7: {  	s28 =	simm.s32 $_size_execute0_lowered;
	s3 =	sadd.s32 s3, s5;
	[dreg:$0x0] =	wrdreg $0x0  }
0xa8: {  	s5 =	sshll.u32 s28, $0x1;
	[dreg:$0x2] =	wrdreg s3  }
0xa9: {  	[dreg:$0x3] =	wrdreg s5  }
0xaa: {  	[dreg:$0x4] =	wrdreg $0xC0  }
0xab: {  	_ =	task [dreg:s7], $0x5FFFF  }
0xac: {  	[dreg:$0x1] =	wrdreg $0xFFFFFFFF  }
0xad: {  	[dreg:$0x0] =	wrdreg $0x60  }
0xae: {  	[dreg:$0x2] =	wrdreg s24  }
0xaf: {  	[dreg:$0x3] =	wrdreg s2  }
0xb0: {  	[dreg:$0x4] =	wrdreg $0xA0000  }
0xb1: {  	[dreg:$0x5] =	wrdreg $0x9  }
0xb2: {  	_ =	task.clear_ibuf [dreg:s7], $0x6FFFF;
	_ =	strace $0x90000049  }
0xb3: {  	s29 =	simm.s32 $0x9;
	_ =	strace $0x8000004B  }
0xb4: {  	_ =	swait.ge [sflag:s29], $0x1  }
0xb5: {  	[sflag:s29] =	ssyncadd.s32 $0xFFFFFFFF  }
0xb6: {  	_ =	strace $0x9000004B  }
0xb7: {  	_ =	sfence  }
0xb8: {  	s30 =	sld [smem:$0x0];
	_ =	sdelay $0x2  }
0xb9: {  	s31 =	sshll.u32 s1, $0xD;
	s1 =	sshrl.u32 s1, $0x2  }
0xba: {  	s3 =	sand.u32 $0x4000, s31;
	s1 =	sadd.s32 s1, s30  }
0xbb: {  	s0 =	sor.u32 s3, s0;
	s1 =	sshll.u32 s1, $0x11  }
0xbc: {  	s0 =	sor.u32 s1, s0  }
0xbd: {  	s0 =	sadd.s32 $0x8F2B, s0  }
0xbe: {  	[sflag:s0] =	ssyncadd.remote.s32 $0x1  }
0xbf: {  	_ =	sfence.sel $0xFFFF  }
0xc0: {  	[dreg:$0x0] =	wrdreg $0xFFFFFFFF;
	(pc) =	sbr.abs _section_cstart, $3  }
0xc1: {  	[dreg:$0x1] =	wrdreg $0xFFFFFFFF  }
0xc2: {  	_ =	task.clear_ibuf [dreg:s7], $0x2FFFF;
	_ =	strace $0x9FFFFFFF  }
0xc3: {  	(tm) =	ssettm $0x7FFFFFFF  }
tec
execute0_lowered:
.L_overlay_start_1:
0x0: {  	(tag) =	ssettag $0x1  }
0x1: {  	s0 =	rddreg [dreg:$0x0]  }
0x2: {  	s1 =	rddreg [dreg:$0x1]  }
0x3: {  	s2 =	rddreg [dreg:$0x2]  }
0x4: {  	s3 =	srdreg.scid;
	s4 =	simm.s32 $0x0;
	s12 =	stileid.u32  }
0x5: {  	s18 =	simm.s32 $0x7;
	s3 =	sand.u32 $0x1, s3;
	[smem:$0x7FF] =	sst s4  }
0x6: {  	s8 =	smul.u32 $0x14000, s12;
	s5 =	sadd.s32 $0xE800, s0;
	s6 =	sadd.s32 $0x3000, s0  }
0x7: {  	s10 =	smul.u32 $0x50000, s12;
	s24 =	sshll.u32 s12, $0x6;
	s25 =	sshll.u32 s12, $0x5  }
0x8: {  	s7 =	smul.u32 $0x140000, s3;
	_ =	strace $0x8000004A;
	s9 =	ssub.s32 $0x2, s3  }
0x9: {  	p0 =	seq.s32 s3, $0x0;
	s3 =	sshll.u32 s12, $0x7;
	s22 =	sshrl.u32 s9, $0x1  }
0xa: {  	s23 =	sshrl.u32 s10, $0x2;
	s10 =	simm.s32 $0x80;
	s7 =	sadd.s32 s8, s7  }
0xb: {  	s11 =	ssub.s32 s9, s22;
	s17 =	sadd.s32 s23, s2;
	s9 =	sor.u32 $0x800, s25  }
0xc: {  	s10 =	simm.s32 @!p0 $0x20;
	s23 =	simm.s32 $0x1000;
	s25 =	simm.s32 $0x2000  }
0xd: {  	s8 =	sshrl.u32 s7, $0x3;
	s7 =	sadd.s32 $0xE000, s0;
	s19 =	sadd.s32 $0x4000, s17  }
0xe: {  	s20 =	sadd.s32 $0x8000, s17;
	s9 =	smov.u32 @p0 s3;
	s26 =	sadd.s32 $0xC000, s17  }
0xf: {  	s22 =	sadd.s32 $0x10000, s17;
	s29 =	smax.u32 s11, $0x1;
	s17 =	sshrl.u32 s17, $0x3  }
0x10: {  	s3 =	simm.s32 $0x0;
	s0 =	sadd.s32 s8, s0;
	s8 =	sor.u32 $0x1C07, s24  }
0x11: {  	s14 =	smin.u32 s9, $0x9F0;
	s9 =	simm.s32 $0x80;
	[dreg:$0x7] =	wrdreg s29  }
0x12: {  	s30 =	sshrl.u32 s19, $0x3;
	s31 =	sshrl.u32 s20, $0x3;
	s21 =	sshrl.u32 s26, $0x3  }
.Ltmp0:
0x13: {  	s22 =	sshrl.u32 s22, $0x3;
	[dreg:$0x8] =	wrdreg s30;
	(pc) =	sbr.rel .LBB2_1-.Ltmp0, $4  }
0x14: {  	s28 =	sshll.u32 s14, $0x4;
	s0 =	sadd.s32 $0x5E800, s0;
	[dreg:$0x9] =	wrdreg s31  }
0x15: {  	s24 =	simm.s32 $0x20;
	s13 =	sadd.s32 s6, s28;
	[dreg:$0x6] =	wrdreg s0  }
0x16: {  	s14 =	sadd.s32 $0x10, s14;
	s12 =	sadd.s32 s1, s28;
	[dreg:$0x4] =	wrdreg s13  }
0x17: {  	s0 =	simm.s32 $0x4;
	[dreg:$0x5] =	wrdreg s12;
	s13 =	sadd.s32 $0xFFFFFFF0, s10  }
.LBB2_6:
0x18: {  	_ =	swait.ge [sflag:s0], $0x4000  }
0x19: {  	[sflag:s0] =	ssyncset.done $0x0  }
0x1a: {  	[sflag:s0] =	ssyncadd.s32 $0xFFFFC000  }
0x1b: {  	[bflag:$0x0] =	sbarrier.arrive $0xFFFF  }
0x1c: {  	s11 =	rddreg [dreg:$0x6]  }
0x1d: {  	[hbm:s11], [sflag:s8] =	dma.local [spmem:s17], $0x2800  }
0x1e: {  	_ =	swait.ge [sflag:s18], $0x2800  }
0x1f: {  	s3 =	sadd.s32 $0x1, s3;
	s31 =	rddreg [dreg:$0x7]  }
0x20: {  	p0 =	sne.s32 s3, s31  }
.Ltmp1:
0x21: {  	_ = 	snop;
	(pc) =	sbr.rel @!p0 .LBB2_7-.Ltmp1, $3  }
0x22: {  	_ =	sdelay $0x1  }
0x23: {  	[sflag:s18] =	ssyncset.done $0x0  }
0x24: {  	[sflag:s18] =	ssyncadd.s32 $0xFFFFD800  }
.LBB2_1:
0x25: {  	[spmem:s17], [sflag:s8] =	dma.local [hbm:s7], $0x800  }
0x26: {  	_ =	swait.ge [sflag:s18], $0x800  }
0x27: {  	[sflag:s18] =	ssyncset.done $0x0  }
0x28: {  	s11 =	rddreg [dreg:$0x8];
	[sflag:s18] =	ssyncadd.s32 $0xFFFFF800  }
0x29: {  	[spmem:s11], [sflag:s8] =	dma.local [hbm:s7], $0x800  }
0x2a: {  	_ =	swait.ge [sflag:s18], $0x800  }
0x2b: {  	[sflag:s18] =	ssyncset.done $0x0  }
0x2c: {  	s20 =	rddreg [dreg:$0x9];
	[sflag:s18] =	ssyncadd.s32 $0xFFFFF800  }
0x2d: {  	[spmem:s20], [sflag:s8] =	dma.local [hbm:s7], $0x800  }
0x2e: {  	_ =	swait.ge [sflag:s18], $0x800  }
0x2f: {  	[sflag:s18] =	ssyncset.done $0x0  }
0x30: {  	[sflag:s18] =	ssyncadd.s32 $0xFFFFF800  }
0x31: {  	[spmem:s21], [sflag:s8] =	dma.local [hbm:s7], $0x800  }
0x32: {  	_ =	swait.ge [sflag:s18], $0x800  }
0x33: {  	[sflag:s18] =	ssyncset.done $0x0  }
0x34: {  	[sflag:s18] =	ssyncadd.s32 $0xFFFFF800  }
0x35: {  	[spmem:s22], [sflag:s8] =	dma.local [hbm:s7], $0x800  }
0x36: {  	_ =	swait.ge [sflag:s18], $0x800  }
0x37: {  	[sflag:s18] =	ssyncset.done $0x0  }
0x38: {  	s26 =	rddreg [dreg:$0x4];
	[sflag:s18] =	ssyncadd.s32 $0xFFFFF800  }
0x39: {  	[tilespmem:s4], [sflag:$0x7] =	stream.linear.gather [hbm4b:s26+s4], $0x800, $0x38;
	[tilespmem:$0x1E000] =	vst v63  }
0x3a: {  	_ =	swait.ge [sflag:s18], $0x800  }
0x3b: {  	[sflag:s18] =	ssyncset.done $0x0  }
0x3c: {  	s29 =	rddreg [dreg:$0x5];
	[sflag:s18] =	ssyncadd.s32 $0xFFFFF800  }
0x3d: {  	[tilespmem:s23], [sflag:$0x7] =	stream.linear.gather [hbm4b:s29+s4], $0x800, $0x38;
	[tilespmem:$0x1E000] =	vst v63  }
0x3e: {  	_ =	swait.ge [sflag:s18], $0x800  }
0x3f: {  	[sflag:s18] =	ssyncset.done $0x0  }
0x40: {  	[sflag:s18] =	ssyncadd.s32 $0xFFFFF800  }
0x41: {  	[bflag:$0x0] =	sbarrier.arrive $0xFFFF  }
0x42: {  	[tilespmem:s25], [sflag:$0x1] =	stream.indirect.gather [hbm4b:s5+s24], $0x80, s4, s24, $0xb8;
	[tilespmem:$0x1E000] =	vst v63  }
0x43: {  	s30 =	simm.s32 $0x3000  }
0x44: {  	[tilespmem:s30], [sflag:$0x1] =	stream.indirect.gather [hbm4b:s5+s24], $0x80, s24, s24, $0xb8;
	[tilespmem:$0x1E000] =	vst v63  }
0x45: {  	s31 =	simm.s32 $0x40;
	s12 =	simm.s32 $0x4000  }
0x46: {  	[tilespmem:s12], [sflag:$0x1] =	stream.indirect.gather [hbm4b:s5+s24], $0x80, s31, s24, $0xb8;
	[tilespmem:$0x1E000] =	vst v63  }
0x47: {  	s15 =	simm.s32 $0x5000;
	s12 =	simm.s32 $0x60  }
0x48: {  	[tilespmem:s15], [sflag:$0x1] =	stream.indirect.gather [hbm4b:s5+s24], $0x80, s12, s24, $0xb8;
	[tilespmem:$0x1E000] =	vst v63  }
0x49: {  	s16 =	simm.s32 $0x6000  }
0x4a: {  	[tilespmem:s16], [sflag:$0x2] =	stream.indirect.gather [hbm4b:s5+s24], $0x80, s9, s24, $0xb8;
	[tilespmem:$0x1E000] =	vst v63  }
0x4b: {  	s19 =	simm.s32 $0xA0;
	s20 =	simm.s32 $0x7000  }
0x4c: {  	[tilespmem:s20], [sflag:$0x2] =	stream.indirect.gather [hbm4b:s5+s24], $0x80, s19, s24, $0xb8;
	[tilespmem:$0x1E000] =	vst v63  }
0x4d: {  	s26 =	simm.s32 $0xC0;
	s29 =	simm.s32 $0x8000  }
0x4e: {  	[tilespmem:s29], [sflag:$0x2] =	stream.indirect.gather [hbm4b:s5+s24], $0x80, s26, s24, $0xb8;
	[tilespmem:$0x1E000] =	vst v63  }
0x4f: {  	s30 =	simm.s32 $0xE0;
	s31 =	simm.s32 $0x9000  }
0x50: {  	[tilespmem:s31], [sflag:$0x2] =	stream.indirect.gather [hbm4b:s5+s24], $0x80, s30, s24, $0xb8;
	[tilespmem:$0x1E000] =	vst v63  }
.Ltmp2:
0x51: {  	s26 =	simm.s32 $0x1;
	(pc) =	sbr.rel .LBB2_2-.Ltmp2, $4  }
0x52: {  	_ =	swait.ge [sflag:s26], $0x4000  }
0x53: {  	[sflag:s26] =	ssyncset.done $0x0  }
0x54: {  	s28 =	simm.s32 $0x100;
	[sflag:s26] =	ssyncadd.s32 $0xFFFFC000  }
0x55: {  	[spmem:s2] =	stream.indirect.scatter.add.f32 [tilespmem:s25], [sflag:$0x3], $0x80, s23, s9, $0xb8;
	[tilespmem:$0x1E000] =	vst v63  }
.LBB2_4:
0x56: {  	p0 =	sne.s32 s30, $0xF  }
0x57: {  	p1 =	sge.u32 @!p0 s26, s13  }
0x58: {  	p0 =	por p1, p0  }
0x59: {  	s12 =	simm.s32 @!p0 $0x5  }
0x5a: {  	_ =	swait.ge @!p0 [sflag:s12], $0x800  }
0x5b: {  	[sflag:s12] =	ssyncset.done @!p0 $0x0  }
0x5c: {  	[sflag:s12] =	ssyncadd.s32 @!p0 $0xFFFFF800;
	s12 =	simm.s32 @!p0 $0x6  }
0x5d: {  	_ =	swait.ge @!p0 [sflag:s12], $0x800  }
0x5e: {  	[sflag:s12] =	ssyncset.done @!p0 $0x0  }
0x5f: {  	[sflag:s12] =	ssyncadd.s32 @!p0 $0xFFFFF800  }
.LBB2_5:
0x60: {  	s26 =	sadd.s32 $0x1, s26  }
0x61: {  	p0 =	sge.u32 s26, s10  }
0x62: {  	s12 =	sshll.u32 @!p0 s11, $0xE;
	s16 =	sand.u32 @!p0 $0xF80, s28  }
0x63: {  	s11 =	sadd.s32 @!p0 $0x1, s11;
	s19 =	simm.s32 @!p0 $0x20;
	s15 =	sor.u32 @!p0 $0x2000, s12  }
0x64: {  	[tilespmem:s15], [sflag:s11] =	stream.indirect.gather @!p0 [hbm4b:s5+s19], $0x80, s16, s19, $0xb8;
	[tilespmem:$0x1E000] =	vst v63  }
0x65: {  	s20 =	sor.u32 @!p0 $0x20, s16;
	s15 =	sor.u32 @!p0 $0x3000, s12  }
0x66: {  	[tilespmem:s15], [sflag:s11] =	stream.indirect.gather @!p0 [hbm4b:s5+s19], $0x80, s20, s19, $0xb8;
	[tilespmem:$0x1E000] =	vst v63  }
0x67: {  	s15 =	sadd.s32 @!p0 $0x4000, s12;
	s20 =	sor.u32 @!p0 $0x40, s16  }
0x68: {  	[tilespmem:s15], [sflag:s11] =	stream.indirect.gather @!p0 [hbm4b:s5+s19], $0x80, s20, s19, $0xb8;
	[tilespmem:$0x1E000] =	vst v63  }
0x69: {  	s12 =	sadd.s32 @!p0 $0x5000, s12;
	s15 =	sor.u32 @!p0 $0x60, s16  }
0x6a: {  	[tilespmem:s12], [sflag:s11] =	stream.indirect.gather @!p0 [hbm4b:s5+s19], $0x80, s15, s19, $0xb8;
	[tilespmem:$0x1E000] =	vst v63  }
0x6b: {  	p0 =	sne.s32 s10, s26  }
.Ltmp3:
0x6c: {  	s28 =	sadd.s32 $0x80, s28;
	s16 =	sadd.s32 $0x1, s29;
	(pc) =	sbr.rel @!p0 .LBB2_6-.Ltmp3, $4  }
0x6d: {  	s20 =	sshll.u32 s30, $0x7;
	s19 =	sshll.u32 s29, $0xE;
	_ =	swait.ge [sflag:s16], $0x4000  }
0x6e: {  	s15 =	sor.u32 s20, s31;
	s31 =	sadd.s32 $0x3, s29;
	[sflag:s16] =	ssyncset.done $0x0  }
0x6f: {  	s12 =	sor.u32 $0x2000, s19;
	s30 =	sor.u32 $0x1000, s15;
	[sflag:s16] =	ssyncadd.s32 $0xFFFFC000  }
0x70: {  	[spmem:s2] =	stream.indirect.scatter.add.f32 [tilespmem:s12], [sflag:s31], $0x80, s30, s9, $0xb8;
	[tilespmem:$0x1E000] =	vst v63  }
.LBB2_2:
0x71: {  	s30 =	sand.u32 $0xF, s26  }
0x72: {  	p0 =	sne.s32 s30, $0x2  }
0x73: {  	p1 =	sge.u32 @!p0 s26, s13  }
0x74: {  	s29 =	sand.u32 $0x1, s26;
	p0 =	por p0, p1  }
.Ltmp4:
0x75: {  	s11 =	sxor.u32 $0x1, s29;
	(pc) =	sbr.rel @p0 .LBB2_4-.Ltmp4, $4  }
0x76: {  	s31 =	sadd.s32 $0x3, s11  }
0x77: {  	s12 =	sshrl.u32 s26, $0x4;
	_ =	swait.ge [sflag:s31], $0x4000  }
0x78: {  	s12 =	sand.u32 $0x1, s12;
	[sflag:s31] =	ssyncset.done $0x0  }
0x79: {  	[sflag:s31] =	ssyncadd.s32 $0xFFFFC000;
	s31 =	sshll.u32 s12, $0xB  }
0x7a: {  	s12 =	sand.u32 $0xFFFFFF0, s26  }
0x7b: {  	s12 =	sadd.s32 s12, s14  }
.Ltmp5:
0x7c: {  	s12 =	sshll.u32 s12, $0x4;
	(pc) =	sbr.rel .LBB2_5-.Ltmp5, $4  }
0x7d: {  	s15 =	sxor.u32 $0x800, s31;
	s16 =	sadd.s32 s6, s12  }
0x7e: {  	[tilespmem:s15], [sflag:$0x5] =	stream.linear.gather [hbm4b:s16+s4], $0x800, $0x38;
	[tilespmem:$0x1E000] =	vst v63  }
0x7f: {  	s20 =	sxor.u32 $0x1800, s31;
	s12 =	sadd.s32 s1, s12  }
0x80: {  	[tilespmem:s20], [sflag:$0x6] =	stream.linear.gather [hbm4b:s12+s4], $0x800, $0x38;
	[tilespmem:$0x1E000] =	vst v63  }
.LBB2_7:
0x81: {  	_ =	sfence.sel $0x180000  }
0x82: {  	[bflag:$0x0] =	sbarrier.arrive $0xFFFF  }
0x83: {  	_ =	strace $0x9000004A  }
0x84: {  	s0 =	stileid.u32;
	[bflag:$0x2] =	sbarrier.arrive $0xFFFF  }
0x85: {  	p0 =	sne.s32 s0, $0x0;
	s0 =	rddreg [dreg:$0x3]  }
0x86: {  	s0 =	sadd.s32 @!p0 $0x100000, s0  }
0x87: {  	[sflag:s0] =	ssyncadd.tile.s32 @!p0 $0x1;
	_ =	shalt  }
.Lfunc_end2:
_tile_overlayer_lowered:
.L_overlay_start_2:
0x88: {  	(tag) =	ssettag $0x2  }
0x89: {  	s0 =	rddreg [dreg:$0x0];
	s2 =	stileid.u32  }
0x8a: {  	s1 =	rddreg [dreg:$0x1];
	p0 =	sne.s32 s2, $0x0  }
0x8b: {  	s3 =	rddreg [dreg:$0x2];
	[bflag:$0x3] =	sbarrier.arrive $0xFFFF;
	s2 =	simm.s32 @!p0 $0x1C07  }
0x8c: {  	[timem:s3], [sflag:s2] =	dma.local @!p0 [hbm:s0], s1  }
0x8d: {  	s0 =	simm.s32 @!p0 $0x7  }
0x8e: {  	_ =	swait.ge @!p0 [sflag:s0], s1  }
0x8f: {  	s1 =	ssub.s32 @!p0 $0x0, s1;
	[sflag:s0] =	ssyncset.done @!p0 $0x0  }
0x90: {  	[sflag:s0] =	ssyncadd.s32 @!p0 s1  }
0x91: {  	[bflag:$0x3] =	sbarrier.arrive $0xFFFF  }
0x92: {  	_ =	shalt  }

// kernel: kernel.16.cloned.1.call-start
scs
__scs_entry_jumppad:
0x0: {  	(pc) =	sbr.rel $0x88, $3  }
0x1: {  	(tag) =	ssettag $0x0;
	lr =	simm.s32 $0x1  }
0x2: {  	[smem:$0x3F99] =	sst lr;
	_ =	strace $0xD0000000  }
0x3: {  	_ = 	snop  }
0x4: {  	_ = 	snop  }
0x5: {  	_ = 	snop  }
0x6: {  	_ = 	snop  }
0x7: {  	_ = 	snop  }
__scs_overlays_trampoline_lowered:
0x8: {  	[smem:$0x3FA8] =	sst s0  }
0x9: {  	[smem:$0x3FA9] =	sst s1  }
0xa: {  	[smem:$0x3FAA] =	sst s2  }
0xb: {  	[smem:$0x3FAB] =	sst s3  }
0xc: {  	[smem:$0x3FAC] =	sst s4  }
0xd: {  	[smem:$0x3FAD] =	sst s5  }
0xe: {  	[smem:$0x3FAE] =	sst s6  }
0xf: {  	[smem:$0x3FAF] =	sst s7  }
0x10: {  	[smem:$0x3FB0] =	sst s8  }
0x11: {  	[smem:$0x3FB1] =	sst s9;
	s0 =	simm.s32 @!p0 $0x0  }
0x12: {  	s1 =	sld [smem:$0x3F97];
	s0 =	simm.s32 @p0 $0x1  }
0x13: {  	[smem:$0x3FB2] =	sst s0;
	s0 =	simm.s32 @!p1 $0x0  }
0x14: {  	s2 =	sld [smem:$0x3F96];
	s0 =	simm.s32 @p1 $0x1  }
0x15: {  	[smem:$0x3FB3] =	sst s0;
	s0 =	simm.s32 @!p2 $0x0  }
0x16: {  	s3 =	sld [smem:$0x3FDB];
	s0 =	simm.s32 @p2 $0x1  }
0x17: {  	s4 =	simm.s32 $0x1BF5;
	[smem:$0x3FB5] =	sst s0  }
0x18: {  	s0 =	sld [smem:$0x3F98];
	_ =	swait.ge [sflag:s4], $0x0  }
0x19: {  	s7 =	sld [smem:$0x3F99]  }
0x1a: {  	s8 =	sadd.s32 $0xFFFFE003, lr  }
0x1b: {  	s9 =	sadd.s32 $0xFFFFFEF7, lr;
	s5 =	simm.s32 $0xFFFFFFFF;
	p2 =	slt.u32 s8, $0xFFFFF086  }
0x1c: {  	p1 =	slt.u32 s9, $0xF7A;
	s5 =	simm.s32 @!p2 $0x0  }
0x1d: {  	s5 =	simm.s32 @p1 $0x1;
	p0 =	seq.s32 s7, s2  }
0x1e: {  	s7 =	smul.u32 @!p0 $0xF7A, s2;
	p2 =	seq.s32 @!p0 s5, $0x0  }
0x1f: {  	s9 =	smul.u32 $0xF7A, s1;
	s8 =	simm.s32 @!p0 $0x1BF5;
	p2 =	por !p2, p0  }
0x20: {  	[sflag:s8] =	ssyncset.s32 @!p0 $0xFFFFF086;
	s6 =	sadd.s32 @!p0 s3, s7;
	s7 =	simm.s32 @!p0 $0x108  }
0x21: {  	s3 =	sadd.s32 s3, s9;
	s6 =	sadd.s32 @!p0 $0x88, s6;
	s7 =	simm.s32 @p2 $0x1082  }
0x22: {  	[simem:s7], [sflag:s8] =	dma.local @!p0 [hbm:s6], $0xF7A  }
0x23: {  	s9 =	sor.u32 $0xD0000000, s2;
	s6 =	simm.s32 $0x108;
	_ =	swait.ge @!p0 [sflag:s8], $0x0  }
0x24: {  	s3 =	sadd.s32 $0x88, s3;
	s6 =	simm.s32 @!p1 $0x1082;
	[sflag:s4] =	ssyncset.s32 $0xFFFFF086  }
0x25: {  	[simem:s6], [sflag:s4] =	dma.local [hbm:s3], $0xF7A  }
0x26: {  	[smem:$0x3F99] =	sst s1;
	(tag) =	ssettag s2;
	_ =	strace s9  }
0x27: {  	s1 =	sld [smem:$0x3FA9]  }
0x28: {  	s2 =	sld [smem:$0x3FAA]  }
0x29: {  	s4 =	sld [smem:$0x3FAC]  }
0x2a: {  	p0 =	seq.s32 s5, $0x0;
	s5 =	sld [smem:$0x3FAD]  }
0x2b: {  	s6 =	sld [smem:$0x3FAE]  }
0x2c: {  	s7 =	sld [smem:$0x3FAF]  }
0x2d: {  	s3 =	simm.s32 $0x108;
	s8 =	sld [smem:$0x3FB0]  }
0x2e: {  	s3 =	simm.s32 @!p0 $0x1082;
	s9 =	sld [smem:$0x3FB1]  }
0x2f: {  	lr =	sadd.s32 s0, s3;
	s0 =	sld [smem:$0x3FA8]  }
0x30: {  	s3 =	sld [smem:$0x3FAB]  }
0x31: {  	[smem:$0x3FB4] =	sst s10  }
0x32: {  	s10 =	sld [smem:$0x3FB2];
	_ =	sdelay $0x3  }
0x33: {  	p0 =	seq.s32 s10, $0x1;
	s10 =	sld [smem:$0x3FB4];
	_ =	sdelay $0x3  }
0x34: {  	[smem:$0x3FB4] =	sst s10  }
0x35: {  	s10 =	sld [smem:$0x3FB3];
	_ =	sdelay $0x3  }
0x36: {  	p1 =	seq.s32 s10, $0x1;
	s10 =	sld [smem:$0x3FB4];
	_ =	sdelay $0x3  }
0x37: {  	[smem:$0x3FB4] =	sst s10  }
0x38: {  	s10 =	sld [smem:$0x3FB5]  }
0x39: {  	_ = 	snop;
	(pc) =	sbr.ind lr, $3  }
0x3a: {  	_ = 	snop  }
0x3b: {  	_ = 	snop  }
0x3c: {  	p2 =	seq.s32 s10, $0x1;
	s10 =	sld [smem:$0x3FB4]  }
0x3d: {  	_ =	shalt  }
0x3e: {  	_ =	shalt  }
0x3f: {  	_ =	shalt  }
0x40: {  	_ =	shalt  }
0x41: {  	_ =	shalt  }
0x42: {  	_ =	shalt  }
0x43: {  	_ =	shalt  }
0x44: {  	_ =	shalt  }
0x45: {  	_ =	shalt  }
0x46: {  	_ =	shalt  }
0x47: {  	_ =	shalt  }
0x48: {  	_ =	shalt  }
0x49: {  	_ =	shalt  }
0x4a: {  	_ =	shalt  }
0x4b: {  	_ =	shalt  }
0x4c: {  	_ =	shalt  }
0x4d: {  	_ =	shalt  }
0x4e: {  	_ =	shalt  }
0x4f: {  	_ =	shalt  }
0x50: {  	_ =	shalt  }
0x51: {  	_ =	shalt  }
0x52: {  	_ =	shalt  }
0x53: {  	_ =	shalt  }
0x54: {  	_ =	shalt  }
0x55: {  	_ =	shalt  }
0x56: {  	_ =	shalt  }
0x57: {  	_ =	shalt  }
0x58: {  	_ =	shalt  }
0x59: {  	_ =	shalt  }
0x5a: {  	_ =	shalt  }
0x5b: {  	_ =	shalt  }
0x5c: {  	_ =	shalt  }
0x5d: {  	_ =	shalt  }
0x5e: {  	_ =	shalt  }
0x5f: {  	_ =	shalt  }
0x60: {  	_ =	shalt  }
0x61: {  	_ =	shalt  }
0x62: {  	_ =	shalt  }
0x63: {  	_ =	shalt  }
0x64: {  	_ =	shalt  }
0x65: {  	_ =	shalt  }
0x66: {  	_ =	shalt  }
0x67: {  	_ =	shalt  }
0x68: {  	_ =	shalt  }
0x69: {  	_ =	shalt  }
0x6a: {  	_ =	shalt  }
0x6b: {  	_ =	shalt  }
0x6c: {  	_ =	shalt  }
0x6d: {  	_ =	shalt  }
0x6e: {  	_ =	shalt  }
0x6f: {  	_ =	shalt  }
0x70: {  	_ =	shalt  }
0x71: {  	_ =	shalt  }
0x72: {  	_ =	shalt  }
0x73: {  	_ =	shalt  }
0x74: {  	_ =	shalt  }
0x75: {  	_ =	shalt  }
0x76: {  	_ =	shalt  }
0x77: {  	_ =	shalt  }
0x78: {  	_ =	shalt  }
0x79: {  	_ =	shalt  }
0x7a: {  	_ =	shalt  }
0x7b: {  	_ =	shalt  }
0x7c: {  	_ =	shalt  }
0x7d: {  	_ =	shalt  }
0x7e: {  	_ =	shalt  }
0x7f: {  	_ =	shalt  }
0x80: {  	_ =	shalt  }
0x81: {  	_ =	shalt  }
0x82: {  	_ =	shalt  }
0x83: {  	_ =	shalt  }
0x84: {  	_ =	shalt  }
0x85: {  	_ =	shalt  }
0x86: {  	_ =	shalt  }
0x87: {  	_ =	shalt  }
.Lfunc_end0:
.L_simem_size_0:
called_computation.2_lowered:
.L_overlay_start_0:
0x88: {  	s2 =	sld [smem:$0x3FD9]  }
0x89: {  	s3 =	sld [smem:$0x3FFE];
	_ =	sdelay $0x1  }
0x8a: {  	s1 =	srdreg.scid  }
0x8b: {  	s0 =	sand.u32 $0x1, s1  }
0x8c: {  	s17 =	sshll.u32 s0, $0xA;
	s2 =	sadd.s32 s3, s2  }
0x8d: {  	s2 =	sadd.s32 s2, s17  }
0x8e: {  	[smem:$0x3FC0] =	sst s2  }
0x8f: {  	_ = 	snop  }
0x90: {  	s2 =	sld [smem:$0x3FD0];
	(tm) =	ssettm $0x1  }
0x91: {  	s18 =	sld [smem:$0x3FFB];
	_ =	sdelay $0x3  }
0x92: {  	_ =	strace s18  }
0x93: {  	s3 =	sld [smem:$0x3FFC];
	_ =	sdelay $0x3  }
0x94: {  	_ =	strace s3  }
0x95: {  	s3 =	sld [smem:$0x3FFD];
	_ =	sdelay $0x3  }
0x96: {  	_ =	strace s3  }
0x97: {  	_ =	strace $0x8FFFFFFF  }
0x98: {  	s19 =	sld [smem:$0x3FDB];
	_ =	sdelay $0x1  }
0x99: {  	s4 =	simm.s32 $_scs_section_size  }
0x9a: {  	s5 =	simm.s32 $_size__tile_overlayer_lowered;
	s6 =	simm.s32 $_tile_overlayer_lowered  }
0x9b: {  	s22 =	simm.s32 $0x1BFF;
	s21 =	sshll.u32 s6, $0x1;
	s3 =	sadd.s32 s4, s19  }
0x9c: {  	s7 =	simm.s32 $0x0;
	s20 =	sshll.u32 s5, $0x1;
	s5 =	sadd.s32 s21, s3  }
0x9d: {  	[timem:s7], [sflag:s22] =	dma.local [hbm:s5], s20  }
0x9e: {  	_ =	swait.ge [sflag:s22], s20  }
0x9f: {  	s4 =	ssub.s32 $0x0, s20;
	[sflag:s22] =	ssyncset.done $0x0  }
0xa0: {  	[sflag:s22] =	ssyncadd.s32 s4;
	_ =	sdelay $0x1  }
0xa1: {  	s23 =	simm.s32 $0x1B8B  }
0xa2: {  	_ =	swait.ge [sflag:s23], $0x1  }
0xa3: {  	[sflag:s23] =	ssyncset.done $0x0  }
0xa4: {  	s25 =	simm.s32 $0x1B8E;
	s24 =	sld [smem:$0x3FFE];
	[sflag:s23] =	ssyncadd.s32 $0xFFFFFFFF  }
0xa5: {  	s26 =	simm.s32 $execute0_lowered;
	[smem:$0x3FD2] =	sst s25  }
0xa6: {  	s5 =	sshll.u32 s26, $0x1;
	_ =	strace $0x8000004C;
	[dreg:$0x1] =	wrdreg $0xFFFFFFFF  }
0xa7: {  	s28 =	simm.s32 $_size_execute0_lowered;
	s3 =	sadd.s32 s3, s5;
	[dreg:$0x0] =	wrdreg $0x0  }
0xa8: {  	s5 =	sshll.u32 s28, $0x1;
	[dreg:$0x2] =	wrdreg s3  }
0xa9: {  	[dreg:$0x3] =	wrdreg s5  }
0xaa: {  	[dreg:$0x4] =	wrdreg $0xC0  }
0xab: {  	_ =	task [dreg:s7], $0x5FFFF  }
0xac: {  	[dreg:$0x1] =	wrdreg $0xFFFFFFFF  }
0xad: {  	[dreg:$0x0] =	wrdreg $0x60  }
0xae: {  	[dreg:$0x2] =	wrdreg s24  }
0xaf: {  	[dreg:$0x3] =	wrdreg s2  }
0xb0: {  	[dreg:$0x4] =	wrdreg $0xA0000  }
0xb1: {  	[dreg:$0x5] =	wrdreg $0x9  }
0xb2: {  	_ =	task.clear_ibuf [dreg:s7], $0x6FFFF;
	_ =	strace $0x9000004C  }
0xb3: {  	s29 =	simm.s32 $0x9;
	_ =	strace $0x8000004E  }
0xb4: {  	_ =	swait.ge [sflag:s29], $0x1  }
0xb5: {  	[sflag:s29] =	ssyncadd.s32 $0xFFFFFFFF  }
0xb6: {  	_ =	strace $0x9000004E  }
0xb7: {  	_ =	sfence  }
0xb8: {  	s30 =	sld [smem:$0x0];
	_ =	sdelay $0x2  }
0xb9: {  	s31 =	sshll.u32 s1, $0xD;
	s1 =	sshrl.u32 s1, $0x2  }
0xba: {  	s3 =	sand.u32 $0x4000, s31;
	s1 =	sadd.s32 s1, s30  }
0xbb: {  	s0 =	sor.u32 s3, s0;
	s1 =	sshll.u32 s1, $0x11  }
0xbc: {  	s0 =	sor.u32 s1, s0  }
0xbd: {  	s0 =	sadd.s32 $0x8F2B, s0  }
0xbe: {  	[sflag:s0] =	ssyncadd.remote.s32 $0x1  }
0xbf: {  	_ =	sfence.sel $0xFFFF  }
0xc0: {  	[dreg:$0x0] =	wrdreg $0xFFFFFFFF;
	(pc) =	sbr.abs _section_cstart, $3  }
0xc1: {  	[dreg:$0x1] =	wrdreg $0xFFFFFFFF  }
0xc2: {  	_ =	task.clear_ibuf [dreg:s7], $0x2FFFF;
	_ =	strace $0x9FFFFFFF  }
0xc3: {  	(tm) =	ssettm $0x7FFFFFFF  }
tec
execute0_lowered:
.L_overlay_start_1:
0x0: {  	(tag) =	ssettag $0x1  }
0x1: {  	s0 =	rddreg [dreg:$0x0]  }
0x2: {  	s1 =	rddreg [dreg:$0x1]  }
0x3: {  	s2 =	rddreg [dreg:$0x2]  }
0x4: {  	s3 =	srdreg.scid;
	s4 =	simm.s32 $0x0;
	s12 =	stileid.u32  }
0x5: {  	s18 =	simm.s32 $0x7;
	s3 =	sand.u32 $0x1, s3;
	[smem:$0x7FF] =	sst s4  }
0x6: {  	s8 =	smul.u32 $0x14000, s12;
	s5 =	sadd.s32 $0xE800, s0;
	s6 =	sadd.s32 $0x3000, s0  }
0x7: {  	s10 =	smul.u32 $0x50000, s12;
	s24 =	sshll.u32 s12, $0x6;
	s25 =	sshll.u32 s12, $0x5  }
0x8: {  	s7 =	smul.u32 $0x140000, s3;
	_ =	strace $0x8000004D;
	s9 =	ssub.s32 $0x2, s3  }
0x9: {  	p0 =	seq.s32 s3, $0x0;
	s3 =	sshll.u32 s12, $0x7;
	s22 =	sshrl.u32 s9, $0x1  }
0xa: {  	s23 =	sshrl.u32 s10, $0x2;
	s10 =	simm.s32 $0x80;
	s7 =	sadd.s32 s8, s7  }
0xb: {  	s11 =	ssub.s32 s9, s22;
	s17 =	sadd.s32 s23, s2;
	s9 =	sor.u32 $0x800, s25  }
0xc: {  	s10 =	simm.s32 @!p0 $0x20;
	s23 =	simm.s32 $0x1000;
	s25 =	simm.s32 $0x2000  }
0xd: {  	s8 =	sshrl.u32 s7, $0x3;
	s7 =	sadd.s32 $0xE000, s0;
	s19 =	sadd.s32 $0x4000, s17  }
0xe: {  	s20 =	sadd.s32 $0x8000, s17;
	s9 =	smov.u32 @p0 s3;
	s26 =	sadd.s32 $0xC000, s17  }
0xf: {  	s22 =	sadd.s32 $0x10000, s17;
	s29 =	smax.u32 s11, $0x1;
	s17 =	sshrl.u32 s17, $0x3  }
0x10: {  	s3 =	simm.s32 $0x0;
	s0 =	sadd.s32 s8, s0;
	s8 =	sor.u32 $0x1C07, s24  }
0x11: {  	s14 =	smin.u32 s9, $0x9F0;
	s9 =	simm.s32 $0x80;
	[dreg:$0x7] =	wrdreg s29  }
0x12: {  	s30 =	sshrl.u32 s19, $0x3;
	s31 =	sshrl.u32 s20, $0x3;
	s21 =	sshrl.u32 s26, $0x3  }
.Ltmp0:
0x13: {  	s22 =	sshrl.u32 s22, $0x3;
	[dreg:$0x8] =	wrdreg s30;
	(pc) =	sbr.rel .LBB2_1-.Ltmp0, $4  }
0x14: {  	s28 =	sshll.u32 s14, $0x4;
	s0 =	sadd.s32 $0x5E800, s0;
	[dreg:$0x9] =	wrdreg s31  }
0x15: {  	s24 =	simm.s32 $0x20;
	s13 =	sadd.s32 s6, s28;
	[dreg:$0x6] =	wrdreg s0  }
0x16: {  	s14 =	sadd.s32 $0x10, s14;
	s12 =	sadd.s32 s1, s28;
	[dreg:$0x4] =	wrdreg s13  }
0x17: {  	s0 =	simm.s32 $0x4;
	[dreg:$0x5] =	wrdreg s12;
	s13 =	sadd.s32 $0xFFFFFFF0, s10  }
.LBB2_6:
0x18: {  	_ =	swait.ge [sflag:s0], $0x4000  }
0x19: {  	[sflag:s0] =	ssyncset.done $0x0  }
0x1a: {  	[sflag:s0] =	ssyncadd.s32 $0xFFFFC000  }
0x1b: {  	[bflag:$0x0] =	sbarrier.arrive $0xFFFF  }
0x1c: {  	s11 =	rddreg [dreg:$0x6]  }
0x1d: {  	[hbm:s11], [sflag:s8] =	dma.local [spmem:s17], $0x2800  }
0x1e: {  	_ =	swait.ge [sflag:s18], $0x2800  }
0x1f: {  	s3 =	sadd.s32 $0x1, s3;
	s31 =	rddreg [dreg:$0x7]  }
0x20: {  	p0 =	sne.s32 s3, s31  }
.Ltmp1:
0x21: {  	_ = 	snop;
	(pc) =	sbr.rel @!p0 .LBB2_7-.Ltmp1, $3  }
0x22: {  	_ =	sdelay $0x1  }
0x23: {  	[sflag:s18] =	ssyncset.done $0x0  }
0x24: {  	[sflag:s18] =	ssyncadd.s32 $0xFFFFD800  }
.LBB2_1:
0x25: {  	[spmem:s17], [sflag:s8] =	dma.local [hbm:s7], $0x800  }
0x26: {  	_ =	swait.ge [sflag:s18], $0x800  }
0x27: {  	[sflag:s18] =	ssyncset.done $0x0  }
0x28: {  	s11 =	rddreg [dreg:$0x8];
	[sflag:s18] =	ssyncadd.s32 $0xFFFFF800  }
0x29: {  	[spmem:s11], [sflag:s8] =	dma.local [hbm:s7], $0x800  }
0x2a: {  	_ =	swait.ge [sflag:s18], $0x800  }
0x2b: {  	[sflag:s18] =	ssyncset.done $0x0  }
0x2c: {  	s20 =	rddreg [dreg:$0x9];
	[sflag:s18] =	ssyncadd.s32 $0xFFFFF800  }
0x2d: {  	[spmem:s20], [sflag:s8] =	dma.local [hbm:s7], $0x800  }
0x2e: {  	_ =	swait.ge [sflag:s18], $0x800  }
0x2f: {  	[sflag:s18] =	ssyncset.done $0x0  }
0x30: {  	[sflag:s18] =	ssyncadd.s32 $0xFFFFF800  }
0x31: {  	[spmem:s21], [sflag:s8] =	dma.local [hbm:s7], $0x800  }
0x32: {  	_ =	swait.ge [sflag:s18], $0x800  }
0x33: {  	[sflag:s18] =	ssyncset.done $0x0  }
0x34: {  	[sflag:s18] =	ssyncadd.s32 $0xFFFFF800  }
0x35: {  	[spmem:s22], [sflag:s8] =	dma.local [hbm:s7], $0x800  }
0x36: {  	_ =	swait.ge [sflag:s18], $0x800  }
0x37: {  	[sflag:s18] =	ssyncset.done $0x0  }
0x38: {  	s26 =	rddreg [dreg:$0x4];
	[sflag:s18] =	ssyncadd.s32 $0xFFFFF800  }
0x39: {  	[tilespmem:s4], [sflag:$0x7] =	stream.linear.gather [hbm4b:s26+s4], $0x800, $0x38;
	[tilespmem:$0x1E000] =	vst v63  }
0x3a: {  	_ =	swait.ge [sflag:s18], $0x800  }
0x3b: {  	[sflag:s18] =	ssyncset.done $0x0  }
0x3c: {  	s29 =	rddreg [dreg:$0x5];
	[sflag:s18] =	ssyncadd.s32 $0xFFFFF800  }
0x3d: {  	[tilespmem:s23], [sflag:$0x7] =	stream.linear.gather [hbm4b:s29+s4], $0x800, $0x38;
	[tilespmem:$0x1E000] =	vst v63  }
0x3e: {  	_ =	swait.ge [sflag:s18], $0x800  }
0x3f: {  	[sflag:s18] =	ssyncset.done $0x0  }
0x40: {  	[sflag:s18] =	ssyncadd.s32 $0xFFFFF800  }
0x41: {  	[bflag:$0x0] =	sbarrier.arrive $0xFFFF  }
0x42: {  	[tilespmem:s25], [sflag:$0x1] =	stream.indirect.gather [hbm4b:s5+s24], $0x80, s4, s24, $0xb8;
	[tilespmem:$0x1E000] =	vst v63  }
0x43: {  	s30 =	simm.s32 $0x3000  }
0x44: {  	[tilespmem:s30], [sflag:$0x1] =	stream.indirect.gather [hbm4b:s5+s24], $0x80, s24, s24, $0xb8;
	[tilespmem:$0x1E000] =	vst v63  }
0x45: {  	s31 =	simm.s32 $0x40;
	s12 =	simm.s32 $0x4000  }
0x46: {  	[tilespmem:s12], [sflag:$0x1] =	stream.indirect.gather [hbm4b:s5+s24], $0x80, s31, s24, $0xb8;
	[tilespmem:$0x1E000] =	vst v63  }
0x47: {  	s15 =	simm.s32 $0x5000;
	s12 =	simm.s32 $0x60  }
0x48: {  	[tilespmem:s15], [sflag:$0x1] =	stream.indirect.gather [hbm4b:s5+s24], $0x80, s12, s24, $0xb8;
	[tilespmem:$0x1E000] =	vst v63  }
0x49: {  	s16 =	simm.s32 $0x6000  }
0x4a: {  	[tilespmem:s16], [sflag:$0x2] =	stream.indirect.gather [hbm4b:s5+s24], $0x80, s9, s24, $0xb8;
	[tilespmem:$0x1E000] =	vst v63  }
0x4b: {  	s19 =	simm.s32 $0xA0;
	s20 =	simm.s32 $0x7000  }
0x4c: {  	[tilespmem:s20], [sflag:$0x2] =	stream.indirect.gather [hbm4b:s5+s24], $0x80, s19, s24, $0xb8;
	[tilespmem:$0x1E000] =	vst v63  }
0x4d: {  	s26 =	simm.s32 $0xC0;
	s29 =	simm.s32 $0x8000  }
0x4e: {  	[tilespmem:s29], [sflag:$0x2] =	stream.indirect.gather [hbm4b:s5+s24], $0x80, s26, s24, $0xb8;
	[tilespmem:$0x1E000] =	vst v63  }
0x4f: {  	s30 =	simm.s32 $0xE0;
	s31 =	simm.s32 $0x9000  }
0x50: {  	[tilespmem:s31], [sflag:$0x2] =	stream.indirect.gather [hbm4b:s5+s24], $0x80, s30, s24, $0xb8;
	[tilespmem:$0x1E000] =	vst v63  }
.Ltmp2:
0x51: {  	s26 =	simm.s32 $0x1;
	(pc) =	sbr.rel .LBB2_2-.Ltmp2, $4  }
0x52: {  	_ =	swait.ge [sflag:s26], $0x4000  }
0x53: {  	[sflag:s26] =	ssyncset.done $0x0  }
0x54: {  	s28 =	simm.s32 $0x100;
	[sflag:s26] =	ssyncadd.s32 $0xFFFFC000  }
0x55: {  	[spmem:s2] =	stream.indirect.scatter.add.f32 [tilespmem:s25], [sflag:$0x3], $0x80, s23, s9, $0xb8;
	[tilespmem:$0x1E000] =	vst v63  }
.LBB2_4:
0x56: {  	p0 =	sne.s32 s30, $0xF  }
0x57: {  	p1 =	sge.u32 @!p0 s26, s13  }
0x58: {  	p0 =	por p1, p0  }
0x59: {  	s12 =	simm.s32 @!p0 $0x5  }
0x5a: {  	_ =	swait.ge @!p0 [sflag:s12], $0x800  }
0x5b: {  	[sflag:s12] =	ssyncset.done @!p0 $0x0  }
0x5c: {  	[sflag:s12] =	ssyncadd.s32 @!p0 $0xFFFFF800;
	s12 =	simm.s32 @!p0 $0x6  }
0x5d: {  	_ =	swait.ge @!p0 [sflag:s12], $0x800  }
0x5e: {  	[sflag:s12] =	ssyncset.done @!p0 $0x0  }
0x5f: {  	[sflag:s12] =	ssyncadd.s32 @!p0 $0xFFFFF800  }
.LBB2_5:
0x60: {  	s26 =	sadd.s32 $0x1, s26  }
0x61: {  	p0 =	sge.u32 s26, s10  }
0x62: {  	s12 =	sshll.u32 @!p0 s11, $0xE;
	s16 =	sand.u32 @!p0 $0xF80, s28  }
0x63: {  	s11 =	sadd.s32 @!p0 $0x1, s11;
	s19 =	simm.s32 @!p0 $0x20;
	s15 =	sor.u32 @!p0 $0x2000, s12  }
0x64: {  	[tilespmem:s15], [sflag:s11] =	stream.indirect.gather @!p0 [hbm4b:s5+s19], $0x80, s16, s19, $0xb8;
	[tilespmem:$0x1E000] =	vst v63  }
0x65: {  	s20 =	sor.u32 @!p0 $0x20, s16;
	s15 =	sor.u32 @!p0 $0x3000, s12  }
0x66: {  	[tilespmem:s15], [sflag:s11] =	stream.indirect.gather @!p0 [hbm4b:s5+s19], $0x80, s20, s19, $0xb8;
	[tilespmem:$0x1E000] =	vst v63  }
0x67: {  	s15 =	sadd.s32 @!p0 $0x4000, s12;
	s20 =	sor.u32 @!p0 $0x40, s16  }
0x68: {  	[tilespmem:s15], [sflag:s11] =	stream.indirect.gather @!p0 [hbm4b:s5+s19], $0x80, s20, s19, $0xb8;
	[tilespmem:$0x1E000] =	vst v63  }
0x69: {  	s12 =	sadd.s32 @!p0 $0x5000, s12;
	s15 =	sor.u32 @!p0 $0x60, s16  }
0x6a: {  	[tilespmem:s12], [sflag:s11] =	stream.indirect.gather @!p0 [hbm4b:s5+s19], $0x80, s15, s19, $0xb8;
	[tilespmem:$0x1E000] =	vst v63  }
0x6b: {  	p0 =	sne.s32 s10, s26  }
.Ltmp3:
0x6c: {  	s28 =	sadd.s32 $0x80, s28;
	s16 =	sadd.s32 $0x1, s29;
	(pc) =	sbr.rel @!p0 .LBB2_6-.Ltmp3, $4  }
0x6d: {  	s20 =	sshll.u32 s30, $0x7;
	s19 =	sshll.u32 s29, $0xE;
	_ =	swait.ge [sflag:s16], $0x4000  }
0x6e: {  	s15 =	sor.u32 s20, s31;
	s31 =	sadd.s32 $0x3, s29;
	[sflag:s16] =	ssyncset.done $0x0  }
0x6f: {  	s12 =	sor.u32 $0x2000, s19;
	s30 =	sor.u32 $0x1000, s15;
	[sflag:s16] =	ssyncadd.s32 $0xFFFFC000  }
0x70: {  	[spmem:s2] =	stream.indirect.scatter.add.f32 [tilespmem:s12], [sflag:s31], $0x80, s30, s9, $0xb8;
	[tilespmem:$0x1E000] =	vst v63  }
.LBB2_2:
0x71: {  	s30 =	sand.u32 $0xF, s26  }
0x72: {  	p0 =	sne.s32 s30, $0x2  }
0x73: {  	p1 =	sge.u32 @!p0 s26, s13  }
0x74: {  	s29 =	sand.u32 $0x1, s26;
	p0 =	por p0, p1  }
.Ltmp4:
0x75: {  	s11 =	sxor.u32 $0x1, s29;
	(pc) =	sbr.rel @p0 .LBB2_4-.Ltmp4, $4  }
0x76: {  	s31 =	sadd.s32 $0x3, s11  }
0x77: {  	s12 =	sshrl.u32 s26, $0x4;
	_ =	swait.ge [sflag:s31], $0x4000  }
0x78: {  	s12 =	sand.u32 $0x1, s12;
	[sflag:s31] =	ssyncset.done $0x0  }
0x79: {  	[sflag:s31] =	ssyncadd.s32 $0xFFFFC000;
	s31 =	sshll.u32 s12, $0xB  }
0x7a: {  	s12 =	sand.u32 $0xFFFFFF0, s26  }
0x7b: {  	s12 =	sadd.s32 s12, s14  }
.Ltmp5:
0x7c: {  	s12 =	sshll.u32 s12, $0x4;
	(pc) =	sbr.rel .LBB2_5-.Ltmp5, $4  }
0x7d: {  	s15 =	sxor.u32 $0x800, s31;
	s16 =	sadd.s32 s6, s12  }
0x7e: {  	[tilespmem:s15], [sflag:$0x5] =	stream.linear.gather [hbm4b:s16+s4], $0x800, $0x38;
	[tilespmem:$0x1E000] =	vst v63  }
0x7f: {  	s20 =	sxor.u32 $0x1800, s31;
	s12 =	sadd.s32 s1, s12  }
0x80: {  	[tilespmem:s20], [sflag:$0x6] =	stream.linear.gather [hbm4b:s12+s4], $0x800, $0x38;
	[tilespmem:$0x1E000] =	vst v63  }
.LBB2_7:
0x81: {  	_ =	sfence.sel $0x180000  }
0x82: {  	[bflag:$0x0] =	sbarrier.arrive $0xFFFF  }
0x83: {  	_ =	strace $0x9000004D  }
0x84: {  	s0 =	stileid.u32;
	[bflag:$0x2] =	sbarrier.arrive $0xFFFF  }
0x85: {  	p0 =	sne.s32 s0, $0x0;
	s0 =	rddreg [dreg:$0x3]  }
0x86: {  	s0 =	sadd.s32 @!p0 $0x100000, s0  }
0x87: {  	[sflag:s0] =	ssyncadd.tile.s32 @!p0 $0x1;
	_ =	shalt  }
.Lfunc_end2:
_tile_overlayer_lowered:
.L_overlay_start_2:
0x88: {  	(tag) =	ssettag $0x2  }
0x89: {  	s0 =	rddreg [dreg:$0x0];
	s2 =	stileid.u32  }
0x8a: {  	s1 =	rddreg [dreg:$0x1];
	p0 =	sne.s32 s2, $0x0  }
0x8b: {  	s3 =	rddreg [dreg:$0x2];
	[bflag:$0x3] =	sbarrier.arrive $0xFFFF;
	s2 =	simm.s32 @!p0 $0x1C07  }
0x8c: {  	[timem:s3], [sflag:s2] =	dma.local @!p0 [hbm:s0], s1  }
0x8d: {  	s0 =	simm.s32 @!p0 $0x7  }
0x8e: {  	_ =	swait.ge @!p0 [sflag:s0], s1  }
0x8f: {  	s1 =	ssub.s32 @!p0 $0x0, s1;
	[sflag:s0] =	ssyncset.done @!p0 $0x0  }
0x90: {  	[sflag:s0] =	ssyncadd.s32 @!p0 s1  }
0x91: {  	[bflag:$0x3] =	sbarrier.arrive $0xFFFF  }
0x92: {  	_ =	shalt  }

// kernel: kernel.19.cloned.1.call-start
scs
__scs_entry_jumppad:
0x0: {  	(pc) =	sbr.rel $0x88, $3  }
0x1: {  	(tag) =	ssettag $0x0;
	lr =	simm.s32 $0x1  }
0x2: {  	[smem:$0x3F99] =	sst lr;
	_ =	strace $0xD0000000  }
0x3: {  	_ = 	snop  }
0x4: {  	_ = 	snop  }
0x5: {  	_ = 	snop  }
0x6: {  	_ = 	snop  }
0x7: {  	_ = 	snop  }
__scs_overlays_trampoline_lowered:
0x8: {  	[smem:$0x3FA8] =	sst s0  }
0x9: {  	[smem:$0x3FA9] =	sst s1  }
0xa: {  	[smem:$0x3FAA] =	sst s2  }
0xb: {  	[smem:$0x3FAB] =	sst s3  }
0xc: {  	[smem:$0x3FAC] =	sst s4  }
0xd: {  	[smem:$0x3FAD] =	sst s5  }
0xe: {  	[smem:$0x3FAE] =	sst s6  }
0xf: {  	[smem:$0x3FAF] =	sst s7  }
0x10: {  	[smem:$0x3FB0] =	sst s8  }
0x11: {  	[smem:$0x3FB1] =	sst s9;
	s0 =	simm.s32 @!p0 $0x0  }
0x12: {  	s1 =	sld [smem:$0x3F97];
	s0 =	simm.s32 @p0 $0x1  }
0x13: {  	[smem:$0x3FB2] =	sst s0;
	s0 =	simm.s32 @!p1 $0x0  }
0x14: {  	s2 =	sld [smem:$0x3F96];
	s0 =	simm.s32 @p1 $0x1  }
0x15: {  	[smem:$0x3FB3] =	sst s0;
	s0 =	simm.s32 @!p2 $0x0  }
0x16: {  	s3 =	sld [smem:$0x3FDB];
	s0 =	simm.s32 @p2 $0x1  }
0x17: {  	s4 =	simm.s32 $0x1BF5;
	[smem:$0x3FB5] =	sst s0  }
0x18: {  	s0 =	sld [smem:$0x3F98];
	_ =	swait.ge [sflag:s4], $0x0  }
0x19: {  	s7 =	sld [smem:$0x3F99]  }
0x1a: {  	s8 =	sadd.s32 $0xFFFFE003, lr  }
0x1b: {  	s9 =	sadd.s32 $0xFFFFFEF7, lr;
	s5 =	simm.s32 $0xFFFFFFFF;
	p2 =	slt.u32 s8, $0xFFFFF086  }
0x1c: {  	p1 =	slt.u32 s9, $0xF7A;
	s5 =	simm.s32 @!p2 $0x0  }
0x1d: {  	s5 =	simm.s32 @p1 $0x1;
	p0 =	seq.s32 s7, s2  }
0x1e: {  	s7 =	smul.u32 @!p0 $0xF7A, s2;
	p2 =	seq.s32 @!p0 s5, $0x0  }
0x1f: {  	s9 =	smul.u32 $0xF7A, s1;
	s8 =	simm.s32 @!p0 $0x1BF5;
	p2 =	por !p2, p0  }
0x20: {  	[sflag:s8] =	ssyncset.s32 @!p0 $0xFFFFF086;
	s6 =	sadd.s32 @!p0 s3, s7;
	s7 =	simm.s32 @!p0 $0x108  }
0x21: {  	s3 =	sadd.s32 s3, s9;
	s6 =	sadd.s32 @!p0 $0x88, s6;
	s7 =	simm.s32 @p2 $0x1082  }
0x22: {  	[simem:s7], [sflag:s8] =	dma.local @!p0 [hbm:s6], $0xF7A  }
0x23: {  	s9 =	sor.u32 $0xD0000000, s2;
	s6 =	simm.s32 $0x108;
	_ =	swait.ge @!p0 [sflag:s8], $0x0  }
0x24: {  	s3 =	sadd.s32 $0x88, s3;
	s6 =	simm.s32 @!p1 $0x1082;
	[sflag:s4] =	ssyncset.s32 $0xFFFFF086  }
0x25: {  	[simem:s6], [sflag:s4] =	dma.local [hbm:s3], $0xF7A  }
0x26: {  	[smem:$0x3F99] =	sst s1;
	(tag) =	ssettag s2;
	_ =	strace s9  }
0x27: {  	s1 =	sld [smem:$0x3FA9]  }
0x28: {  	s2 =	sld [smem:$0x3FAA]  }
0x29: {  	s4 =	sld [smem:$0x3FAC]  }
0x2a: {  	p0 =	seq.s32 s5, $0x0;
	s5 =	sld [smem:$0x3FAD]  }
0x2b: {  	s6 =	sld [smem:$0x3FAE]  }
0x2c: {  	s7 =	sld [smem:$0x3FAF]  }
0x2d: {  	s3 =	simm.s32 $0x108;
	s8 =	sld [smem:$0x3FB0]  }
0x2e: {  	s3 =	simm.s32 @!p0 $0x1082;
	s9 =	sld [smem:$0x3FB1]  }
0x2f: {  	lr =	sadd.s32 s0, s3;
	s0 =	sld [smem:$0x3FA8]  }
0x30: {  	s3 =	sld [smem:$0x3FAB]  }
0x31: {  	[smem:$0x3FB4] =	sst s10  }
0x32: {  	s10 =	sld [smem:$0x3FB2];
	_ =	sdelay $0x3  }
0x33: {  	p0 =	seq.s32 s10, $0x1;
	s10 =	sld [smem:$0x3FB4];
	_ =	sdelay $0x3  }
0x34: {  	[smem:$0x3FB4] =	sst s10  }
0x35: {  	s10 =	sld [smem:$0x3FB3];
	_ =	sdelay $0x3  }
0x36: {  	p1 =	seq.s32 s10, $0x1;
	s10 =	sld [smem:$0x3FB4];
	_ =	sdelay $0x3  }
0x37: {  	[smem:$0x3FB4] =	sst s10  }
0x38: {  	s10 =	sld [smem:$0x3FB5]  }
0x39: {  	_ = 	snop;
	(pc) =	sbr.ind lr, $3  }
0x3a: {  	_ = 	snop  }
0x3b: {  	_ = 	snop  }
0x3c: {  	p2 =	seq.s32 s10, $0x1;
	s10 =	sld [smem:$0x3FB4]  }
0x3d: {  	_ =	shalt  }
0x3e: {  	_ =	shalt  }
0x3f: {  	_ =	shalt  }
0x40: {  	_ =	shalt  }
0x41: {  	_ =	shalt  }
0x42: {  	_ =	shalt  }
0x43: {  	_ =	shalt  }
0x44: {  	_ =	shalt  }
0x45: {  	_ =	shalt  }
0x46: {  	_ =	shalt  }
0x47: {  	_ =	shalt  }
0x48: {  	_ =	shalt  }
0x49: {  	_ =	shalt  }
0x4a: {  	_ =	shalt  }
0x4b: {  	_ =	shalt  }
0x4c: {  	_ =	shalt  }
0x4d: {  	_ =	shalt  }
0x4e: {  	_ =	shalt  }
0x4f: {  	_ =	shalt  }
0x50: {  	_ =	shalt  }
0x51: {  	_ =	shalt  }
0x52: {  	_ =	shalt  }
0x53: {  	_ =	shalt  }
0x54: {  	_ =	shalt  }
0x55: {  	_ =	shalt  }
0x56: {  	_ =	shalt  }
0x57: {  	_ =	shalt  }
0x58: {  	_ =	shalt  }
0x59: {  	_ =	shalt  }
0x5a: {  	_ =	shalt  }
0x5b: {  	_ =	shalt  }
0x5c: {  	_ =	shalt  }
0x5d: {  	_ =	shalt  }
0x5e: {  	_ =	shalt  }
0x5f: {  	_ =	shalt  }
0x60: {  	_ =	shalt  }
0x61: {  	_ =	shalt  }
0x62: {  	_ =	shalt  }
0x63: {  	_ =	shalt  }
0x64: {  	_ =	shalt  }
0x65: {  	_ =	shalt  }
0x66: {  	_ =	shalt  }
0x67: {  	_ =	shalt  }
0x68: {  	_ =	shalt  }
0x69: {  	_ =	shalt  }
0x6a: {  	_ =	shalt  }
0x6b: {  	_ =	shalt  }
0x6c: {  	_ =	shalt  }
0x6d: {  	_ =	shalt  }
0x6e: {  	_ =	shalt  }
0x6f: {  	_ =	shalt  }
0x70: {  	_ =	shalt  }
0x71: {  	_ =	shalt  }
0x72: {  	_ =	shalt  }
0x73: {  	_ =	shalt  }
0x74: {  	_ =	shalt  }
0x75: {  	_ =	shalt  }
0x76: {  	_ =	shalt  }
0x77: {  	_ =	shalt  }
0x78: {  	_ =	shalt  }
0x79: {  	_ =	shalt  }
0x7a: {  	_ =	shalt  }
0x7b: {  	_ =	shalt  }
0x7c: {  	_ =	shalt  }
0x7d: {  	_ =	shalt  }
0x7e: {  	_ =	shalt  }
0x7f: {  	_ =	shalt  }
0x80: {  	_ =	shalt  }
0x81: {  	_ =	shalt  }
0x82: {  	_ =	shalt  }
0x83: {  	_ =	shalt  }
0x84: {  	_ =	shalt  }
0x85: {  	_ =	shalt  }
0x86: {  	_ =	shalt  }
0x87: {  	_ =	shalt  }
.Lfunc_end0:
.L_simem_size_0:
called_computation.3_lowered:
.L_overlay_start_0:
0x88: {  	s2 =	sld [smem:$0x3FD9]  }
0x89: {  	s3 =	sld [smem:$0x3FFE];
	_ =	sdelay $0x1  }
0x8a: {  	s1 =	srdreg.scid  }
0x8b: {  	s0 =	sand.u32 $0x1, s1  }
0x8c: {  	s17 =	sshll.u32 s0, $0xA;
	s2 =	sadd.s32 s3, s2  }
0x8d: {  	s2 =	sadd.s32 s2, s17  }
0x8e: {  	[smem:$0x3FC0] =	sst s2  }
0x8f: {  	_ = 	snop  }
0x90: {  	s2 =	sld [smem:$0x3FD0];
	(tm) =	ssettm $0x1  }
0x91: {  	s18 =	sld [smem:$0x3FFB];
	_ =	sdelay $0x3  }
0x92: {  	_ =	strace s18  }
0x93: {  	s3 =	sld [smem:$0x3FFC];
	_ =	sdelay $0x3  }
0x94: {  	_ =	strace s3  }
0x95: {  	s3 =	sld [smem:$0x3FFD];
	_ =	sdelay $0x3  }
0x96: {  	_ =	strace s3  }
0x97: {  	_ =	strace $0x8FFFFFFF  }
0x98: {  	s19 =	sld [smem:$0x3FDB];
	_ =	sdelay $0x1  }
0x99: {  	s4 =	simm.s32 $_scs_section_size  }
0x9a: {  	s5 =	simm.s32 $_size__tile_overlayer_lowered;
	s6 =	simm.s32 $_tile_overlayer_lowered  }
0x9b: {  	s22 =	simm.s32 $0x1BFF;
	s21 =	sshll.u32 s6, $0x1;
	s3 =	sadd.s32 s4, s19  }
0x9c: {  	s7 =	simm.s32 $0x0;
	s20 =	sshll.u32 s5, $0x1;
	s5 =	sadd.s32 s21, s3  }
0x9d: {  	[timem:s7], [sflag:s22] =	dma.local [hbm:s5], s20  }
0x9e: {  	_ =	swait.ge [sflag:s22], s20  }
0x9f: {  	s4 =	ssub.s32 $0x0, s20;
	[sflag:s22] =	ssyncset.done $0x0  }
0xa0: {  	[sflag:s22] =	ssyncadd.s32 s4;
	_ =	sdelay $0x1  }
0xa1: {  	s23 =	simm.s32 $0x1B8B  }
0xa2: {  	_ =	swait.ge [sflag:s23], $0x1  }
0xa3: {  	[sflag:s23] =	ssyncset.done $0x0  }
0xa4: {  	s25 =	simm.s32 $0x1B8E;
	s24 =	sld [smem:$0x3FFE];
	[sflag:s23] =	ssyncadd.s32 $0xFFFFFFFF  }
0xa5: {  	s26 =	simm.s32 $execute0_lowered;
	[smem:$0x3FD2] =	sst s25  }
0xa6: {  	s5 =	sshll.u32 s26, $0x1;
	_ =	strace $0x8000004F;
	[dreg:$0x1] =	wrdreg $0xFFFFFFFF  }
0xa7: {  	s28 =	simm.s32 $_size_execute0_lowered;
	s3 =	sadd.s32 s3, s5;
	[dreg:$0x0] =	wrdreg $0x0  }
0xa8: {  	s5 =	sshll.u32 s28, $0x1;
	[dreg:$0x2] =	wrdreg s3  }
0xa9: {  	[dreg:$0x3] =	wrdreg s5  }
0xaa: {  	[dreg:$0x4] =	wrdreg $0xC0  }
0xab: {  	_ =	task [dreg:s7], $0x5FFFF  }
0xac: {  	[dreg:$0x1] =	wrdreg $0xFFFFFFFF  }
0xad: {  	[dreg:$0x0] =	wrdreg $0x60  }
0xae: {  	[dreg:$0x2] =	wrdreg s24  }
0xaf: {  	[dreg:$0x3] =	wrdreg s2  }
0xb0: {  	[dreg:$0x4] =	wrdreg $0xA0000  }
0xb1: {  	[dreg:$0x5] =	wrdreg $0x9  }
0xb2: {  	_ =	task.clear_ibuf [dreg:s7], $0x6FFFF;
	_ =	strace $0x9000004F  }
0xb3: {  	s29 =	simm.s32 $0x9;
	_ =	strace $0x80000051  }
0xb4: {  	_ =	swait.ge [sflag:s29], $0x1  }
0xb5: {  	[sflag:s29] =	ssyncadd.s32 $0xFFFFFFFF  }
0xb6: {  	_ =	strace $0x90000051  }
0xb7: {  	_ =	sfence  }
0xb8: {  	s30 =	sld [smem:$0x0];
	_ =	sdelay $0x2  }
0xb9: {  	s31 =	sshll.u32 s1, $0xD;
	s1 =	sshrl.u32 s1, $0x2  }
0xba: {  	s3 =	sand.u32 $0x4000, s31;
	s1 =	sadd.s32 s1, s30  }
0xbb: {  	s0 =	sor.u32 s3, s0;
	s1 =	sshll.u32 s1, $0x11  }
0xbc: {  	s0 =	sor.u32 s1, s0  }
0xbd: {  	s0 =	sadd.s32 $0x8F2B, s0  }
0xbe: {  	[sflag:s0] =	ssyncadd.remote.s32 $0x1  }
0xbf: {  	_ =	sfence.sel $0xFFFF  }
0xc0: {  	[dreg:$0x0] =	wrdreg $0xFFFFFFFF;
	(pc) =	sbr.abs _section_cstart, $3  }
0xc1: {  	[dreg:$0x1] =	wrdreg $0xFFFFFFFF  }
0xc2: {  	_ =	task.clear_ibuf [dreg:s7], $0x2FFFF;
	_ =	strace $0x9FFFFFFF  }
0xc3: {  	(tm) =	ssettm $0x7FFFFFFF  }
tec
execute0_lowered:
.L_overlay_start_1:
0x0: {  	(tag) =	ssettag $0x1  }
0x1: {  	s0 =	rddreg [dreg:$0x0]  }
0x2: {  	s1 =	rddreg [dreg:$0x1]  }
0x3: {  	s2 =	rddreg [dreg:$0x2]  }
0x4: {  	s3 =	srdreg.scid;
	s4 =	simm.s32 $0x0;
	s12 =	stileid.u32  }
0x5: {  	s18 =	simm.s32 $0x7;
	s3 =	sand.u32 $0x1, s3;
	[smem:$0x7FF] =	sst s4  }
0x6: {  	s8 =	smul.u32 $0x14000, s12;
	s5 =	sadd.s32 $0xE800, s0;
	s6 =	sadd.s32 $0x3000, s0  }
0x7: {  	s10 =	smul.u32 $0x50000, s12;
	s24 =	sshll.u32 s12, $0x6;
	s25 =	sshll.u32 s12, $0x5  }
0x8: {  	s7 =	smul.u32 $0x140000, s3;
	_ =	strace $0x80000050;
	s9 =	ssub.s32 $0x2, s3  }
0x9: {  	p0 =	seq.s32 s3, $0x0;
	s3 =	sshll.u32 s12, $0x7;
	s22 =	sshrl.u32 s9, $0x1  }
0xa: {  	s23 =	sshrl.u32 s10, $0x2;
	s10 =	simm.s32 $0x80;
	s7 =	sadd.s32 s8, s7  }
0xb: {  	s11 =	ssub.s32 s9, s22;
	s17 =	sadd.s32 s23, s2;
	s9 =	sor.u32 $0x800, s25  }
0xc: {  	s10 =	simm.s32 @!p0 $0x20;
	s23 =	simm.s32 $0x1000;
	s25 =	simm.s32 $0x2000  }
0xd: {  	s8 =	sshrl.u32 s7, $0x3;
	s7 =	sadd.s32 $0xE000, s0;
	s19 =	sadd.s32 $0x4000, s17  }
0xe: {  	s20 =	sadd.s32 $0x8000, s17;
	s9 =	smov.u32 @p0 s3;
	s26 =	sadd.s32 $0xC000, s17  }
0xf: {  	s22 =	sadd.s32 $0x10000, s17;
	s29 =	smax.u32 s11, $0x1;
	s17 =	sshrl.u32 s17, $0x3  }
0x10: {  	s3 =	simm.s32 $0x0;
	s0 =	sadd.s32 s8, s0;
	s8 =	sor.u32 $0x1C07, s24  }
0x11: {  	s14 =	smin.u32 s9, $0x9F0;
	s9 =	simm.s32 $0x80;
	[dreg:$0x7] =	wrdreg s29  }
0x12: {  	s30 =	sshrl.u32 s19, $0x3;
	s31 =	sshrl.u32 s20, $0x3;
	s21 =	sshrl.u32 s26, $0x3  }
.Ltmp0:
0x13: {  	s22 =	sshrl.u32 s22, $0x3;
	[dreg:$0x8] =	wrdreg s30;
	(pc) =	sbr.rel .LBB2_1-.Ltmp0, $4  }
0x14: {  	s28 =	sshll.u32 s14, $0x4;
	s0 =	sadd.s32 $0x5E800, s0;
	[dreg:$0x9] =	wrdreg s31  }
0x15: {  	s24 =	simm.s32 $0x20;
	s13 =	sadd.s32 s6, s28;
	[dreg:$0x6] =	wrdreg s0  }
0x16: {  	s14 =	sadd.s32 $0x10, s14;
	s12 =	sadd.s32 s1, s28;
	[dreg:$0x4] =	wrdreg s13  }
0x17: {  	s0 =	simm.s32 $0x4;
	[dreg:$0x5] =	wrdreg s12;
	s13 =	sadd.s32 $0xFFFFFFF0, s10  }
.LBB2_6:
0x18: {  	_ =	swait.ge [sflag:s0], $0x4000  }
0x19: {  	[sflag:s0] =	ssyncset.done $0x0  }
0x1a: {  	[sflag:s0] =	ssyncadd.s32 $0xFFFFC000  }
0x1b: {  	[bflag:$0x0] =	sbarrier.arrive $0xFFFF  }
0x1c: {  	s11 =	rddreg [dreg:$0x6]  }
0x1d: {  	[hbm:s11], [sflag:s8] =	dma.local [spmem:s17], $0x2800  }
0x1e: {  	_ =	swait.ge [sflag:s18], $0x2800  }
0x1f: {  	s3 =	sadd.s32 $0x1, s3;
	s31 =	rddreg [dreg:$0x7]  }
0x20: {  	p0 =	sne.s32 s3, s31  }
.Ltmp1:
0x21: {  	_ = 	snop;
	(pc) =	sbr.rel @!p0 .LBB2_7-.Ltmp1, $3  }
0x22: {  	_ =	sdelay $0x1  }
0x23: {  	[sflag:s18] =	ssyncset.done $0x0  }
0x24: {  	[sflag:s18] =	ssyncadd.s32 $0xFFFFD800  }
.LBB2_1:
0x25: {  	[spmem:s17], [sflag:s8] =	dma.local [hbm:s7], $0x800  }
0x26: {  	_ =	swait.ge [sflag:s18], $0x800  }
0x27: {  	[sflag:s18] =	ssyncset.done $0x0  }
0x28: {  	s11 =	rddreg [dreg:$0x8];
	[sflag:s18] =	ssyncadd.s32 $0xFFFFF800  }
0x29: {  	[spmem:s11], [sflag:s8] =	dma.local [hbm:s7], $0x800  }
0x2a: {  	_ =	swait.ge [sflag:s18], $0x800  }
0x2b: {  	[sflag:s18] =	ssyncset.done $0x0  }
0x2c: {  	s20 =	rddreg [dreg:$0x9];
	[sflag:s18] =	ssyncadd.s32 $0xFFFFF800  }
0x2d: {  	[spmem:s20], [sflag:s8] =	dma.local [hbm:s7], $0x800  }
0x2e: {  	_ =	swait.ge [sflag:s18], $0x800  }
0x2f: {  	[sflag:s18] =	ssyncset.done $0x0  }
0x30: {  	[sflag:s18] =	ssyncadd.s32 $0xFFFFF800  }
0x31: {  	[spmem:s21], [sflag:s8] =	dma.local [hbm:s7], $0x800  }
0x32: {  	_ =	swait.ge [sflag:s18], $0x800  }
0x33: {  	[sflag:s18] =	ssyncset.done $0x0  }
0x34: {  	[sflag:s18] =	ssyncadd.s32 $0xFFFFF800  }
0x35: {  	[spmem:s22], [sflag:s8] =	dma.local [hbm:s7], $0x800  }
0x36: {  	_ =	swait.ge [sflag:s18], $0x800  }
0x37: {  	[sflag:s18] =	ssyncset.done $0x0  }
0x38: {  	s26 =	rddreg [dreg:$0x4];
	[sflag:s18] =	ssyncadd.s32 $0xFFFFF800  }
0x39: {  	[tilespmem:s4], [sflag:$0x7] =	stream.linear.gather [hbm4b:s26+s4], $0x800, $0x38;
	[tilespmem:$0x1E000] =	vst v63  }
0x3a: {  	_ =	swait.ge [sflag:s18], $0x800  }
0x3b: {  	[sflag:s18] =	ssyncset.done $0x0  }
0x3c: {  	s29 =	rddreg [dreg:$0x5];
	[sflag:s18] =	ssyncadd.s32 $0xFFFFF800  }
0x3d: {  	[tilespmem:s23], [sflag:$0x7] =	stream.linear.gather [hbm4b:s29+s4], $0x800, $0x38;
	[tilespmem:$0x1E000] =	vst v63  }
0x3e: {  	_ =	swait.ge [sflag:s18], $0x800  }
0x3f: {  	[sflag:s18] =	ssyncset.done $0x0  }
0x40: {  	[sflag:s18] =	ssyncadd.s32 $0xFFFFF800  }
0x41: {  	[bflag:$0x0] =	sbarrier.arrive $0xFFFF  }
0x42: {  	[tilespmem:s25], [sflag:$0x1] =	stream.indirect.gather [hbm4b:s5+s24], $0x80, s4, s24, $0xb8;
	[tilespmem:$0x1E000] =	vst v63  }
0x43: {  	s30 =	simm.s32 $0x3000  }
0x44: {  	[tilespmem:s30], [sflag:$0x1] =	stream.indirect.gather [hbm4b:s5+s24], $0x80, s24, s24, $0xb8;
	[tilespmem:$0x1E000] =	vst v63  }
0x45: {  	s31 =	simm.s32 $0x40;
	s12 =	simm.s32 $0x4000  }
0x46: {  	[tilespmem:s12], [sflag:$0x1] =	stream.indirect.gather [hbm4b:s5+s24], $0x80, s31, s24, $0xb8;
	[tilespmem:$0x1E000] =	vst v63  }
0x47: {  	s15 =	simm.s32 $0x5000;
	s12 =	simm.s32 $0x60  }
0x48: {  	[tilespmem:s15], [sflag:$0x1] =	stream.indirect.gather [hbm4b:s5+s24], $0x80, s12, s24, $0xb8;
	[tilespmem:$0x1E000] =	vst v63  }
0x49: {  	s16 =	simm.s32 $0x6000  }
0x4a: {  	[tilespmem:s16], [sflag:$0x2] =	stream.indirect.gather [hbm4b:s5+s24], $0x80, s9, s24, $0xb8;
	[tilespmem:$0x1E000] =	vst v63  }
0x4b: {  	s19 =	simm.s32 $0xA0;
	s20 =	simm.s32 $0x7000  }
0x4c: {  	[tilespmem:s20], [sflag:$0x2] =	stream.indirect.gather [hbm4b:s5+s24], $0x80, s19, s24, $0xb8;
	[tilespmem:$0x1E000] =	vst v63  }
0x4d: {  	s26 =	simm.s32 $0xC0;
	s29 =	simm.s32 $0x8000  }
0x4e: {  	[tilespmem:s29], [sflag:$0x2] =	stream.indirect.gather [hbm4b:s5+s24], $0x80, s26, s24, $0xb8;
	[tilespmem:$0x1E000] =	vst v63  }
0x4f: {  	s30 =	simm.s32 $0xE0;
	s31 =	simm.s32 $0x9000  }
0x50: {  	[tilespmem:s31], [sflag:$0x2] =	stream.indirect.gather [hbm4b:s5+s24], $0x80, s30, s24, $0xb8;
	[tilespmem:$0x1E000] =	vst v63  }
.Ltmp2:
0x51: {  	s26 =	simm.s32 $0x1;
	(pc) =	sbr.rel .LBB2_2-.Ltmp2, $4  }
0x52: {  	_ =	swait.ge [sflag:s26], $0x4000  }
0x53: {  	[sflag:s26] =	ssyncset.done $0x0  }
0x54: {  	s28 =	simm.s32 $0x100;
	[sflag:s26] =	ssyncadd.s32 $0xFFFFC000  }
0x55: {  	[spmem:s2] =	stream.indirect.scatter.add.f32 [tilespmem:s25], [sflag:$0x3], $0x80, s23, s9, $0xb8;
	[tilespmem:$0x1E000] =	vst v63  }
.LBB2_4:
0x56: {  	p0 =	sne.s32 s30, $0xF  }
0x57: {  	p1 =	sge.u32 @!p0 s26, s13  }
0x58: {  	p0 =	por p1, p0  }
0x59: {  	s12 =	simm.s32 @!p0 $0x5  }
0x5a: {  	_ =	swait.ge @!p0 [sflag:s12], $0x800  }
0x5b: {  	[sflag:s12] =	ssyncset.done @!p0 $0x0  }
0x5c: {  	[sflag:s12] =	ssyncadd.s32 @!p0 $0xFFFFF800;
	s12 =	simm.s32 @!p0 $0x6  }
0x5d: {  	_ =	swait.ge @!p0 [sflag:s12], $0x800  }
0x5e: {  	[sflag:s12] =	ssyncset.done @!p0 $0x0  }
0x5f: {  	[sflag:s12] =	ssyncadd.s32 @!p0 $0xFFFFF800  }
.LBB2_5:
0x60: {  	s26 =	sadd.s32 $0x1, s26  }
0x61: {  	p0 =	sge.u32 s26, s10  }
0x62: {  	s12 =	sshll.u32 @!p0 s11, $0xE;
	s16 =	sand.u32 @!p0 $0xF80, s28  }
0x63: {  	s11 =	sadd.s32 @!p0 $0x1, s11;
	s19 =	simm.s32 @!p0 $0x20;
	s15 =	sor.u32 @!p0 $0x2000, s12  }
0x64: {  	[tilespmem:s15], [sflag:s11] =	stream.indirect.gather @!p0 [hbm4b:s5+s19], $0x80, s16, s19, $0xb8;
	[tilespmem:$0x1E000] =	vst v63  }
0x65: {  	s20 =	sor.u32 @!p0 $0x20, s16;
	s15 =	sor.u32 @!p0 $0x3000, s12  }
0x66: {  	[tilespmem:s15], [sflag:s11] =	stream.indirect.gather @!p0 [hbm4b:s5+s19], $0x80, s20, s19, $0xb8;
	[tilespmem:$0x1E000] =	vst v63  }
0x67: {  	s15 =	sadd.s32 @!p0 $0x4000, s12;
	s20 =	sor.u32 @!p0 $0x40, s16  }
0x68: {  	[tilespmem:s15], [sflag:s11] =	stream.indirect.gather @!p0 [hbm4b:s5+s19], $0x80, s20, s19, $0xb8;
	[tilespmem:$0x1E000] =	vst v63  }
0x69: {  	s12 =	sadd.s32 @!p0 $0x5000, s12;
	s15 =	sor.u32 @!p0 $0x60, s16  }
0x6a: {  	[tilespmem:s12], [sflag:s11] =	stream.indirect.gather @!p0 [hbm4b:s5+s19], $0x80, s15, s19, $0xb8;
	[tilespmem:$0x1E000] =	vst v63  }
0x6b: {  	p0 =	sne.s32 s10, s26  }
.Ltmp3:
0x6c: {  	s28 =	sadd.s32 $0x80, s28;
	s16 =	sadd.s32 $0x1, s29;
	(pc) =	sbr.rel @!p0 .LBB2_6-.Ltmp3, $4  }
0x6d: {  	s20 =	sshll.u32 s30, $0x7;
	s19 =	sshll.u32 s29, $0xE;
	_ =	swait.ge [sflag:s16], $0x4000  }
0x6e: {  	s15 =	sor.u32 s20, s31;
	s31 =	sadd.s32 $0x3, s29;
	[sflag:s16] =	ssyncset.done $0x0  }
0x6f: {  	s12 =	sor.u32 $0x2000, s19;
	s30 =	sor.u32 $0x1000, s15;
	[sflag:s16] =	ssyncadd.s32 $0xFFFFC000  }
0x70: {  	[spmem:s2] =	stream.indirect.scatter.add.f32 [tilespmem:s12], [sflag:s31], $0x80, s30, s9, $0xb8;
	[tilespmem:$0x1E000] =	vst v63  }
.LBB2_2:
0x71: {  	s30 =	sand.u32 $0xF, s26  }
0x72: {  	p0 =	sne.s32 s30, $0x2  }
0x73: {  	p1 =	sge.u32 @!p0 s26, s13  }
0x74: {  	s29 =	sand.u32 $0x1, s26;
	p0 =	por p0, p1  }
.Ltmp4:
0x75: {  	s11 =	sxor.u32 $0x1, s29;
	(pc) =	sbr.rel @p0 .LBB2_4-.Ltmp4, $4  }
0x76: {  	s31 =	sadd.s32 $0x3, s11  }
0x77: {  	s12 =	sshrl.u32 s26, $0x4;
	_ =	swait.ge [sflag:s31], $0x4000  }
0x78: {  	s12 =	sand.u32 $0x1, s12;
	[sflag:s31] =	ssyncset.done $0x0  }
0x79: {  	[sflag:s31] =	ssyncadd.s32 $0xFFFFC000;
	s31 =	sshll.u32 s12, $0xB  }
0x7a: {  	s12 =	sand.u32 $0xFFFFFF0, s26  }
0x7b: {  	s12 =	sadd.s32 s12, s14  }
.Ltmp5:
0x7c: {  	s12 =	sshll.u32 s12, $0x4;
	(pc) =	sbr.rel .LBB2_5-.Ltmp5, $4  }
0x7d: {  	s15 =	sxor.u32 $0x800, s31;
	s16 =	sadd.s32 s6, s12  }
0x7e: {  	[tilespmem:s15], [sflag:$0x5] =	stream.linear.gather [hbm4b:s16+s4], $0x800, $0x38;
	[tilespmem:$0x1E000] =	vst v63  }
0x7f: {  	s20 =	sxor.u32 $0x1800, s31;
	s12 =	sadd.s32 s1, s12  }
0x80: {  	[tilespmem:s20], [sflag:$0x6] =	stream.linear.gather [hbm4b:s12+s4], $0x800, $0x38;
	[tilespmem:$0x1E000] =	vst v63  }
.LBB2_7:
0x81: {  	_ =	sfence.sel $0x180000  }
0x82: {  	[bflag:$0x0] =	sbarrier.arrive $0xFFFF  }
0x83: {  	_ =	strace $0x90000050  }
0x84: {  	s0 =	stileid.u32;
	[bflag:$0x2] =	sbarrier.arrive $0xFFFF  }
0x85: {  	p0 =	sne.s32 s0, $0x0;
	s0 =	rddreg [dreg:$0x3]  }
0x86: {  	s0 =	sadd.s32 @!p0 $0x100000, s0  }
0x87: {  	[sflag:s0] =	ssyncadd.tile.s32 @!p0 $0x1;
	_ =	shalt  }
.Lfunc_end2:
_tile_overlayer_lowered:
.L_overlay_start_2:
0x88: {  	(tag) =	ssettag $0x2  }
0x89: {  	s0 =	rddreg [dreg:$0x0];
	s2 =	stileid.u32  }
0x8a: {  	s1 =	rddreg [dreg:$0x1];
	p0 =	sne.s32 s2, $0x0  }
0x8b: {  	s3 =	rddreg [dreg:$0x2];
	[bflag:$0x3] =	sbarrier.arrive $0xFFFF;
	s2 =	simm.s32 @!p0 $0x1C07  }
0x8c: {  	[timem:s3], [sflag:s2] =	dma.local @!p0 [hbm:s0], s1  }
0x8d: {  	s0 =	simm.s32 @!p0 $0x7  }
0x8e: {  	_ =	swait.ge @!p0 [sflag:s0], s1  }
0x8f: {  	s1 =	ssub.s32 @!p0 $0x0, s1;
	[sflag:s0] =	ssyncset.done @!p0 $0x0  }
0x90: {  	[sflag:s0] =	ssyncadd.s32 @!p0 s1  }
0x91: {  	[bflag:$0x3] =	sbarrier.arrive $0xFFFF  }
0x92: {  	_ =	shalt  }

</sc_bundles>
